<compile_context>
chip_gen: v7x
topology: tpu7x:2x2x1
jax: 0.10.2.dev20260603
libtpu: 0.0.44.dev20260713+nightly
codegen_flags: <defaults>
</compile_context>

<pallas_src>
import functools
from functools import partial

import jax
import jax.numpy as jnp
from jax import lax
from jax.experimental import pallas as pl
from jax.experimental.pallas import tpu as pltpu
from jax.experimental.pallas import tpu_sc as plsc

EPS_BN = 1e-5
SLOPE = 0.2

CH = 128
NC = 2
NS = 16
NW = NC * NS
BLK = 4096



def _sc_gather4(h48, pos8, src, tgt, EP):
    N = h48.shape[0]
    CPW = EP // (CH * NW)
    mesh = plsc.VectorSubcoreMesh(core_axis_name="c", subcore_axis_name="s")

    @partial(
        pl.kernel, mesh=mesh,
        compiler_params=pltpu.CompilerParams(use_tc_tiling_on_sc=False),
        out_type=[
            jax.ShapeDtypeStruct((EP, 48), jnp.float32),
            jax.ShapeDtypeStruct((EP, 48), jnp.float32),
            jax.ShapeDtypeStruct((EP, 8), jnp.float32),
            jax.ShapeDtypeStruct((EP, 8), jnp.float32),
        ],
        scratch_types=[
            pltpu.VMEM((CH,), jnp.int32),
            pltpu.VMEM((CH,), jnp.int32),
            pltpu.VMEM((CH, 48), jnp.float32),
            pltpu.VMEM((CH, 48), jnp.float32),
            pltpu.VMEM((CH, 8), jnp.float32),
            pltpu.VMEM((CH, 8), jnp.float32),
            pltpu.SemaphoreType.DMA,
            pltpu.SemaphoreType.DMA,
            pltpu.SemaphoreType.DMA,
            pltpu.SemaphoreType.DMA,
        ],
    )
    def k(h_hbm, p_hbm, src_hbm, tgt_hbm, hs_out, ht_out, ps_out, pt_out,
          si_v, ti_v, hs_v, ht_v, ps_v, pt_v, sem0, sem1, sem2, sem3):
        w = lax.axis_index("s") * NC + lax.axis_index("c")

        def body(kk, _):
            off = (w * CPW + kk) * CH
            pltpu.sync_copy(src_hbm.at[pl.ds(off, CH)], si_v)
            pltpu.sync_copy(tgt_hbm.at[pl.ds(off, CH)], ti_v)
            c0 = pltpu.async_copy(h_hbm.at[si_v], hs_v, sem0)
            c1 = pltpu.async_copy(h_hbm.at[ti_v], ht_v, sem1)
            c2 = pltpu.async_copy(p_hbm.at[si_v], ps_v, sem2)
            c3 = pltpu.async_copy(p_hbm.at[ti_v], pt_v, sem3)
            c0.wait(); c1.wait(); c2.wait(); c3.wait()
            pltpu.sync_copy(hs_v, hs_out.at[pl.ds(off, CH), :])
            pltpu.sync_copy(ht_v, ht_out.at[pl.ds(off, CH), :])
            pltpu.sync_copy(ps_v, ps_out.at[pl.ds(off, CH), :])
            pltpu.sync_copy(pt_v, pt_out.at[pl.ds(off, CH), :])
            return _

        lax.fori_loop(0, CPW, body, None)

    return k(h48, pos8, src, tgt)


def _sc_gather1(tab, src, EP):
    CPW = EP // (CH * NW)
    mesh = plsc.VectorSubcoreMesh(core_axis_name="c", subcore_axis_name="s")

    @partial(
        pl.kernel, mesh=mesh,
        compiler_params=pltpu.CompilerParams(use_tc_tiling_on_sc=False),
        out_type=jax.ShapeDtypeStruct((EP, 8), jnp.float32),
        scratch_types=[
            pltpu.VMEM((CH,), jnp.int32),
            pltpu.VMEM((CH, 8), jnp.float32),
            pltpu.SemaphoreType.DMA,
        ],
    )
    def k(tab_hbm, src_hbm, out_hbm, si_v, v_v, sem):
        w = lax.axis_index("s") * NC + lax.axis_index("c")

        def body(kk, _):
            off = (w * CPW + kk) * CH
            pltpu.sync_copy(src_hbm.at[pl.ds(off, CH)], si_v)
            pltpu.async_copy(tab_hbm.at[si_v], v_v, sem).wait()
            pltpu.sync_copy(v_v, out_hbm.at[pl.ds(off, CH), :])
            return _

        lax.fori_loop(0, CPW, body, None)

    return k(tab, src)


def _sc_scatter_mean1(src_m, vals, EP, NHALF, SR, NACC, z1d):
    NH_OUT = 16 * SR
    GARB = NH_OUT
    CPS = EP // (NS * CH)
    mesh = plsc.VectorSubcoreMesh(core_axis_name="c", subcore_axis_name="s")

    @partial(
        pl.kernel, mesh=mesh,
        compiler_params=pltpu.CompilerParams(use_tc_tiling_on_sc=False),
        out_type=jax.ShapeDtypeStruct((NC, NH_OUT), jnp.float32),
        scratch_types=[
            pltpu.VMEM((CH,), jnp.int32),
            pltpu.VMEM((CH,), jnp.int32),
            pltpu.VMEM((CH,), jnp.float32),
            pltpu.VMEM((CH,), jnp.float32),
            pltpu.VMEM((NACC // NS,), jnp.float32),
            pltpu.VMEM((SR,), jnp.float32),
            pltpu.VMEM((SR,), jnp.float32),
            pltpu.VMEM((SR,), jnp.float32),
            pltpu.VMEM_SHARED((NACC,), jnp.float32),
            pltpu.VMEM_SHARED((NACC,), jnp.float32),
        ],
    )
    def k(src_hbm, val_hbm, z_hbm, out_hbm,
          si_v, ix_v, vv_v, one_v, zz_v, sb_v, cb_v, mb_v, sum_sh, cnt_sh):
        c = lax.axis_index("c")
        s = lax.axis_index("s")
        zs = NACC // NS

        pltpu.sync_copy(z_hbm, zz_v)
        pltpu.sync_copy(zz_v, sum_sh.at[pl.ds(s * zs, zs)])
        pltpu.sync_copy(zz_v, cnt_sh.at[pl.ds(s * zs, zs)])
        for j in range(CH // 16):
            one_v[pl.ds(j * 16, 16)] = jnp.ones((16,), jnp.float32)
        plsc.subcore_barrier()

        base = jnp.int32(c * NHALF)

        def body(kk, _):
            off = (s * CPS + kk) * CH
            pltpu.sync_copy(src_hbm.at[pl.ds(off, CH)], si_v)
            pltpu.sync_copy(val_hbm.at[pl.ds(off, CH)], vv_v)
            for j in range(CH // 16):
                iv = si_v[pl.ds(j * 16, 16)] - base
                ok = (iv >= 0) & (iv < NHALF)
                ix_v[pl.ds(j * 16, 16)] = jnp.where(ok, iv, GARB)
            pltpu.sync_copy(vv_v, sum_sh.at[ix_v], add=True)
            pltpu.sync_copy(one_v, cnt_sh.at[ix_v], add=True)
            return _

        lax.fori_loop(0, CPS, body, None)
        plsc.subcore_barrier()

        pltpu.sync_copy(sum_sh.at[pl.ds(s * SR, SR)], sb_v)
        pltpu.sync_copy(cnt_sh.at[pl.ds(s * SR, SR)], cb_v)
        for j in range(SR // 16):
            sl = pl.ds(j * 16, 16)
            mb_v[sl] = sb_v[sl] / jnp.maximum(cb_v[sl], 1.0)
        pltpu.sync_copy(mb_v, out_hbm.at[c, pl.ds(s * SR, SR)])

    return k(src_m, vals, z1d)


def _sc_scatter_rows(tgt_m, rows, EP, NHALF, SR, NACC, z1d, z2d):
    NH_OUT = 16 * SR
    GARB = NH_OUT
    CPS = EP // (NS * CH)
    ZR = 64
    mesh = plsc.VectorSubcoreMesh(core_axis_name="c", subcore_axis_name="s")

    @partial(
        pl.kernel, mesh=mesh,
        compiler_params=pltpu.CompilerParams(use_tc_tiling_on_sc=False),
        out_type=[
            jax.ShapeDtypeStruct((NC, NH_OUT, 48), jnp.float32),
            jax.ShapeDtypeStruct((NC, NH_OUT), jnp.float32),
        ],
        scratch_types=[
            pltpu.VMEM((CH,), jnp.int32),
            pltpu.VMEM((CH,), jnp.int32),
            pltpu.VMEM((CH, 48), jnp.float32),
            pltpu.VMEM((CH,), jnp.float32),
            pltpu.VMEM((NACC // NS,), jnp.float32),
            pltpu.VMEM((ZR, 48), jnp.float32),
            pltpu.VMEM((56, 48), jnp.float32),
            pltpu.VMEM((SR,), jnp.float32),
            pltpu.VMEM_SHARED((NACC, 48), jnp.float32),
            pltpu.VMEM_SHARED((NACC,), jnp.float32),
        ],
    )
    def k(tgt_hbm, rows_hbm, z1_hbm, z2_hbm, sum_out, cnt_out,
          ti_v, ix_v, rv_v, one_v, zz_v, z2_v, rb_v, cb_v, acc_sh, cnt_sh):
        c = lax.axis_index("c")
        s = lax.axis_index("s")
        zs = NACC // NS

        pltpu.sync_copy(z1_hbm, zz_v)
        pltpu.sync_copy(z2_hbm, z2_v)
        pltpu.sync_copy(zz_v, cnt_sh.at[pl.ds(s * zs, zs)])

        def zbody(kk, _):
            r0 = s * zs + kk * ZR
            pltpu.sync_copy(z2_v, acc_sh.at[pl.ds(r0, ZR), :])
            return _

        lax.fori_loop(0, zs // ZR, zbody, None)
        for j in range(CH // 16):
            one_v[pl.ds(j * 16, 16)] = jnp.ones((16,), jnp.float32)
        plsc.subcore_barrier()

        base = jnp.int32(c * NHALF)

        def body(kk, _):
            off = (s * CPS + kk) * CH
            pltpu.sync_copy(tgt_hbm.at[pl.ds(off, CH)], ti_v)
            pltpu.sync_copy(rows_hbm.at[pl.ds(off, CH), :], rv_v)
            for j in range(CH // 16):
                iv = ti_v[pl.ds(j * 16, 16)] - base
                ok = (iv >= 0) & (iv < NHALF)
                ix_v[pl.ds(j * 16, 16)] = jnp.where(ok, iv, GARB)
            pltpu.sync_copy(rv_v, acc_sh.at[ix_v], add=True)
            pltpu.sync_copy(one_v, cnt_sh.at[ix_v], add=True)
            return _

        lax.fori_loop(0, CPS, body, None)
        plsc.subcore_barrier()

        pltpu.sync_copy(cnt_sh.at[pl.ds(s * SR, SR)], cb_v)
        pltpu.sync_copy(cb_v, cnt_out.at[c, pl.ds(s * SR, SR)])

        def wbody(kk, _):
            r0 = s * SR + kk * 56
            pltpu.sync_copy(acc_sh.at[pl.ds(r0, 56), :], rb_v)
            pltpu.sync_copy(rb_v, sum_out.at[c, pl.ds(r0, 56), :])
            return _

        lax.fori_loop(0, SR // 56, wbody, None)

    return k(tgt_m, rows, z1d, z2d)



def _mm(a, b):
    return jax.lax.dot_general(a, b, (((1,), (0,)), ((), ())),
                               preferred_element_type=jnp.float32,
                               precision=jax.lax.Precision.HIGHEST)


def _mmb(a, b):
    return jax.lax.dot_general(a.astype(jnp.bfloat16), b.astype(jnp.bfloat16),
                               (((1,), (0,)), ((), ())),
                               preferred_element_type=jnp.float32)


def _b32(x):
    return x.astype(jnp.bfloat16).astype(jnp.float32)


def _mms(a, b):
    hi = _b32(a)
    lo = a - hi
    return _mmb(hi, b) + _mmb(lo, b)


def _tc_pass1(hs, ht, ps, pt, B1a, B1b, B1c, S, E):
    EP = hs.shape[0]
    grid = EP // BLK

    def body(hs_r, ht_r, ps_r, pt_r, b1a_r, b1b_r, b1c_r, s_r,
             x1_r, dist_r, st_r):
        i = pl.program_id(0)
        r8 = pt_r[...] - ps_r[...]
        lane = lax.broadcasted_iota(jnp.int32, (BLK, 8), 1)
        r8 = jnp.where(lane < 3, r8, 0.0)
        d2 = jnp.sum(r8 * r8, axis=1, keepdims=True)
        dist = jnp.sqrt(d2)
        dist_r[...] = dist
        x1 = (_mmb(hs_r[...], b1a_r[...]) + _mmb(ht_r[...], b1b_r[...])
              + _mmb(r8, b1c_r[...]))
        x1_r[...] = x1
        n1 = jnp.sqrt(_mms(x1 * x1, s_r[...]))
        row = i * BLK + lax.broadcasted_iota(jnp.int32, (BLK, 16), 0)
        n1 = jnp.where(row < E, n1, 0.0)
        st = jnp.stack([jnp.sum(n1, axis=0), jnp.sum(n1 * n1, axis=0)])

        @pl.when(i == 0)
        def _():
            st_r[...] = jnp.zeros_like(st_r)

        st_r[...] += st

    return pl.pallas_call(
        body,
        grid=(grid,),
        in_specs=[
            pl.BlockSpec((BLK, 48), lambda i: (i, 0)),
            pl.BlockSpec((BLK, 48), lambda i: (i, 0)),
            pl.BlockSpec((BLK, 8), lambda i: (i, 0)),
            pl.BlockSpec((BLK, 8), lambda i: (i, 0)),
            pl.BlockSpec((48, 48), lambda i: (0, 0)),
            pl.BlockSpec((48, 48), lambda i: (0, 0)),
            pl.BlockSpec((8, 48), lambda i: (0, 0)),
            pl.BlockSpec((48, 16), lambda i: (0, 0)),
        ],
        out_specs=[
            pl.BlockSpec((BLK, 48), lambda i: (i, 0)),
            pl.BlockSpec((BLK, 1), lambda i: (i, 0)),
            pl.BlockSpec((2, 16), lambda i: (0, 0)),
        ],
        out_shape=[
            jax.ShapeDtypeStruct((EP, 48), jnp.float32),
            jax.ShapeDtypeStruct((EP, 1), jnp.float32),
            jax.ShapeDtypeStruct((2, 16), jnp.float32),
        ],
    )(hs, ht, ps, pt, B1a, B1b, B1c, S)


def _bn_lrelu(x, S, ST, mean, std, gamma, dhat):
    nsq = _mms(x * x, S)
    n = jnp.sqrt(nsq)
    f = (n - mean) / ((n + EPS_BN) * std) * gamma
    xbn = x * _mms(f, ST)
    proj = _mms(xbn * dhat, S)
    fac = SLOPE + (1.0 - SLOPE) * (proj >= 0).astype(jnp.float32)
    return xbn * _mms(fac, ST)


def _tc_pass2(x1, B2, S, ST, mean1, std1, gamma1, dhat1, E):
    EP = x1.shape[0]
    grid = EP // BLK

    def body(x1_r, b2_r, s_r, st_rr, m_r, sd_r, g_r, d_r, x2_r, st_r):
        i = pl.program_id(0)
        y1 = _bn_lrelu(x1_r[...], s_r[...], st_rr[...],
                       m_r[...], sd_r[...], g_r[...], d_r[...])
        x2 = _mmb(y1, b2_r[...])
        x2_r[...] = x2
        n2 = jnp.sqrt(_mms(x2 * x2, s_r[...]))
        row = i * BLK + lax.broadcasted_iota(jnp.int32, (BLK, 16), 0)
        n2 = jnp.where(row < E, n2, 0.0)
        st = jnp.stack([jnp.sum(n2, axis=0), jnp.sum(n2 * n2, axis=0)])

        @pl.when(i == 0)
        def _():
            st_r[...] = jnp.zeros_like(st_r)

        st_r[...] += st

    return pl.pallas_call(
        body,
        grid=(grid,),
        in_specs=[
            pl.BlockSpec((BLK, 48), lambda i: (i, 0)),
            pl.BlockSpec((48, 48), lambda i: (0, 0)),
            pl.BlockSpec((48, 16), lambda i: (0, 0)),
            pl.BlockSpec((16, 48), lambda i: (0, 0)),
            pl.BlockSpec((1, 16), lambda i: (0, 0)),
            pl.BlockSpec((1, 16), lambda i: (0, 0)),
            pl.BlockSpec((1, 16), lambda i: (0, 0)),
            pl.BlockSpec((1, 48), lambda i: (0, 0)),
        ],
        out_specs=[
            pl.BlockSpec((BLK, 48), lambda i: (i, 0)),
            pl.BlockSpec((2, 16), lambda i: (0, 0)),
        ],
        out_shape=[
            jax.ShapeDtypeStruct((EP, 48), jnp.float32),
            jax.ShapeDtypeStruct((2, 16), jnp.float32),
        ],
    )(x1, B2, S, ST, mean1, std1, gamma1, dhat1)


def _tc_pass3(x2, dist, ld, S, ST, mean2, std2, gamma2, dhat2,
              W1T, b1, W2T, b2, WmT, bm):
    EP = x2.shape[0]
    grid = EP // BLK

    def body(x2_r, dist_r, ld_r, s_r, st_rr, m_r, sd_r, g_r, d_r,
             w1_r, b1_r, w2_r, b2_r, wm_r, bm_r, mf_r):
        y2 = _bn_lrelu(x2_r[...], s_r[...], st_rr[...],
                       m_r[...], sd_r[...], g_r[...], d_r[...])
        dist = dist_r[...]
        ld = ld_r[...]
        w1 = _b32(w1_r[...])
        zp = (_b32(dist) * w1[0:1, :] + _b32(dist / (ld + 1e-6)) * w1[1:2, :]
              + _b32(jnp.log(dist + 1e-6)) * w1[2:3, :] + _b32(ld) * w1[3:4, :]
              + b1_r[...])
        z = zp * jax.nn.sigmoid(zp)
        ie = _mmb(z, w2_r[...]) + b2_r[...]
        mod = jax.nn.sigmoid(_mmb(ie, wm_r[...]) + bm_r[...])
        mf_r[...] = y2 * _mms(mod, st_rr[...])

    return pl.pallas_call(
        body,
        grid=(grid,),
        in_specs=[
            pl.BlockSpec((BLK, 48), lambda i: (i, 0)),
            pl.BlockSpec((BLK, 1), lambda i: (i, 0)),
            pl.BlockSpec((BLK, 1), lambda i: (i, 0)),
            pl.BlockSpec((48, 16), lambda i: (0, 0)),
            pl.BlockSpec((16, 48), lambda i: (0, 0)),
            pl.BlockSpec((1, 16), lambda i: (0, 0)),
            pl.BlockSpec((1, 16), lambda i: (0, 0)),
            pl.BlockSpec((1, 16), lambda i: (0, 0)),
            pl.BlockSpec((1, 48), lambda i: (0, 0)),
            pl.BlockSpec((4, 16), lambda i: (0, 0)),
            pl.BlockSpec((1, 16), lambda i: (0, 0)),
            pl.BlockSpec((16, 16), lambda i: (0, 0)),
            pl.BlockSpec((1, 16), lambda i: (0, 0)),
            pl.BlockSpec((16, 16), lambda i: (0, 0)),
            pl.BlockSpec((1, 16), lambda i: (0, 0)),
        ],
        out_specs=pl.BlockSpec((BLK, 48), lambda i: (i, 0)),
        out_shape=jax.ShapeDtypeStruct((EP, 48), jnp.float32),
    )(x2, dist, ld, S, ST, mean2, std2, gamma2, dhat2,
      W1T, b1, W2T, b2, WmT, bm)


def _tc_divide(sums, cnt):
    NP = sums.shape[0]
    blk = 1024
    grid = NP // blk

    def body(s_r, c_r, o_r):
        o_r[...] = s_r[...] / jnp.maximum(c_r[...], 1.0)

    return pl.pallas_call(
        body,
        grid=(grid,),
        in_specs=[
            pl.BlockSpec((blk, 48), lambda i: (i, 0)),
            pl.BlockSpec((blk, 1), lambda i: (i, 0)),
        ],
        out_specs=pl.BlockSpec((blk, 48), lambda i: (i, 0)),
        out_shape=jax.ShapeDtypeStruct((NP, 48), jnp.float32),
    )(sums, cnt)



def kernel(h, edge_index, pos, batch, inv_W1, inv_b1, inv_W2, inv_b2,
           mod_W, mod_b, lin1_W, bn1_gamma, dir1, lin2_W, bn2_gamma, dir2):
    N = h.shape[0]
    E = edge_index.shape[1]
    C = h.shape[1]

    EP = -(-E // (CH * NW)) * (CH * NW)
    NHALF = -(-N // 2)
    SR = -(-NHALF // (NS * 16)) * 16
    NH_OUT = NS * SR
    NACC = -(-(NH_OUT + 16) // (NS * 64)) * NS * 64

    src = edge_index[0].astype(jnp.int32)
    tgt = edge_index[1].astype(jnp.int32)
    pad = EP - E
    src0 = jnp.pad(src, (0, pad))
    tgt0 = jnp.pad(tgt, (0, pad))
    srcm = jnp.pad(src, (0, pad), constant_values=-1)
    tgtm = jnp.pad(tgt, (0, pad), constant_values=-1)
    h48 = h.reshape(N, 3 * C)
    pos8 = jnp.pad(pos, ((0, 0), (0, 5)))

    eye3 = jnp.eye(3, dtype=jnp.float32)
    B1a = jnp.kron(lin1_W[:, 0:C].T, eye3)
    B1b = jnp.kron(lin1_W[:, C:2 * C].T, eye3)
    B1c = jnp.kron(lin1_W[:, 2 * C:].T, eye3)
    B1c = jnp.pad(B1c, ((0, 8 - B1c.shape[0]), (0, 0)))
    B2 = jnp.kron(lin2_W.T, eye3)
    S = jnp.kron(jnp.eye(C, dtype=jnp.float32), jnp.ones((3, 1), jnp.float32))
    ST = S.T

    def _dhat(d):
        dd = d / jnp.clip(jnp.linalg.norm(d, axis=-1, keepdims=True),
                          1e-12, None)
        return dd.reshape(1, 3 * C)

    dhat1 = _dhat(dir1)
    dhat2 = _dhat(dir2)
    g1 = bn1_gamma.reshape(1, C)
    g2 = bn2_gamma.reshape(1, C)

    z1d = jnp.zeros((NACC // NS,), jnp.float32)
    z2d = jnp.zeros((64, 48), jnp.float32)

    hs, ht, ps, pt = _sc_gather4(h48, pos8, src0, tgt0, EP)
    x1, dist, st1 = _tc_pass1(hs, ht, ps, pt, B1a, B1b, B1c, S, E)

    nmd2 = _sc_scatter_mean1(srcm, dist.reshape(EP), EP, NHALF, SR, NACC, z1d)
    nmd = jnp.concatenate([nmd2[0, :NHALF], nmd2[1, :N - NHALF]])
    nmd8 = jnp.tile(nmd.reshape(N, 1), (1, 8))
    ld = _sc_gather1(nmd8, src0, EP)[:, :1]

    def _finalize(st):
        mean = st[0] / E
        var = (st[1] - E * mean * mean) / (E - 1)
        std = jnp.sqrt(jnp.maximum(var, 0.0)) + EPS_BN
        return mean.reshape(1, C), std.reshape(1, C)

    mean1, std1 = _finalize(st1)
    x2, st2 = _tc_pass2(x1, B2, S, ST, mean1, std1, g1, dhat1, E)
    mean2, std2 = _finalize(st2)

    mf = _tc_pass3(x2, dist, ld, S, ST, mean2, std2, g2, dhat2,
                   inv_W1.T, inv_b1.reshape(1, C), inv_W2.T,
                   inv_b2.reshape(1, C), mod_W.T, mod_b.reshape(1, C))

    msum, mcnt = _sc_scatter_rows(tgtm, mf, EP, NHALF, SR, NACC, z1d, z2d)
    sums = jnp.concatenate([msum[0, :NHALF], msum[1, :N - NHALF]], axis=0)
    cnts = jnp.concatenate([mcnt[0, :NHALF], mcnt[1, :N - NHALF]])
    NP6 = -(-N // 1024) * 1024
    sums = jnp.pad(sums, ((0, NP6 - N), (0, 0)))
    cnts = jnp.pad(cnts, (0, NP6 - N)).reshape(NP6, 1)
    out = _tc_divide(sums, cnts)[:N]
    return out.reshape(N, C, 3)

# --- scband reference (transcript-rebuilt; emitter-appended) ---
"""Pipeline reference for scband-vngraph-encoder-multi-scale-41120016892414 (READ-ONLY COPY).

The authoritative reference and input builder live on the scoring server;
editing this copy changes nothing except your own understanding.
"""

import jax, jax.numpy as jnp
import numpy as np

EPS_BN = 1e-5
SLOPE = 0.2

def scatter_mean(src, index, dim_size):
    s = jax.ops.segment_sum(src, index, num_segments=dim_size)
    cnt = jax.ops.segment_sum(jnp.ones_like(src), index, num_segments=dim_size)
    return s / jnp.clip(cnt, 1, None)

def vn_linear(x, W):
    # torch.einsum('oi,bi...->bo...')
    return jnp.einsum('oi,bix->box', W, x)

def vn_batchnorm(x, gamma, eps=EPS_BN):
    norm = jnp.linalg.norm(x, axis=2, keepdims=True)
    mean_norm = jnp.mean(norm, axis=0, keepdims=True)
    std_norm = jnp.std(norm, axis=0, keepdims=True, ddof=1) + eps
    x_normalized = x / (norm + eps) * (norm - mean_norm) / std_norm
    return x_normalized * gamma

def vn_leaky_relu(x, direction, negative_slope=SLOPE):
    d = direction / jnp.clip(jnp.linalg.norm(direction, axis=-1, keepdims=True), 1e-12, None)
    proj = jnp.sum(x * d, axis=-1, keepdims=True)
    mask = (proj >= 0).astype(x.dtype)
    return mask * x + (1 - mask) * negative_slope * x

def setup_inputs(seed: int = 0):
    key = jax.random.key(seed)
    ks = jax.random.split(key, 20)
    N, E, C_in, C_out, INV = 50000, 800000, 16, 16, 16
    h = jax.random.normal(ks[0], (N, C_in, 3), dtype=jnp.float32)
    edge_index = jax.random.randint(ks[1], (2, E), 0, N)
    pos = jax.random.normal(ks[2], (N, 3), dtype=jnp.float32)
    batch = jnp.sort(jax.random.randint(ks[3], (N,), 0, 8))
    mlp_in = C_in * 2 + 1
    params = {
        'inv_W1': jax.random.normal(ks[4], (INV, 4), dtype=jnp.float32) * 0.3,
        'inv_b1': jnp.zeros((INV,), dtype=jnp.float32),
        'inv_W2': jax.random.normal(ks[5], (INV, INV), dtype=jnp.float32) * 0.2,
        'inv_b2': jnp.zeros((INV,), dtype=jnp.float32),
        'mod_W': jax.random.normal(ks[6], (C_out, INV), dtype=jnp.float32) * 0.2,
        'mod_b': jnp.zeros((C_out,), dtype=jnp.float32),
        'lin1_W': jax.random.normal(ks[7], (C_out, mlp_in), dtype=jnp.float32) * 0.01,
        'bn1_gamma': jnp.ones((1, C_out, 1), dtype=jnp.float32),
        'dir1': jax.random.normal(ks[8], (1, C_out, 3), dtype=jnp.float32),
        'lin2_W': jax.random.normal(ks[9], (C_out, C_out), dtype=jnp.float32) * 0.01,
        'bn2_gamma': jnp.ones((1, C_out, 1), dtype=jnp.float32),
        'dir2': jax.random.normal(ks[10], (1, C_out, 3), dtype=jnp.float32),
    }
    inp = {'h': h, 'edge_index': edge_index, 'pos': pos, 'batch': batch}
    inp.update(params)
    return inp

def reference(h, edge_index, pos, batch, inv_W1, inv_b1, inv_W2, inv_b2, mod_W, mod_b, lin1_W, bn1_gamma, dir1, lin2_W, bn2_gamma, dir2):
    N = h.shape[0]
    src = edge_index[0]
    tgt = edge_index[1]
    h_src = jnp.take(h, src, axis=0)
    h_tgt = jnp.take(h, tgt, axis=0)
    r_ij = jnp.take(pos, tgt, axis=0) - jnp.take(pos, src, axis=0)
    dist = jnp.linalg.norm(r_ij, axis=-1, keepdims=True)
    node_mean_dist = scatter_mean(dist, src, N)
    local_density_src = jnp.take(node_mean_dist, src, axis=0)
    inv_feat = jnp.concatenate([
        dist,
        dist / (local_density_src + 1e-6),
        jnp.log(dist + 1e-6),
        local_density_src,
    ], axis=-1)
    z = jax.nn.silu(inv_feat @ inv_W1.T + inv_b1)
    inv_encoded = z @ inv_W2.T + inv_b2
    mod = jax.nn.sigmoid(inv_encoded @ mod_W.T + mod_b)
    edge_feat = jnp.concatenate([h_src, h_tgt, r_ij[:, None, :]], axis=1)
    m = vn_leaky_relu(vn_batchnorm(vn_linear(edge_feat, lin1_W), bn1_gamma), dir1)
    m = vn_leaky_relu(vn_batchnorm(vn_linear(m, lin2_W), bn2_gamma), dir2)
    m = m * mod[:, :, None]
    out = scatter_mean(m, tgt, N)
    return out

if __name__ == "__main__":
    import jax
    _d = setup_inputs()
    print(jax.jit(kernel)(*tuple(_d.values())))

</pallas_src>

<mosaic_0001>
#map = affine_map<(d0, d1) -> (0)>
#map1 = affine_map<(d0, d1) -> (0, 0)>
module attributes {stable_mosaic.version = 14 : i64} {
  func.func @k(%arg0: i32, %arg1: i32, %arg2: memref<802816xi32, #tpu.memory_space<hbm>>, %arg3: memref<802816xf32, #tpu.memory_space<hbm>>, %arg4: memref<1600xf32, #tpu.memory_space<hbm>>, %arg5: memref<2x25088xf32, #tpu.memory_space<hbm>>, %arg6: memref<128xi32, #tpu.memory_space<vmem>>, %arg7: memref<128xi32, #tpu.memory_space<vmem>>, %arg8: memref<128xf32, #tpu.memory_space<vmem>>, %arg9: memref<128xf32, #tpu.memory_space<vmem>>, %arg10: memref<1600xf32, #tpu.memory_space<vmem>>, %arg11: memref<1568xf32, #tpu.memory_space<vmem>>, %arg12: memref<1568xf32, #tpu.memory_space<vmem>>, %arg13: memref<1568xf32, #tpu.memory_space<vmem>>, %arg14: memref<25600xf32, #tpu.memory_space<vmem_shared>>, %arg15: memref<25600xf32, #tpu.memory_space<vmem_shared>>) attributes {dimension_semantics = [#tpu.dimension_semantics<core_parallel>, #tpu.dimension_semantics<subcore_parallel>], iteration_bounds = array<i64: 2, 16>, scalar_prefetch = 0 : i64, scratch_operands = 10 : i64, tpu.core_type = #tpu.core_type<sc_vector_subcore>, window_params = [{transform_indices = #map}, {transform_indices = #map}, {transform_indices = #map}, {transform_indices = #map1}]} {
    "tpu.region"() ({
      %run_scoped3A = tpu.sem_alloc : memref<!tpu.dma_semaphore, #tpu.memory_space<semaphore_mem>>
      tpu.enqueue_dma source(%arg4 : memref<1600xf32, #tpu.memory_space<hbm>>) target(%arg10 : memref<1600xf32, #tpu.memory_space<vmem>>) target_semaphore(%run_scoped3A : memref<!tpu.dma_semaphore, #tpu.memory_space<semaphore_mem>>)
      tpu.wait_dma2 semaphore(%run_scoped3A : memref<!tpu.dma_semaphore, #tpu.memory_space<semaphore_mem>>) src(%arg4 : memref<1600xf32, #tpu.memory_space<hbm>>) dst(%arg10 : memref<1600xf32, #tpu.memory_space<vmem>>)
      tpu.yield
    }) : () -> ()
    %mul3A = arith.constant 1600 : i32
    %mul3A_0 = arith.muli %arg1, %mul3A : i32
    "tpu.region"() ({
      %run_scoped3A = tpu.sem_alloc : memref<!tpu.dma_semaphore, #tpu.memory_space<semaphore_mem>>
      %dma_start3A = tpu.memref_slice %arg14[%mul3A_0] : memref<25600xf32, #tpu.memory_space<vmem_shared>> -> memref<1600xf32, #tpu.memory_space<vmem_shared>>
      %dma_start3A_1431 = tpu.memref_slice %arg14[%mul3A_0] : memref<25600xf32, #tpu.memory_space<vmem_shared>> -> memref<1600xf32, #tpu.memory_space<vmem_shared>>
      tpu.enqueue_dma source(%arg10 : memref<1600xf32, #tpu.memory_space<vmem>>) target(%dma_start3A_1431 : memref<1600xf32, #tpu.memory_space<vmem_shared>>) target_semaphore(%run_scoped3A : memref<!tpu.dma_semaphore, #tpu.memory_space<semaphore_mem>>)
      %dma_wait3A = tpu.memref_slice %arg14[%mul3A_0] : memref<25600xf32, #tpu.memory_space<vmem_shared>> -> memref<1600xf32, #tpu.memory_space<vmem_shared>>
      %dma_wait3A_1432 = tpu.memref_slice %arg14[%mul3A_0] : memref<25600xf32, #tpu.memory_space<vmem_shared>> -> memref<1600xf32, #tpu.memory_space<vmem_shared>>
      tpu.wait_dma2 semaphore(%run_scoped3A : memref<!tpu.dma_semaphore, #tpu.memory_space<semaphore_mem>>) src(%arg10 : memref<1600xf32, #tpu.memory_space<vmem>>) dst(%dma_wait3A_1432 : memref<1600xf32, #tpu.memory_space<vmem_shared>>)
      tpu.yield
    }) : () -> ()
    %mul3A_1 = arith.constant 1600 : i32
    %mul3A_2 = arith.muli %arg1, %mul3A_1 : i32
    "tpu.region"() ({
      %run_scoped3A = tpu.sem_alloc : memref<!tpu.dma_semaphore, #tpu.memory_space<semaphore_mem>>
      %dma_start3A = tpu.memref_slice %arg15[%mul3A_2] : memref<25600xf32, #tpu.memory_space<vmem_shared>> -> memref<1600xf32, #tpu.memory_space<vmem_shared>>
      %dma_start3A_1431 = tpu.memref_slice %arg15[%mul3A_2] : memref<25600xf32, #tpu.memory_space<vmem_shared>> -> memref<1600xf32, #tpu.memory_space<vmem_shared>>
      tpu.enqueue_dma source(%arg10 : memref<1600xf32, #tpu.memory_space<vmem>>) target(%dma_start3A_1431 : memref<1600xf32, #tpu.memory_space<vmem_shared>>) target_semaphore(%run_scoped3A : memref<!tpu.dma_semaphore, #tpu.memory_space<semaphore_mem>>)
      %dma_wait3A = tpu.memref_slice %arg15[%mul3A_2] : memref<25600xf32, #tpu.memory_space<vmem_shared>> -> memref<1600xf32, #tpu.memory_space<vmem_shared>>
      %dma_wait3A_1432 = tpu.memref_slice %arg15[%mul3A_2] : memref<25600xf32, #tpu.memory_space<vmem_shared>> -> memref<1600xf32, #tpu.memory_space<vmem_shared>>
      tpu.wait_dma2 semaphore(%run_scoped3A : memref<!tpu.dma_semaphore, #tpu.memory_space<semaphore_mem>>) src(%arg10 : memref<1600xf32, #tpu.memory_space<vmem>>) dst(%dma_wait3A_1432 : memref<1600xf32, #tpu.memory_space<vmem_shared>>)
      tpu.yield
    }) : () -> ()
    %broadcast_in_dim3A = arith.constant 1.000000e+00 : f32
    %broadcast_in_dim3A_3 = vector.broadcast %broadcast_in_dim3A : f32 to vector<16xf32>
    %swap3A = arith.constant 0 : index
    %swap3A_4 = tpu.vector_load %arg9[%swap3A] {strides = array<i32>} : memref<128xf32, #tpu.memory_space<vmem>>, vector<16xf32>,
    %swap3A_5 = vector.shape_cast %swap3A_4 : vector<16xf32> to vector<16xf32>
    %swap3A_6 = vector.shape_cast %broadcast_in_dim3A_3 : vector<16xf32> to vector<16xf32>
    tpu.vector_store %arg9[%swap3A], %swap3A_6 {strides = array<i32>} : memref<128xf32, #tpu.memory_space<vmem>>, vector<16xf32>,
    %broadcast_in_dim3A_7 = arith.constant 1.000000e+00 : f32
    %broadcast_in_dim3A_8 = vector.broadcast %broadcast_in_dim3A_7 : f32 to vector<16xf32>
    %swap3A_9 = arith.constant 16 : index
    %swap3A_10 = tpu.vector_load %arg9[%swap3A_9] {strides = array<i32>} : memref<128xf32, #tpu.memory_space<vmem>>, vector<16xf32>,
    %swap3A_11 = vector.shape_cast %swap3A_10 : vector<16xf32> to vector<16xf32>
    %swap3A_12 = vector.shape_cast %broadcast_in_dim3A_8 : vector<16xf32> to vector<16xf32>
    tpu.vector_store %arg9[%swap3A_9], %swap3A_12 {strides = array<i32>} : memref<128xf32, #tpu.memory_space<vmem>>, vector<16xf32>,
    %broadcast_in_dim3A_13 = arith.constant 1.000000e+00 : f32
    %broadcast_in_dim3A_14 = vector.broadcast %broadcast_in_dim3A_13 : f32 to vector<16xf32>
    %swap3A_15 = arith.constant 32 : index
    %swap3A_16 = tpu.vector_load %arg9[%swap3A_15] {strides = array<i32>} : memref<128xf32, #tpu.memory_space<vmem>>, vector<16xf32>,
    %swap3A_17 = vector.shape_cast %swap3A_16 : vector<16xf32> to vector<16xf32>
    %swap3A_18 = vector.shape_cast %broadcast_in_dim3A_14 : vector<16xf32> to vector<16xf32>
    tpu.vector_store %arg9[%swap3A_15], %swap3A_18 {strides = array<i32>} : memref<128xf32, #tpu.memory_space<vmem>>, vector<16xf32>,
    %broadcast_in_dim3A_19 = arith.constant 1.000000e+00 : f32
    %broadcast_in_dim3A_20 = vector.broadcast %broadcast_in_dim3A_19 : f32 to vector<16xf32>
    %swap3A_21 = arith.constant 48 : index
    %swap3A_22 = tpu.vector_load %arg9[%swap3A_21] {strides = array<i32>} : memref<128xf32, #tpu.memory_space<vmem>>, vector<16xf32>,
    %swap3A_23 = vector.shape_cast %swap3A_22 : vector<16xf32> to vector<16xf32>
    %swap3A_24 = vector.shape_cast %broadcast_in_dim3A_20 : vector<16xf32> to vector<16xf32>
    tpu.vector_store %arg9[%swap3A_21], %swap3A_24 {strides = array<i32>} : memref<128xf32, #tpu.memory_space<vmem>>, vector<16xf32>,
    %broadcast_in_dim3A_25 = arith.constant 1.000000e+00 : f32
    %broadcast_in_dim3A_26 = vector.broadcast %broadcast_in_dim3A_25 : f32 to vector<16xf32>
    %swap3A_27 = arith.constant 64 : index
    %swap3A_28 = tpu.vector_load %arg9[%swap3A_27] {strides = array<i32>} : memref<128xf32, #tpu.memory_space<vmem>>, vector<16xf32>,
    %swap3A_29 = vector.shape_cast %swap3A_28 : vector<16xf32> to vector<16xf32>
    %swap3A_30 = vector.shape_cast %broadcast_in_dim3A_26 : vector<16xf32> to vector<16xf32>
    tpu.vector_store %arg9[%swap3A_27], %swap3A_30 {strides = array<i32>} : memref<128xf32, #tpu.memory_space<vmem>>, vector<16xf32>,
    %broadcast_in_dim3A_31 = arith.constant 1.000000e+00 : f32
    %broadcast_in_dim3A_32 = vector.broadcast %broadcast_in_dim3A_31 : f32 to vector<16xf32>
    %swap3A_33 = arith.constant 80 : index
    %swap3A_34 = tpu.vector_load %arg9[%swap3A_33] {strides = array<i32>} : memref<128xf32, #tpu.memory_space<vmem>>, vector<16xf32>,
    %swap3A_35 = vector.shape_cast %swap3A_34 : vector<16xf32> to vector<16xf32>
    %swap3A_36 = vector.shape_cast %broadcast_in_dim3A_32 : vector<16xf32> to vector<16xf32>
    tpu.vector_store %arg9[%swap3A_33], %swap3A_36 {strides = array<i32>} : memref<128xf32, #tpu.memory_space<vmem>>, vector<16xf32>,
    %broadcast_in_dim3A_37 = arith.constant 1.000000e+00 : f32
    %broadcast_in_dim3A_38 = vector.broadcast %broadcast_in_dim3A_37 : f32 to vector<16xf32>
    %swap3A_39 = arith.constant 96 : index
    %swap3A_40 = tpu.vector_load %arg9[%swap3A_39] {strides = array<i32>} : memref<128xf32, #tpu.memory_space<vmem>>, vector<16xf32>,
    %swap3A_41 = vector.shape_cast %swap3A_40 : vector<16xf32> to vector<16xf32>
    %swap3A_42 = vector.shape_cast %broadcast_in_dim3A_38 : vector<16xf32> to vector<16xf32>
    tpu.vector_store %arg9[%swap3A_39], %swap3A_42 {strides = array<i32>} : memref<128xf32, #tpu.memory_space<vmem>>, vector<16xf32>,
    %broadcast_in_dim3A_43 = arith.constant 1.000000e+00 : f32
    %broadcast_in_dim3A_44 = vector.broadcast %broadcast_in_dim3A_43 : f32 to vector<16xf32>
    %swap3A_45 = arith.constant 112 : index
    %swap3A_46 = tpu.vector_load %arg9[%swap3A_45] {strides = array<i32>} : memref<128xf32, #tpu.memory_space<vmem>>, vector<16xf32>,
    %swap3A_47 = vector.shape_cast %swap3A_46 : vector<16xf32> to vector<16xf32>
    %swap3A_48 = vector.shape_cast %broadcast_in_dim3A_44 : vector<16xf32> to vector<16xf32>
    tpu.vector_store %arg9[%swap3A_45], %swap3A_48 {strides = array<i32>} : memref<128xf32, #tpu.memory_space<vmem>>, vector<16xf32>,
    %barrier3A = arith.constant 0 : index
    tpu.barrier barrier_id(%barrier3A)
    %mul3A_49 = arith.constant 25000 : i32
    %mul3A_50 = arith.muli %arg0, %mul3A_49 : i32
    %scan3A = arith.constant 0 : i32
    %scan3A_51 = arith.constant 392 : i32
    %scan3A_52 = arith.addi %scan3A, %scan3A_51 : i32
    %scan3A_53 = arith.constant 1 : i32
    scf.for %scan3A_1431 = %scan3A to %scan3A_52 step %scan3A_53  : i32 {
      %mul3A_1432 = arith.constant 392 : i32
      %mul3A_1433 = arith.muli %arg1, %mul3A_1432 : i32
      %add3A = arith.addi %mul3A_1433, %scan3A_1431 : i32
      %mul3A_1434 = arith.constant 128 : i32
      %mul3A_1435 = arith.muli %add3A, %mul3A_1434 : i32
      "tpu.region"() ({
        %run_scoped3A = tpu.sem_alloc : memref<!tpu.dma_semaphore, #tpu.memory_space<semaphore_mem>>
        %dma_start3A = tpu.memref_slice %arg2[%mul3A_1435] : memref<802816xi32, #tpu.memory_space<hbm>> -> memref<128xi32, #tpu.memory_space<hbm>>
        %dma_start3A_1582 = tpu.memref_slice %arg2[%mul3A_1435] : memref<802816xi32, #tpu.memory_space<hbm>> -> memref<128xi32, #tpu.memory_space<hbm>>
        tpu.enqueue_dma source(%dma_start3A_1582 : memref<128xi32, #tpu.memory_space<hbm>>) target(%arg6 : memref<128xi32, #tpu.memory_space<vmem>>) target_semaphore(%run_scoped3A : memref<!tpu.dma_semaphore, #tpu.memory_space<semaphore_mem>>)
        %dma_wait3A = tpu.memref_slice %arg2[%mul3A_1435] : memref<802816xi32, #tpu.memory_space<hbm>> -> memref<128xi32, #tpu.memory_space<hbm>>
        %dma_wait3A_1583 = tpu.memref_slice %arg2[%mul3A_1435] : memref<802816xi32, #tpu.memory_space<hbm>> -> memref<128xi32, #tpu.memory_space<hbm>>
        tpu.wait_dma2 semaphore(%run_scoped3A : memref<!tpu.dma_semaphore, #tpu.memory_space<semaphore_mem>>) src(%dma_wait3A_1583 : memref<128xi32, #tpu.memory_space<hbm>>) dst(%arg6 : memref<128xi32, #tpu.memory_space<vmem>>)
        tpu.yield
      }) : () -> ()
      "tpu.region"() ({
        %run_scoped3A = tpu.sem_alloc : memref<!tpu.dma_semaphore, #tpu.memory_space<semaphore_mem>>
        %dma_start3A = tpu.memref_slice %arg3[%mul3A_1435] : memref<802816xf32, #tpu.memory_space<hbm>> -> memref<128xf32, #tpu.memory_space<hbm>>
        %dma_start3A_1582 = tpu.memref_slice %arg3[%mul3A_1435] : memref<802816xf32, #tpu.memory_space<hbm>> -> memref<128xf32, #tpu.memory_space<hbm>>
        tpu.enqueue_dma source(%dma_start3A_1582 : memref<128xf32, #tpu.memory_space<hbm>>) target(%arg8 : memref<128xf32, #tpu.memory_space<vmem>>) target_semaphore(%run_scoped3A : memref<!tpu.dma_semaphore, #tpu.memory_space<semaphore_mem>>)
        %dma_wait3A = tpu.memref_slice %arg3[%mul3A_1435] : memref<802816xf32, #tpu.memory_space<hbm>> -> memref<128xf32, #tpu.memory_space<hbm>>
        %dma_wait3A_1583 = tpu.memref_slice %arg3[%mul3A_1435] : memref<802816xf32, #tpu.memory_space<hbm>> -> memref<128xf32, #tpu.memory_space<hbm>>
        tpu.wait_dma2 semaphore(%run_scoped3A : memref<!tpu.dma_semaphore, #tpu.memory_space<semaphore_mem>>) src(%dma_wait3A_1583 : memref<128xf32, #tpu.memory_space<hbm>>) dst(%arg8 : memref<128xf32, #tpu.memory_space<vmem>>)
        tpu.yield
      }) : () -> ()
      %get3A_1436 = arith.constant 0 : index
      %get3A_1437 = tpu.vector_load %arg6[%get3A_1436] {strides = array<i32>} : memref<128xi32, #tpu.memory_space<vmem>>, vector<16xi32>,
      %get3A_1438 = vector.shape_cast %get3A_1437 : vector<16xi32> to vector<16xi32>
      %sub3A = vector.broadcast %mul3A_50 : i32 to vector<16xi32>
      %sub3A_1439 = arith.subi %get3A_1438, %sub3A : vector<16xi32>
      %ge3A = arith.constant 0 : i32
      %ge3A_1440 = vector.broadcast %ge3A : i32 to vector<16xi32>
      %ge3A_1441 = arith.cmpi sge, %sub3A_1439, %ge3A_1440 : vector<16xi32>
      %lt3A = arith.constant 25000 : i32
      %lt3A_1442 = vector.broadcast %lt3A : i32 to vector<16xi32>
      %lt3A_1443 = arith.cmpi slt, %sub3A_1439, %lt3A_1442 : vector<16xi32>
      %and3A = arith.andi %ge3A_1441, %lt3A_1443 : vector<16xi1>
      %jit3A = arith.constant 25088 : i32
      %broadcast_in_dim3A_1444 = vector.broadcast %jit3A : i32 to vector<16xi32>
      %select_n3A = arith.select %and3A, %sub3A_1439, %broadcast_in_dim3A_1444 : vector<16xi1>, vector<16xi32>
      %swap3A_1445 = arith.constant 0 : index
      %swap3A_1446 = tpu.vector_load %arg7[%swap3A_1445] {strides = array<i32>} : memref<128xi32, #tpu.memory_space<vmem>>, vector<16xi32>,
      %swap3A_1447 = vector.shape_cast %swap3A_1446 : vector<16xi32> to vector<16xi32>
      %swap3A_1448 = vector.shape_cast %select_n3A : vector<16xi32> to vector<16xi32>
      tpu.vector_store %arg7[%swap3A_1445], %swap3A_1448 {strides = array<i32>} : memref<128xi32, #tpu.memory_space<vmem>>, vector<16xi32>,
      %get3A_1449 = arith.constant 16 : index
      %get3A_1450 = tpu.vector_load %arg6[%get3A_1449] {strides = array<i32>} : memref<128xi32, #tpu.memory_space<vmem>>, vector<16xi32>,
      %get3A_1451 = vector.shape_cast %get3A_1450 : vector<16xi32> to vector<16xi32>
      %sub3A_1452 = vector.broadcast %mul3A_50 : i32 to vector<16xi32>
      %sub3A_1453 = arith.subi %get3A_1451, %sub3A_1452 : vector<16xi32>
      %ge3A_1454 = arith.constant 0 : i32
      %ge3A_1455 = vector.broadcast %ge3A_1454 : i32 to vector<16xi32>
      %ge3A_1456 = arith.cmpi sge, %sub3A_1453, %ge3A_1455 : vector<16xi32>
      %lt3A_1457 = arith.constant 25000 : i32
      %lt3A_1458 = vector.broadcast %lt3A_1457 : i32 to vector<16xi32>
      %lt3A_1459 = arith.cmpi slt, %sub3A_1453, %lt3A_1458 : vector<16xi32>
      %and3A_1460 = arith.andi %ge3A_1456, %lt3A_1459 : vector<16xi1>
      %jit3A_1461 = arith.constant 25088 : i32
      %broadcast_in_dim3A_1462 = vector.broadcast %jit3A_1461 : i32 to vector<16xi32>
      %select_n3A_1463 = arith.select %and3A_1460, %sub3A_1453, %broadcast_in_dim3A_1462 : vector<16xi1>, vector<16xi32>
      %swap3A_1464 = arith.constant 16 : index
      %swap3A_1465 = tpu.vector_load %arg7[%swap3A_1464] {strides = array<i32>} : memref<128xi32, #tpu.memory_space<vmem>>, vector<16xi32>,
      %swap3A_1466 = vector.shape_cast %swap3A_1465 : vector<16xi32> to vector<16xi32>
      %swap3A_1467 = vector.shape_cast %select_n3A_1463 : vector<16xi32> to vector<16xi32>
      tpu.vector_store %arg7[%swap3A_1464], %swap3A_1467 {strides = array<i32>} : memref<128xi32, #tpu.memory_space<vmem>>, vector<16xi32>,
      %get3A_1468 = arith.constant 32 : index
      %get3A_1469 = tpu.vector_load %arg6[%get3A_1468] {strides = array<i32>} : memref<128xi32, #tpu.memory_space<vmem>>, vector<16xi32>,
      %get3A_1470 = vector.shape_cast %get3A_1469 : vector<16xi32> to vector<16xi32>
      %sub3A_1471 = vector.broadcast %mul3A_50 : i32 to vector<16xi32>
      %sub3A_1472 = arith.subi %get3A_1470, %sub3A_1471 : vector<16xi32>
      %ge3A_1473 = arith.constant 0 : i32
      %ge3A_1474 = vector.broadcast %ge3A_1473 : i32 to vector<16xi32>
      %ge3A_1475 = arith.cmpi sge, %sub3A_1472, %ge3A_1474 : vector<16xi32>
      %lt3A_1476 = arith.constant 25000 : i32
      %lt3A_1477 = vector.broadcast %lt3A_1476 : i32 to vector<16xi32>
      %lt3A_1478 = arith.cmpi slt, %sub3A_1472, %lt3A_1477 : vector<16xi32>
      %and3A_1479 = arith.andi %ge3A_1475, %lt3A_1478 : vector<16xi1>
      %jit3A_1480 = arith.constant 25088 : i32
      %broadcast_in_dim3A_1481 = vector.broadcast %jit3A_1480 : i32 to vector<16xi32>
      %select_n3A_1482 = arith.select %and3A_1479, %sub3A_1472, %broadcast_in_dim3A_1481 : vector<16xi1>, vector<16xi32>
      %swap3A_1483 = arith.constant 32 : index
      %swap3A_1484 = tpu.vector_load %arg7[%swap3A_1483] {strides = array<i32>} : memref<128xi32, #tpu.memory_space<vmem>>, vector<16xi32>,
      %swap3A_1485 = vector.shape_cast %swap3A_1484 : vector<16xi32> to vector<16xi32>
      %swap3A_1486 = vector.shape_cast %select_n3A_1482 : vector<16xi32> to vector<16xi32>
      tpu.vector_store %arg7[%swap3A_1483], %swap3A_1486 {strides = array<i32>} : memref<128xi32, #tpu.memory_space<vmem>>, vector<16xi32>,
      %get3A_1487 = arith.constant 48 : index
      %get3A_1488 = tpu.vector_load %arg6[%get3A_1487] {strides = array<i32>} : memref<128xi32, #tpu.memory_space<vmem>>, vector<16xi32>,
      %get3A_1489 = vector.shape_cast %get3A_1488 : vector<16xi32> to vector<16xi32>
      %sub3A_1490 = vector.broadcast %mul3A_50 : i32 to vector<16xi32>
      %sub3A_1491 = arith.subi %get3A_1489, %sub3A_1490 : vector<16xi32>
      %ge3A_1492 = arith.constant 0 : i32
      %ge3A_1493 = vector.broadcast %ge3A_1492 : i32 to vector<16xi32>
      %ge3A_1494 = arith.cmpi sge, %sub3A_1491, %ge3A_1493 : vector<16xi32>
      %lt3A_1495 = arith.constant 25000 : i32
      %lt3A_1496 = vector.broadcast %lt3A_1495 : i32 to vector<16xi32>
      %lt3A_1497 = arith.cmpi slt, %sub3A_1491, %lt3A_1496 : vector<16xi32>
      %and3A_1498 = arith.andi %ge3A_1494, %lt3A_1497 : vector<16xi1>
      %jit3A_1499 = arith.constant 25088 : i32
      %broadcast_in_dim3A_1500 = vector.broadcast %jit3A_1499 : i32 to vector<16xi32>
      %select_n3A_1501 = arith.select %and3A_1498, %sub3A_1491, %broadcast_in_dim3A_1500 : vector<16xi1>, vector<16xi32>
      %swap3A_1502 = arith.constant 48 : index
      %swap3A_1503 = tpu.vector_load %arg7[%swap3A_1502] {strides = array<i32>} : memref<128xi32, #tpu.memory_space<vmem>>, vector<16xi32>,
      %swap3A_1504 = vector.shape_cast %swap3A_1503 : vector<16xi32> to vector<16xi32>
      %swap3A_1505 = vector.shape_cast %select_n3A_1501 : vector<16xi32> to vector<16xi32>
      tpu.vector_store %arg7[%swap3A_1502], %swap3A_1505 {strides = array<i32>} : memref<128xi32, #tpu.memory_space<vmem>>, vector<16xi32>,
      %get3A_1506 = arith.constant 64 : index
      %get3A_1507 = tpu.vector_load %arg6[%get3A_1506] {strides = array<i32>} : memref<128xi32, #tpu.memory_space<vmem>>, vector<16xi32>,
      %get3A_1508 = vector.shape_cast %get3A_1507 : vector<16xi32> to vector<16xi32>
      %sub3A_1509 = vector.broadcast %mul3A_50 : i32 to vector<16xi32>
      %sub3A_1510 = arith.subi %get3A_1508, %sub3A_1509 : vector<16xi32>
      %ge3A_1511 = arith.constant 0 : i32
      %ge3A_1512 = vector.broadcast %ge3A_1511 : i32 to vector<16xi32>
      %ge3A_1513 = arith.cmpi sge, %sub3A_1510, %ge3A_1512 : vector<16xi32>
      %lt3A_1514 = arith.constant 25000 : i32
      %lt3A_1515 = vector.broadcast %lt3A_1514 : i32 to vector<16xi32>
      %lt3A_1516 = arith.cmpi slt, %sub3A_1510, %lt3A_1515 : vector<16xi32>
      %and3A_1517 = arith.andi %ge3A_1513, %lt3A_1516 : vector<16xi1>
      %jit3A_1518 = arith.constant 25088 : i32
      %broadcast_in_dim3A_1519 = vector.broadcast %jit3A_1518 : i32 to vector<16xi32>
      %select_n3A_1520 = arith.select %and3A_1517, %sub3A_1510, %broadcast_in_dim3A_1519 : vector<16xi1>, vector<16xi32>
      %swap3A_1521 = arith.constant 64 : index
      %swap3A_1522 = tpu.vector_load %arg7[%swap3A_1521] {strides = array<i32>} : memref<128xi32, #tpu.memory_space<vmem>>, vector<16xi32>,
      %swap3A_1523 = vector.shape_cast %swap3A_1522 : vector<16xi32> to vector<16xi32>
      %swap3A_1524 = vector.shape_cast %select_n3A_1520 : vector<16xi32> to vector<16xi32>
      tpu.vector_store %arg7[%swap3A_1521], %swap3A_1524 {strides = array<i32>} : memref<128xi32, #tpu.memory_space<vmem>>, vector<16xi32>,
      %get3A_1525 = arith.constant 80 : index
      %get3A_1526 = tpu.vector_load %arg6[%get3A_1525] {strides = array<i32>} : memref<128xi32, #tpu.memory_space<vmem>>, vector<16xi32>,
      %get3A_1527 = vector.shape_cast %get3A_1526 : vector<16xi32> to vector<16xi32>
      %sub3A_1528 = vector.broadcast %mul3A_50 : i32 to vector<16xi32>
      %sub3A_1529 = arith.subi %get3A_1527, %sub3A_1528 : vector<16xi32>
      %ge3A_1530 = arith.constant 0 : i32
      %ge3A_1531 = vector.broadcast %ge3A_1530 : i32 to vector<16xi32>
      %ge3A_1532 = arith.cmpi sge, %sub3A_1529, %ge3A_1531 : vector<16xi32>
      %lt3A_1533 = arith.constant 25000 : i32
      %lt3A_1534 = vector.broadcast %lt3A_1533 : i32 to vector<16xi32>
      %lt3A_1535 = arith.cmpi slt, %sub3A_1529, %lt3A_1534 : vector<16xi32>
      %and3A_1536 = arith.andi %ge3A_1532, %lt3A_1535 : vector<16xi1>
      %jit3A_1537 = arith.constant 25088 : i32
      %broadcast_in_dim3A_1538 = vector.broadcast %jit3A_1537 : i32 to vector<16xi32>
      %select_n3A_1539 = arith.select %and3A_1536, %sub3A_1529, %broadcast_in_dim3A_1538 : vector<16xi1>, vector<16xi32>
      %swap3A_1540 = arith.constant 80 : index
      %swap3A_1541 = tpu.vector_load %arg7[%swap3A_1540] {strides = array<i32>} : memref<128xi32, #tpu.memory_space<vmem>>, vector<16xi32>,
      %swap3A_1542 = vector.shape_cast %swap3A_1541 : vector<16xi32> to vector<16xi32>
      %swap3A_1543 = vector.shape_cast %select_n3A_1539 : vector<16xi32> to vector<16xi32>
      tpu.vector_store %arg7[%swap3A_1540], %swap3A_1543 {strides = array<i32>} : memref<128xi32, #tpu.memory_space<vmem>>, vector<16xi32>,
      %get3A_1544 = arith.constant 96 : index
      %get3A_1545 = tpu.vector_load %arg6[%get3A_1544] {strides = array<i32>} : memref<128xi32, #tpu.memory_space<vmem>>, vector<16xi32>,
      %get3A_1546 = vector.shape_cast %get3A_1545 : vector<16xi32> to vector<16xi32>
      %sub3A_1547 = vector.broadcast %mul3A_50 : i32 to vector<16xi32>
      %sub3A_1548 = arith.subi %get3A_1546, %sub3A_1547 : vector<16xi32>
      %ge3A_1549 = arith.constant 0 : i32
      %ge3A_1550 = vector.broadcast %ge3A_1549 : i32 to vector<16xi32>
      %ge3A_1551 = arith.cmpi sge, %sub3A_1548, %ge3A_1550 : vector<16xi32>
      %lt3A_1552 = arith.constant 25000 : i32
      %lt3A_1553 = vector.broadcast %lt3A_1552 : i32 to vector<16xi32>
      %lt3A_1554 = arith.cmpi slt, %sub3A_1548, %lt3A_1553 : vector<16xi32>
      %and3A_1555 = arith.andi %ge3A_1551, %lt3A_1554 : vector<16xi1>
      %jit3A_1556 = arith.constant 25088 : i32
      %broadcast_in_dim3A_1557 = vector.broadcast %jit3A_1556 : i32 to vector<16xi32>
      %select_n3A_1558 = arith.select %and3A_1555, %sub3A_1548, %broadcast_in_dim3A_1557 : vector<16xi1>, vector<16xi32>
      %swap3A_1559 = arith.constant 96 : index
      %swap3A_1560 = tpu.vector_load %arg7[%swap3A_1559] {strides = array<i32>} : memref<128xi32, #tpu.memory_space<vmem>>, vector<16xi32>,
      %swap3A_1561 = vector.shape_cast %swap3A_1560 : vector<16xi32> to vector<16xi32>
      %swap3A_1562 = vector.shape_cast %select_n3A_1558 : vector<16xi32> to vector<16xi32>
      tpu.vector_store %arg7[%swap3A_1559], %swap3A_1562 {strides = array<i32>} : memref<128xi32, #tpu.memory_space<vmem>>, vector<16xi32>,
      %get3A_1563 = arith.constant 112 : index
      %get3A_1564 = tpu.vector_load %arg6[%get3A_1563] {strides = array<i32>} : memref<128xi32, #tpu.memory_space<vmem>>, vector<16xi32>,
      %get3A_1565 = vector.shape_cast %get3A_1564 : vector<16xi32> to vector<16xi32>
      %sub3A_1566 = vector.broadcast %mul3A_50 : i32 to vector<16xi32>
      %sub3A_1567 = arith.subi %get3A_1565, %sub3A_1566 : vector<16xi32>
      %ge3A_1568 = arith.constant 0 : i32
      %ge3A_1569 = vector.broadcast %ge3A_1568 : i32 to vector<16xi32>
      %ge3A_1570 = arith.cmpi sge, %sub3A_1567, %ge3A_1569 : vector<16xi32>
      %lt3A_1571 = arith.constant 25000 : i32
      %lt3A_1572 = vector.broadcast %lt3A_1571 : i32 to vector<16xi32>
      %lt3A_1573 = arith.cmpi slt, %sub3A_1567, %lt3A_1572 : vector<16xi32>
      %and3A_1574 = arith.andi %ge3A_1570, %lt3A_1573 : vector<16xi1>
      %jit3A_1575 = arith.constant 25088 : i32
      %broadcast_in_dim3A_1576 = vector.broadcast %jit3A_1575 : i32 to vector<16xi32>
      %select_n3A_1577 = arith.select %and3A_1574, %sub3A_1567, %broadcast_in_dim3A_1576 : vector<16xi1>, vector<16xi32>
      %swap3A_1578 = arith.constant 112 : index
      %swap3A_1579 = tpu.vector_load %arg7[%swap3A_1578] {strides = array<i32>} : memref<128xi32, #tpu.memory_space<vmem>>, vector<16xi32>,
      %swap3A_1580 = vector.shape_cast %swap3A_1579 : vector<16xi32> to vector<16xi32>
      %swap3A_1581 = vector.shape_cast %select_n3A_1577 : vector<16xi32> to vector<16xi32>
      tpu.vector_store %arg7[%swap3A_1578], %swap3A_1581 {strides = array<i32>} : memref<128xi32, #tpu.memory_space<vmem>>, vector<16xi32>,
      "tpu.region"() ({
        %run_scoped3A = tpu.sem_alloc : memref<!tpu.dma_semaphore, #tpu.memory_space<semaphore_mem>>
        %dma_start3A = arith.constant 0 : i32
        %dma_start3A_1582 = tpu.memref_slice %arg14[%dma_start3A] : memref<25600xf32, #tpu.memory_space<vmem_shared>> -> memref<25600xf32, #tpu.memory_space<vmem_shared>>
        tpu.enqueue_indirect_dma source(%arg8 : memref<128xf32, #tpu.memory_space<vmem>>) target(%dma_start3A_1582 : memref<25600xf32, #tpu.memory_space<vmem_shared>>) offsets(%arg7 : memref<128xi32, #tpu.memory_space<vmem>>) semaphore(%run_scoped3A : memref<!tpu.dma_semaphore, #tpu.memory_space<semaphore_mem>>) {add = true}
        %dma_wait3A = arith.constant 0 : i32
        %dma_wait3A_1583 = tpu.memref_slice %arg14[%dma_wait3A] : memref<25600xf32, #tpu.memory_space<vmem_shared>> -> memref<25600xf32, #tpu.memory_space<vmem_shared>>
        tpu.wait_indirect_dma semaphore(%run_scoped3A : memref<!tpu.dma_semaphore, #tpu.memory_space<semaphore_mem>>) src(%arg8 : memref<128xf32, #tpu.memory_space<vmem>>) dst(%dma_wait3A_1583 : memref<25600xf32, #tpu.memory_space<vmem_shared>>)
        tpu.yield
      }) : () -> ()
      "tpu.region"() ({
        %run_scoped3A = tpu.sem_alloc : memref<!tpu.dma_semaphore, #tpu.memory_space<semaphore_mem>>
        %dma_start3A = arith.constant 0 : i32
        %dma_start3A_1582 = tpu.memref_slice %arg15[%dma_start3A] : memref<25600xf32, #tpu.memory_space<vmem_shared>> -> memref<25600xf32, #tpu.memory_space<vmem_shared>>
        tpu.enqueue_indirect_dma source(%arg9 : memref<128xf32, #tpu.memory_space<vmem>>) target(%dma_start3A_1582 : memref<25600xf32, #tpu.memory_space<vmem_shared>>) offsets(%arg7 : memref<128xi32, #tpu.memory_space<vmem>>) semaphore(%run_scoped3A : memref<!tpu.dma_semaphore, #tpu.memory_space<semaphore_mem>>) {add = true}
        %dma_wait3A = arith.constant 0 : i32
        %dma_wait3A_1583 = tpu.memref_slice %arg15[%dma_wait3A] : memref<25600xf32, #tpu.memory_space<vmem_shared>> -> memref<25600xf32, #tpu.memory_space<vmem_shared>>
        tpu.wait_indirect_dma semaphore(%run_scoped3A : memref<!tpu.dma_semaphore, #tpu.memory_space<semaphore_mem>>) src(%arg9 : memref<128xf32, #tpu.memory_space<vmem>>) dst(%dma_wait3A_1583 : memref<25600xf32, #tpu.memory_space<vmem_shared>>)
        tpu.yield
      }) : () -> ()
    }
    %scan3A_54 = arith.constant 392 : i32
    %barrier3A_55 = arith.constant 0 : index
    tpu.barrier barrier_id(%barrier3A_55)
    %mul3A_56 = arith.constant 1568 : i32
    %mul3A_57 = arith.muli %arg1, %mul3A_56 : i32
    "tpu.region"() ({
      %run_scoped3A = tpu.sem_alloc : memref<!tpu.dma_semaphore, #tpu.memory_space<semaphore_mem>>
      %dma_start3A = tpu.memref_slice %arg14[%mul3A_57] : memref<25600xf32, #tpu.memory_space<vmem_shared>> -> memref<1568xf32, #tpu.memory_space<vmem_shared>>
      %dma_start3A_1431 = tpu.memref_slice %arg14[%mul3A_57] : memref<25600xf32, #tpu.memory_space<vmem_shared>> -> memref<1568xf32, #tpu.memory_space<vmem_shared>>
      tpu.enqueue_dma source(%dma_start3A_1431 : memref<1568xf32, #tpu.memory_space<vmem_shared>>) target(%arg11 : memref<1568xf32, #tpu.memory_space<vmem>>) target_semaphore(%run_scoped3A : memref<!tpu.dma_semaphore, #tpu.memory_space<semaphore_mem>>)
      %dma_wait3A = tpu.memref_slice %arg14[%mul3A_57] : memref<25600xf32, #tpu.memory_space<vmem_shared>> -> memref<1568xf32, #tpu.memory_space<vmem_shared>>
      %dma_wait3A_1432 = tpu.memref_slice %arg14[%mul3A_57] : memref<25600xf32, #tpu.memory_space<vmem_shared>> -> memref<1568xf32, #tpu.memory_space<vmem_shared>>
      tpu.wait_dma2 semaphore(%run_scoped3A : memref<!tpu.dma_semaphore, #tpu.memory_space<semaphore_mem>>) src(%dma_wait3A_1432 : memref<1568xf32, #tpu.memory_space<vmem_shared>>) dst(%arg11 : memref<1568xf32, #tpu.memory_space<vmem>>)
      tpu.yield
    }) : () -> ()
    %mul3A_58 = arith.constant 1568 : i32
    %mul3A_59 = arith.muli %arg1, %mul3A_58 : i32
    "tpu.region"() ({
      %run_scoped3A = tpu.sem_alloc : memref<!tpu.dma_semaphore, #tpu.memory_space<semaphore_mem>>
      %dma_start3A = tpu.memref_slice %arg15[%mul3A_59] : memref<25600xf32, #tpu.memory_space<vmem_shared>> -> memref<1568xf32, #tpu.memory_space<vmem_shared>>
      %dma_start3A_1431 = tpu.memref_slice %arg15[%mul3A_59] : memref<25600xf32, #tpu.memory_space<vmem_shared>> -> memref<1568xf32, #tpu.memory_space<vmem_shared>>
      tpu.enqueue_dma source(%dma_start3A_1431 : memref<1568xf32, #tpu.memory_space<vmem_shared>>) target(%arg12 : memref<1568xf32, #tpu.memory_space<vmem>>) target_semaphore(%run_scoped3A : memref<!tpu.dma_semaphore, #tpu.memory_space<semaphore_mem>>)
      %dma_wait3A = tpu.memref_slice %arg15[%mul3A_59] : memref<25600xf32, #tpu.memory_space<vmem_shared>> -> memref<1568xf32, #tpu.memory_space<vmem_shared>>
      %dma_wait3A_1432 = tpu.memref_slice %arg15[%mul3A_59] : memref<25600xf32, #tpu.memory_space<vmem_shared>> -> memref<1568xf32, #tpu.memory_space<vmem_shared>>
      tpu.wait_dma2 semaphore(%run_scoped3A : memref<!tpu.dma_semaphore, #tpu.memory_space<semaphore_mem>>) src(%dma_wait3A_1432 : memref<1568xf32, #tpu.memory_space<vmem_shared>>) dst(%arg12 : memref<1568xf32, #tpu.memory_space<vmem>>)
      tpu.yield
    }) : () -> ()
    %get3A = arith.constant 0 : index
    %get3A_60 = tpu.vector_load %arg11[%get3A] {strides = array<i32>} : memref<1568xf32, #tpu.memory_space<vmem>>, vector<16xf32>,
    %get3A_61 = vector.shape_cast %get3A_60 : vector<16xf32> to vector<16xf32>
    %get3A_62 = arith.constant 0 : index
    %get3A_63 = tpu.vector_load %arg12[%get3A_62] {strides = array<i32>} : memref<1568xf32, #tpu.memory_space<vmem>>, vector<16xf32>,
    %get3A_64 = vector.shape_cast %get3A_63 : vector<16xf32> to vector<16xf32>
    %max3A = arith.constant 1.000000e+00 : f32
    %max3A_65 = vector.broadcast %max3A : f32 to vector<16xf32>
    %max3A_66 = arith.maximumf %get3A_64, %max3A_65 : vector<16xf32>
    %div3A = arith.divf %get3A_61, %max3A_66 : vector<16xf32>
    %swap3A_67 = arith.constant 0 : index
    %swap3A_68 = tpu.vector_load %arg13[%swap3A_67] {strides = array<i32>} : memref<1568xf32, #tpu.memory_space<vmem>>, vector<16xf32>,
    %swap3A_69 = vector.shape_cast %swap3A_68 : vector<16xf32> to vector<16xf32>
    %swap3A_70 = vector.shape_cast %div3A : vector<16xf32> to vector<16xf32>
    tpu.vector_store %arg13[%swap3A_67], %swap3A_70 {strides = array<i32>} : memref<1568xf32, #tpu.memory_space<vmem>>, vector<16xf32>,
    %get3A_71 = arith.constant 16 : index
    %get3A_72 = tpu.vector_load %arg11[%get3A_71] {strides = array<i32>} : memref<1568xf32, #tpu.memory_space<vmem>>, vector<16xf32>,
    %get3A_73 = vector.shape_cast %get3A_72 : vector<16xf32> to vector<16xf32>
    %get3A_74 = arith.constant 16 : index
    %get3A_75 = tpu.vector_load %arg12[%get3A_74] {strides = array<i32>} : memref<1568xf32, #tpu.memory_space<vmem>>, vector<16xf32>,
    %get3A_76 = vector.shape_cast %get3A_75 : vector<16xf32> to vector<16xf32>
    %max3A_77 = arith.constant 1.000000e+00 : f32
    %max3A_78 = vector.broadcast %max3A_77 : f32 to vector<16xf32>
    %max3A_79 = arith.maximumf %get3A_76, %max3A_78 : vector<16xf32>
    %div3A_80 = arith.divf %get3A_73, %max3A_79 : vector<16xf32>
    %swap3A_81 = arith.constant 16 : index
    %swap3A_82 = tpu.vector_load %arg13[%swap3A_81] {strides = array<i32>} : memref<1568xf32, #tpu.memory_space<vmem>>, vector<16xf32>,
    %swap3A_83 = vector.shape_cast %swap3A_82 : vector<16xf32> to vector<16xf32>
    %swap3A_84 = vector.shape_cast %div3A_80 : vector<16xf32> to vector<16xf32>
    tpu.vector_store %arg13[%swap3A_81], %swap3A_84 {strides = array<i32>} : memref<1568xf32, #tpu.memory_space<vmem>>, vector<16xf32>,
    %get3A_85 = arith.constant 32 : index
    %get3A_86 = tpu.vector_load %arg11[%get3A_85] {strides = array<i32>} : memref<1568xf32, #tpu.memory_space<vmem>>, vector<16xf32>,
    %get3A_87 = vector.shape_cast %get3A_86 : vector<16xf32> to vector<16xf32>
    %get3A_88 = arith.constant 32 : index
    %get3A_89 = tpu.vector_load %arg12[%get3A_88] {strides = array<i32>} : memref<1568xf32, #tpu.memory_space<vmem>>, vector<16xf32>,
    %get3A_90 = vector.shape_cast %get3A_89 : vector<16xf32> to vector<16xf32>
    %max3A_91 = arith.constant 1.000000e+00 : f32
    %max3A_92 = vector.broadcast %max3A_91 : f32 to vector<16xf32>
    %max3A_93 = arith.maximumf %get3A_90, %max3A_92 : vector<16xf32>
    %div3A_94 = arith.divf %get3A_87, %max3A_93 : vector<16xf32>
    %swap3A_95 = arith.constant 32 : index
    %swap3A_96 = tpu.vector_load %arg13[%swap3A_95] {strides = array<i32>} : memref<1568xf32, #tpu.memory_space<vmem>>, vector<16xf32>,
    %swap3A_97 = vector.shape_cast %swap3A_96 : vector<16xf32> to vector<16xf32>
    %swap3A_98 = vector.shape_cast %div3A_94 : vector<16xf32> to vector<16xf32>
    tpu.vector_store %arg13[%swap3A_95], %swap3A_98 {strides = array<i32>} : memref<1568xf32, #tpu.memory_space<vmem>>, vector<16xf32>,
    %get3A_99 = arith.constant 48 : index
    %get3A_100 = tpu.vector_load %arg11[%get3A_99] {strides = array<i32>} : memref<1568xf32, #tpu.memory_space<vmem>>, vector<16xf32>,
    %get3A_101 = vector.shape_cast %get3A_100 : vector<16xf32> to vector<16xf32>
    %get3A_102 = arith.constant 48 : index
    %get3A_103 = tpu.vector_load %arg12[%get3A_102] {strides = array<i32>} : memref<1568xf32, #tpu.memory_space<vmem>>, vector<16xf32>,
    %get3A_104 = vector.shape_cast %get3A_103 : vector<16xf32> to vector<16xf32>
    %max3A_105 = arith.constant 1.000000e+00 : f32
    %max3A_106 = vector.broadcast %max3A_105 : f32 to vector<16xf32>
    %max3A_107 = arith.maximumf %get3A_104, %max3A_106 : vector<16xf32>
    %div3A_108 = arith.divf %get3A_101, %max3A_107 : vector<16xf32>
    %swap3A_109 = arith.constant 48 : index
    %swap3A_110 = tpu.vector_load %arg13[%swap3A_109] {strides = array<i32>} : memref<1568xf32, #tpu.memory_space<vmem>>, vector<16xf32>,
    %swap3A_111 = vector.shape_cast %swap3A_110 : vector<16xf32> to vector<16xf32>
    %swap3A_112 = vector.shape_cast %div3A_108 : vector<16xf32> to vector<16xf32>
    tpu.vector_store %arg13[%swap3A_109], %swap3A_112 {strides = array<i32>} : memref<1568xf32, #tpu.memory_space<vmem>>, vector<16xf32>,
    %get3A_113 = arith.constant 64 : index
    %get3A_114 = tpu.vector_load %arg11[%get3A_113] {strides = array<i32>} : memref<1568xf32, #tpu.memory_space<vmem>>, vector<16xf32>,
    %get3A_115 = vector.shape_cast %get3A_114 : vector<16xf32> to vector<16xf32>
    %get3A_116 = arith.constant 64 : index
    %get3A_117 = tpu.vector_load %arg12[%get3A_116] {strides = array<i32>} : memref<1568xf32, #tpu.memory_space<vmem>>, vector<16xf32>,
    %get3A_118 = vector.shape_cast %get3A_117 : vector<16xf32> to vector<16xf32>
    %max3A_119 = arith.constant 1.000000e+00 : f32
    %max3A_120 = vector.broadcast %max3A_119 : f32 to vector<16xf32>
    %max3A_121 = arith.maximumf %get3A_118, %max3A_120 : vector<16xf32>
    %div3A_122 = arith.divf %get3A_115, %max3A_121 : vector<16xf32>
    %swap3A_123 = arith.constant 64 : index
    %swap3A_124 = tpu.vector_load %arg13[%swap3A_123] {strides = array<i32>} : memref<1568xf32, #tpu.memory_space<vmem>>, vector<16xf32>,
    %swap3A_125 = vector.shape_cast %swap3A_124 : vector<16xf32> to vector<16xf32>
    %swap3A_126 = vector.shape_cast %div3A_122 : vector<16xf32> to vector<16xf32>
    tpu.vector_store %arg13[%swap3A_123], %swap3A_126 {strides = array<i32>} : memref<1568xf32, #tpu.memory_space<vmem>>, vector<16xf32>,
    %get3A_127 = arith.constant 80 : index
    %get3A_128 = tpu.vector_load %arg11[%get3A_127] {strides = array<i32>} : memref<1568xf32, #tpu.memory_space<vmem>>, vector<16xf32>,
    %get3A_129 = vector.shape_cast %get3A_128 : vector<16xf32> to vector<16xf32>
    %get3A_130 = arith.constant 80 : index
    %get3A_131 = tpu.vector_load %arg12[%get3A_130] {strides = array<i32>} : memref<1568xf32, #tpu.memory_space<vmem>>, vector<16xf32>,
    %get3A_132 = vector.shape_cast %get3A_131 : vector<16xf32> to vector<16xf32>
    %max3A_133 = arith.constant 1.000000e+00 : f32
    %max3A_134 = vector.broadcast %max3A_133 : f32 to vector<16xf32>
    %max3A_135 = arith.maximumf %get3A_132, %max3A_134 : vector<16xf32>
    %div3A_136 = arith.divf %get3A_129, %max3A_135 : vector<16xf32>
    %swap3A_137 = arith.constant 80 : index
    %swap3A_138 = tpu.vector_load %arg13[%swap3A_137] {strides = array<i32>} : memref<1568xf32, #tpu.memory_space<vmem>>, vector<16xf32>,
    %swap3A_139 = vector.shape_cast %swap3A_138 : vector<16xf32> to vector<16xf32>
    %swap3A_140 = vector.shape_cast %div3A_136 : vector<16xf32> to vector<16xf32>
    tpu.vector_store %arg13[%swap3A_137], %swap3A_140 {strides = array<i32>} : memref<1568xf32, #tpu.memory_space<vmem>>, vector<16xf32>,
    %get3A_141 = arith.constant 96 : index
    %get3A_142 = tpu.vector_load %arg11[%get3A_141] {strides = array<i32>} : memref<1568xf32, #tpu.memory_space<vmem>>, vector<16xf32>,
    %get3A_143 = vector.shape_cast %get3A_142 : vector<16xf32> to vector<16xf32>
    %get3A_144 = arith.constant 96 : index
    %get3A_145 = tpu.vector_load %arg12[%get3A_144] {strides = array<i32>} : memref<1568xf32, #tpu.memory_space<vmem>>, vector<16xf32>,
    %get3A_146 = vector.shape_cast %get3A_145 : vector<16xf32> to vector<16xf32>
    %max3A_147 = arith.constant 1.000000e+00 : f32
    %max3A_148 = vector.broadcast %max3A_147 : f32 to vector<16xf32>
    %max3A_149 = arith.maximumf %get3A_146, %max3A_148 : vector<16xf32>
    %div3A_150 = arith.divf %get3A_143, %max3A_149 : vector<16xf32>
    %swap3A_151 = arith.constant 96 : index
    %swap3A_152 = tpu.vector_load %arg13[%swap3A_151] {strides = array<i32>} : memref<1568xf32, #tpu.memory_space<vmem>>, vector<16xf32>,
    %swap3A_153 = vector.shape_cast %swap3A_152 : vector<16xf32> to vector<16xf32>
    %swap3A_154 = vector.shape_cast %div3A_150 : vector<16xf32> to vector<16xf32>
    tpu.vector_store %arg13[%swap3A_151], %swap3A_154 {strides = array<i32>} : memref<1568xf32, #tpu.memory_space<vmem>>, vector<16xf32>,
    %get3A_155 = arith.constant 112 : index
    %get3A_156 = tpu.vector_load %arg11[%get3A_155] {strides = array<i32>} : memref<1568xf32, #tpu.memory_space<vmem>>, vector<16xf32>,
    %get3A_157 = vector.shape_cast %get3A_156 : vector<16xf32> to vector<16xf32>
    %get3A_158 = arith.constant 112 : index
    %get3A_159 = tpu.vector_load %arg12[%get3A_158] {strides = array<i32>} : memref<1568xf32, #tpu.memory_space<vmem>>, vector<16xf32>,
    %get3A_160 = vector.shape_cast %get3A_159 : vector<16xf32> to vector<16xf32>
    %max3A_161 = arith.constant 1.000000e+00 : f32
    %max3A_162 = vector.broadcast %max3A_161 : f32 to vector<16xf32>
    %max3A_163 = arith.maximumf %get3A_160, %max3A_162 : vector<16xf32>
    %div3A_164 = arith.divf %get3A_157, %max3A_163 : vector<16xf32>
    %swap3A_165 = arith.constant 112 : index
    %swap3A_166 = tpu.vector_load %arg13[%swap3A_165] {strides = array<i32>} : memref<1568xf32, #tpu.memory_space<vmem>>, vector<16xf32>,
    %swap3A_167 = vector.shape_cast %swap3A_166 : vector<16xf32> to vector<16xf32>
    %swap3A_168 = vector.shape_cast %div3A_164 : vector<16xf32> to vector<16xf32>
    tpu.vector_store %arg13[%swap3A_165], %swap3A_168 {strides = array<i32>} : memref<1568xf32, #tpu.memory_space<vmem>>, vector<16xf32>,
    %get3A_169 = arith.constant 128 : index
    %get3A_170 = tpu.vector_load %arg11[%get3A_169] {strides = array<i32>} : memref<1568xf32, #tpu.memory_space<vmem>>, vector<16xf32>,
    %get3A_171 = vector.shape_cast %get3A_170 : vector<16xf32> to vector<16xf32>
    %get3A_172 = arith.constant 128 : index
    %get3A_173 = tpu.vector_load %arg12[%get3A_172] {strides = array<i32>} : memref<1568xf32, #tpu.memory_space<vmem>>, vector<16xf32>,
    %get3A_174 = vector.shape_cast %get3A_173 : vector<16xf32> to vector<16xf32>
    %max3A_175 = arith.constant 1.000000e+00 : f32
    %max3A_176 = vector.broadcast %max3A_175 : f32 to vector<16xf32>
    %max3A_177 = arith.maximumf %get3A_174, %max3A_176 : vector<16xf32>
    %div3A_178 = arith.divf %get3A_171, %max3A_177 : vector<16xf32>
    %swap3A_179 = arith.constant 128 : index
    %swap3A_180 = tpu.vector_load %arg13[%swap3A_179] {strides = array<i32>} : memref<1568xf32, #tpu.memory_space<vmem>>, vector<16xf32>,
    %swap3A_181 = vector.shape_cast %swap3A_180 : vector<16xf32> to vector<16xf32>
    %swap3A_182 = vector.shape_cast %div3A_178 : vector<16xf32> to vector<16xf32>
    tpu.vector_store %arg13[%swap3A_179], %swap3A_182 {strides = array<i32>} : memref<1568xf32, #tpu.memory_space<vmem>>, vector<16xf32>,
    %get3A_183 = arith.constant 144 : index
    %get3A_184 = tpu.vector_load %arg11[%get3A_183] {strides = array<i32>} : memref<1568xf32, #tpu.memory_space<vmem>>, vector<16xf32>,
    %get3A_185 = vector.shape_cast %get3A_184 : vector<16xf32> to vector<16xf32>
    %get3A_186 = arith.constant 144 : index
    %get3A_187 = tpu.vector_load %arg12[%get3A_186] {strides = array<i32>} : memref<1568xf32, #tpu.memory_space<vmem>>, vector<16xf32>,
    %get3A_188 = vector.shape_cast %get3A_187 : vector<16xf32> to vector<16xf32>
    %max3A_189 = arith.constant 1.000000e+00 : f32
    %max3A_190 = vector.broadcast %max3A_189 : f32 to vector<16xf32>
    %max3A_191 = arith.maximumf %get3A_188, %max3A_190 : vector<16xf32>
    %div3A_192 = arith.divf %get3A_185, %max3A_191 : vector<16xf32>
    %swap3A_193 = arith.constant 144 : index
    %swap3A_194 = tpu.vector_load %arg13[%swap3A_193] {strides = array<i32>} : memref<1568xf32, #tpu.memory_space<vmem>>, vector<16xf32>,
    %swap3A_195 = vector.shape_cast %swap3A_194 : vector<16xf32> to vector<16xf32>
    %swap3A_196 = vector.shape_cast %div3A_192 : vector<16xf32> to vector<16xf32>
    tpu.vector_store %arg13[%swap3A_193], %swap3A_196 {strides = array<i32>} : memref<1568xf32, #tpu.memory_space<vmem>>, vector<16xf32>,
    %get3A_197 = arith.constant 160 : index
    %get3A_198 = tpu.vector_load %arg11[%get3A_197] {strides = array<i32>} : memref<1568xf32, #tpu.memory_space<vmem>>, vector<16xf32>,
    %get3A_199 = vector.shape_cast %get3A_198 : vector<16xf32> to vector<16xf32>
    %get3A_200 = arith.constant 160 : index
    %get3A_201 = tpu.vector_load %arg12[%get3A_200] {strides = array<i32>} : memref<1568xf32, #tpu.memory_space<vmem>>, vector<16xf32>,
    %get3A_202 = vector.shape_cast %get3A_201 : vector<16xf32> to vector<16xf32>
    %max3A_203 = arith.constant 1.000000e+00 : f32
    %max3A_204 = vector.broadcast %max3A_203 : f32 to vector<16xf32>
    %max3A_205 = arith.maximumf %get3A_202, %max3A_204 : vector<16xf32>
    %div3A_206 = arith.divf %get3A_199, %max3A_205 : vector<16xf32>
    %swap3A_207 = arith.constant 160 : index
    %swap3A_208 = tpu.vector_load %arg13[%swap3A_207] {strides = array<i32>} : memref<1568xf32, #tpu.memory_space<vmem>>, vector<16xf32>,
    %swap3A_209 = vector.shape_cast %swap3A_208 : vector<16xf32> to vector<16xf32>
    %swap3A_210 = vector.shape_cast %div3A_206 : vector<16xf32> to vector<16xf32>
    tpu.vector_store %arg13[%swap3A_207], %swap3A_210 {strides = array<i32>} : memref<1568xf32, #tpu.memory_space<vmem>>, vector<16xf32>,
    %get3A_211 = arith.constant 176 : index
    %get3A_212 = tpu.vector_load %arg11[%get3A_211] {strides = array<i32>} : memref<1568xf32, #tpu.memory_space<vmem>>, vector<16xf32>,
    %get3A_213 = vector.shape_cast %get3A_212 : vector<16xf32> to vector<16xf32>
    %get3A_214 = arith.constant 176 : index
    %get3A_215 = tpu.vector_load %arg12[%get3A_214] {strides = array<i32>} : memref<1568xf32, #tpu.memory_space<vmem>>, vector<16xf32>,
    %get3A_216 = vector.shape_cast %get3A_215 : vector<16xf32> to vector<16xf32>
    %max3A_217 = arith.constant 1.000000e+00 : f32
    %max3A_218 = vector.broadcast %max3A_217 : f32 to vector<16xf32>
    %max3A_219 = arith.maximumf %get3A_216, %max3A_218 : vector<16xf32>
    %div3A_220 = arith.divf %get3A_213, %max3A_219 : vector<16xf32>
    %swap3A_221 = arith.constant 176 : index
    %swap3A_222 = tpu.vector_load %arg13[%swap3A_221] {strides = array<i32>} : memref<1568xf32, #tpu.memory_space<vmem>>, vector<16xf32>,
    %swap3A_223 = vector.shape_cast %swap3A_222 : vector<16xf32> to vector<16xf32>
    %swap3A_224 = vector.shape_cast %div3A_220 : vector<16xf32> to vector<16xf32>
    tpu.vector_store %arg13[%swap3A_221], %swap3A_224 {strides = array<i32>} : memref<1568xf32, #tpu.memory_space<vmem>>, vector<16xf32>,
    %get3A_225 = arith.constant 192 : index
    %get3A_226 = tpu.vector_load %arg11[%get3A_225] {strides = array<i32>} : memref<1568xf32, #tpu.memory_space<vmem>>, vector<16xf32>,
    %get3A_227 = vector.shape_cast %get3A_226 : vector<16xf32> to vector<16xf32>
    %get3A_228 = arith.constant 192 : index
    %get3A_229 = tpu.vector_load %arg12[%get3A_228] {strides = array<i32>} : memref<1568xf32, #tpu.memory_space<vmem>>, vector<16xf32>,
    %get3A_230 = vector.shape_cast %get3A_229 : vector<16xf32> to vector<16xf32>
    %max3A_231 = arith.constant 1.000000e+00 : f32
    %max3A_232 = vector.broadcast %max3A_231 : f32 to vector<16xf32>
    %max3A_233 = arith.maximumf %get3A_230, %max3A_232 : vector<16xf32>
    %div3A_234 = arith.divf %get3A_227, %max3A_233 : vector<16xf32>
    %swap3A_235 = arith.constant 192 : index
    %swap3A_236 = tpu.vector_load %arg13[%swap3A_235] {strides = array<i32>} : memref<1568xf32, #tpu.memory_space<vmem>>, vector<16xf32>,
    %swap3A_237 = vector.shape_cast %swap3A_236 : vector<16xf32> to vector<16xf32>
    %swap3A_238 = vector.shape_cast %div3A_234 : vector<16xf32> to vector<16xf32>
    tpu.vector_store %arg13[%swap3A_235], %swap3A_238 {strides = array<i32>} : memref<1568xf32, #tpu.memory_space<vmem>>, vector<16xf32>,
    %get3A_239 = arith.constant 208 : index
    %get3A_240 = tpu.vector_load %arg11[%get3A_239] {strides = array<i32>} : memref<1568xf32, #tpu.memory_space<vmem>>, vector<16xf32>,
    %get3A_241 = vector.shape_cast %get3A_240 : vector<16xf32> to vector<16xf32>
    %get3A_242 = arith.constant 208 : index
    %get3A_243 = tpu.vector_load %arg12[%get3A_242] {strides = array<i32>} : memref<1568xf32, #tpu.memory_space<vmem>>, vector<16xf32>,
    %get3A_244 = vector.shape_cast %get3A_243 : vector<16xf32> to vector<16xf32>
    %max3A_245 = arith.constant 1.000000e+00 : f32
    %max3A_246 = vector.broadcast %max3A_245 : f32 to vector<16xf32>
    %max3A_247 = arith.maximumf %get3A_244, %max3A_246 : vector<16xf32>
    %div3A_248 = arith.divf %get3A_241, %max3A_247 : vector<16xf32>
    %swap3A_249 = arith.constant 208 : index
    %swap3A_250 = tpu.vector_load %arg13[%swap3A_249] {strides = array<i32>} : memref<1568xf32, #tpu.memory_space<vmem>>, vector<16xf32>,
    %swap3A_251 = vector.shape_cast %swap3A_250 : vector<16xf32> to vector<16xf32>
    %swap3A_252 = vector.shape_cast %div3A_248 : vector<16xf32> to vector<16xf32>
    tpu.vector_store %arg13[%swap3A_249], %swap3A_252 {strides = array<i32>} : memref<1568xf32, #tpu.memory_space<vmem>>, vector<16xf32>,
    %get3A_253 = arith.constant 224 : index
    %get3A_254 = tpu.vector_load %arg11[%get3A_253] {strides = array<i32>} : memref<1568xf32, #tpu.memory_space<vmem>>, vector<16xf32>,
    %get3A_255 = vector.shape_cast %get3A_254 : vector<16xf32> to vector<16xf32>
    %get3A_256 = arith.constant 224 : index
    %get3A_257 = tpu.vector_load %arg12[%get3A_256] {strides = array<i32>} : memref<1568xf32, #tpu.memory_space<vmem>>, vector<16xf32>,
    %get3A_258 = vector.shape_cast %get3A_257 : vector<16xf32> to vector<16xf32>
    %max3A_259 = arith.constant 1.000000e+00 : f32
    %max3A_260 = vector.broadcast %max3A_259 : f32 to vector<16xf32>
    %max3A_261 = arith.maximumf %get3A_258, %max3A_260 : vector<16xf32>
    %div3A_262 = arith.divf %get3A_255, %max3A_261 : vector<16xf32>
    %swap3A_263 = arith.constant 224 : index
    %swap3A_264 = tpu.vector_load %arg13[%swap3A_263] {strides = array<i32>} : memref<1568xf32, #tpu.memory_space<vmem>>, vector<16xf32>,
    %swap3A_265 = vector.shape_cast %swap3A_264 : vector<16xf32> to vector<16xf32>
    %swap3A_266 = vector.shape_cast %div3A_262 : vector<16xf32> to vector<16xf32>
    tpu.vector_store %arg13[%swap3A_263], %swap3A_266 {strides = array<i32>} : memref<1568xf32, #tpu.memory_space<vmem>>, vector<16xf32>,
    %get3A_267 = arith.constant 240 : index
    %get3A_268 = tpu.vector_load %arg11[%get3A_267] {strides = array<i32>} : memref<1568xf32, #tpu.memory_space<vmem>>, vector<16xf32>,
    %get3A_269 = vector.shape_cast %get3A_268 : vector<16xf32> to vector<16xf32>
    %get3A_270 = arith.constant 240 : index
    %get3A_271 = tpu.vector_load %arg12[%get3A_270] {strides = array<i32>} : memref<1568xf32, #tpu.memory_space<vmem>>, vector<16xf32>,
    %get3A_272 = vector.shape_cast %get3A_271 : vector<16xf32> to vector<16xf32>
    %max3A_273 = arith.constant 1.000000e+00 : f32
    %max3A_274 = vector.broadcast %max3A_273 : f32 to vector<16xf32>
    %max3A_275 = arith.maximumf %get3A_272, %max3A_274 : vector<16xf32>
    %div3A_276 = arith.divf %get3A_269, %max3A_275 : vector<16xf32>
    %swap3A_277 = arith.constant 240 : index
    %swap3A_278 = tpu.vector_load %arg13[%swap3A_277] {strides = array<i32>} : memref<1568xf32, #tpu.memory_space<vmem>>, vector<16xf32>,
    %swap3A_279 = vector.shape_cast %swap3A_278 : vector<16xf32> to vector<16xf32>
    %swap3A_280 = vector.shape_cast %div3A_276 : vector<16xf32> to vector<16xf32>
    tpu.vector_store %arg13[%swap3A_277], %swap3A_280 {strides = array<i32>} : memref<1568xf32, #tpu.memory_space<vmem>>, vector<16xf32>,
    %get3A_281 = arith.constant 256 : index
    %get3A_282 = tpu.vector_load %arg11[%get3A_281] {strides = array<i32>} : memref<1568xf32, #tpu.memory_space<vmem>>, vector<16xf32>,
    %get3A_283 = vector.shape_cast %get3A_282 : vector<16xf32> to vector<16xf32>
    %get3A_284 = arith.constant 256 : index
    %get3A_285 = tpu.vector_load %arg12[%get3A_284] {strides = array<i32>} : memref<1568xf32, #tpu.memory_space<vmem>>, vector<16xf32>,
    %get3A_286 = vector.shape_cast %get3A_285 : vector<16xf32> to vector<16xf32>
    %max3A_287 = arith.constant 1.000000e+00 : f32
    %max3A_288 = vector.broadcast %max3A_287 : f32 to vector<16xf32>
    %max3A_289 = arith.maximumf %get3A_286, %max3A_288 : vector<16xf32>
    %div3A_290 = arith.divf %get3A_283, %max3A_289 : vector<16xf32>
    %swap3A_291 = arith.constant 256 : index
    %swap3A_292 = tpu.vector_load %arg13[%swap3A_291] {strides = array<i32>} : memref<1568xf32, #tpu.memory_space<vmem>>, vector<16xf32>,
    %swap3A_293 = vector.shape_cast %swap3A_292 : vector<16xf32> to vector<16xf32>
    %swap3A_294 = vector.shape_cast %div3A_290 : vector<16xf32> to vector<16xf32>
    tpu.vector_store %arg13[%swap3A_291], %swap3A_294 {strides = array<i32>} : memref<1568xf32, #tpu.memory_space<vmem>>, vector<16xf32>,
    %get3A_295 = arith.constant 272 : index
    %get3A_296 = tpu.vector_load %arg11[%get3A_295] {strides = array<i32>} : memref<1568xf32, #tpu.memory_space<vmem>>, vector<16xf32>,
    %get3A_297 = vector.shape_cast %get3A_296 : vector<16xf32> to vector<16xf32>
    %get3A_298 = arith.constant 272 : index
    %get3A_299 = tpu.vector_load %arg12[%get3A_298] {strides = array<i32>} : memref<1568xf32, #tpu.memory_space<vmem>>, vector<16xf32>,
    %get3A_300 = vector.shape_cast %get3A_299 : vector<16xf32> to vector<16xf32>
    %max3A_301 = arith.constant 1.000000e+00 : f32
    %max3A_302 = vector.broadcast %max3A_301 : f32 to vector<16xf32>
    %max3A_303 = arith.maximumf %get3A_300, %max3A_302 : vector<16xf32>
    %div3A_304 = arith.divf %get3A_297, %max3A_303 : vector<16xf32>
    %swap3A_305 = arith.constant 272 : index
    %swap3A_306 = tpu.vector_load %arg13[%swap3A_305] {strides = array<i32>} : memref<1568xf32, #tpu.memory_space<vmem>>, vector<16xf32>,
    %swap3A_307 = vector.shape_cast %swap3A_306 : vector<16xf32> to vector<16xf32>
    %swap3A_308 = vector.shape_cast %div3A_304 : vector<16xf32> to vector<16xf32>
    tpu.vector_store %arg13[%swap3A_305], %swap3A_308 {strides = array<i32>} : memref<1568xf32, #tpu.memory_space<vmem>>, vector<16xf32>,
    %get3A_309 = arith.constant 288 : index
    %get3A_310 = tpu.vector_load %arg11[%get3A_309] {strides = array<i32>} : memref<1568xf32, #tpu.memory_space<vmem>>, vector<16xf32>,
    %get3A_311 = vector.shape_cast %get3A_310 : vector<16xf32> to vector<16xf32>
    %get3A_312 = arith.constant 288 : index
    %get3A_313 = tpu.vector_load %arg12[%get3A_312] {strides = array<i32>} : memref<1568xf32, #tpu.memory_space<vmem>>, vector<16xf32>,
    %get3A_314 = vector.shape_cast %get3A_313 : vector<16xf32> to vector<16xf32>
    %max3A_315 = arith.constant 1.000000e+00 : f32
    %max3A_316 = vector.broadcast %max3A_315 : f32 to vector<16xf32>
    %max3A_317 = arith.maximumf %get3A_314, %max3A_316 : vector<16xf32>
    %div3A_318 = arith.divf %get3A_311, %max3A_317 : vector<16xf32>
    %swap3A_319 = arith.constant 288 : index
    %swap3A_320 = tpu.vector_load %arg13[%swap3A_319] {strides = array<i32>} : memref<1568xf32, #tpu.memory_space<vmem>>, vector<16xf32>,
    %swap3A_321 = vector.shape_cast %swap3A_320 : vector<16xf32> to vector<16xf32>
    %swap3A_322 = vector.shape_cast %div3A_318 : vector<16xf32> to vector<16xf32>
    tpu.vector_store %arg13[%swap3A_319], %swap3A_322 {strides = array<i32>} : memref<1568xf32, #tpu.memory_space<vmem>>, vector<16xf32>,
    %get3A_323 = arith.constant 304 : index
    %get3A_324 = tpu.vector_load %arg11[%get3A_323] {strides = array<i32>} : memref<1568xf32, #tpu.memory_space<vmem>>, vector<16xf32>,
    %get3A_325 = vector.shape_cast %get3A_324 : vector<16xf32> to vector<16xf32>
    %get3A_326 = arith.constant 304 : index
    %get3A_327 = tpu.vector_load %arg12[%get3A_326] {strides = array<i32>} : memref<1568xf32, #tpu.memory_space<vmem>>, vector<16xf32>,
    %get3A_328 = vector.shape_cast %get3A_327 : vector<16xf32> to vector<16xf32>
    %max3A_329 = arith.constant 1.000000e+00 : f32
    %max3A_330 = vector.broadcast %max3A_329 : f32 to vector<16xf32>
    %max3A_331 = arith.maximumf %get3A_328, %max3A_330 : vector<16xf32>
    %div3A_332 = arith.divf %get3A_325, %max3A_331 : vector<16xf32>
    %swap3A_333 = arith.constant 304 : index
    %swap3A_334 = tpu.vector_load %arg13[%swap3A_333] {strides = array<i32>} : memref<1568xf32, #tpu.memory_space<vmem>>, vector<16xf32>,
    %swap3A_335 = vector.shape_cast %swap3A_334 : vector<16xf32> to vector<16xf32>
    %swap3A_336 = vector.shape_cast %div3A_332 : vector<16xf32> to vector<16xf32>
    tpu.vector_store %arg13[%swap3A_333], %swap3A_336 {strides = array<i32>} : memref<1568xf32, #tpu.memory_space<vmem>>, vector<16xf32>,
    %get3A_337 = arith.constant 320 : index
    %get3A_338 = tpu.vector_load %arg11[%get3A_337] {strides = array<i32>} : memref<1568xf32, #tpu.memory_space<vmem>>, vector<16xf32>,
    %get3A_339 = vector.shape_cast %get3A_338 : vector<16xf32> to vector<16xf32>
    %get3A_340 = arith.constant 320 : index
    %get3A_341 = tpu.vector_load %arg12[%get3A_340] {strides = array<i32>} : memref<1568xf32, #tpu.memory_space<vmem>>, vector<16xf32>,
    %get3A_342 = vector.shape_cast %get3A_341 : vector<16xf32> to vector<16xf32>
    %max3A_343 = arith.constant 1.000000e+00 : f32
    %max3A_344 = vector.broadcast %max3A_343 : f32 to vector<16xf32>
    %max3A_345 = arith.maximumf %get3A_342, %max3A_344 : vector<16xf32>
    %div3A_346 = arith.divf %get3A_339, %max3A_345 : vector<16xf32>
    %swap3A_347 = arith.constant 320 : index
    %swap3A_348 = tpu.vector_load %arg13[%swap3A_347] {strides = array<i32>} : memref<1568xf32, #tpu.memory_space<vmem>>, vector<16xf32>,
    %swap3A_349 = vector.shape_cast %swap3A_348 : vector<16xf32> to vector<16xf32>
    %swap3A_350 = vector.shape_cast %div3A_346 : vector<16xf32> to vector<16xf32>
    tpu.vector_store %arg13[%swap3A_347], %swap3A_350 {strides = array<i32>} : memref<1568xf32, #tpu.memory_space<vmem>>, vector<16xf32>,
    %get3A_351 = arith.constant 336 : index
    %get3A_352 = tpu.vector_load %arg11[%get3A_351] {strides = array<i32>} : memref<1568xf32, #tpu.memory_space<vmem>>, vector<16xf32>,
    %get3A_353 = vector.shape_cast %get3A_352 : vector<16xf32> to vector<16xf32>
    %get3A_354 = arith.constant 336 : index
    %get3A_355 = tpu.vector_load %arg12[%get3A_354] {strides = array<i32>} : memref<1568xf32, #tpu.memory_space<vmem>>, vector<16xf32>,
    %get3A_356 = vector.shape_cast %get3A_355 : vector<16xf32> to vector<16xf32>
    %max3A_357 = arith.constant 1.000000e+00 : f32
    %max3A_358 = vector.broadcast %max3A_357 : f32 to vector<16xf32>
    %max3A_359 = arith.maximumf %get3A_356, %max3A_358 : vector<16xf32>
    %div3A_360 = arith.divf %get3A_353, %max3A_359 : vector<16xf32>
    %swap3A_361 = arith.constant 336 : index
    %swap3A_362 = tpu.vector_load %arg13[%swap3A_361] {strides = array<i32>} : memref<1568xf32, #tpu.memory_space<vmem>>, vector<16xf32>,
    %swap3A_363 = vector.shape_cast %swap3A_362 : vector<16xf32> to vector<16xf32>
    %swap3A_364 = vector.shape_cast %div3A_360 : vector<16xf32> to vector<16xf32>
    tpu.vector_store %arg13[%swap3A_361], %swap3A_364 {strides = array<i32>} : memref<1568xf32, #tpu.memory_space<vmem>>, vector<16xf32>,
    %get3A_365 = arith.constant 352 : index
    %get3A_366 = tpu.vector_load %arg11[%get3A_365] {strides = array<i32>} : memref<1568xf32, #tpu.memory_space<vmem>>, vector<16xf32>,
    %get3A_367 = vector.shape_cast %get3A_366 : vector<16xf32> to vector<16xf32>
    %get3A_368 = arith.constant 352 : index
    %get3A_369 = tpu.vector_load %arg12[%get3A_368] {strides = array<i32>} : memref<1568xf32, #tpu.memory_space<vmem>>, vector<16xf32>,
    %get3A_370 = vector.shape_cast %get3A_369 : vector<16xf32> to vector<16xf32>
    %max3A_371 = arith.constant 1.000000e+00 : f32
    %max3A_372 = vector.broadcast %max3A_371 : f32 to vector<16xf32>
    %max3A_373 = arith.maximumf %get3A_370, %max3A_372 : vector<16xf32>
    %div3A_374 = arith.divf %get3A_367, %max3A_373 : vector<16xf32>
    %swap3A_375 = arith.constant 352 : index
    %swap3A_376 = tpu.vector_load %arg13[%swap3A_375] {strides = array<i32>} : memref<1568xf32, #tpu.memory_space<vmem>>, vector<16xf32>,
    %swap3A_377 = vector.shape_cast %swap3A_376 : vector<16xf32> to vector<16xf32>
    %swap3A_378 = vector.shape_cast %div3A_374 : vector<16xf32> to vector<16xf32>
    tpu.vector_store %arg13[%swap3A_375], %swap3A_378 {strides = array<i32>} : memref<1568xf32, #tpu.memory_space<vmem>>, vector<16xf32>,
    %get3A_379 = arith.constant 368 : index
    %get3A_380 = tpu.vector_load %arg11[%get3A_379] {strides = array<i32>} : memref<1568xf32, #tpu.memory_space<vmem>>, vector<16xf32>,
    %get3A_381 = vector.shape_cast %get3A_380 : vector<16xf32> to vector<16xf32>
    %get3A_382 = arith.constant 368 : index
    %get3A_383 = tpu.vector_load %arg12[%get3A_382] {strides = array<i32>} : memref<1568xf32, #tpu.memory_space<vmem>>, vector<16xf32>,
    %get3A_384 = vector.shape_cast %get3A_383 : vector<16xf32> to vector<16xf32>
    %max3A_385 = arith.constant 1.000000e+00 : f32
    %max3A_386 = vector.broadcast %max3A_385 : f32 to vector<16xf32>
    %max3A_387 = arith.maximumf %get3A_384, %max3A_386 : vector<16xf32>
    %div3A_388 = arith.divf %get3A_381, %max3A_387 : vector<16xf32>
    %swap3A_389 = arith.constant 368 : index
    %swap3A_390 = tpu.vector_load %arg13[%swap3A_389] {strides = array<i32>} : memref<1568xf32, #tpu.memory_space<vmem>>, vector<16xf32>,
    %swap3A_391 = vector.shape_cast %swap3A_390 : vector<16xf32> to vector<16xf32>
    %swap3A_392 = vector.shape_cast %div3A_388 : vector<16xf32> to vector<16xf32>
    tpu.vector_store %arg13[%swap3A_389], %swap3A_392 {strides = array<i32>} : memref<1568xf32, #tpu.memory_space<vmem>>, vector<16xf32>,
    %get3A_393 = arith.constant 384 : index
    %get3A_394 = tpu.vector_load %arg11[%get3A_393] {strides = array<i32>} : memref<1568xf32, #tpu.memory_space<vmem>>, vector<16xf32>,
    %get3A_395 = vector.shape_cast %get3A_394 : vector<16xf32> to vector<16xf32>
    %get3A_396 = arith.constant 384 : index
    %get3A_397 = tpu.vector_load %arg12[%get3A_396] {strides = array<i32>} : memref<1568xf32, #tpu.memory_space<vmem>>, vector<16xf32>,
    %get3A_398 = vector.shape_cast %get3A_397 : vector<16xf32> to vector<16xf32>
    %max3A_399 = arith.constant 1.000000e+00 : f32
    %max3A_400 = vector.broadcast %max3A_399 : f32 to vector<16xf32>
    %max3A_401 = arith.maximumf %get3A_398, %max3A_400 : vector<16xf32>
    %div3A_402 = arith.divf %get3A_395, %max3A_401 : vector<16xf32>
    %swap3A_403 = arith.constant 384 : index
    %swap3A_404 = tpu.vector_load %arg13[%swap3A_403] {strides = array<i32>} : memref<1568xf32, #tpu.memory_space<vmem>>, vector<16xf32>,
    %swap3A_405 = vector.shape_cast %swap3A_404 : vector<16xf32> to vector<16xf32>
    %swap3A_406 = vector.shape_cast %div3A_402 : vector<16xf32> to vector<16xf32>
    tpu.vector_store %arg13[%swap3A_403], %swap3A_406 {strides = array<i32>} : memref<1568xf32, #tpu.memory_space<vmem>>, vector<16xf32>,
    %get3A_407 = arith.constant 400 : index
    %get3A_408 = tpu.vector_load %arg11[%get3A_407] {strides = array<i32>} : memref<1568xf32, #tpu.memory_space<vmem>>, vector<16xf32>,
    %get3A_409 = vector.shape_cast %get3A_408 : vector<16xf32> to vector<16xf32>
    %get3A_410 = arith.constant 400 : index
    %get3A_411 = tpu.vector_load %arg12[%get3A_410] {strides = array<i32>} : memref<1568xf32, #tpu.memory_space<vmem>>, vector<16xf32>,
    %get3A_412 = vector.shape_cast %get3A_411 : vector<16xf32> to vector<16xf32>
    %max3A_413 = arith.constant 1.000000e+00 : f32
    %max3A_414 = vector.broadcast %max3A_413 : f32 to vector<16xf32>
    %max3A_415 = arith.maximumf %get3A_412, %max3A_414 : vector<16xf32>
    %div3A_416 = arith.divf %get3A_409, %max3A_415 : vector<16xf32>
    %swap3A_417 = arith.constant 400 : index
    %swap3A_418 = tpu.vector_load %arg13[%swap3A_417] {strides = array<i32>} : memref<1568xf32, #tpu.memory_space<vmem>>, vector<16xf32>,
    %swap3A_419 = vector.shape_cast %swap3A_418 : vector<16xf32> to vector<16xf32>
    %swap3A_420 = vector.shape_cast %div3A_416 : vector<16xf32> to vector<16xf32>
    tpu.vector_store %arg13[%swap3A_417], %swap3A_420 {strides = array<i32>} : memref<1568xf32, #tpu.memory_space<vmem>>, vector<16xf32>,
    %get3A_421 = arith.constant 416 : index
    %get3A_422 = tpu.vector_load %arg11[%get3A_421] {strides = array<i32>} : memref<1568xf32, #tpu.memory_space<vmem>>, vector<16xf32>,
    %get3A_423 = vector.shape_cast %get3A_422 : vector<16xf32> to vector<16xf32>
    %get3A_424 = arith.constant 416 : index
    %get3A_425 = tpu.vector_load %arg12[%get3A_424] {strides = array<i32>} : memref<1568xf32, #tpu.memory_space<vmem>>, vector<16xf32>,
    %get3A_426 = vector.shape_cast %get3A_425 : vector<16xf32> to vector<16xf32>
    %max3A_427 = arith.constant 1.000000e+00 : f32
    %max3A_428 = vector.broadcast %max3A_427 : f32 to vector<16xf32>
    %max3A_429 = arith.maximumf %get3A_426, %max3A_428 : vector<16xf32>
    %div3A_430 = arith.divf %get3A_423, %max3A_429 : vector<16xf32>
    %swap3A_431 = arith.constant 416 : index
    %swap3A_432 = tpu.vector_load %arg13[%swap3A_431] {strides = array<i32>} : memref<1568xf32, #tpu.memory_space<vmem>>, vector<16xf32>,
    %swap3A_433 = vector.shape_cast %swap3A_432 : vector<16xf32> to vector<16xf32>
    %swap3A_434 = vector.shape_cast %div3A_430 : vector<16xf32> to vector<16xf32>
    tpu.vector_store %arg13[%swap3A_431], %swap3A_434 {strides = array<i32>} : memref<1568xf32, #tpu.memory_space<vmem>>, vector<16xf32>,
    %get3A_435 = arith.constant 432 : index
    %get3A_436 = tpu.vector_load %arg11[%get3A_435] {strides = array<i32>} : memref<1568xf32, #tpu.memory_space<vmem>>, vector<16xf32>,
    %get3A_437 = vector.shape_cast %get3A_436 : vector<16xf32> to vector<16xf32>
    %get3A_438 = arith.constant 432 : index
    %get3A_439 = tpu.vector_load %arg12[%get3A_438] {strides = array<i32>} : memref<1568xf32, #tpu.memory_space<vmem>>, vector<16xf32>,
    %get3A_440 = vector.shape_cast %get3A_439 : vector<16xf32> to vector<16xf32>
    %max3A_441 = arith.constant 1.000000e+00 : f32
    %max3A_442 = vector.broadcast %max3A_441 : f32 to vector<16xf32>
    %max3A_443 = arith.maximumf %get3A_440, %max3A_442 : vector<16xf32>
    %div3A_444 = arith.divf %get3A_437, %max3A_443 : vector<16xf32>
    %swap3A_445 = arith.constant 432 : index
    %swap3A_446 = tpu.vector_load %arg13[%swap3A_445] {strides = array<i32>} : memref<1568xf32, #tpu.memory_space<vmem>>, vector<16xf32>,
    %swap3A_447 = vector.shape_cast %swap3A_446 : vector<16xf32> to vector<16xf32>
    %swap3A_448 = vector.shape_cast %div3A_444 : vector<16xf32> to vector<16xf32>
    tpu.vector_store %arg13[%swap3A_445], %swap3A_448 {strides = array<i32>} : memref<1568xf32, #tpu.memory_space<vmem>>, vector<16xf32>,
    %get3A_449 = arith.constant 448 : index
    %get3A_450 = tpu.vector_load %arg11[%get3A_449] {strides = array<i32>} : memref<1568xf32, #tpu.memory_space<vmem>>, vector<16xf32>,
    %get3A_451 = vector.shape_cast %get3A_450 : vector<16xf32> to vector<16xf32>
    %get3A_452 = arith.constant 448 : index
    %get3A_453 = tpu.vector_load %arg12[%get3A_452] {strides = array<i32>} : memref<1568xf32, #tpu.memory_space<vmem>>, vector<16xf32>,
    %get3A_454 = vector.shape_cast %get3A_453 : vector<16xf32> to vector<16xf32>
    %max3A_455 = arith.constant 1.000000e+00 : f32
    %max3A_456 = vector.broadcast %max3A_455 : f32 to vector<16xf32>
    %max3A_457 = arith.maximumf %get3A_454, %max3A_456 : vector<16xf32>
    %div3A_458 = arith.divf %get3A_451, %max3A_457 : vector<16xf32>
    %swap3A_459 = arith.constant 448 : index
    %swap3A_460 = tpu.vector_load %arg13[%swap3A_459] {strides = array<i32>} : memref<1568xf32, #tpu.memory_space<vmem>>, vector<16xf32>,
    %swap3A_461 = vector.shape_cast %swap3A_460 : vector<16xf32> to vector<16xf32>
    %swap3A_462 = vector.shape_cast %div3A_458 : vector<16xf32> to vector<16xf32>
    tpu.vector_store %arg13[%swap3A_459], %swap3A_462 {strides = array<i32>} : memref<1568xf32, #tpu.memory_space<vmem>>, vector<16xf32>,
    %get3A_463 = arith.constant 464 : index
    %get3A_464 = tpu.vector_load %arg11[%get3A_463] {strides = array<i32>} : memref<1568xf32, #tpu.memory_space<vmem>>, vector<16xf32>,
    %get3A_465 = vector.shape_cast %get3A_464 : vector<16xf32> to vector<16xf32>
    %get3A_466 = arith.constant 464 : index
    %get3A_467 = tpu.vector_load %arg12[%get3A_466] {strides = array<i32>} : memref<1568xf32, #tpu.memory_space<vmem>>, vector<16xf32>,
    %get3A_468 = vector.shape_cast %get3A_467 : vector<16xf32> to vector<16xf32>
    %max3A_469 = arith.constant 1.000000e+00 : f32
    %max3A_470 = vector.broadcast %max3A_469 : f32 to vector<16xf32>
    %max3A_471 = arith.maximumf %get3A_468, %max3A_470 : vector<16xf32>
    %div3A_472 = arith.divf %get3A_465, %max3A_471 : vector<16xf32>
    %swap3A_473 = arith.constant 464 : index
    %swap3A_474 = tpu.vector_load %arg13[%swap3A_473] {strides = array<i32>} : memref<1568xf32, #tpu.memory_space<vmem>>, vector<16xf32>,
    %swap3A_475 = vector.shape_cast %swap3A_474 : vector<16xf32> to vector<16xf32>
    %swap3A_476 = vector.shape_cast %div3A_472 : vector<16xf32> to vector<16xf32>
    tpu.vector_store %arg13[%swap3A_473], %swap3A_476 {strides = array<i32>} : memref<1568xf32, #tpu.memory_space<vmem>>, vector<16xf32>,
    %get3A_477 = arith.constant 480 : index
    %get3A_478 = tpu.vector_load %arg11[%get3A_477] {strides = array<i32>} : memref<1568xf32, #tpu.memory_space<vmem>>, vector<16xf32>,
    %get3A_479 = vector.shape_cast %get3A_478 : vector<16xf32> to vector<16xf32>
    %get3A_480 = arith.constant 480 : index
    %get3A_481 = tpu.vector_load %arg12[%get3A_480] {strides = array<i32>} : memref<1568xf32, #tpu.memory_space<vmem>>, vector<16xf32>,
    %get3A_482 = vector.shape_cast %get3A_481 : vector<16xf32> to vector<16xf32>
    %max3A_483 = arith.constant 1.000000e+00 : f32
    %max3A_484 = vector.broadcast %max3A_483 : f32 to vector<16xf32>
    %max3A_485 = arith.maximumf %get3A_482, %max3A_484 : vector<16xf32>
    %div3A_486 = arith.divf %get3A_479, %max3A_485 : vector<16xf32>
    %swap3A_487 = arith.constant 480 : index
    %swap3A_488 = tpu.vector_load %arg13[%swap3A_487] {strides = array<i32>} : memref<1568xf32, #tpu.memory_space<vmem>>, vector<16xf32>,
    %swap3A_489 = vector.shape_cast %swap3A_488 : vector<16xf32> to vector<16xf32>
    %swap3A_490 = vector.shape_cast %div3A_486 : vector<16xf32> to vector<16xf32>
    tpu.vector_store %arg13[%swap3A_487], %swap3A_490 {strides = array<i32>} : memref<1568xf32, #tpu.memory_space<vmem>>, vector<16xf32>,
    %get3A_491 = arith.constant 496 : index
    %get3A_492 = tpu.vector_load %arg11[%get3A_491] {strides = array<i32>} : memref<1568xf32, #tpu.memory_space<vmem>>, vector<16xf32>,
    %get3A_493 = vector.shape_cast %get3A_492 : vector<16xf32> to vector<16xf32>
    %get3A_494 = arith.constant 496 : index
    %get3A_495 = tpu.vector_load %arg12[%get3A_494] {strides = array<i32>} : memref<1568xf32, #tpu.memory_space<vmem>>, vector<16xf32>,
    %get3A_496 = vector.shape_cast %get3A_495 : vector<16xf32> to vector<16xf32>
    %max3A_497 = arith.constant 1.000000e+00 : f32
    %max3A_498 = vector.broadcast %max3A_497 : f32 to vector<16xf32>
    %max3A_499 = arith.maximumf %get3A_496, %max3A_498 : vector<16xf32>
    %div3A_500 = arith.divf %get3A_493, %max3A_499 : vector<16xf32>
    %swap3A_501 = arith.constant 496 : index
    %swap3A_502 = tpu.vector_load %arg13[%swap3A_501] {strides = array<i32>} : memref<1568xf32, #tpu.memory_space<vmem>>, vector<16xf32>,
    %swap3A_503 = vector.shape_cast %swap3A_502 : vector<16xf32> to vector<16xf32>
    %swap3A_504 = vector.shape_cast %div3A_500 : vector<16xf32> to vector<16xf32>
    tpu.vector_store %arg13[%swap3A_501], %swap3A_504 {strides = array<i32>} : memref<1568xf32, #tpu.memory_space<vmem>>, vector<16xf32>,
    %get3A_505 = arith.constant 512 : index
    %get3A_506 = tpu.vector_load %arg11[%get3A_505] {strides = array<i32>} : memref<1568xf32, #tpu.memory_space<vmem>>, vector<16xf32>,
    %get3A_507 = vector.shape_cast %get3A_506 : vector<16xf32> to vector<16xf32>
    %get3A_508 = arith.constant 512 : index
    %get3A_509 = tpu.vector_load %arg12[%get3A_508] {strides = array<i32>} : memref<1568xf32, #tpu.memory_space<vmem>>, vector<16xf32>,
    %get3A_510 = vector.shape_cast %get3A_509 : vector<16xf32> to vector<16xf32>
    %max3A_511 = arith.constant 1.000000e+00 : f32
    %max3A_512 = vector.broadcast %max3A_511 : f32 to vector<16xf32>
    %max3A_513 = arith.maximumf %get3A_510, %max3A_512 : vector<16xf32>
    %div3A_514 = arith.divf %get3A_507, %max3A_513 : vector<16xf32>
    %swap3A_515 = arith.constant 512 : index
    %swap3A_516 = tpu.vector_load %arg13[%swap3A_515] {strides = array<i32>} : memref<1568xf32, #tpu.memory_space<vmem>>, vector<16xf32>,
    %swap3A_517 = vector.shape_cast %swap3A_516 : vector<16xf32> to vector<16xf32>
    %swap3A_518 = vector.shape_cast %div3A_514 : vector<16xf32> to vector<16xf32>
    tpu.vector_store %arg13[%swap3A_515], %swap3A_518 {strides = array<i32>} : memref<1568xf32, #tpu.memory_space<vmem>>, vector<16xf32>,
    %get3A_519 = arith.constant 528 : index
    %get3A_520 = tpu.vector_load %arg11[%get3A_519] {strides = array<i32>} : memref<1568xf32, #tpu.memory_space<vmem>>, vector<16xf32>,
    %get3A_521 = vector.shape_cast %get3A_520 : vector<16xf32> to vector<16xf32>
    %get3A_522 = arith.constant 528 : index
    %get3A_523 = tpu.vector_load %arg12[%get3A_522] {strides = array<i32>} : memref<1568xf32, #tpu.memory_space<vmem>>, vector<16xf32>,
    %get3A_524 = vector.shape_cast %get3A_523 : vector<16xf32> to vector<16xf32>
    %max3A_525 = arith.constant 1.000000e+00 : f32
    %max3A_526 = vector.broadcast %max3A_525 : f32 to vector<16xf32>
    %max3A_527 = arith.maximumf %get3A_524, %max3A_526 : vector<16xf32>
    %div3A_528 = arith.divf %get3A_521, %max3A_527 : vector<16xf32>
    %swap3A_529 = arith.constant 528 : index
    %swap3A_530 = tpu.vector_load %arg13[%swap3A_529] {strides = array<i32>} : memref<1568xf32, #tpu.memory_space<vmem>>, vector<16xf32>,
    %swap3A_531 = vector.shape_cast %swap3A_530 : vector<16xf32> to vector<16xf32>
    %swap3A_532 = vector.shape_cast %div3A_528 : vector<16xf32> to vector<16xf32>
    tpu.vector_store %arg13[%swap3A_529], %swap3A_532 {strides = array<i32>} : memref<1568xf32, #tpu.memory_space<vmem>>, vector<16xf32>,
    %get3A_533 = arith.constant 544 : index
    %get3A_534 = tpu.vector_load %arg11[%get3A_533] {strides = array<i32>} : memref<1568xf32, #tpu.memory_space<vmem>>, vector<16xf32>,
    %get3A_535 = vector.shape_cast %get3A_534 : vector<16xf32> to vector<16xf32>
    %get3A_536 = arith.constant 544 : index
    %get3A_537 = tpu.vector_load %arg12[%get3A_536] {strides = array<i32>} : memref<1568xf32, #tpu.memory_space<vmem>>, vector<16xf32>,
    %get3A_538 = vector.shape_cast %get3A_537 : vector<16xf32> to vector<16xf32>
    %max3A_539 = arith.constant 1.000000e+00 : f32
    %max3A_540 = vector.broadcast %max3A_539 : f32 to vector<16xf32>
    %max3A_541 = arith.maximumf %get3A_538, %max3A_540 : vector<16xf32>
    %div3A_542 = arith.divf %get3A_535, %max3A_541 : vector<16xf32>
    %swap3A_543 = arith.constant 544 : index
    %swap3A_544 = tpu.vector_load %arg13[%swap3A_543] {strides = array<i32>} : memref<1568xf32, #tpu.memory_space<vmem>>, vector<16xf32>,
    %swap3A_545 = vector.shape_cast %swap3A_544 : vector<16xf32> to vector<16xf32>
    %swap3A_546 = vector.shape_cast %div3A_542 : vector<16xf32> to vector<16xf32>
    tpu.vector_store %arg13[%swap3A_543], %swap3A_546 {strides = array<i32>} : memref<1568xf32, #tpu.memory_space<vmem>>, vector<16xf32>,
    %get3A_547 = arith.constant 560 : index
    %get3A_548 = tpu.vector_load %arg11[%get3A_547] {strides = array<i32>} : memref<1568xf32, #tpu.memory_space<vmem>>, vector<16xf32>,
    %get3A_549 = vector.shape_cast %get3A_548 : vector<16xf32> to vector<16xf32>
    %get3A_550 = arith.constant 560 : index
    %get3A_551 = tpu.vector_load %arg12[%get3A_550] {strides = array<i32>} : memref<1568xf32, #tpu.memory_space<vmem>>, vector<16xf32>,
    %get3A_552 = vector.shape_cast %get3A_551 : vector<16xf32> to vector<16xf32>
    %max3A_553 = arith.constant 1.000000e+00 : f32
    %max3A_554 = vector.broadcast %max3A_553 : f32 to vector<16xf32>
    %max3A_555 = arith.maximumf %get3A_552, %max3A_554 : vector<16xf32>
    %div3A_556 = arith.divf %get3A_549, %max3A_555 : vector<16xf32>
    %swap3A_557 = arith.constant 560 : index
    %swap3A_558 = tpu.vector_load %arg13[%swap3A_557] {strides = array<i32>} : memref<1568xf32, #tpu.memory_space<vmem>>, vector<16xf32>,
    %swap3A_559 = vector.shape_cast %swap3A_558 : vector<16xf32> to vector<16xf32>
    %swap3A_560 = vector.shape_cast %div3A_556 : vector<16xf32> to vector<16xf32>
    tpu.vector_store %arg13[%swap3A_557], %swap3A_560 {strides = array<i32>} : memref<1568xf32, #tpu.memory_space<vmem>>, vector<16xf32>,
    %get3A_561 = arith.constant 576 : index
    %get3A_562 = tpu.vector_load %arg11[%get3A_561] {strides = array<i32>} : memref<1568xf32, #tpu.memory_space<vmem>>, vector<16xf32>,
    %get3A_563 = vector.shape_cast %get3A_562 : vector<16xf32> to vector<16xf32>
    %get3A_564 = arith.constant 576 : index
    %get3A_565 = tpu.vector_load %arg12[%get3A_564] {strides = array<i32>} : memref<1568xf32, #tpu.memory_space<vmem>>, vector<16xf32>,
    %get3A_566 = vector.shape_cast %get3A_565 : vector<16xf32> to vector<16xf32>
    %max3A_567 = arith.constant 1.000000e+00 : f32
    %max3A_568 = vector.broadcast %max3A_567 : f32 to vector<16xf32>
    %max3A_569 = arith.maximumf %get3A_566, %max3A_568 : vector<16xf32>
    %div3A_570 = arith.divf %get3A_563, %max3A_569 : vector<16xf32>
    %swap3A_571 = arith.constant 576 : index
    %swap3A_572 = tpu.vector_load %arg13[%swap3A_571] {strides = array<i32>} : memref<1568xf32, #tpu.memory_space<vmem>>, vector<16xf32>,
    %swap3A_573 = vector.shape_cast %swap3A_572 : vector<16xf32> to vector<16xf32>
    %swap3A_574 = vector.shape_cast %div3A_570 : vector<16xf32> to vector<16xf32>
    tpu.vector_store %arg13[%swap3A_571], %swap3A_574 {strides = array<i32>} : memref<1568xf32, #tpu.memory_space<vmem>>, vector<16xf32>,
    %get3A_575 = arith.constant 592 : index
    %get3A_576 = tpu.vector_load %arg11[%get3A_575] {strides = array<i32>} : memref<1568xf32, #tpu.memory_space<vmem>>, vector<16xf32>,
    %get3A_577 = vector.shape_cast %get3A_576 : vector<16xf32> to vector<16xf32>
    %get3A_578 = arith.constant 592 : index
    %get3A_579 = tpu.vector_load %arg12[%get3A_578] {strides = array<i32>} : memref<1568xf32, #tpu.memory_space<vmem>>, vector<16xf32>,
    %get3A_580 = vector.shape_cast %get3A_579 : vector<16xf32> to vector<16xf32>
    %max3A_581 = arith.constant 1.000000e+00 : f32
    %max3A_582 = vector.broadcast %max3A_581 : f32 to vector<16xf32>
    %max3A_583 = arith.maximumf %get3A_580, %max3A_582 : vector<16xf32>
    %div3A_584 = arith.divf %get3A_577, %max3A_583 : vector<16xf32>
    %swap3A_585 = arith.constant 592 : index
    %swap3A_586 = tpu.vector_load %arg13[%swap3A_585] {strides = array<i32>} : memref<1568xf32, #tpu.memory_space<vmem>>, vector<16xf32>,
    %swap3A_587 = vector.shape_cast %swap3A_586 : vector<16xf32> to vector<16xf32>
    %swap3A_588 = vector.shape_cast %div3A_584 : vector<16xf32> to vector<16xf32>
    tpu.vector_store %arg13[%swap3A_585], %swap3A_588 {strides = array<i32>} : memref<1568xf32, #tpu.memory_space<vmem>>, vector<16xf32>,
    %get3A_589 = arith.constant 608 : index
    %get3A_590 = tpu.vector_load %arg11[%get3A_589] {strides = array<i32>} : memref<1568xf32, #tpu.memory_space<vmem>>, vector<16xf32>,
    %get3A_591 = vector.shape_cast %get3A_590 : vector<16xf32> to vector<16xf32>
    %get3A_592 = arith.constant 608 : index
    %get3A_593 = tpu.vector_load %arg12[%get3A_592] {strides = array<i32>} : memref<1568xf32, #tpu.memory_space<vmem>>, vector<16xf32>,
    %get3A_594 = vector.shape_cast %get3A_593 : vector<16xf32> to vector<16xf32>
    %max3A_595 = arith.constant 1.000000e+00 : f32
    %max3A_596 = vector.broadcast %max3A_595 : f32 to vector<16xf32>
    %max3A_597 = arith.maximumf %get3A_594, %max3A_596 : vector<16xf32>
    %div3A_598 = arith.divf %get3A_591, %max3A_597 : vector<16xf32>
    %swap3A_599 = arith.constant 608 : index
    %swap3A_600 = tpu.vector_load %arg13[%swap3A_599] {strides = array<i32>} : memref<1568xf32, #tpu.memory_space<vmem>>, vector<16xf32>,
    %swap3A_601 = vector.shape_cast %swap3A_600 : vector<16xf32> to vector<16xf32>
    %swap3A_602 = vector.shape_cast %div3A_598 : vector<16xf32> to vector<16xf32>
    tpu.vector_store %arg13[%swap3A_599], %swap3A_602 {strides = array<i32>} : memref<1568xf32, #tpu.memory_space<vmem>>, vector<16xf32>,
    %get3A_603 = arith.constant 624 : index
    %get3A_604 = tpu.vector_load %arg11[%get3A_603] {strides = array<i32>} : memref<1568xf32, #tpu.memory_space<vmem>>, vector<16xf32>,
    %get3A_605 = vector.shape_cast %get3A_604 : vector<16xf32> to vector<16xf32>
    %get3A_606 = arith.constant 624 : index
    %get3A_607 = tpu.vector_load %arg12[%get3A_606] {strides = array<i32>} : memref<1568xf32, #tpu.memory_space<vmem>>, vector<16xf32>,
    %get3A_608 = vector.shape_cast %get3A_607 : vector<16xf32> to vector<16xf32>
    %max3A_609 = arith.constant 1.000000e+00 : f32
    %max3A_610 = vector.broadcast %max3A_609 : f32 to vector<16xf32>
    %max3A_611 = arith.maximumf %get3A_608, %max3A_610 : vector<16xf32>
    %div3A_612 = arith.divf %get3A_605, %max3A_611 : vector<16xf32>
    %swap3A_613 = arith.constant 624 : index
    %swap3A_614 = tpu.vector_load %arg13[%swap3A_613] {strides = array<i32>} : memref<1568xf32, #tpu.memory_space<vmem>>, vector<16xf32>,
    %swap3A_615 = vector.shape_cast %swap3A_614 : vector<16xf32> to vector<16xf32>
    %swap3A_616 = vector.shape_cast %div3A_612 : vector<16xf32> to vector<16xf32>
    tpu.vector_store %arg13[%swap3A_613], %swap3A_616 {strides = array<i32>} : memref<1568xf32, #tpu.memory_space<vmem>>, vector<16xf32>,
    %get3A_617 = arith.constant 640 : index
    %get3A_618 = tpu.vector_load %arg11[%get3A_617] {strides = array<i32>} : memref<1568xf32, #tpu.memory_space<vmem>>, vector<16xf32>,
    %get3A_619 = vector.shape_cast %get3A_618 : vector<16xf32> to vector<16xf32>
    %get3A_620 = arith.constant 640 : index
    %get3A_621 = tpu.vector_load %arg12[%get3A_620] {strides = array<i32>} : memref<1568xf32, #tpu.memory_space<vmem>>, vector<16xf32>,
    %get3A_622 = vector.shape_cast %get3A_621 : vector<16xf32> to vector<16xf32>
    %max3A_623 = arith.constant 1.000000e+00 : f32
    %max3A_624 = vector.broadcast %max3A_623 : f32 to vector<16xf32>
    %max3A_625 = arith.maximumf %get3A_622, %max3A_624 : vector<16xf32>
    %div3A_626 = arith.divf %get3A_619, %max3A_625 : vector<16xf32>
    %swap3A_627 = arith.constant 640 : index
    %swap3A_628 = tpu.vector_load %arg13[%swap3A_627] {strides = array<i32>} : memref<1568xf32, #tpu.memory_space<vmem>>, vector<16xf32>,
    %swap3A_629 = vector.shape_cast %swap3A_628 : vector<16xf32> to vector<16xf32>
    %swap3A_630 = vector.shape_cast %div3A_626 : vector<16xf32> to vector<16xf32>
    tpu.vector_store %arg13[%swap3A_627], %swap3A_630 {strides = array<i32>} : memref<1568xf32, #tpu.memory_space<vmem>>, vector<16xf32>,
    %get3A_631 = arith.constant 656 : index
    %get3A_632 = tpu.vector_load %arg11[%get3A_631] {strides = array<i32>} : memref<1568xf32, #tpu.memory_space<vmem>>, vector<16xf32>,
    %get3A_633 = vector.shape_cast %get3A_632 : vector<16xf32> to vector<16xf32>
    %get3A_634 = arith.constant 656 : index
    %get3A_635 = tpu.vector_load %arg12[%get3A_634] {strides = array<i32>} : memref<1568xf32, #tpu.memory_space<vmem>>, vector<16xf32>,
    %get3A_636 = vector.shape_cast %get3A_635 : vector<16xf32> to vector<16xf32>
    %max3A_637 = arith.constant 1.000000e+00 : f32
    %max3A_638 = vector.broadcast %max3A_637 : f32 to vector<16xf32>
    %max3A_639 = arith.maximumf %get3A_636, %max3A_638 : vector<16xf32>
    %div3A_640 = arith.divf %get3A_633, %max3A_639 : vector<16xf32>
    %swap3A_641 = arith.constant 656 : index
    %swap3A_642 = tpu.vector_load %arg13[%swap3A_641] {strides = array<i32>} : memref<1568xf32, #tpu.memory_space<vmem>>, vector<16xf32>,
    %swap3A_643 = vector.shape_cast %swap3A_642 : vector<16xf32> to vector<16xf32>
    %swap3A_644 = vector.shape_cast %div3A_640 : vector<16xf32> to vector<16xf32>
    tpu.vector_store %arg13[%swap3A_641], %swap3A_644 {strides = array<i32>} : memref<1568xf32, #tpu.memory_space<vmem>>, vector<16xf32>,
    %get3A_645 = arith.constant 672 : index
    %get3A_646 = tpu.vector_load %arg11[%get3A_645] {strides = array<i32>} : memref<1568xf32, #tpu.memory_space<vmem>>, vector<16xf32>,
    %get3A_647 = vector.shape_cast %get3A_646 : vector<16xf32> to vector<16xf32>
    %get3A_648 = arith.constant 672 : index
    %get3A_649 = tpu.vector_load %arg12[%get3A_648] {strides = array<i32>} : memref<1568xf32, #tpu.memory_space<vmem>>, vector<16xf32>,
    %get3A_650 = vector.shape_cast %get3A_649 : vector<16xf32> to vector<16xf32>
    %max3A_651 = arith.constant 1.000000e+00 : f32
    %max3A_652 = vector.broadcast %max3A_651 : f32 to vector<16xf32>
    %max3A_653 = arith.maximumf %get3A_650, %max3A_652 : vector<16xf32>
    %div3A_654 = arith.divf %get3A_647, %max3A_653 : vector<16xf32>
    %swap3A_655 = arith.constant 672 : index
    %swap3A_656 = tpu.vector_load %arg13[%swap3A_655] {strides = array<i32>} : memref<1568xf32, #tpu.memory_space<vmem>>, vector<16xf32>,
    %swap3A_657 = vector.shape_cast %swap3A_656 : vector<16xf32> to vector<16xf32>
    %swap3A_658 = vector.shape_cast %div3A_654 : vector<16xf32> to vector<16xf32>
    tpu.vector_store %arg13[%swap3A_655], %swap3A_658 {strides = array<i32>} : memref<1568xf32, #tpu.memory_space<vmem>>, vector<16xf32>,
    %get3A_659 = arith.constant 688 : index
    %get3A_660 = tpu.vector_load %arg11[%get3A_659] {strides = array<i32>} : memref<1568xf32, #tpu.memory_space<vmem>>, vector<16xf32>,
    %get3A_661 = vector.shape_cast %get3A_660 : vector<16xf32> to vector<16xf32>
    %get3A_662 = arith.constant 688 : index
    %get3A_663 = tpu.vector_load %arg12[%get3A_662] {strides = array<i32>} : memref<1568xf32, #tpu.memory_space<vmem>>, vector<16xf32>,
    %get3A_664 = vector.shape_cast %get3A_663 : vector<16xf32> to vector<16xf32>
    %max3A_665 = arith.constant 1.000000e+00 : f32
    %max3A_666 = vector.broadcast %max3A_665 : f32 to vector<16xf32>
    %max3A_667 = arith.maximumf %get3A_664, %max3A_666 : vector<16xf32>
    %div3A_668 = arith.divf %get3A_661, %max3A_667 : vector<16xf32>
    %swap3A_669 = arith.constant 688 : index
    %swap3A_670 = tpu.vector_load %arg13[%swap3A_669] {strides = array<i32>} : memref<1568xf32, #tpu.memory_space<vmem>>, vector<16xf32>,
    %swap3A_671 = vector.shape_cast %swap3A_670 : vector<16xf32> to vector<16xf32>
    %swap3A_672 = vector.shape_cast %div3A_668 : vector<16xf32> to vector<16xf32>
    tpu.vector_store %arg13[%swap3A_669], %swap3A_672 {strides = array<i32>} : memref<1568xf32, #tpu.memory_space<vmem>>, vector<16xf32>,
    %get3A_673 = arith.constant 704 : index
    %get3A_674 = tpu.vector_load %arg11[%get3A_673] {strides = array<i32>} : memref<1568xf32, #tpu.memory_space<vmem>>, vector<16xf32>,
    %get3A_675 = vector.shape_cast %get3A_674 : vector<16xf32> to vector<16xf32>
    %get3A_676 = arith.constant 704 : index
    %get3A_677 = tpu.vector_load %arg12[%get3A_676] {strides = array<i32>} : memref<1568xf32, #tpu.memory_space<vmem>>, vector<16xf32>,
    %get3A_678 = vector.shape_cast %get3A_677 : vector<16xf32> to vector<16xf32>
    %max3A_679 = arith.constant 1.000000e+00 : f32
    %max3A_680 = vector.broadcast %max3A_679 : f32 to vector<16xf32>
    %max3A_681 = arith.maximumf %get3A_678, %max3A_680 : vector<16xf32>
    %div3A_682 = arith.divf %get3A_675, %max3A_681 : vector<16xf32>
    %swap3A_683 = arith.constant 704 : index
    %swap3A_684 = tpu.vector_load %arg13[%swap3A_683] {strides = array<i32>} : memref<1568xf32, #tpu.memory_space<vmem>>, vector<16xf32>,
    %swap3A_685 = vector.shape_cast %swap3A_684 : vector<16xf32> to vector<16xf32>
    %swap3A_686 = vector.shape_cast %div3A_682 : vector<16xf32> to vector<16xf32>
    tpu.vector_store %arg13[%swap3A_683], %swap3A_686 {strides = array<i32>} : memref<1568xf32, #tpu.memory_space<vmem>>, vector<16xf32>,
    %get3A_687 = arith.constant 720 : index
    %get3A_688 = tpu.vector_load %arg11[%get3A_687] {strides = array<i32>} : memref<1568xf32, #tpu.memory_space<vmem>>, vector<16xf32>,
    %get3A_689 = vector.shape_cast %get3A_688 : vector<16xf32> to vector<16xf32>
    %get3A_690 = arith.constant 720 : index
    %get3A_691 = tpu.vector_load %arg12[%get3A_690] {strides = array<i32>} : memref<1568xf32, #tpu.memory_space<vmem>>, vector<16xf32>,
    %get3A_692 = vector.shape_cast %get3A_691 : vector<16xf32> to vector<16xf32>
    %max3A_693 = arith.constant 1.000000e+00 : f32
    %max3A_694 = vector.broadcast %max3A_693 : f32 to vector<16xf32>
    %max3A_695 = arith.maximumf %get3A_692, %max3A_694 : vector<16xf32>
    %div3A_696 = arith.divf %get3A_689, %max3A_695 : vector<16xf32>
    %swap3A_697 = arith.constant 720 : index
    %swap3A_698 = tpu.vector_load %arg13[%swap3A_697] {strides = array<i32>} : memref<1568xf32, #tpu.memory_space<vmem>>, vector<16xf32>,
    %swap3A_699 = vector.shape_cast %swap3A_698 : vector<16xf32> to vector<16xf32>
    %swap3A_700 = vector.shape_cast %div3A_696 : vector<16xf32> to vector<16xf32>
    tpu.vector_store %arg13[%swap3A_697], %swap3A_700 {strides = array<i32>} : memref<1568xf32, #tpu.memory_space<vmem>>, vector<16xf32>,
    %get3A_701 = arith.constant 736 : index
    %get3A_702 = tpu.vector_load %arg11[%get3A_701] {strides = array<i32>} : memref<1568xf32, #tpu.memory_space<vmem>>, vector<16xf32>,
    %get3A_703 = vector.shape_cast %get3A_702 : vector<16xf32> to vector<16xf32>
    %get3A_704 = arith.constant 736 : index
    %get3A_705 = tpu.vector_load %arg12[%get3A_704] {strides = array<i32>} : memref<1568xf32, #tpu.memory_space<vmem>>, vector<16xf32>,
    %get3A_706 = vector.shape_cast %get3A_705 : vector<16xf32> to vector<16xf32>
    %max3A_707 = arith.constant 1.000000e+00 : f32
    %max3A_708 = vector.broadcast %max3A_707 : f32 to vector<16xf32>
    %max3A_709 = arith.maximumf %get3A_706, %max3A_708 : vector<16xf32>
    %div3A_710 = arith.divf %get3A_703, %max3A_709 : vector<16xf32>
    %swap3A_711 = arith.constant 736 : index
    %swap3A_712 = tpu.vector_load %arg13[%swap3A_711] {strides = array<i32>} : memref<1568xf32, #tpu.memory_space<vmem>>, vector<16xf32>,
    %swap3A_713 = vector.shape_cast %swap3A_712 : vector<16xf32> to vector<16xf32>
    %swap3A_714 = vector.shape_cast %div3A_710 : vector<16xf32> to vector<16xf32>
    tpu.vector_store %arg13[%swap3A_711], %swap3A_714 {strides = array<i32>} : memref<1568xf32, #tpu.memory_space<vmem>>, vector<16xf32>,
    %get3A_715 = arith.constant 752 : index
    %get3A_716 = tpu.vector_load %arg11[%get3A_715] {strides = array<i32>} : memref<1568xf32, #tpu.memory_space<vmem>>, vector<16xf32>,
    %get3A_717 = vector.shape_cast %get3A_716 : vector<16xf32> to vector<16xf32>
    %get3A_718 = arith.constant 752 : index
    %get3A_719 = tpu.vector_load %arg12[%get3A_718] {strides = array<i32>} : memref<1568xf32, #tpu.memory_space<vmem>>, vector<16xf32>,
    %get3A_720 = vector.shape_cast %get3A_719 : vector<16xf32> to vector<16xf32>
    %max3A_721 = arith.constant 1.000000e+00 : f32
    %max3A_722 = vector.broadcast %max3A_721 : f32 to vector<16xf32>
    %max3A_723 = arith.maximumf %get3A_720, %max3A_722 : vector<16xf32>
    %div3A_724 = arith.divf %get3A_717, %max3A_723 : vector<16xf32>
    %swap3A_725 = arith.constant 752 : index
    %swap3A_726 = tpu.vector_load %arg13[%swap3A_725] {strides = array<i32>} : memref<1568xf32, #tpu.memory_space<vmem>>, vector<16xf32>,
    %swap3A_727 = vector.shape_cast %swap3A_726 : vector<16xf32> to vector<16xf32>
    %swap3A_728 = vector.shape_cast %div3A_724 : vector<16xf32> to vector<16xf32>
    tpu.vector_store %arg13[%swap3A_725], %swap3A_728 {strides = array<i32>} : memref<1568xf32, #tpu.memory_space<vmem>>, vector<16xf32>,
    %get3A_729 = arith.constant 768 : index
    %get3A_730 = tpu.vector_load %arg11[%get3A_729] {strides = array<i32>} : memref<1568xf32, #tpu.memory_space<vmem>>, vector<16xf32>,
    %get3A_731 = vector.shape_cast %get3A_730 : vector<16xf32> to vector<16xf32>
    %get3A_732 = arith.constant 768 : index
    %get3A_733 = tpu.vector_load %arg12[%get3A_732] {strides = array<i32>} : memref<1568xf32, #tpu.memory_space<vmem>>, vector<16xf32>,
    %get3A_734 = vector.shape_cast %get3A_733 : vector<16xf32> to vector<16xf32>
    %max3A_735 = arith.constant 1.000000e+00 : f32
    %max3A_736 = vector.broadcast %max3A_735 : f32 to vector<16xf32>
    %max3A_737 = arith.maximumf %get3A_734, %max3A_736 : vector<16xf32>
    %div3A_738 = arith.divf %get3A_731, %max3A_737 : vector<16xf32>
    %swap3A_739 = arith.constant 768 : index
    %swap3A_740 = tpu.vector_load %arg13[%swap3A_739] {strides = array<i32>} : memref<1568xf32, #tpu.memory_space<vmem>>, vector<16xf32>,
    %swap3A_741 = vector.shape_cast %swap3A_740 : vector<16xf32> to vector<16xf32>
    %swap3A_742 = vector.shape_cast %div3A_738 : vector<16xf32> to vector<16xf32>
    tpu.vector_store %arg13[%swap3A_739], %swap3A_742 {strides = array<i32>} : memref<1568xf32, #tpu.memory_space<vmem>>, vector<16xf32>,
    %get3A_743 = arith.constant 784 : index
    %get3A_744 = tpu.vector_load %arg11[%get3A_743] {strides = array<i32>} : memref<1568xf32, #tpu.memory_space<vmem>>, vector<16xf32>,
    %get3A_745 = vector.shape_cast %get3A_744 : vector<16xf32> to vector<16xf32>
    %get3A_746 = arith.constant 784 : index
    %get3A_747 = tpu.vector_load %arg12[%get3A_746] {strides = array<i32>} : memref<1568xf32, #tpu.memory_space<vmem>>, vector<16xf32>,
    %get3A_748 = vector.shape_cast %get3A_747 : vector<16xf32> to vector<16xf32>
    %max3A_749 = arith.constant 1.000000e+00 : f32
    %max3A_750 = vector.broadcast %max3A_749 : f32 to vector<16xf32>
    %max3A_751 = arith.maximumf %get3A_748, %max3A_750 : vector<16xf32>
    %div3A_752 = arith.divf %get3A_745, %max3A_751 : vector<16xf32>
    %swap3A_753 = arith.constant 784 : index
    %swap3A_754 = tpu.vector_load %arg13[%swap3A_753] {strides = array<i32>} : memref<1568xf32, #tpu.memory_space<vmem>>, vector<16xf32>,
    %swap3A_755 = vector.shape_cast %swap3A_754 : vector<16xf32> to vector<16xf32>
    %swap3A_756 = vector.shape_cast %div3A_752 : vector<16xf32> to vector<16xf32>
    tpu.vector_store %arg13[%swap3A_753], %swap3A_756 {strides = array<i32>} : memref<1568xf32, #tpu.memory_space<vmem>>, vector<16xf32>,
    %get3A_757 = arith.constant 800 : index
    %get3A_758 = tpu.vector_load %arg11[%get3A_757] {strides = array<i32>} : memref<1568xf32, #tpu.memory_space<vmem>>, vector<16xf32>,
    %get3A_759 = vector.shape_cast %get3A_758 : vector<16xf32> to vector<16xf32>
    %get3A_760 = arith.constant 800 : index
    %get3A_761 = tpu.vector_load %arg12[%get3A_760] {strides = array<i32>} : memref<1568xf32, #tpu.memory_space<vmem>>, vector<16xf32>,
    %get3A_762 = vector.shape_cast %get3A_761 : vector<16xf32> to vector<16xf32>
    %max3A_763 = arith.constant 1.000000e+00 : f32
    %max3A_764 = vector.broadcast %max3A_763 : f32 to vector<16xf32>
    %max3A_765 = arith.maximumf %get3A_762, %max3A_764 : vector<16xf32>
    %div3A_766 = arith.divf %get3A_759, %max3A_765 : vector<16xf32>
    %swap3A_767 = arith.constant 800 : index
    %swap3A_768 = tpu.vector_load %arg13[%swap3A_767] {strides = array<i32>} : memref<1568xf32, #tpu.memory_space<vmem>>, vector<16xf32>,
    %swap3A_769 = vector.shape_cast %swap3A_768 : vector<16xf32> to vector<16xf32>
    %swap3A_770 = vector.shape_cast %div3A_766 : vector<16xf32> to vector<16xf32>
    tpu.vector_store %arg13[%swap3A_767], %swap3A_770 {strides = array<i32>} : memref<1568xf32, #tpu.memory_space<vmem>>, vector<16xf32>,
    %get3A_771 = arith.constant 816 : index
    %get3A_772 = tpu.vector_load %arg11[%get3A_771] {strides = array<i32>} : memref<1568xf32, #tpu.memory_space<vmem>>, vector<16xf32>,
    %get3A_773 = vector.shape_cast %get3A_772 : vector<16xf32> to vector<16xf32>
    %get3A_774 = arith.constant 816 : index
    %get3A_775 = tpu.vector_load %arg12[%get3A_774] {strides = array<i32>} : memref<1568xf32, #tpu.memory_space<vmem>>, vector<16xf32>,
    %get3A_776 = vector.shape_cast %get3A_775 : vector<16xf32> to vector<16xf32>
    %max3A_777 = arith.constant 1.000000e+00 : f32
    %max3A_778 = vector.broadcast %max3A_777 : f32 to vector<16xf32>
    %max3A_779 = arith.maximumf %get3A_776, %max3A_778 : vector<16xf32>
    %div3A_780 = arith.divf %get3A_773, %max3A_779 : vector<16xf32>
    %swap3A_781 = arith.constant 816 : index
    %swap3A_782 = tpu.vector_load %arg13[%swap3A_781] {strides = array<i32>} : memref<1568xf32, #tpu.memory_space<vmem>>, vector<16xf32>,
    %swap3A_783 = vector.shape_cast %swap3A_782 : vector<16xf32> to vector<16xf32>
    %swap3A_784 = vector.shape_cast %div3A_780 : vector<16xf32> to vector<16xf32>
    tpu.vector_store %arg13[%swap3A_781], %swap3A_784 {strides = array<i32>} : memref<1568xf32, #tpu.memory_space<vmem>>, vector<16xf32>,
    %get3A_785 = arith.constant 832 : index
    %get3A_786 = tpu.vector_load %arg11[%get3A_785] {strides = array<i32>} : memref<1568xf32, #tpu.memory_space<vmem>>, vector<16xf32>,
    %get3A_787 = vector.shape_cast %get3A_786 : vector<16xf32> to vector<16xf32>
    %get3A_788 = arith.constant 832 : index
    %get3A_789 = tpu.vector_load %arg12[%get3A_788] {strides = array<i32>} : memref<1568xf32, #tpu.memory_space<vmem>>, vector<16xf32>,
    %get3A_790 = vector.shape_cast %get3A_789 : vector<16xf32> to vector<16xf32>
    %max3A_791 = arith.constant 1.000000e+00 : f32
    %max3A_792 = vector.broadcast %max3A_791 : f32 to vector<16xf32>
    %max3A_793 = arith.maximumf %get3A_790, %max3A_792 : vector<16xf32>
    %div3A_794 = arith.divf %get3A_787, %max3A_793 : vector<16xf32>
    %swap3A_795 = arith.constant 832 : index
    %swap3A_796 = tpu.vector_load %arg13[%swap3A_795] {strides = array<i32>} : memref<1568xf32, #tpu.memory_space<vmem>>, vector<16xf32>,
    %swap3A_797 = vector.shape_cast %swap3A_796 : vector<16xf32> to vector<16xf32>
    %swap3A_798 = vector.shape_cast %div3A_794 : vector<16xf32> to vector<16xf32>
    tpu.vector_store %arg13[%swap3A_795], %swap3A_798 {strides = array<i32>} : memref<1568xf32, #tpu.memory_space<vmem>>, vector<16xf32>,
    %get3A_799 = arith.constant 848 : index
    %get3A_800 = tpu.vector_load %arg11[%get3A_799] {strides = array<i32>} : memref<1568xf32, #tpu.memory_space<vmem>>, vector<16xf32>,
    %get3A_801 = vector.shape_cast %get3A_800 : vector<16xf32> to vector<16xf32>
    %get3A_802 = arith.constant 848 : index
    %get3A_803 = tpu.vector_load %arg12[%get3A_802] {strides = array<i32>} : memref<1568xf32, #tpu.memory_space<vmem>>, vector<16xf32>,
    %get3A_804 = vector.shape_cast %get3A_803 : vector<16xf32> to vector<16xf32>
    %max3A_805 = arith.constant 1.000000e+00 : f32
    %max3A_806 = vector.broadcast %max3A_805 : f32 to vector<16xf32>
    %max3A_807 = arith.maximumf %get3A_804, %max3A_806 : vector<16xf32>
    %div3A_808 = arith.divf %get3A_801, %max3A_807 : vector<16xf32>
    %swap3A_809 = arith.constant 848 : index
    %swap3A_810 = tpu.vector_load %arg13[%swap3A_809] {strides = array<i32>} : memref<1568xf32, #tpu.memory_space<vmem>>, vector<16xf32>,
    %swap3A_811 = vector.shape_cast %swap3A_810 : vector<16xf32> to vector<16xf32>
    %swap3A_812 = vector.shape_cast %div3A_808 : vector<16xf32> to vector<16xf32>
    tpu.vector_store %arg13[%swap3A_809], %swap3A_812 {strides = array<i32>} : memref<1568xf32, #tpu.memory_space<vmem>>, vector<16xf32>,
    %get3A_813 = arith.constant 864 : index
    %get3A_814 = tpu.vector_load %arg11[%get3A_813] {strides = array<i32>} : memref<1568xf32, #tpu.memory_space<vmem>>, vector<16xf32>,
    %get3A_815 = vector.shape_cast %get3A_814 : vector<16xf32> to vector<16xf32>
    %get3A_816 = arith.constant 864 : index
    %get3A_817 = tpu.vector_load %arg12[%get3A_816] {strides = array<i32>} : memref<1568xf32, #tpu.memory_space<vmem>>, vector<16xf32>,
    %get3A_818 = vector.shape_cast %get3A_817 : vector<16xf32> to vector<16xf32>
    %max3A_819 = arith.constant 1.000000e+00 : f32
    %max3A_820 = vector.broadcast %max3A_819 : f32 to vector<16xf32>
    %max3A_821 = arith.maximumf %get3A_818, %max3A_820 : vector<16xf32>
    %div3A_822 = arith.divf %get3A_815, %max3A_821 : vector<16xf32>
    %swap3A_823 = arith.constant 864 : index
    %swap3A_824 = tpu.vector_load %arg13[%swap3A_823] {strides = array<i32>} : memref<1568xf32, #tpu.memory_space<vmem>>, vector<16xf32>,
    %swap3A_825 = vector.shape_cast %swap3A_824 : vector<16xf32> to vector<16xf32>
    %swap3A_826 = vector.shape_cast %div3A_822 : vector<16xf32> to vector<16xf32>
    tpu.vector_store %arg13[%swap3A_823], %swap3A_826 {strides = array<i32>} : memref<1568xf32, #tpu.memory_space<vmem>>, vector<16xf32>,
    %get3A_827 = arith.constant 880 : index
    %get3A_828 = tpu.vector_load %arg11[%get3A_827] {strides = array<i32>} : memref<1568xf32, #tpu.memory_space<vmem>>, vector<16xf32>,
    %get3A_829 = vector.shape_cast %get3A_828 : vector<16xf32> to vector<16xf32>
    %get3A_830 = arith.constant 880 : index
    %get3A_831 = tpu.vector_load %arg12[%get3A_830] {strides = array<i32>} : memref<1568xf32, #tpu.memory_space<vmem>>, vector<16xf32>,
    %get3A_832 = vector.shape_cast %get3A_831 : vector<16xf32> to vector<16xf32>
    %max3A_833 = arith.constant 1.000000e+00 : f32
    %max3A_834 = vector.broadcast %max3A_833 : f32 to vector<16xf32>
    %max3A_835 = arith.maximumf %get3A_832, %max3A_834 : vector<16xf32>
    %div3A_836 = arith.divf %get3A_829, %max3A_835 : vector<16xf32>
    %swap3A_837 = arith.constant 880 : index
    %swap3A_838 = tpu.vector_load %arg13[%swap3A_837] {strides = array<i32>} : memref<1568xf32, #tpu.memory_space<vmem>>, vector<16xf32>,
    %swap3A_839 = vector.shape_cast %swap3A_838 : vector<16xf32> to vector<16xf32>
    %swap3A_840 = vector.shape_cast %div3A_836 : vector<16xf32> to vector<16xf32>
    tpu.vector_store %arg13[%swap3A_837], %swap3A_840 {strides = array<i32>} : memref<1568xf32, #tpu.memory_space<vmem>>, vector<16xf32>,
    %get3A_841 = arith.constant 896 : index
    %get3A_842 = tpu.vector_load %arg11[%get3A_841] {strides = array<i32>} : memref<1568xf32, #tpu.memory_space<vmem>>, vector<16xf32>,
    %get3A_843 = vector.shape_cast %get3A_842 : vector<16xf32> to vector<16xf32>
    %get3A_844 = arith.constant 896 : index
    %get3A_845 = tpu.vector_load %arg12[%get3A_844] {strides = array<i32>} : memref<1568xf32, #tpu.memory_space<vmem>>, vector<16xf32>,
    %get3A_846 = vector.shape_cast %get3A_845 : vector<16xf32> to vector<16xf32>
    %max3A_847 = arith.constant 1.000000e+00 : f32
    %max3A_848 = vector.broadcast %max3A_847 : f32 to vector<16xf32>
    %max3A_849 = arith.maximumf %get3A_846, %max3A_848 : vector<16xf32>
    %div3A_850 = arith.divf %get3A_843, %max3A_849 : vector<16xf32>
    %swap3A_851 = arith.constant 896 : index
    %swap3A_852 = tpu.vector_load %arg13[%swap3A_851] {strides = array<i32>} : memref<1568xf32, #tpu.memory_space<vmem>>, vector<16xf32>,
    %swap3A_853 = vector.shape_cast %swap3A_852 : vector<16xf32> to vector<16xf32>
    %swap3A_854 = vector.shape_cast %div3A_850 : vector<16xf32> to vector<16xf32>
    tpu.vector_store %arg13[%swap3A_851], %swap3A_854 {strides = array<i32>} : memref<1568xf32, #tpu.memory_space<vmem>>, vector<16xf32>,
    %get3A_855 = arith.constant 912 : index
    %get3A_856 = tpu.vector_load %arg11[%get3A_855] {strides = array<i32>} : memref<1568xf32, #tpu.memory_space<vmem>>, vector<16xf32>,
    %get3A_857 = vector.shape_cast %get3A_856 : vector<16xf32> to vector<16xf32>
    %get3A_858 = arith.constant 912 : index
    %get3A_859 = tpu.vector_load %arg12[%get3A_858] {strides = array<i32>} : memref<1568xf32, #tpu.memory_space<vmem>>, vector<16xf32>,
    %get3A_860 = vector.shape_cast %get3A_859 : vector<16xf32> to vector<16xf32>
    %max3A_861 = arith.constant 1.000000e+00 : f32
    %max3A_862 = vector.broadcast %max3A_861 : f32 to vector<16xf32>
    %max3A_863 = arith.maximumf %get3A_860, %max3A_862 : vector<16xf32>
    %div3A_864 = arith.divf %get3A_857, %max3A_863 : vector<16xf32>
    %swap3A_865 = arith.constant 912 : index
    %swap3A_866 = tpu.vector_load %arg13[%swap3A_865] {strides = array<i32>} : memref<1568xf32, #tpu.memory_space<vmem>>, vector<16xf32>,
    %swap3A_867 = vector.shape_cast %swap3A_866 : vector<16xf32> to vector<16xf32>
    %swap3A_868 = vector.shape_cast %div3A_864 : vector<16xf32> to vector<16xf32>
    tpu.vector_store %arg13[%swap3A_865], %swap3A_868 {strides = array<i32>} : memref<1568xf32, #tpu.memory_space<vmem>>, vector<16xf32>,
    %get3A_869 = arith.constant 928 : index
    %get3A_870 = tpu.vector_load %arg11[%get3A_869] {strides = array<i32>} : memref<1568xf32, #tpu.memory_space<vmem>>, vector<16xf32>,
    %get3A_871 = vector.shape_cast %get3A_870 : vector<16xf32> to vector<16xf32>
    %get3A_872 = arith.constant 928 : index
    %get3A_873 = tpu.vector_load %arg12[%get3A_872] {strides = array<i32>} : memref<1568xf32, #tpu.memory_space<vmem>>, vector<16xf32>,
    %get3A_874 = vector.shape_cast %get3A_873 : vector<16xf32> to vector<16xf32>
    %max3A_875 = arith.constant 1.000000e+00 : f32
    %max3A_876 = vector.broadcast %max3A_875 : f32 to vector<16xf32>
    %max3A_877 = arith.maximumf %get3A_874, %max3A_876 : vector<16xf32>
    %div3A_878 = arith.divf %get3A_871, %max3A_877 : vector<16xf32>
    %swap3A_879 = arith.constant 928 : index
    %swap3A_880 = tpu.vector_load %arg13[%swap3A_879] {strides = array<i32>} : memref<1568xf32, #tpu.memory_space<vmem>>, vector<16xf32>,
    %swap3A_881 = vector.shape_cast %swap3A_880 : vector<16xf32> to vector<16xf32>
    %swap3A_882 = vector.shape_cast %div3A_878 : vector<16xf32> to vector<16xf32>
    tpu.vector_store %arg13[%swap3A_879], %swap3A_882 {strides = array<i32>} : memref<1568xf32, #tpu.memory_space<vmem>>, vector<16xf32>,
    %get3A_883 = arith.constant 944 : index
    %get3A_884 = tpu.vector_load %arg11[%get3A_883] {strides = array<i32>} : memref<1568xf32, #tpu.memory_space<vmem>>, vector<16xf32>,
    %get3A_885 = vector.shape_cast %get3A_884 : vector<16xf32> to vector<16xf32>
    %get3A_886 = arith.constant 944 : index
    %get3A_887 = tpu.vector_load %arg12[%get3A_886] {strides = array<i32>} : memref<1568xf32, #tpu.memory_space<vmem>>, vector<16xf32>,
    %get3A_888 = vector.shape_cast %get3A_887 : vector<16xf32> to vector<16xf32>
    %max3A_889 = arith.constant 1.000000e+00 : f32
    %max3A_890 = vector.broadcast %max3A_889 : f32 to vector<16xf32>
    %max3A_891 = arith.maximumf %get3A_888, %max3A_890 : vector<16xf32>
    %div3A_892 = arith.divf %get3A_885, %max3A_891 : vector<16xf32>
    %swap3A_893 = arith.constant 944 : index
    %swap3A_894 = tpu.vector_load %arg13[%swap3A_893] {strides = array<i32>} : memref<1568xf32, #tpu.memory_space<vmem>>, vector<16xf32>,
    %swap3A_895 = vector.shape_cast %swap3A_894 : vector<16xf32> to vector<16xf32>
    %swap3A_896 = vector.shape_cast %div3A_892 : vector<16xf32> to vector<16xf32>
    tpu.vector_store %arg13[%swap3A_893], %swap3A_896 {strides = array<i32>} : memref<1568xf32, #tpu.memory_space<vmem>>, vector<16xf32>,
    %get3A_897 = arith.constant 960 : index
    %get3A_898 = tpu.vector_load %arg11[%get3A_897] {strides = array<i32>} : memref<1568xf32, #tpu.memory_space<vmem>>, vector<16xf32>,
    %get3A_899 = vector.shape_cast %get3A_898 : vector<16xf32> to vector<16xf32>
    %get3A_900 = arith.constant 960 : index
    %get3A_901 = tpu.vector_load %arg12[%get3A_900] {strides = array<i32>} : memref<1568xf32, #tpu.memory_space<vmem>>, vector<16xf32>,
    %get3A_902 = vector.shape_cast %get3A_901 : vector<16xf32> to vector<16xf32>
    %max3A_903 = arith.constant 1.000000e+00 : f32
    %max3A_904 = vector.broadcast %max3A_903 : f32 to vector<16xf32>
    %max3A_905 = arith.maximumf %get3A_902, %max3A_904 : vector<16xf32>
    %div3A_906 = arith.divf %get3A_899, %max3A_905 : vector<16xf32>
    %swap3A_907 = arith.constant 960 : index
    %swap3A_908 = tpu.vector_load %arg13[%swap3A_907] {strides = array<i32>} : memref<1568xf32, #tpu.memory_space<vmem>>, vector<16xf32>,
    %swap3A_909 = vector.shape_cast %swap3A_908 : vector<16xf32> to vector<16xf32>
    %swap3A_910 = vector.shape_cast %div3A_906 : vector<16xf32> to vector<16xf32>
    tpu.vector_store %arg13[%swap3A_907], %swap3A_910 {strides = array<i32>} : memref<1568xf32, #tpu.memory_space<vmem>>, vector<16xf32>,
    %get3A_911 = arith.constant 976 : index
    %get3A_912 = tpu.vector_load %arg11[%get3A_911] {strides = array<i32>} : memref<1568xf32, #tpu.memory_space<vmem>>, vector<16xf32>,
    %get3A_913 = vector.shape_cast %get3A_912 : vector<16xf32> to vector<16xf32>
    %get3A_914 = arith.constant 976 : index
    %get3A_915 = tpu.vector_load %arg12[%get3A_914] {strides = array<i32>} : memref<1568xf32, #tpu.memory_space<vmem>>, vector<16xf32>,
    %get3A_916 = vector.shape_cast %get3A_915 : vector<16xf32> to vector<16xf32>
    %max3A_917 = arith.constant 1.000000e+00 : f32
    %max3A_918 = vector.broadcast %max3A_917 : f32 to vector<16xf32>
    %max3A_919 = arith.maximumf %get3A_916, %max3A_918 : vector<16xf32>
    %div3A_920 = arith.divf %get3A_913, %max3A_919 : vector<16xf32>
    %swap3A_921 = arith.constant 976 : index
    %swap3A_922 = tpu.vector_load %arg13[%swap3A_921] {strides = array<i32>} : memref<1568xf32, #tpu.memory_space<vmem>>, vector<16xf32>,
    %swap3A_923 = vector.shape_cast %swap3A_922 : vector<16xf32> to vector<16xf32>
    %swap3A_924 = vector.shape_cast %div3A_920 : vector<16xf32> to vector<16xf32>
    tpu.vector_store %arg13[%swap3A_921], %swap3A_924 {strides = array<i32>} : memref<1568xf32, #tpu.memory_space<vmem>>, vector<16xf32>,
    %get3A_925 = arith.constant 992 : index
    %get3A_926 = tpu.vector_load %arg11[%get3A_925] {strides = array<i32>} : memref<1568xf32, #tpu.memory_space<vmem>>, vector<16xf32>,
    %get3A_927 = vector.shape_cast %get3A_926 : vector<16xf32> to vector<16xf32>
    %get3A_928 = arith.constant 992 : index
    %get3A_929 = tpu.vector_load %arg12[%get3A_928] {strides = array<i32>} : memref<1568xf32, #tpu.memory_space<vmem>>, vector<16xf32>,
    %get3A_930 = vector.shape_cast %get3A_929 : vector<16xf32> to vector<16xf32>
    %max3A_931 = arith.constant 1.000000e+00 : f32
    %max3A_932 = vector.broadcast %max3A_931 : f32 to vector<16xf32>
    %max3A_933 = arith.maximumf %get3A_930, %max3A_932 : vector<16xf32>
    %div3A_934 = arith.divf %get3A_927, %max3A_933 : vector<16xf32>
    %swap3A_935 = arith.constant 992 : index
    %swap3A_936 = tpu.vector_load %arg13[%swap3A_935] {strides = array<i32>} : memref<1568xf32, #tpu.memory_space<vmem>>, vector<16xf32>,
    %swap3A_937 = vector.shape_cast %swap3A_936 : vector<16xf32> to vector<16xf32>
    %swap3A_938 = vector.shape_cast %div3A_934 : vector<16xf32> to vector<16xf32>
    tpu.vector_store %arg13[%swap3A_935], %swap3A_938 {strides = array<i32>} : memref<1568xf32, #tpu.memory_space<vmem>>, vector<16xf32>,
    %get3A_939 = arith.constant 1008 : index
    %get3A_940 = tpu.vector_load %arg11[%get3A_939] {strides = array<i32>} : memref<1568xf32, #tpu.memory_space<vmem>>, vector<16xf32>,
    %get3A_941 = vector.shape_cast %get3A_940 : vector<16xf32> to vector<16xf32>
    %get3A_942 = arith.constant 1008 : index
    %get3A_943 = tpu.vector_load %arg12[%get3A_942] {strides = array<i32>} : memref<1568xf32, #tpu.memory_space<vmem>>, vector<16xf32>,
    %get3A_944 = vector.shape_cast %get3A_943 : vector<16xf32> to vector<16xf32>
    %max3A_945 = arith.constant 1.000000e+00 : f32
    %max3A_946 = vector.broadcast %max3A_945 : f32 to vector<16xf32>
    %max3A_947 = arith.maximumf %get3A_944, %max3A_946 : vector<16xf32>
    %div3A_948 = arith.divf %get3A_941, %max3A_947 : vector<16xf32>
    %swap3A_949 = arith.constant 1008 : index
    %swap3A_950 = tpu.vector_load %arg13[%swap3A_949] {strides = array<i32>} : memref<1568xf32, #tpu.memory_space<vmem>>, vector<16xf32>,
    %swap3A_951 = vector.shape_cast %swap3A_950 : vector<16xf32> to vector<16xf32>
    %swap3A_952 = vector.shape_cast %div3A_948 : vector<16xf32> to vector<16xf32>
    tpu.vector_store %arg13[%swap3A_949], %swap3A_952 {strides = array<i32>} : memref<1568xf32, #tpu.memory_space<vmem>>, vector<16xf32>,
    %get3A_953 = arith.constant 1024 : index
    %get3A_954 = tpu.vector_load %arg11[%get3A_953] {strides = array<i32>} : memref<1568xf32, #tpu.memory_space<vmem>>, vector<16xf32>,
    %get3A_955 = vector.shape_cast %get3A_954 : vector<16xf32> to vector<16xf32>
    %get3A_956 = arith.constant 1024 : index
    %get3A_957 = tpu.vector_load %arg12[%get3A_956] {strides = array<i32>} : memref<1568xf32, #tpu.memory_space<vmem>>, vector<16xf32>,
    %get3A_958 = vector.shape_cast %get3A_957 : vector<16xf32> to vector<16xf32>
    %max3A_959 = arith.constant 1.000000e+00 : f32
    %max3A_960 = vector.broadcast %max3A_959 : f32 to vector<16xf32>
    %max3A_961 = arith.maximumf %get3A_958, %max3A_960 : vector<16xf32>
    %div3A_962 = arith.divf %get3A_955, %max3A_961 : vector<16xf32>
    %swap3A_963 = arith.constant 1024 : index
    %swap3A_964 = tpu.vector_load %arg13[%swap3A_963] {strides = array<i32>} : memref<1568xf32, #tpu.memory_space<vmem>>, vector<16xf32>,
    %swap3A_965 = vector.shape_cast %swap3A_964 : vector<16xf32> to vector<16xf32>
    %swap3A_966 = vector.shape_cast %div3A_962 : vector<16xf32> to vector<16xf32>
    tpu.vector_store %arg13[%swap3A_963], %swap3A_966 {strides = array<i32>} : memref<1568xf32, #tpu.memory_space<vmem>>, vector<16xf32>,
    %get3A_967 = arith.constant 1040 : index
    %get3A_968 = tpu.vector_load %arg11[%get3A_967] {strides = array<i32>} : memref<1568xf32, #tpu.memory_space<vmem>>, vector<16xf32>,
    %get3A_969 = vector.shape_cast %get3A_968 : vector<16xf32> to vector<16xf32>
    %get3A_970 = arith.constant 1040 : index
    %get3A_971 = tpu.vector_load %arg12[%get3A_970] {strides = array<i32>} : memref<1568xf32, #tpu.memory_space<vmem>>, vector<16xf32>,
    %get3A_972 = vector.shape_cast %get3A_971 : vector<16xf32> to vector<16xf32>
    %max3A_973 = arith.constant 1.000000e+00 : f32
    %max3A_974 = vector.broadcast %max3A_973 : f32 to vector<16xf32>
    %max3A_975 = arith.maximumf %get3A_972, %max3A_974 : vector<16xf32>
    %div3A_976 = arith.divf %get3A_969, %max3A_975 : vector<16xf32>
    %swap3A_977 = arith.constant 1040 : index
    %swap3A_978 = tpu.vector_load %arg13[%swap3A_977] {strides = array<i32>} : memref<1568xf32, #tpu.memory_space<vmem>>, vector<16xf32>,
    %swap3A_979 = vector.shape_cast %swap3A_978 : vector<16xf32> to vector<16xf32>
    %swap3A_980 = vector.shape_cast %div3A_976 : vector<16xf32> to vector<16xf32>
    tpu.vector_store %arg13[%swap3A_977], %swap3A_980 {strides = array<i32>} : memref<1568xf32, #tpu.memory_space<vmem>>, vector<16xf32>,
    %get3A_981 = arith.constant 1056 : index
    %get3A_982 = tpu.vector_load %arg11[%get3A_981] {strides = array<i32>} : memref<1568xf32, #tpu.memory_space<vmem>>, vector<16xf32>,
    %get3A_983 = vector.shape_cast %get3A_982 : vector<16xf32> to vector<16xf32>
    %get3A_984 = arith.constant 1056 : index
    %get3A_985 = tpu.vector_load %arg12[%get3A_984] {strides = array<i32>} : memref<1568xf32, #tpu.memory_space<vmem>>, vector<16xf32>,
    %get3A_986 = vector.shape_cast %get3A_985 : vector<16xf32> to vector<16xf32>
    %max3A_987 = arith.constant 1.000000e+00 : f32
    %max3A_988 = vector.broadcast %max3A_987 : f32 to vector<16xf32>
    %max3A_989 = arith.maximumf %get3A_986, %max3A_988 : vector<16xf32>
    %div3A_990 = arith.divf %get3A_983, %max3A_989 : vector<16xf32>
    %swap3A_991 = arith.constant 1056 : index
    %swap3A_992 = tpu.vector_load %arg13[%swap3A_991] {strides = array<i32>} : memref<1568xf32, #tpu.memory_space<vmem>>, vector<16xf32>,
    %swap3A_993 = vector.shape_cast %swap3A_992 : vector<16xf32> to vector<16xf32>
    %swap3A_994 = vector.shape_cast %div3A_990 : vector<16xf32> to vector<16xf32>
    tpu.vector_store %arg13[%swap3A_991], %swap3A_994 {strides = array<i32>} : memref<1568xf32, #tpu.memory_space<vmem>>, vector<16xf32>,
    %get3A_995 = arith.constant 1072 : index
    %get3A_996 = tpu.vector_load %arg11[%get3A_995] {strides = array<i32>} : memref<1568xf32, #tpu.memory_space<vmem>>, vector<16xf32>,
    %get3A_997 = vector.shape_cast %get3A_996 : vector<16xf32> to vector<16xf32>
    %get3A_998 = arith.constant 1072 : index
    %get3A_999 = tpu.vector_load %arg12[%get3A_998] {strides = array<i32>} : memref<1568xf32, #tpu.memory_space<vmem>>, vector<16xf32>,
    %get3A_1000 = vector.shape_cast %get3A_999 : vector<16xf32> to vector<16xf32>
    %max3A_1001 = arith.constant 1.000000e+00 : f32
    %max3A_1002 = vector.broadcast %max3A_1001 : f32 to vector<16xf32>
    %max3A_1003 = arith.maximumf %get3A_1000, %max3A_1002 : vector<16xf32>
    %div3A_1004 = arith.divf %get3A_997, %max3A_1003 : vector<16xf32>
    %swap3A_1005 = arith.constant 1072 : index
    %swap3A_1006 = tpu.vector_load %arg13[%swap3A_1005] {strides = array<i32>} : memref<1568xf32, #tpu.memory_space<vmem>>, vector<16xf32>,
    %swap3A_1007 = vector.shape_cast %swap3A_1006 : vector<16xf32> to vector<16xf32>
    %swap3A_1008 = vector.shape_cast %div3A_1004 : vector<16xf32> to vector<16xf32>
    tpu.vector_store %arg13[%swap3A_1005], %swap3A_1008 {strides = array<i32>} : memref<1568xf32, #tpu.memory_space<vmem>>, vector<16xf32>,
    %get3A_1009 = arith.constant 1088 : index
    %get3A_1010 = tpu.vector_load %arg11[%get3A_1009] {strides = array<i32>} : memref<1568xf32, #tpu.memory_space<vmem>>, vector<16xf32>,
    %get3A_1011 = vector.shape_cast %get3A_1010 : vector<16xf32> to vector<16xf32>
    %get3A_1012 = arith.constant 1088 : index
    %get3A_1013 = tpu.vector_load %arg12[%get3A_1012] {strides = array<i32>} : memref<1568xf32, #tpu.memory_space<vmem>>, vector<16xf32>,
    %get3A_1014 = vector.shape_cast %get3A_1013 : vector<16xf32> to vector<16xf32>
    %max3A_1015 = arith.constant 1.000000e+00 : f32
    %max3A_1016 = vector.broadcast %max3A_1015 : f32 to vector<16xf32>
    %max3A_1017 = arith.maximumf %get3A_1014, %max3A_1016 : vector<16xf32>
    %div3A_1018 = arith.divf %get3A_1011, %max3A_1017 : vector<16xf32>
    %swap3A_1019 = arith.constant 1088 : index
    %swap3A_1020 = tpu.vector_load %arg13[%swap3A_1019] {strides = array<i32>} : memref<1568xf32, #tpu.memory_space<vmem>>, vector<16xf32>,
    %swap3A_1021 = vector.shape_cast %swap3A_1020 : vector<16xf32> to vector<16xf32>
    %swap3A_1022 = vector.shape_cast %div3A_1018 : vector<16xf32> to vector<16xf32>
    tpu.vector_store %arg13[%swap3A_1019], %swap3A_1022 {strides = array<i32>} : memref<1568xf32, #tpu.memory_space<vmem>>, vector<16xf32>,
    %get3A_1023 = arith.constant 1104 : index
    %get3A_1024 = tpu.vector_load %arg11[%get3A_1023] {strides = array<i32>} : memref<1568xf32, #tpu.memory_space<vmem>>, vector<16xf32>,
    %get3A_1025 = vector.shape_cast %get3A_1024 : vector<16xf32> to vector<16xf32>
    %get3A_1026 = arith.constant 1104 : index
    %get3A_1027 = tpu.vector_load %arg12[%get3A_1026] {strides = array<i32>} : memref<1568xf32, #tpu.memory_space<vmem>>, vector<16xf32>,
    %get3A_1028 = vector.shape_cast %get3A_1027 : vector<16xf32> to vector<16xf32>
    %max3A_1029 = arith.constant 1.000000e+00 : f32
    %max3A_1030 = vector.broadcast %max3A_1029 : f32 to vector<16xf32>
    %max3A_1031 = arith.maximumf %get3A_1028, %max3A_1030 : vector<16xf32>
    %div3A_1032 = arith.divf %get3A_1025, %max3A_1031 : vector<16xf32>
    %swap3A_1033 = arith.constant 1104 : index
    %swap3A_1034 = tpu.vector_load %arg13[%swap3A_1033] {strides = array<i32>} : memref<1568xf32, #tpu.memory_space<vmem>>, vector<16xf32>,
    %swap3A_1035 = vector.shape_cast %swap3A_1034 : vector<16xf32> to vector<16xf32>
    %swap3A_1036 = vector.shape_cast %div3A_1032 : vector<16xf32> to vector<16xf32>
    tpu.vector_store %arg13[%swap3A_1033], %swap3A_1036 {strides = array<i32>} : memref<1568xf32, #tpu.memory_space<vmem>>, vector<16xf32>,
    %get3A_1037 = arith.constant 1120 : index
    %get3A_1038 = tpu.vector_load %arg11[%get3A_1037] {strides = array<i32>} : memref<1568xf32, #tpu.memory_space<vmem>>, vector<16xf32>,
    %get3A_1039 = vector.shape_cast %get3A_1038 : vector<16xf32> to vector<16xf32>
    %get3A_1040 = arith.constant 1120 : index
    %get3A_1041 = tpu.vector_load %arg12[%get3A_1040] {strides = array<i32>} : memref<1568xf32, #tpu.memory_space<vmem>>, vector<16xf32>,
    %get3A_1042 = vector.shape_cast %get3A_1041 : vector<16xf32> to vector<16xf32>
    %max3A_1043 = arith.constant 1.000000e+00 : f32
    %max3A_1044 = vector.broadcast %max3A_1043 : f32 to vector<16xf32>
    %max3A_1045 = arith.maximumf %get3A_1042, %max3A_1044 : vector<16xf32>
    %div3A_1046 = arith.divf %get3A_1039, %max3A_1045 : vector<16xf32>
    %swap3A_1047 = arith.constant 1120 : index
    %swap3A_1048 = tpu.vector_load %arg13[%swap3A_1047] {strides = array<i32>} : memref<1568xf32, #tpu.memory_space<vmem>>, vector<16xf32>,
    %swap3A_1049 = vector.shape_cast %swap3A_1048 : vector<16xf32> to vector<16xf32>
    %swap3A_1050 = vector.shape_cast %div3A_1046 : vector<16xf32> to vector<16xf32>
    tpu.vector_store %arg13[%swap3A_1047], %swap3A_1050 {strides = array<i32>} : memref<1568xf32, #tpu.memory_space<vmem>>, vector<16xf32>,
    %get3A_1051 = arith.constant 1136 : index
    %get3A_1052 = tpu.vector_load %arg11[%get3A_1051] {strides = array<i32>} : memref<1568xf32, #tpu.memory_space<vmem>>, vector<16xf32>,
    %get3A_1053 = vector.shape_cast %get3A_1052 : vector<16xf32> to vector<16xf32>
    %get3A_1054 = arith.constant 1136 : index
    %get3A_1055 = tpu.vector_load %arg12[%get3A_1054] {strides = array<i32>} : memref<1568xf32, #tpu.memory_space<vmem>>, vector<16xf32>,
    %get3A_1056 = vector.shape_cast %get3A_1055 : vector<16xf32> to vector<16xf32>
    %max3A_1057 = arith.constant 1.000000e+00 : f32
    %max3A_1058 = vector.broadcast %max3A_1057 : f32 to vector<16xf32>
    %max3A_1059 = arith.maximumf %get3A_1056, %max3A_1058 : vector<16xf32>
    %div3A_1060 = arith.divf %get3A_1053, %max3A_1059 : vector<16xf32>
    %swap3A_1061 = arith.constant 1136 : index
    %swap3A_1062 = tpu.vector_load %arg13[%swap3A_1061] {strides = array<i32>} : memref<1568xf32, #tpu.memory_space<vmem>>, vector<16xf32>,
    %swap3A_1063 = vector.shape_cast %swap3A_1062 : vector<16xf32> to vector<16xf32>
    %swap3A_1064 = vector.shape_cast %div3A_1060 : vector<16xf32> to vector<16xf32>
    tpu.vector_store %arg13[%swap3A_1061], %swap3A_1064 {strides = array<i32>} : memref<1568xf32, #tpu.memory_space<vmem>>, vector<16xf32>,
    %get3A_1065 = arith.constant 1152 : index
    %get3A_1066 = tpu.vector_load %arg11[%get3A_1065] {strides = array<i32>} : memref<1568xf32, #tpu.memory_space<vmem>>, vector<16xf32>,
    %get3A_1067 = vector.shape_cast %get3A_1066 : vector<16xf32> to vector<16xf32>
    %get3A_1068 = arith.constant 1152 : index
    %get3A_1069 = tpu.vector_load %arg12[%get3A_1068] {strides = array<i32>} : memref<1568xf32, #tpu.memory_space<vmem>>, vector<16xf32>,
    %get3A_1070 = vector.shape_cast %get3A_1069 : vector<16xf32> to vector<16xf32>
    %max3A_1071 = arith.constant 1.000000e+00 : f32
    %max3A_1072 = vector.broadcast %max3A_1071 : f32 to vector<16xf32>
    %max3A_1073 = arith.maximumf %get3A_1070, %max3A_1072 : vector<16xf32>
    %div3A_1074 = arith.divf %get3A_1067, %max3A_1073 : vector<16xf32>
    %swap3A_1075 = arith.constant 1152 : index
    %swap3A_1076 = tpu.vector_load %arg13[%swap3A_1075] {strides = array<i32>} : memref<1568xf32, #tpu.memory_space<vmem>>, vector<16xf32>,
    %swap3A_1077 = vector.shape_cast %swap3A_1076 : vector<16xf32> to vector<16xf32>
    %swap3A_1078 = vector.shape_cast %div3A_1074 : vector<16xf32> to vector<16xf32>
    tpu.vector_store %arg13[%swap3A_1075], %swap3A_1078 {strides = array<i32>} : memref<1568xf32, #tpu.memory_space<vmem>>, vector<16xf32>,
    %get3A_1079 = arith.constant 1168 : index
    %get3A_1080 = tpu.vector_load %arg11[%get3A_1079] {strides = array<i32>} : memref<1568xf32, #tpu.memory_space<vmem>>, vector<16xf32>,
    %get3A_1081 = vector.shape_cast %get3A_1080 : vector<16xf32> to vector<16xf32>
    %get3A_1082 = arith.constant 1168 : index
    %get3A_1083 = tpu.vector_load %arg12[%get3A_1082] {strides = array<i32>} : memref<1568xf32, #tpu.memory_space<vmem>>, vector<16xf32>,
    %get3A_1084 = vector.shape_cast %get3A_1083 : vector<16xf32> to vector<16xf32>
    %max3A_1085 = arith.constant 1.000000e+00 : f32
    %max3A_1086 = vector.broadcast %max3A_1085 : f32 to vector<16xf32>
    %max3A_1087 = arith.maximumf %get3A_1084, %max3A_1086 : vector<16xf32>
    %div3A_1088 = arith.divf %get3A_1081, %max3A_1087 : vector<16xf32>
    %swap3A_1089 = arith.constant 1168 : index
    %swap3A_1090 = tpu.vector_load %arg13[%swap3A_1089] {strides = array<i32>} : memref<1568xf32, #tpu.memory_space<vmem>>, vector<16xf32>,
    %swap3A_1091 = vector.shape_cast %swap3A_1090 : vector<16xf32> to vector<16xf32>
    %swap3A_1092 = vector.shape_cast %div3A_1088 : vector<16xf32> to vector<16xf32>
    tpu.vector_store %arg13[%swap3A_1089], %swap3A_1092 {strides = array<i32>} : memref<1568xf32, #tpu.memory_space<vmem>>, vector<16xf32>,
    %get3A_1093 = arith.constant 1184 : index
    %get3A_1094 = tpu.vector_load %arg11[%get3A_1093] {strides = array<i32>} : memref<1568xf32, #tpu.memory_space<vmem>>, vector<16xf32>,
    %get3A_1095 = vector.shape_cast %get3A_1094 : vector<16xf32> to vector<16xf32>
    %get3A_1096 = arith.constant 1184 : index
    %get3A_1097 = tpu.vector_load %arg12[%get3A_1096] {strides = array<i32>} : memref<1568xf32, #tpu.memory_space<vmem>>, vector<16xf32>,
    %get3A_1098 = vector.shape_cast %get3A_1097 : vector<16xf32> to vector<16xf32>
    %max3A_1099 = arith.constant 1.000000e+00 : f32
    %max3A_1100 = vector.broadcast %max3A_1099 : f32 to vector<16xf32>
    %max3A_1101 = arith.maximumf %get3A_1098, %max3A_1100 : vector<16xf32>
    %div3A_1102 = arith.divf %get3A_1095, %max3A_1101 : vector<16xf32>
    %swap3A_1103 = arith.constant 1184 : index
    %swap3A_1104 = tpu.vector_load %arg13[%swap3A_1103] {strides = array<i32>} : memref<1568xf32, #tpu.memory_space<vmem>>, vector<16xf32>,
    %swap3A_1105 = vector.shape_cast %swap3A_1104 : vector<16xf32> to vector<16xf32>
    %swap3A_1106 = vector.shape_cast %div3A_1102 : vector<16xf32> to vector<16xf32>
    tpu.vector_store %arg13[%swap3A_1103], %swap3A_1106 {strides = array<i32>} : memref<1568xf32, #tpu.memory_space<vmem>>, vector<16xf32>,
    %get3A_1107 = arith.constant 1200 : index
    %get3A_1108 = tpu.vector_load %arg11[%get3A_1107] {strides = array<i32>} : memref<1568xf32, #tpu.memory_space<vmem>>, vector<16xf32>,
    %get3A_1109 = vector.shape_cast %get3A_1108 : vector<16xf32> to vector<16xf32>
    %get3A_1110 = arith.constant 1200 : index
    %get3A_1111 = tpu.vector_load %arg12[%get3A_1110] {strides = array<i32>} : memref<1568xf32, #tpu.memory_space<vmem>>, vector<16xf32>,
    %get3A_1112 = vector.shape_cast %get3A_1111 : vector<16xf32> to vector<16xf32>
    %max3A_1113 = arith.constant 1.000000e+00 : f32
    %max3A_1114 = vector.broadcast %max3A_1113 : f32 to vector<16xf32>
    %max3A_1115 = arith.maximumf %get3A_1112, %max3A_1114 : vector<16xf32>
    %div3A_1116 = arith.divf %get3A_1109, %max3A_1115 : vector<16xf32>
    %swap3A_1117 = arith.constant 1200 : index
    %swap3A_1118 = tpu.vector_load %arg13[%swap3A_1117] {strides = array<i32>} : memref<1568xf32, #tpu.memory_space<vmem>>, vector<16xf32>,
    %swap3A_1119 = vector.shape_cast %swap3A_1118 : vector<16xf32> to vector<16xf32>
    %swap3A_1120 = vector.shape_cast %div3A_1116 : vector<16xf32> to vector<16xf32>
    tpu.vector_store %arg13[%swap3A_1117], %swap3A_1120 {strides = array<i32>} : memref<1568xf32, #tpu.memory_space<vmem>>, vector<16xf32>,
    %get3A_1121 = arith.constant 1216 : index
    %get3A_1122 = tpu.vector_load %arg11[%get3A_1121] {strides = array<i32>} : memref<1568xf32, #tpu.memory_space<vmem>>, vector<16xf32>,
    %get3A_1123 = vector.shape_cast %get3A_1122 : vector<16xf32> to vector<16xf32>
    %get3A_1124 = arith.constant 1216 : index
    %get3A_1125 = tpu.vector_load %arg12[%get3A_1124] {strides = array<i32>} : memref<1568xf32, #tpu.memory_space<vmem>>, vector<16xf32>,
    %get3A_1126 = vector.shape_cast %get3A_1125 : vector<16xf32> to vector<16xf32>
    %max3A_1127 = arith.constant 1.000000e+00 : f32
    %max3A_1128 = vector.broadcast %max3A_1127 : f32 to vector<16xf32>
    %max3A_1129 = arith.maximumf %get3A_1126, %max3A_1128 : vector<16xf32>
    %div3A_1130 = arith.divf %get3A_1123, %max3A_1129 : vector<16xf32>
    %swap3A_1131 = arith.constant 1216 : index
    %swap3A_1132 = tpu.vector_load %arg13[%swap3A_1131] {strides = array<i32>} : memref<1568xf32, #tpu.memory_space<vmem>>, vector<16xf32>,
    %swap3A_1133 = vector.shape_cast %swap3A_1132 : vector<16xf32> to vector<16xf32>
    %swap3A_1134 = vector.shape_cast %div3A_1130 : vector<16xf32> to vector<16xf32>
    tpu.vector_store %arg13[%swap3A_1131], %swap3A_1134 {strides = array<i32>} : memref<1568xf32, #tpu.memory_space<vmem>>, vector<16xf32>,
    %get3A_1135 = arith.constant 1232 : index
    %get3A_1136 = tpu.vector_load %arg11[%get3A_1135] {strides = array<i32>} : memref<1568xf32, #tpu.memory_space<vmem>>, vector<16xf32>,
    %get3A_1137 = vector.shape_cast %get3A_1136 : vector<16xf32> to vector<16xf32>
    %get3A_1138 = arith.constant 1232 : index
    %get3A_1139 = tpu.vector_load %arg12[%get3A_1138] {strides = array<i32>} : memref<1568xf32, #tpu.memory_space<vmem>>, vector<16xf32>,
    %get3A_1140 = vector.shape_cast %get3A_1139 : vector<16xf32> to vector<16xf32>
    %max3A_1141 = arith.constant 1.000000e+00 : f32
    %max3A_1142 = vector.broadcast %max3A_1141 : f32 to vector<16xf32>
    %max3A_1143 = arith.maximumf %get3A_1140, %max3A_1142 : vector<16xf32>
    %div3A_1144 = arith.divf %get3A_1137, %max3A_1143 : vector<16xf32>
    %swap3A_1145 = arith.constant 1232 : index
    %swap3A_1146 = tpu.vector_load %arg13[%swap3A_1145] {strides = array<i32>} : memref<1568xf32, #tpu.memory_space<vmem>>, vector<16xf32>,
    %swap3A_1147 = vector.shape_cast %swap3A_1146 : vector<16xf32> to vector<16xf32>
    %swap3A_1148 = vector.shape_cast %div3A_1144 : vector<16xf32> to vector<16xf32>
    tpu.vector_store %arg13[%swap3A_1145], %swap3A_1148 {strides = array<i32>} : memref<1568xf32, #tpu.memory_space<vmem>>, vector<16xf32>,
    %get3A_1149 = arith.constant 1248 : index
    %get3A_1150 = tpu.vector_load %arg11[%get3A_1149] {strides = array<i32>} : memref<1568xf32, #tpu.memory_space<vmem>>, vector<16xf32>,
    %get3A_1151 = vector.shape_cast %get3A_1150 : vector<16xf32> to vector<16xf32>
    %get3A_1152 = arith.constant 1248 : index
    %get3A_1153 = tpu.vector_load %arg12[%get3A_1152] {strides = array<i32>} : memref<1568xf32, #tpu.memory_space<vmem>>, vector<16xf32>,
    %get3A_1154 = vector.shape_cast %get3A_1153 : vector<16xf32> to vector<16xf32>
    %max3A_1155 = arith.constant 1.000000e+00 : f32
    %max3A_1156 = vector.broadcast %max3A_1155 : f32 to vector<16xf32>
    %max3A_1157 = arith.maximumf %get3A_1154, %max3A_1156 : vector<16xf32>
    %div3A_1158 = arith.divf %get3A_1151, %max3A_1157 : vector<16xf32>
    %swap3A_1159 = arith.constant 1248 : index
    %swap3A_1160 = tpu.vector_load %arg13[%swap3A_1159] {strides = array<i32>} : memref<1568xf32, #tpu.memory_space<vmem>>, vector<16xf32>,
    %swap3A_1161 = vector.shape_cast %swap3A_1160 : vector<16xf32> to vector<16xf32>
    %swap3A_1162 = vector.shape_cast %div3A_1158 : vector<16xf32> to vector<16xf32>
    tpu.vector_store %arg13[%swap3A_1159], %swap3A_1162 {strides = array<i32>} : memref<1568xf32, #tpu.memory_space<vmem>>, vector<16xf32>,
    %get3A_1163 = arith.constant 1264 : index
    %get3A_1164 = tpu.vector_load %arg11[%get3A_1163] {strides = array<i32>} : memref<1568xf32, #tpu.memory_space<vmem>>, vector<16xf32>,
    %get3A_1165 = vector.shape_cast %get3A_1164 : vector<16xf32> to vector<16xf32>
    %get3A_1166 = arith.constant 1264 : index
    %get3A_1167 = tpu.vector_load %arg12[%get3A_1166] {strides = array<i32>} : memref<1568xf32, #tpu.memory_space<vmem>>, vector<16xf32>,
    %get3A_1168 = vector.shape_cast %get3A_1167 : vector<16xf32> to vector<16xf32>
    %max3A_1169 = arith.constant 1.000000e+00 : f32
    %max3A_1170 = vector.broadcast %max3A_1169 : f32 to vector<16xf32>
    %max3A_1171 = arith.maximumf %get3A_1168, %max3A_1170 : vector<16xf32>
    %div3A_1172 = arith.divf %get3A_1165, %max3A_1171 : vector<16xf32>
    %swap3A_1173 = arith.constant 1264 : index
    %swap3A_1174 = tpu.vector_load %arg13[%swap3A_1173] {strides = array<i32>} : memref<1568xf32, #tpu.memory_space<vmem>>, vector<16xf32>,
    %swap3A_1175 = vector.shape_cast %swap3A_1174 : vector<16xf32> to vector<16xf32>
    %swap3A_1176 = vector.shape_cast %div3A_1172 : vector<16xf32> to vector<16xf32>
    tpu.vector_store %arg13[%swap3A_1173], %swap3A_1176 {strides = array<i32>} : memref<1568xf32, #tpu.memory_space<vmem>>, vector<16xf32>,
    %get3A_1177 = arith.constant 1280 : index
    %get3A_1178 = tpu.vector_load %arg11[%get3A_1177] {strides = array<i32>} : memref<1568xf32, #tpu.memory_space<vmem>>, vector<16xf32>,
    %get3A_1179 = vector.shape_cast %get3A_1178 : vector<16xf32> to vector<16xf32>
    %get3A_1180 = arith.constant 1280 : index
    %get3A_1181 = tpu.vector_load %arg12[%get3A_1180] {strides = array<i32>} : memref<1568xf32, #tpu.memory_space<vmem>>, vector<16xf32>,
    %get3A_1182 = vector.shape_cast %get3A_1181 : vector<16xf32> to vector<16xf32>
    %max3A_1183 = arith.constant 1.000000e+00 : f32
    %max3A_1184 = vector.broadcast %max3A_1183 : f32 to vector<16xf32>
    %max3A_1185 = arith.maximumf %get3A_1182, %max3A_1184 : vector<16xf32>
    %div3A_1186 = arith.divf %get3A_1179, %max3A_1185 : vector<16xf32>
    %swap3A_1187 = arith.constant 1280 : index
    %swap3A_1188 = tpu.vector_load %arg13[%swap3A_1187] {strides = array<i32>} : memref<1568xf32, #tpu.memory_space<vmem>>, vector<16xf32>,
    %swap3A_1189 = vector.shape_cast %swap3A_1188 : vector<16xf32> to vector<16xf32>
    %swap3A_1190 = vector.shape_cast %div3A_1186 : vector<16xf32> to vector<16xf32>
    tpu.vector_store %arg13[%swap3A_1187], %swap3A_1190 {strides = array<i32>} : memref<1568xf32, #tpu.memory_space<vmem>>, vector<16xf32>,
    %get3A_1191 = arith.constant 1296 : index
    %get3A_1192 = tpu.vector_load %arg11[%get3A_1191] {strides = array<i32>} : memref<1568xf32, #tpu.memory_space<vmem>>, vector<16xf32>,
    %get3A_1193 = vector.shape_cast %get3A_1192 : vector<16xf32> to vector<16xf32>
    %get3A_1194 = arith.constant 1296 : index
    %get3A_1195 = tpu.vector_load %arg12[%get3A_1194] {strides = array<i32>} : memref<1568xf32, #tpu.memory_space<vmem>>, vector<16xf32>,
    %get3A_1196 = vector.shape_cast %get3A_1195 : vector<16xf32> to vector<16xf32>
    %max3A_1197 = arith.constant 1.000000e+00 : f32
    %max3A_1198 = vector.broadcast %max3A_1197 : f32 to vector<16xf32>
    %max3A_1199 = arith.maximumf %get3A_1196, %max3A_1198 : vector<16xf32>
    %div3A_1200 = arith.divf %get3A_1193, %max3A_1199 : vector<16xf32>
    %swap3A_1201 = arith.constant 1296 : index
    %swap3A_1202 = tpu.vector_load %arg13[%swap3A_1201] {strides = array<i32>} : memref<1568xf32, #tpu.memory_space<vmem>>, vector<16xf32>,
    %swap3A_1203 = vector.shape_cast %swap3A_1202 : vector<16xf32> to vector<16xf32>
    %swap3A_1204 = vector.shape_cast %div3A_1200 : vector<16xf32> to vector<16xf32>
    tpu.vector_store %arg13[%swap3A_1201], %swap3A_1204 {strides = array<i32>} : memref<1568xf32, #tpu.memory_space<vmem>>, vector<16xf32>,
    %get3A_1205 = arith.constant 1312 : index
    %get3A_1206 = tpu.vector_load %arg11[%get3A_1205] {strides = array<i32>} : memref<1568xf32, #tpu.memory_space<vmem>>, vector<16xf32>,
    %get3A_1207 = vector.shape_cast %get3A_1206 : vector<16xf32> to vector<16xf32>
    %get3A_1208 = arith.constant 1312 : index
    %get3A_1209 = tpu.vector_load %arg12[%get3A_1208] {strides = array<i32>} : memref<1568xf32, #tpu.memory_space<vmem>>, vector<16xf32>,
    %get3A_1210 = vector.shape_cast %get3A_1209 : vector<16xf32> to vector<16xf32>
    %max3A_1211 = arith.constant 1.000000e+00 : f32
    %max3A_1212 = vector.broadcast %max3A_1211 : f32 to vector<16xf32>
    %max3A_1213 = arith.maximumf %get3A_1210, %max3A_1212 : vector<16xf32>
    %div3A_1214 = arith.divf %get3A_1207, %max3A_1213 : vector<16xf32>
    %swap3A_1215 = arith.constant 1312 : index
    %swap3A_1216 = tpu.vector_load %arg13[%swap3A_1215] {strides = array<i32>} : memref<1568xf32, #tpu.memory_space<vmem>>, vector<16xf32>,
    %swap3A_1217 = vector.shape_cast %swap3A_1216 : vector<16xf32> to vector<16xf32>
    %swap3A_1218 = vector.shape_cast %div3A_1214 : vector<16xf32> to vector<16xf32>
    tpu.vector_store %arg13[%swap3A_1215], %swap3A_1218 {strides = array<i32>} : memref<1568xf32, #tpu.memory_space<vmem>>, vector<16xf32>,
    %get3A_1219 = arith.constant 1328 : index
    %get3A_1220 = tpu.vector_load %arg11[%get3A_1219] {strides = array<i32>} : memref<1568xf32, #tpu.memory_space<vmem>>, vector<16xf32>,
    %get3A_1221 = vector.shape_cast %get3A_1220 : vector<16xf32> to vector<16xf32>
    %get3A_1222 = arith.constant 1328 : index
    %get3A_1223 = tpu.vector_load %arg12[%get3A_1222] {strides = array<i32>} : memref<1568xf32, #tpu.memory_space<vmem>>, vector<16xf32>,
    %get3A_1224 = vector.shape_cast %get3A_1223 : vector<16xf32> to vector<16xf32>
    %max3A_1225 = arith.constant 1.000000e+00 : f32
    %max3A_1226 = vector.broadcast %max3A_1225 : f32 to vector<16xf32>
    %max3A_1227 = arith.maximumf %get3A_1224, %max3A_1226 : vector<16xf32>
    %div3A_1228 = arith.divf %get3A_1221, %max3A_1227 : vector<16xf32>
    %swap3A_1229 = arith.constant 1328 : index
    %swap3A_1230 = tpu.vector_load %arg13[%swap3A_1229] {strides = array<i32>} : memref<1568xf32, #tpu.memory_space<vmem>>, vector<16xf32>,
    %swap3A_1231 = vector.shape_cast %swap3A_1230 : vector<16xf32> to vector<16xf32>
    %swap3A_1232 = vector.shape_cast %div3A_1228 : vector<16xf32> to vector<16xf32>
    tpu.vector_store %arg13[%swap3A_1229], %swap3A_1232 {strides = array<i32>} : memref<1568xf32, #tpu.memory_space<vmem>>, vector<16xf32>,
    %get3A_1233 = arith.constant 1344 : index
    %get3A_1234 = tpu.vector_load %arg11[%get3A_1233] {strides = array<i32>} : memref<1568xf32, #tpu.memory_space<vmem>>, vector<16xf32>,
    %get3A_1235 = vector.shape_cast %get3A_1234 : vector<16xf32> to vector<16xf32>
    %get3A_1236 = arith.constant 1344 : index
    %get3A_1237 = tpu.vector_load %arg12[%get3A_1236] {strides = array<i32>} : memref<1568xf32, #tpu.memory_space<vmem>>, vector<16xf32>,
    %get3A_1238 = vector.shape_cast %get3A_1237 : vector<16xf32> to vector<16xf32>
    %max3A_1239 = arith.constant 1.000000e+00 : f32
    %max3A_1240 = vector.broadcast %max3A_1239 : f32 to vector<16xf32>
    %max3A_1241 = arith.maximumf %get3A_1238, %max3A_1240 : vector<16xf32>
    %div3A_1242 = arith.divf %get3A_1235, %max3A_1241 : vector<16xf32>
    %swap3A_1243 = arith.constant 1344 : index
    %swap3A_1244 = tpu.vector_load %arg13[%swap3A_1243] {strides = array<i32>} : memref<1568xf32, #tpu.memory_space<vmem>>, vector<16xf32>,
    %swap3A_1245 = vector.shape_cast %swap3A_1244 : vector<16xf32> to vector<16xf32>
    %swap3A_1246 = vector.shape_cast %div3A_1242 : vector<16xf32> to vector<16xf32>
    tpu.vector_store %arg13[%swap3A_1243], %swap3A_1246 {strides = array<i32>} : memref<1568xf32, #tpu.memory_space<vmem>>, vector<16xf32>,
    %get3A_1247 = arith.constant 1360 : index
    %get3A_1248 = tpu.vector_load %arg11[%get3A_1247] {strides = array<i32>} : memref<1568xf32, #tpu.memory_space<vmem>>, vector<16xf32>,
    %get3A_1249 = vector.shape_cast %get3A_1248 : vector<16xf32> to vector<16xf32>
    %get3A_1250 = arith.constant 1360 : index
    %get3A_1251 = tpu.vector_load %arg12[%get3A_1250] {strides = array<i32>} : memref<1568xf32, #tpu.memory_space<vmem>>, vector<16xf32>,
    %get3A_1252 = vector.shape_cast %get3A_1251 : vector<16xf32> to vector<16xf32>
    %max3A_1253 = arith.constant 1.000000e+00 : f32
    %max3A_1254 = vector.broadcast %max3A_1253 : f32 to vector<16xf32>
    %max3A_1255 = arith.maximumf %get3A_1252, %max3A_1254 : vector<16xf32>
    %div3A_1256 = arith.divf %get3A_1249, %max3A_1255 : vector<16xf32>
    %swap3A_1257 = arith.constant 1360 : index
    %swap3A_1258 = tpu.vector_load %arg13[%swap3A_1257] {strides = array<i32>} : memref<1568xf32, #tpu.memory_space<vmem>>, vector<16xf32>,
    %swap3A_1259 = vector.shape_cast %swap3A_1258 : vector<16xf32> to vector<16xf32>
    %swap3A_1260 = vector.shape_cast %div3A_1256 : vector<16xf32> to vector<16xf32>
    tpu.vector_store %arg13[%swap3A_1257], %swap3A_1260 {strides = array<i32>} : memref<1568xf32, #tpu.memory_space<vmem>>, vector<16xf32>,
    %get3A_1261 = arith.constant 1376 : index
    %get3A_1262 = tpu.vector_load %arg11[%get3A_1261] {strides = array<i32>} : memref<1568xf32, #tpu.memory_space<vmem>>, vector<16xf32>,
    %get3A_1263 = vector.shape_cast %get3A_1262 : vector<16xf32> to vector<16xf32>
    %get3A_1264 = arith.constant 1376 : index
    %get3A_1265 = tpu.vector_load %arg12[%get3A_1264] {strides = array<i32>} : memref<1568xf32, #tpu.memory_space<vmem>>, vector<16xf32>,
    %get3A_1266 = vector.shape_cast %get3A_1265 : vector<16xf32> to vector<16xf32>
    %max3A_1267 = arith.constant 1.000000e+00 : f32
    %max3A_1268 = vector.broadcast %max3A_1267 : f32 to vector<16xf32>
    %max3A_1269 = arith.maximumf %get3A_1266, %max3A_1268 : vector<16xf32>
    %div3A_1270 = arith.divf %get3A_1263, %max3A_1269 : vector<16xf32>
    %swap3A_1271 = arith.constant 1376 : index
    %swap3A_1272 = tpu.vector_load %arg13[%swap3A_1271] {strides = array<i32>} : memref<1568xf32, #tpu.memory_space<vmem>>, vector<16xf32>,
    %swap3A_1273 = vector.shape_cast %swap3A_1272 : vector<16xf32> to vector<16xf32>
    %swap3A_1274 = vector.shape_cast %div3A_1270 : vector<16xf32> to vector<16xf32>
    tpu.vector_store %arg13[%swap3A_1271], %swap3A_1274 {strides = array<i32>} : memref<1568xf32, #tpu.memory_space<vmem>>, vector<16xf32>,
    %get3A_1275 = arith.constant 1392 : index
    %get3A_1276 = tpu.vector_load %arg11[%get3A_1275] {strides = array<i32>} : memref<1568xf32, #tpu.memory_space<vmem>>, vector<16xf32>,
    %get3A_1277 = vector.shape_cast %get3A_1276 : vector<16xf32> to vector<16xf32>
    %get3A_1278 = arith.constant 1392 : index
    %get3A_1279 = tpu.vector_load %arg12[%get3A_1278] {strides = array<i32>} : memref<1568xf32, #tpu.memory_space<vmem>>, vector<16xf32>,
    %get3A_1280 = vector.shape_cast %get3A_1279 : vector<16xf32> to vector<16xf32>
    %max3A_1281 = arith.constant 1.000000e+00 : f32
    %max3A_1282 = vector.broadcast %max3A_1281 : f32 to vector<16xf32>
    %max3A_1283 = arith.maximumf %get3A_1280, %max3A_1282 : vector<16xf32>
    %div3A_1284 = arith.divf %get3A_1277, %max3A_1283 : vector<16xf32>
    %swap3A_1285 = arith.constant 1392 : index
    %swap3A_1286 = tpu.vector_load %arg13[%swap3A_1285] {strides = array<i32>} : memref<1568xf32, #tpu.memory_space<vmem>>, vector<16xf32>,
    %swap3A_1287 = vector.shape_cast %swap3A_1286 : vector<16xf32> to vector<16xf32>
    %swap3A_1288 = vector.shape_cast %div3A_1284 : vector<16xf32> to vector<16xf32>
    tpu.vector_store %arg13[%swap3A_1285], %swap3A_1288 {strides = array<i32>} : memref<1568xf32, #tpu.memory_space<vmem>>, vector<16xf32>,
    %get3A_1289 = arith.constant 1408 : index
    %get3A_1290 = tpu.vector_load %arg11[%get3A_1289] {strides = array<i32>} : memref<1568xf32, #tpu.memory_space<vmem>>, vector<16xf32>,
    %get3A_1291 = vector.shape_cast %get3A_1290 : vector<16xf32> to vector<16xf32>
    %get3A_1292 = arith.constant 1408 : index
    %get3A_1293 = tpu.vector_load %arg12[%get3A_1292] {strides = array<i32>} : memref<1568xf32, #tpu.memory_space<vmem>>, vector<16xf32>,
    %get3A_1294 = vector.shape_cast %get3A_1293 : vector<16xf32> to vector<16xf32>
    %max3A_1295 = arith.constant 1.000000e+00 : f32
    %max3A_1296 = vector.broadcast %max3A_1295 : f32 to vector<16xf32>
    %max3A_1297 = arith.maximumf %get3A_1294, %max3A_1296 : vector<16xf32>
    %div3A_1298 = arith.divf %get3A_1291, %max3A_1297 : vector<16xf32>
    %swap3A_1299 = arith.constant 1408 : index
    %swap3A_1300 = tpu.vector_load %arg13[%swap3A_1299] {strides = array<i32>} : memref<1568xf32, #tpu.memory_space<vmem>>, vector<16xf32>,
    %swap3A_1301 = vector.shape_cast %swap3A_1300 : vector<16xf32> to vector<16xf32>
    %swap3A_1302 = vector.shape_cast %div3A_1298 : vector<16xf32> to vector<16xf32>
    tpu.vector_store %arg13[%swap3A_1299], %swap3A_1302 {strides = array<i32>} : memref<1568xf32, #tpu.memory_space<vmem>>, vector<16xf32>,
    %get3A_1303 = arith.constant 1424 : index
    %get3A_1304 = tpu.vector_load %arg11[%get3A_1303] {strides = array<i32>} : memref<1568xf32, #tpu.memory_space<vmem>>, vector<16xf32>,
    %get3A_1305 = vector.shape_cast %get3A_1304 : vector<16xf32> to vector<16xf32>
    %get3A_1306 = arith.constant 1424 : index
    %get3A_1307 = tpu.vector_load %arg12[%get3A_1306] {strides = array<i32>} : memref<1568xf32, #tpu.memory_space<vmem>>, vector<16xf32>,
    %get3A_1308 = vector.shape_cast %get3A_1307 : vector<16xf32> to vector<16xf32>
    %max3A_1309 = arith.constant 1.000000e+00 : f32
    %max3A_1310 = vector.broadcast %max3A_1309 : f32 to vector<16xf32>
    %max3A_1311 = arith.maximumf %get3A_1308, %max3A_1310 : vector<16xf32>
    %div3A_1312 = arith.divf %get3A_1305, %max3A_1311 : vector<16xf32>
    %swap3A_1313 = arith.constant 1424 : index
    %swap3A_1314 = tpu.vector_load %arg13[%swap3A_1313] {strides = array<i32>} : memref<1568xf32, #tpu.memory_space<vmem>>, vector<16xf32>,
    %swap3A_1315 = vector.shape_cast %swap3A_1314 : vector<16xf32> to vector<16xf32>
    %swap3A_1316 = vector.shape_cast %div3A_1312 : vector<16xf32> to vector<16xf32>
    tpu.vector_store %arg13[%swap3A_1313], %swap3A_1316 {strides = array<i32>} : memref<1568xf32, #tpu.memory_space<vmem>>, vector<16xf32>,
    %get3A_1317 = arith.constant 1440 : index
    %get3A_1318 = tpu.vector_load %arg11[%get3A_1317] {strides = array<i32>} : memref<1568xf32, #tpu.memory_space<vmem>>, vector<16xf32>,
    %get3A_1319 = vector.shape_cast %get3A_1318 : vector<16xf32> to vector<16xf32>
    %get3A_1320 = arith.constant 1440 : index
    %get3A_1321 = tpu.vector_load %arg12[%get3A_1320] {strides = array<i32>} : memref<1568xf32, #tpu.memory_space<vmem>>, vector<16xf32>,
    %get3A_1322 = vector.shape_cast %get3A_1321 : vector<16xf32> to vector<16xf32>
    %max3A_1323 = arith.constant 1.000000e+00 : f32
    %max3A_1324 = vector.broadcast %max3A_1323 : f32 to vector<16xf32>
    %max3A_1325 = arith.maximumf %get3A_1322, %max3A_1324 : vector<16xf32>
    %div3A_1326 = arith.divf %get3A_1319, %max3A_1325 : vector<16xf32>
    %swap3A_1327 = arith.constant 1440 : index
    %swap3A_1328 = tpu.vector_load %arg13[%swap3A_1327] {strides = array<i32>} : memref<1568xf32, #tpu.memory_space<vmem>>, vector<16xf32>,
    %swap3A_1329 = vector.shape_cast %swap3A_1328 : vector<16xf32> to vector<16xf32>
    %swap3A_1330 = vector.shape_cast %div3A_1326 : vector<16xf32> to vector<16xf32>
    tpu.vector_store %arg13[%swap3A_1327], %swap3A_1330 {strides = array<i32>} : memref<1568xf32, #tpu.memory_space<vmem>>, vector<16xf32>,
    %get3A_1331 = arith.constant 1456 : index
    %get3A_1332 = tpu.vector_load %arg11[%get3A_1331] {strides = array<i32>} : memref<1568xf32, #tpu.memory_space<vmem>>, vector<16xf32>,
    %get3A_1333 = vector.shape_cast %get3A_1332 : vector<16xf32> to vector<16xf32>
    %get3A_1334 = arith.constant 1456 : index
    %get3A_1335 = tpu.vector_load %arg12[%get3A_1334] {strides = array<i32>} : memref<1568xf32, #tpu.memory_space<vmem>>, vector<16xf32>,
    %get3A_1336 = vector.shape_cast %get3A_1335 : vector<16xf32> to vector<16xf32>
    %max3A_1337 = arith.constant 1.000000e+00 : f32
    %max3A_1338 = vector.broadcast %max3A_1337 : f32 to vector<16xf32>
    %max3A_1339 = arith.maximumf %get3A_1336, %max3A_1338 : vector<16xf32>
    %div3A_1340 = arith.divf %get3A_1333, %max3A_1339 : vector<16xf32>
    %swap3A_1341 = arith.constant 1456 : index
    %swap3A_1342 = tpu.vector_load %arg13[%swap3A_1341] {strides = array<i32>} : memref<1568xf32, #tpu.memory_space<vmem>>, vector<16xf32>,
    %swap3A_1343 = vector.shape_cast %swap3A_1342 : vector<16xf32> to vector<16xf32>
    %swap3A_1344 = vector.shape_cast %div3A_1340 : vector<16xf32> to vector<16xf32>
    tpu.vector_store %arg13[%swap3A_1341], %swap3A_1344 {strides = array<i32>} : memref<1568xf32, #tpu.memory_space<vmem>>, vector<16xf32>,
    %get3A_1345 = arith.constant 1472 : index
    %get3A_1346 = tpu.vector_load %arg11[%get3A_1345] {strides = array<i32>} : memref<1568xf32, #tpu.memory_space<vmem>>, vector<16xf32>,
    %get3A_1347 = vector.shape_cast %get3A_1346 : vector<16xf32> to vector<16xf32>
    %get3A_1348 = arith.constant 1472 : index
    %get3A_1349 = tpu.vector_load %arg12[%get3A_1348] {strides = array<i32>} : memref<1568xf32, #tpu.memory_space<vmem>>, vector<16xf32>,
    %get3A_1350 = vector.shape_cast %get3A_1349 : vector<16xf32> to vector<16xf32>
    %max3A_1351 = arith.constant 1.000000e+00 : f32
    %max3A_1352 = vector.broadcast %max3A_1351 : f32 to vector<16xf32>
    %max3A_1353 = arith.maximumf %get3A_1350, %max3A_1352 : vector<16xf32>
    %div3A_1354 = arith.divf %get3A_1347, %max3A_1353 : vector<16xf32>
    %swap3A_1355 = arith.constant 1472 : index
    %swap3A_1356 = tpu.vector_load %arg13[%swap3A_1355] {strides = array<i32>} : memref<1568xf32, #tpu.memory_space<vmem>>, vector<16xf32>,
    %swap3A_1357 = vector.shape_cast %swap3A_1356 : vector<16xf32> to vector<16xf32>
    %swap3A_1358 = vector.shape_cast %div3A_1354 : vector<16xf32> to vector<16xf32>
    tpu.vector_store %arg13[%swap3A_1355], %swap3A_1358 {strides = array<i32>} : memref<1568xf32, #tpu.memory_space<vmem>>, vector<16xf32>,
    %get3A_1359 = arith.constant 1488 : index
    %get3A_1360 = tpu.vector_load %arg11[%get3A_1359] {strides = array<i32>} : memref<1568xf32, #tpu.memory_space<vmem>>, vector<16xf32>,
    %get3A_1361 = vector.shape_cast %get3A_1360 : vector<16xf32> to vector<16xf32>
    %get3A_1362 = arith.constant 1488 : index
    %get3A_1363 = tpu.vector_load %arg12[%get3A_1362] {strides = array<i32>} : memref<1568xf32, #tpu.memory_space<vmem>>, vector<16xf32>,
    %get3A_1364 = vector.shape_cast %get3A_1363 : vector<16xf32> to vector<16xf32>
    %max3A_1365 = arith.constant 1.000000e+00 : f32
    %max3A_1366 = vector.broadcast %max3A_1365 : f32 to vector<16xf32>
    %max3A_1367 = arith.maximumf %get3A_1364, %max3A_1366 : vector<16xf32>
    %div3A_1368 = arith.divf %get3A_1361, %max3A_1367 : vector<16xf32>
    %swap3A_1369 = arith.constant 1488 : index
    %swap3A_1370 = tpu.vector_load %arg13[%swap3A_1369] {strides = array<i32>} : memref<1568xf32, #tpu.memory_space<vmem>>, vector<16xf32>,
    %swap3A_1371 = vector.shape_cast %swap3A_1370 : vector<16xf32> to vector<16xf32>
    %swap3A_1372 = vector.shape_cast %div3A_1368 : vector<16xf32> to vector<16xf32>
    tpu.vector_store %arg13[%swap3A_1369], %swap3A_1372 {strides = array<i32>} : memref<1568xf32, #tpu.memory_space<vmem>>, vector<16xf32>,
    %get3A_1373 = arith.constant 1504 : index
    %get3A_1374 = tpu.vector_load %arg11[%get3A_1373] {strides = array<i32>} : memref<1568xf32, #tpu.memory_space<vmem>>, vector<16xf32>,
    %get3A_1375 = vector.shape_cast %get3A_1374 : vector<16xf32> to vector<16xf32>
    %get3A_1376 = arith.constant 1504 : index
    %get3A_1377 = tpu.vector_load %arg12[%get3A_1376] {strides = array<i32>} : memref<1568xf32, #tpu.memory_space<vmem>>, vector<16xf32>,
    %get3A_1378 = vector.shape_cast %get3A_1377 : vector<16xf32> to vector<16xf32>
    %max3A_1379 = arith.constant 1.000000e+00 : f32
    %max3A_1380 = vector.broadcast %max3A_1379 : f32 to vector<16xf32>
    %max3A_1381 = arith.maximumf %get3A_1378, %max3A_1380 : vector<16xf32>
    %div3A_1382 = arith.divf %get3A_1375, %max3A_1381 : vector<16xf32>
    %swap3A_1383 = arith.constant 1504 : index
    %swap3A_1384 = tpu.vector_load %arg13[%swap3A_1383] {strides = array<i32>} : memref<1568xf32, #tpu.memory_space<vmem>>, vector<16xf32>,
    %swap3A_1385 = vector.shape_cast %swap3A_1384 : vector<16xf32> to vector<16xf32>
    %swap3A_1386 = vector.shape_cast %div3A_1382 : vector<16xf32> to vector<16xf32>
    tpu.vector_store %arg13[%swap3A_1383], %swap3A_1386 {strides = array<i32>} : memref<1568xf32, #tpu.memory_space<vmem>>, vector<16xf32>,
    %get3A_1387 = arith.constant 1520 : index
    %get3A_1388 = tpu.vector_load %arg11[%get3A_1387] {strides = array<i32>} : memref<1568xf32, #tpu.memory_space<vmem>>, vector<16xf32>,
    %get3A_1389 = vector.shape_cast %get3A_1388 : vector<16xf32> to vector<16xf32>
    %get3A_1390 = arith.constant 1520 : index
    %get3A_1391 = tpu.vector_load %arg12[%get3A_1390] {strides = array<i32>} : memref<1568xf32, #tpu.memory_space<vmem>>, vector<16xf32>,
    %get3A_1392 = vector.shape_cast %get3A_1391 : vector<16xf32> to vector<16xf32>
    %max3A_1393 = arith.constant 1.000000e+00 : f32
    %max3A_1394 = vector.broadcast %max3A_1393 : f32 to vector<16xf32>
    %max3A_1395 = arith.maximumf %get3A_1392, %max3A_1394 : vector<16xf32>
    %div3A_1396 = arith.divf %get3A_1389, %max3A_1395 : vector<16xf32>
    %swap3A_1397 = arith.constant 1520 : index
    %swap3A_1398 = tpu.vector_load %arg13[%swap3A_1397] {strides = array<i32>} : memref<1568xf32, #tpu.memory_space<vmem>>, vector<16xf32>,
    %swap3A_1399 = vector.shape_cast %swap3A_1398 : vector<16xf32> to vector<16xf32>
    %swap3A_1400 = vector.shape_cast %div3A_1396 : vector<16xf32> to vector<16xf32>
    tpu.vector_store %arg13[%swap3A_1397], %swap3A_1400 {strides = array<i32>} : memref<1568xf32, #tpu.memory_space<vmem>>, vector<16xf32>,
    %get3A_1401 = arith.constant 1536 : index
    %get3A_1402 = tpu.vector_load %arg11[%get3A_1401] {strides = array<i32>} : memref<1568xf32, #tpu.memory_space<vmem>>, vector<16xf32>,
    %get3A_1403 = vector.shape_cast %get3A_1402 : vector<16xf32> to vector<16xf32>
    %get3A_1404 = arith.constant 1536 : index
    %get3A_1405 = tpu.vector_load %arg12[%get3A_1404] {strides = array<i32>} : memref<1568xf32, #tpu.memory_space<vmem>>, vector<16xf32>,
    %get3A_1406 = vector.shape_cast %get3A_1405 : vector<16xf32> to vector<16xf32>
    %max3A_1407 = arith.constant 1.000000e+00 : f32
    %max3A_1408 = vector.broadcast %max3A_1407 : f32 to vector<16xf32>
    %max3A_1409 = arith.maximumf %get3A_1406, %max3A_1408 : vector<16xf32>
    %div3A_1410 = arith.divf %get3A_1403, %max3A_1409 : vector<16xf32>
    %swap3A_1411 = arith.constant 1536 : index
    %swap3A_1412 = tpu.vector_load %arg13[%swap3A_1411] {strides = array<i32>} : memref<1568xf32, #tpu.memory_space<vmem>>, vector<16xf32>,
    %swap3A_1413 = vector.shape_cast %swap3A_1412 : vector<16xf32> to vector<16xf32>
    %swap3A_1414 = vector.shape_cast %div3A_1410 : vector<16xf32> to vector<16xf32>
    tpu.vector_store %arg13[%swap3A_1411], %swap3A_1414 {strides = array<i32>} : memref<1568xf32, #tpu.memory_space<vmem>>, vector<16xf32>,
    %get3A_1415 = arith.constant 1552 : index
    %get3A_1416 = tpu.vector_load %arg11[%get3A_1415] {strides = array<i32>} : memref<1568xf32, #tpu.memory_space<vmem>>, vector<16xf32>,
    %get3A_1417 = vector.shape_cast %get3A_1416 : vector<16xf32> to vector<16xf32>
    %get3A_1418 = arith.constant 1552 : index
    %get3A_1419 = tpu.vector_load %arg12[%get3A_1418] {strides = array<i32>} : memref<1568xf32, #tpu.memory_space<vmem>>, vector<16xf32>,
    %get3A_1420 = vector.shape_cast %get3A_1419 : vector<16xf32> to vector<16xf32>
    %max3A_1421 = arith.constant 1.000000e+00 : f32
    %max3A_1422 = vector.broadcast %max3A_1421 : f32 to vector<16xf32>
    %max3A_1423 = arith.maximumf %get3A_1420, %max3A_1422 : vector<16xf32>
    %div3A_1424 = arith.divf %get3A_1417, %max3A_1423 : vector<16xf32>
    %swap3A_1425 = arith.constant 1552 : index
    %swap3A_1426 = tpu.vector_load %arg13[%swap3A_1425] {strides = array<i32>} : memref<1568xf32, #tpu.memory_space<vmem>>, vector<16xf32>,
    %swap3A_1427 = vector.shape_cast %swap3A_1426 : vector<16xf32> to vector<16xf32>
    %swap3A_1428 = vector.shape_cast %div3A_1424 : vector<16xf32> to vector<16xf32>
    tpu.vector_store %arg13[%swap3A_1425], %swap3A_1428 {strides = array<i32>} : memref<1568xf32, #tpu.memory_space<vmem>>, vector<16xf32>,
    %mul3A_1429 = arith.constant 1568 : i32
    %mul3A_1430 = arith.muli %arg1, %mul3A_1429 : i32
    "tpu.region"() ({
      %run_scoped3A = tpu.sem_alloc : memref<!tpu.dma_semaphore, #tpu.memory_space<semaphore_mem>>
      %dma_start3A = tpu.memref_slice %arg5[%arg0, %mul3A_1430] : memref<2x25088xf32, #tpu.memory_space<hbm>> -> memref<1x1568xf32, #tpu.memory_space<hbm>>
      %dma_start3A_1431 = tpu.memref_squeeze %dma_start3A : memref<1x1568xf32, #tpu.memory_space<hbm>> -> memref<1568xf32, #tpu.memory_space<hbm>>
      %dma_start3A_1432 = tpu.memref_slice %arg5[%arg0, %mul3A_1430] : memref<2x25088xf32, #tpu.memory_space<hbm>> -> memref<1x1568xf32, #tpu.memory_space<hbm>>
      %dma_start3A_1433 = tpu.memref_squeeze %dma_start3A_1432 : memref<1x1568xf32, #tpu.memory_space<hbm>> -> memref<1568xf32, #tpu.memory_space<hbm>>
      tpu.enqueue_dma source(%arg13 : memref<1568xf32, #tpu.memory_space<vmem>>) target(%dma_start3A_1433 : memref<1568xf32, #tpu.memory_space<hbm>>) target_semaphore(%run_scoped3A : memref<!tpu.dma_semaphore, #tpu.memory_space<semaphore_mem>>)
      %dma_wait3A = tpu.memref_slice %arg5[%arg0, %mul3A_1430] : memref<2x25088xf32, #tpu.memory_space<hbm>> -> memref<1x1568xf32, #tpu.memory_space<hbm>>
      %dma_wait3A_1434 = tpu.memref_squeeze %dma_wait3A : memref<1x1568xf32, #tpu.memory_space<hbm>> -> memref<1568xf32, #tpu.memory_space<hbm>>
      %dma_wait3A_1435 = tpu.memref_slice %arg5[%arg0, %mul3A_1430] : memref<2x25088xf32, #tpu.memory_space<hbm>> -> memref<1x1568xf32, #tpu.memory_space<hbm>>
      %dma_wait3A_1436 = tpu.memref_squeeze %dma_wait3A_1435 : memref<1x1568xf32, #tpu.memory_space<hbm>> -> memref<1568xf32, #tpu.memory_space<hbm>>
      tpu.wait_dma2 semaphore(%run_scoped3A : memref<!tpu.dma_semaphore, #tpu.memory_space<semaphore_mem>>) src(%arg13 : memref<1568xf32, #tpu.memory_space<vmem>>) dst(%dma_wait3A_1436 : memref<1568xf32, #tpu.memory_space<hbm>>)
      tpu.yield
    }) : () -> ()
    return
  }
}

#map = affine_map<(d0, d1) -> (0, 0)>
#map1 = affine_map<(d0, d1) -> (0)>
module attributes {stable_mosaic.version = 14 : i64} {
  func.func @k(%arg0: i32, %arg1: i32, %arg2: memref<50000x48xf32, #tpu.memory_space<hbm>>, %arg3: memref<50000x8xf32, #tpu.memory_space<hbm>>, %arg4: memref<802816xi32, #tpu.memory_space<hbm>>, %arg5: memref<802816xi32, #tpu.memory_space<hbm>>, %arg6: memref<802816x48xf32, #tpu.memory_space<hbm>>, %arg7: memref<802816x48xf32, #tpu.memory_space<hbm>>, %arg8: memref<802816x8xf32, #tpu.memory_space<hbm>>, %arg9: memref<802816x8xf32, #tpu.memory_space<hbm>>, %arg10: memref<128xi32, #tpu.memory_space<vmem>>, %arg11: memref<128xi32, #tpu.memory_space<vmem>>, %arg12: memref<128x48xf32, #tpu.memory_space<vmem>>, %arg13: memref<128x48xf32, #tpu.memory_space<vmem>>, %arg14: memref<128x8xf32, #tpu.memory_space<vmem>>, %arg15: memref<128x8xf32, #tpu.memory_space<vmem>>, %arg16: memref<!tpu.dma_semaphore, #tpu.memory_space<semaphore_mem>>, %arg17: memref<!tpu.dma_semaphore, #tpu.memory_space<semaphore_mem>>, %arg18: memref<!tpu.dma_semaphore, #tpu.memory_space<semaphore_mem>>, %arg19: memref<!tpu.dma_semaphore, #tpu.memory_space<semaphore_mem>>) attributes {dimension_semantics = [#tpu.dimension_semantics<core_parallel>, #tpu.dimension_semantics<subcore_parallel>], iteration_bounds = array<i64: 2, 16>, scalar_prefetch = 0 : i64, scratch_operands = 10 : i64, tpu.core_type = #tpu.core_type<sc_vector_subcore>, window_params = [{transform_indices = #map}, {transform_indices = #map}, {transform_indices = #map1}, {transform_indices = #map1}, {transform_indices = #map}, {transform_indices = #map}, {transform_indices = #map}, {transform_indices = #map}]} {
    %mul3A = arith.constant 2 : i32
    %mul3A_0 = arith.muli %arg1, %mul3A : i32
    %add3A = arith.addi %mul3A_0, %arg0 : i32
    %scan3A = arith.constant 0 : i32
    %scan3A_1 = arith.constant 196 : i32
    %scan3A_2 = arith.addi %scan3A, %scan3A_1 : i32
    %scan3A_3 = arith.constant 1 : i32
    scf.for %scan3A_5 = %scan3A to %scan3A_2 step %scan3A_3  : i32 {
      %mul3A_6 = arith.constant 196 : i32
      %mul3A_7 = arith.muli %add3A, %mul3A_6 : i32
      %add3A_8 = arith.addi %mul3A_7, %scan3A_5 : i32
      %mul3A_9 = arith.constant 128 : i32
      %mul3A_10 = arith.muli %add3A_8, %mul3A_9 : i32
      "tpu.region"() ({
        %run_scoped3A = tpu.sem_alloc : memref<!tpu.dma_semaphore, #tpu.memory_space<semaphore_mem>>
        %dma_start3A_33 = tpu.memref_slice %arg4[%mul3A_10] : memref<802816xi32, #tpu.memory_space<hbm>> -> memref<128xi32, #tpu.memory_space<hbm>>
        %dma_start3A_34 = tpu.memref_slice %arg4[%mul3A_10] : memref<802816xi32, #tpu.memory_space<hbm>> -> memref<128xi32, #tpu.memory_space<hbm>>
        tpu.enqueue_dma source(%dma_start3A_34 : memref<128xi32, #tpu.memory_space<hbm>>) target(%arg10 : memref<128xi32, #tpu.memory_space<vmem>>) target_semaphore(%run_scoped3A : memref<!tpu.dma_semaphore, #tpu.memory_space<semaphore_mem>>)
        %dma_wait3A_35 = tpu.memref_slice %arg4[%mul3A_10] : memref<802816xi32, #tpu.memory_space<hbm>> -> memref<128xi32, #tpu.memory_space<hbm>>
        %dma_wait3A_36 = tpu.memref_slice %arg4[%mul3A_10] : memref<802816xi32, #tpu.memory_space<hbm>> -> memref<128xi32, #tpu.memory_space<hbm>>
        tpu.wait_dma2 semaphore(%run_scoped3A : memref<!tpu.dma_semaphore, #tpu.memory_space<semaphore_mem>>) src(%dma_wait3A_36 : memref<128xi32, #tpu.memory_space<hbm>>) dst(%arg10 : memref<128xi32, #tpu.memory_space<vmem>>)
        tpu.yield
      }) : () -> ()
      "tpu.region"() ({
        %run_scoped3A = tpu.sem_alloc : memref<!tpu.dma_semaphore, #tpu.memory_space<semaphore_mem>>
        %dma_start3A_33 = tpu.memref_slice %arg5[%mul3A_10] : memref<802816xi32, #tpu.memory_space<hbm>> -> memref<128xi32, #tpu.memory_space<hbm>>
        %dma_start3A_34 = tpu.memref_slice %arg5[%mul3A_10] : memref<802816xi32, #tpu.memory_space<hbm>> -> memref<128xi32, #tpu.memory_space<hbm>>
        tpu.enqueue_dma source(%dma_start3A_34 : memref<128xi32, #tpu.memory_space<hbm>>) target(%arg11 : memref<128xi32, #tpu.memory_space<vmem>>) target_semaphore(%run_scoped3A : memref<!tpu.dma_semaphore, #tpu.memory_space<semaphore_mem>>)
        %dma_wait3A_35 = tpu.memref_slice %arg5[%mul3A_10] : memref<802816xi32, #tpu.memory_space<hbm>> -> memref<128xi32, #tpu.memory_space<hbm>>
        %dma_wait3A_36 = tpu.memref_slice %arg5[%mul3A_10] : memref<802816xi32, #tpu.memory_space<hbm>> -> memref<128xi32, #tpu.memory_space<hbm>>
        tpu.wait_dma2 semaphore(%run_scoped3A : memref<!tpu.dma_semaphore, #tpu.memory_space<semaphore_mem>>) src(%dma_wait3A_36 : memref<128xi32, #tpu.memory_space<hbm>>) dst(%arg11 : memref<128xi32, #tpu.memory_space<vmem>>)
        tpu.yield
      }) : () -> ()
      %dma_start3A = arith.constant 0 : i32
      %dma_start3A_11 = arith.constant 0 : i32
      %dma_start3A_12 = tpu.memref_slice %arg2[%dma_start3A, %dma_start3A_11] : memref<50000x48xf32, #tpu.memory_space<hbm>> -> memref<50000x48xf32, #tpu.memory_space<hbm>>
      tpu.enqueue_indirect_dma source(%dma_start3A_12 : memref<50000x48xf32, #tpu.memory_space<hbm>>) target(%arg12 : memref<128x48xf32, #tpu.memory_space<vmem>>) offsets(%arg10 : memref<128xi32, #tpu.memory_space<vmem>>) semaphore(%arg16 : memref<!tpu.dma_semaphore, #tpu.memory_space<semaphore_mem>>)
      %dma_start3A_13 = arith.constant 0 : i32
      %dma_start3A_14 = arith.constant 0 : i32
      %dma_start3A_15 = tpu.memref_slice %arg2[%dma_start3A_13, %dma_start3A_14] : memref<50000x48xf32, #tpu.memory_space<hbm>> -> memref<50000x48xf32, #tpu.memory_space<hbm>>
      tpu.enqueue_indirect_dma source(%dma_start3A_15 : memref<50000x48xf32, #tpu.memory_space<hbm>>) target(%arg13 : memref<128x48xf32, #tpu.memory_space<vmem>>) offsets(%arg11 : memref<128xi32, #tpu.memory_space<vmem>>) semaphore(%arg17 : memref<!tpu.dma_semaphore, #tpu.memory_space<semaphore_mem>>)
      %dma_start3A_16 = arith.constant 0 : i32
      %dma_start3A_17 = arith.constant 0 : i32
      %dma_start3A_18 = tpu.memref_slice %arg3[%dma_start3A_16, %dma_start3A_17] : memref<50000x8xf32, #tpu.memory_space<hbm>> -> memref<50000x8xf32, #tpu.memory_space<hbm>>
      tpu.enqueue_indirect_dma source(%dma_start3A_18 : memref<50000x8xf32, #tpu.memory_space<hbm>>) target(%arg14 : memref<128x8xf32, #tpu.memory_space<vmem>>) offsets(%arg10 : memref<128xi32, #tpu.memory_space<vmem>>) semaphore(%arg18 : memref<!tpu.dma_semaphore, #tpu.memory_space<semaphore_mem>>)
      %dma_start3A_19 = arith.constant 0 : i32
      %dma_start3A_20 = arith.constant 0 : i32
      %dma_start3A_21 = tpu.memref_slice %arg3[%dma_start3A_19, %dma_start3A_20] : memref<50000x8xf32, #tpu.memory_space<hbm>> -> memref<50000x8xf32, #tpu.memory_space<hbm>>
      tpu.enqueue_indirect_dma source(%dma_start3A_21 : memref<50000x8xf32, #tpu.memory_space<hbm>>) target(%arg15 : memref<128x8xf32, #tpu.memory_space<vmem>>) offsets(%arg11 : memref<128xi32, #tpu.memory_space<vmem>>) semaphore(%arg19 : memref<!tpu.dma_semaphore, #tpu.memory_space<semaphore_mem>>)
      %dma_wait3A = arith.constant 0 : i32
      %dma_wait3A_22 = arith.constant 0 : i32
      %dma_wait3A_23 = tpu.memref_slice %arg2[%dma_wait3A, %dma_wait3A_22] : memref<50000x48xf32, #tpu.memory_space<hbm>> -> memref<50000x48xf32, #tpu.memory_space<hbm>>
      tpu.wait_indirect_dma semaphore(%arg16 : memref<!tpu.dma_semaphore, #tpu.memory_space<semaphore_mem>>) src(%dma_wait3A_23 : memref<50000x48xf32, #tpu.memory_space<hbm>>) dst(%arg12 : memref<128x48xf32, #tpu.memory_space<vmem>>)
      %dma_wait3A_24 = arith.constant 0 : i32
      %dma_wait3A_25 = arith.constant 0 : i32
      %dma_wait3A_26 = tpu.memref_slice %arg2[%dma_wait3A_24, %dma_wait3A_25] : memref<50000x48xf32, #tpu.memory_space<hbm>> -> memref<50000x48xf32, #tpu.memory_space<hbm>>
      tpu.wait_indirect_dma semaphore(%arg17 : memref<!tpu.dma_semaphore, #tpu.memory_space<semaphore_mem>>) src(%dma_wait3A_26 : memref<50000x48xf32, #tpu.memory_space<hbm>>) dst(%arg13 : memref<128x48xf32, #tpu.memory_space<vmem>>)
      %dma_wait3A_27 = arith.constant 0 : i32
      %dma_wait3A_28 = arith.constant 0 : i32
      %dma_wait3A_29 = tpu.memref_slice %arg3[%dma_wait3A_27, %dma_wait3A_28] : memref<50000x8xf32, #tpu.memory_space<hbm>> -> memref<50000x8xf32, #tpu.memory_space<hbm>>
      tpu.wait_indirect_dma semaphore(%arg18 : memref<!tpu.dma_semaphore, #tpu.memory_space<semaphore_mem>>) src(%dma_wait3A_29 : memref<50000x8xf32, #tpu.memory_space<hbm>>) dst(%arg14 : memref<128x8xf32, #tpu.memory_space<vmem>>)
      %dma_wait3A_30 = arith.constant 0 : i32
      %dma_wait3A_31 = arith.constant 0 : i32
      %dma_wait3A_32 = tpu.memref_slice %arg3[%dma_wait3A_30, %dma_wait3A_31] : memref<50000x8xf32, #tpu.memory_space<hbm>> -> memref<50000x8xf32, #tpu.memory_space<hbm>>
      tpu.wait_indirect_dma semaphore(%arg19 : memref<!tpu.dma_semaphore, #tpu.memory_space<semaphore_mem>>) src(%dma_wait3A_32 : memref<50000x8xf32, #tpu.memory_space<hbm>>) dst(%arg15 : memref<128x8xf32, #tpu.memory_space<vmem>>)
      "tpu.region"() ({
        %run_scoped3A = tpu.sem_alloc : memref<!tpu.dma_semaphore, #tpu.memory_space<semaphore_mem>>
        %dma_start3A_33 = arith.constant 0 : i32
        %dma_start3A_34 = tpu.memref_slice %arg6[%mul3A_10, %dma_start3A_33] : memref<802816x48xf32, #tpu.memory_space<hbm>> -> memref<128x48xf32, #tpu.memory_space<hbm>>
        %dma_start3A_35 = arith.constant 0 : i32
        %dma_start3A_36 = tpu.memref_slice %arg6[%mul3A_10, %dma_start3A_35] : memref<802816x48xf32, #tpu.memory_space<hbm>> -> memref<128x48xf32, #tpu.memory_space<hbm>>
        tpu.enqueue_dma source(%arg12 : memref<128x48xf32, #tpu.memory_space<vmem>>) target(%dma_start3A_36 : memref<128x48xf32, #tpu.memory_space<hbm>>) target_semaphore(%run_scoped3A : memref<!tpu.dma_semaphore, #tpu.memory_space<semaphore_mem>>)
        %dma_wait3A_37 = arith.constant 0 : i32
        %dma_wait3A_38 = tpu.memref_slice %arg6[%mul3A_10, %dma_wait3A_37] : memref<802816x48xf32, #tpu.memory_space<hbm>> -> memref<128x48xf32, #tpu.memory_space<hbm>>
        %dma_wait3A_39 = arith.constant 0 : i32
        %dma_wait3A_40 = tpu.memref_slice %arg6[%mul3A_10, %dma_wait3A_39] : memref<802816x48xf32, #tpu.memory_space<hbm>> -> memref<128x48xf32, #tpu.memory_space<hbm>>
        tpu.wait_dma2 semaphore(%run_scoped3A : memref<!tpu.dma_semaphore, #tpu.memory_space<semaphore_mem>>) src(%arg12 : memref<128x48xf32, #tpu.memory_space<vmem>>) dst(%dma_wait3A_40 : memref<128x48xf32, #tpu.memory_space<hbm>>)
        tpu.yield
      }) : () -> ()
      "tpu.region"() ({
        %run_scoped3A = tpu.sem_alloc : memref<!tpu.dma_semaphore, #tpu.memory_space<semaphore_mem>>
        %dma_start3A_33 = arith.constant 0 : i32
        %dma_start3A_34 = tpu.memref_slice %arg7[%mul3A_10, %dma_start3A_33] : memref<802816x48xf32, #tpu.memory_space<hbm>> -> memref<128x48xf32, #tpu.memory_space<hbm>>
        %dma_start3A_35 = arith.constant 0 : i32
        %dma_start3A_36 = tpu.memref_slice %arg7[%mul3A_10, %dma_start3A_35] : memref<802816x48xf32, #tpu.memory_space<hbm>> -> memref<128x48xf32, #tpu.memory_space<hbm>>
        tpu.enqueue_dma source(%arg13 : memref<128x48xf32, #tpu.memory_space<vmem>>) target(%dma_start3A_36 : memref<128x48xf32, #tpu.memory_space<hbm>>) target_semaphore(%run_scoped3A : memref<!tpu.dma_semaphore, #tpu.memory_space<semaphore_mem>>)
        %dma_wait3A_37 = arith.constant 0 : i32
        %dma_wait3A_38 = tpu.memref_slice %arg7[%mul3A_10, %dma_wait3A_37] : memref<802816x48xf32, #tpu.memory_space<hbm>> -> memref<128x48xf32, #tpu.memory_space<hbm>>
        %dma_wait3A_39 = arith.constant 0 : i32
        %dma_wait3A_40 = tpu.memref_slice %arg7[%mul3A_10, %dma_wait3A_39] : memref<802816x48xf32, #tpu.memory_space<hbm>> -> memref<128x48xf32, #tpu.memory_space<hbm>>
        tpu.wait_dma2 semaphore(%run_scoped3A : memref<!tpu.dma_semaphore, #tpu.memory_space<semaphore_mem>>) src(%arg13 : memref<128x48xf32, #tpu.memory_space<vmem>>) dst(%dma_wait3A_40 : memref<128x48xf32, #tpu.memory_space<hbm>>)
        tpu.yield
      }) : () -> ()
      "tpu.region"() ({
        %run_scoped3A = tpu.sem_alloc : memref<!tpu.dma_semaphore, #tpu.memory_space<semaphore_mem>>
        %dma_start3A_33 = arith.constant 0 : i32
        %dma_start3A_34 = tpu.memref_slice %arg8[%mul3A_10, %dma_start3A_33] : memref<802816x8xf32, #tpu.memory_space<hbm>> -> memref<128x8xf32, #tpu.memory_space<hbm>>
        %dma_start3A_35 = arith.constant 0 : i32
        %dma_start3A_36 = tpu.memref_slice %arg8[%mul3A_10, %dma_start3A_35] : memref<802816x8xf32, #tpu.memory_space<hbm>> -> memref<128x8xf32, #tpu.memory_space<hbm>>
        tpu.enqueue_dma source(%arg14 : memref<128x8xf32, #tpu.memory_space<vmem>>) target(%dma_start3A_36 : memref<128x8xf32, #tpu.memory_space<hbm>>) target_semaphore(%run_scoped3A : memref<!tpu.dma_semaphore, #tpu.memory_space<semaphore_mem>>)
        %dma_wait3A_37 = arith.constant 0 : i32
        %dma_wait3A_38 = tpu.memref_slice %arg8[%mul3A_10, %dma_wait3A_37] : memref<802816x8xf32, #tpu.memory_space<hbm>> -> memref<128x8xf32, #tpu.memory_space<hbm>>
        %dma_wait3A_39 = arith.constant 0 : i32
        %dma_wait3A_40 = tpu.memref_slice %arg8[%mul3A_10, %dma_wait3A_39] : memref<802816x8xf32, #tpu.memory_space<hbm>> -> memref<128x8xf32, #tpu.memory_space<hbm>>
        tpu.wait_dma2 semaphore(%run_scoped3A : memref<!tpu.dma_semaphore, #tpu.memory_space<semaphore_mem>>) src(%arg14 : memref<128x8xf32, #tpu.memory_space<vmem>>) dst(%dma_wait3A_40 : memref<128x8xf32, #tpu.memory_space<hbm>>)
        tpu.yield
      }) : () -> ()
      "tpu.region"() ({
        %run_scoped3A = tpu.sem_alloc : memref<!tpu.dma_semaphore, #tpu.memory_space<semaphore_mem>>
        %dma_start3A_33 = arith.constant 0 : i32
        %dma_start3A_34 = tpu.memref_slice %arg9[%mul3A_10, %dma_start3A_33] : memref<802816x8xf32, #tpu.memory_space<hbm>> -> memref<128x8xf32, #tpu.memory_space<hbm>>
        %dma_start3A_35 = arith.constant 0 : i32
        %dma_start3A_36 = tpu.memref_slice %arg9[%mul3A_10, %dma_start3A_35] : memref<802816x8xf32, #tpu.memory_space<hbm>> -> memref<128x8xf32, #tpu.memory_space<hbm>>
        tpu.enqueue_dma source(%arg15 : memref<128x8xf32, #tpu.memory_space<vmem>>) target(%dma_start3A_36 : memref<128x8xf32, #tpu.memory_space<hbm>>) target_semaphore(%run_scoped3A : memref<!tpu.dma_semaphore, #tpu.memory_space<semaphore_mem>>)
        %dma_wait3A_37 = arith.constant 0 : i32
        %dma_wait3A_38 = tpu.memref_slice %arg9[%mul3A_10, %dma_wait3A_37] : memref<802816x8xf32, #tpu.memory_space<hbm>> -> memref<128x8xf32, #tpu.memory_space<hbm>>
        %dma_wait3A_39 = arith.constant 0 : i32
        %dma_wait3A_40 = tpu.memref_slice %arg9[%mul3A_10, %dma_wait3A_39] : memref<802816x8xf32, #tpu.memory_space<hbm>> -> memref<128x8xf32, #tpu.memory_space<hbm>>
        tpu.wait_dma2 semaphore(%run_scoped3A : memref<!tpu.dma_semaphore, #tpu.memory_space<semaphore_mem>>) src(%arg15 : memref<128x8xf32, #tpu.memory_space<vmem>>) dst(%dma_wait3A_40 : memref<128x8xf32, #tpu.memory_space<hbm>>)
        tpu.yield
      }) : () -> ()
    }
    %scan3A_4 = arith.constant 196 : i32
    return
  }
}

#map = affine_map<(d0, d1) -> (0, 0)>
#map1 = affine_map<(d0, d1) -> (0)>
module attributes {stable_mosaic.version = 14 : i64} {
  func.func @k(%arg0: i32, %arg1: i32, %arg2: memref<50000x8xf32, #tpu.memory_space<hbm>>, %arg3: memref<802816xi32, #tpu.memory_space<hbm>>, %arg4: memref<802816x8xf32, #tpu.memory_space<hbm>>, %arg5: memref<128xi32, #tpu.memory_space<vmem>>, %arg6: memref<128x8xf32, #tpu.memory_space<vmem>>, %arg7: memref<!tpu.dma_semaphore, #tpu.memory_space<semaphore_mem>>) attributes {dimension_semantics = [#tpu.dimension_semantics<core_parallel>, #tpu.dimension_semantics<subcore_parallel>], iteration_bounds = array<i64: 2, 16>, scalar_prefetch = 0 : i64, scratch_operands = 3 : i64, tpu.core_type = #tpu.core_type<sc_vector_subcore>, window_params = [{transform_indices = #map}, {transform_indices = #map1}, {transform_indices = #map}]} {
    %mul3A = arith.constant 2 : i32
    %mul3A_0 = arith.muli %arg1, %mul3A : i32
    %add3A = arith.addi %mul3A_0, %arg0 : i32
    %scan3A = arith.constant 0 : i32
    %scan3A_1 = arith.constant 196 : i32
    %scan3A_2 = arith.addi %scan3A, %scan3A_1 : i32
    %scan3A_3 = arith.constant 1 : i32
    scf.for %scan3A_5 = %scan3A to %scan3A_2 step %scan3A_3  : i32 {
      %mul3A_6 = arith.constant 196 : i32
      %mul3A_7 = arith.muli %add3A, %mul3A_6 : i32
      %add3A_8 = arith.addi %mul3A_7, %scan3A_5 : i32
      %mul3A_9 = arith.constant 128 : i32
      %mul3A_10 = arith.muli %add3A_8, %mul3A_9 : i32
      "tpu.region"() ({
        %run_scoped3A = tpu.sem_alloc : memref<!tpu.dma_semaphore, #tpu.memory_space<semaphore_mem>>
        %dma_start3A_15 = tpu.memref_slice %arg3[%mul3A_10] : memref<802816xi32, #tpu.memory_space<hbm>> -> memref<128xi32, #tpu.memory_space<hbm>>
        %dma_start3A_16 = tpu.memref_slice %arg3[%mul3A_10] : memref<802816xi32, #tpu.memory_space<hbm>> -> memref<128xi32, #tpu.memory_space<hbm>>
        tpu.enqueue_dma source(%dma_start3A_16 : memref<128xi32, #tpu.memory_space<hbm>>) target(%arg5 : memref<128xi32, #tpu.memory_space<vmem>>) target_semaphore(%run_scoped3A : memref<!tpu.dma_semaphore, #tpu.memory_space<semaphore_mem>>)
        %dma_wait3A_17 = tpu.memref_slice %arg3[%mul3A_10] : memref<802816xi32, #tpu.memory_space<hbm>> -> memref<128xi32, #tpu.memory_space<hbm>>
        %dma_wait3A_18 = tpu.memref_slice %arg3[%mul3A_10] : memref<802816xi32, #tpu.memory_space<hbm>> -> memref<128xi32, #tpu.memory_space<hbm>>
        tpu.wait_dma2 semaphore(%run_scoped3A : memref<!tpu.dma_semaphore, #tpu.memory_space<semaphore_mem>>) src(%dma_wait3A_18 : memref<128xi32, #tpu.memory_space<hbm>>) dst(%arg5 : memref<128xi32, #tpu.memory_space<vmem>>)
        tpu.yield
      }) : () -> ()
      %dma_start3A = arith.constant 0 : i32
      %dma_start3A_11 = arith.constant 0 : i32
      %dma_start3A_12 = tpu.memref_slice %arg2[%dma_start3A, %dma_start3A_11] : memref<50000x8xf32, #tpu.memory_space<hbm>> -> memref<50000x8xf32, #tpu.memory_space<hbm>>
      tpu.enqueue_indirect_dma source(%dma_start3A_12 : memref<50000x8xf32, #tpu.memory_space<hbm>>) target(%arg6 : memref<128x8xf32, #tpu.memory_space<vmem>>) offsets(%arg5 : memref<128xi32, #tpu.memory_space<vmem>>) semaphore(%arg7 : memref<!tpu.dma_semaphore, #tpu.memory_space<semaphore_mem>>)
      %dma_wait3A = arith.constant 0 : i32
      %dma_wait3A_13 = arith.constant 0 : i32
      %dma_wait3A_14 = tpu.memref_slice %arg2[%dma_wait3A, %dma_wait3A_13] : memref<50000x8xf32, #tpu.memory_space<hbm>> -> memref<50000x8xf32, #tpu.memory_space<hbm>>
      tpu.wait_indirect_dma semaphore(%arg7 : memref<!tpu.dma_semaphore, #tpu.memory_space<semaphore_mem>>) src(%dma_wait3A_14 : memref<50000x8xf32, #tpu.memory_space<hbm>>) dst(%arg6 : memref<128x8xf32, #tpu.memory_space<vmem>>)
      "tpu.region"() ({
        %run_scoped3A = tpu.sem_alloc : memref<!tpu.dma_semaphore, #tpu.memory_space<semaphore_mem>>
        %dma_start3A_15 = arith.constant 0 : i32
        %dma_start3A_16 = tpu.memref_slice %arg4[%mul3A_10, %dma_start3A_15] : memref<802816x8xf32, #tpu.memory_space<hbm>> -> memref<128x8xf32, #tpu.memory_space<hbm>>
        %dma_start3A_17 = arith.constant 0 : i32
        %dma_start3A_18 = tpu.memref_slice %arg4[%mul3A_10, %dma_start3A_17] : memref<802816x8xf32, #tpu.memory_space<hbm>> -> memref<128x8xf32, #tpu.memory_space<hbm>>
        tpu.enqueue_dma source(%arg6 : memref<128x8xf32, #tpu.memory_space<vmem>>) target(%dma_start3A_18 : memref<128x8xf32, #tpu.memory_space<hbm>>) target_semaphore(%run_scoped3A : memref<!tpu.dma_semaphore, #tpu.memory_space<semaphore_mem>>)
        %dma_wait3A_19 = arith.constant 0 : i32
        %dma_wait3A_20 = tpu.memref_slice %arg4[%mul3A_10, %dma_wait3A_19] : memref<802816x8xf32, #tpu.memory_space<hbm>> -> memref<128x8xf32, #tpu.memory_space<hbm>>
        %dma_wait3A_21 = arith.constant 0 : i32
        %dma_wait3A_22 = tpu.memref_slice %arg4[%mul3A_10, %dma_wait3A_21] : memref<802816x8xf32, #tpu.memory_space<hbm>> -> memref<128x8xf32, #tpu.memory_space<hbm>>
        tpu.wait_dma2 semaphore(%run_scoped3A : memref<!tpu.dma_semaphore, #tpu.memory_space<semaphore_mem>>) src(%arg6 : memref<128x8xf32, #tpu.memory_space<vmem>>) dst(%dma_wait3A_22 : memref<128x8xf32, #tpu.memory_space<hbm>>)
        tpu.yield
      }) : () -> ()
    }
    %scan3A_4 = arith.constant 196 : i32
    return
  }
}

#map = affine_map<(d0, d1) -> (0)>
#map1 = affine_map<(d0, d1) -> (0, 0)>
#map2 = affine_map<(d0, d1) -> (0, 0, 0)>
module attributes {stable_mosaic.version = 14 : i64} {
  func.func @k(%arg0: i32, %arg1: i32, %arg2: memref<802816xi32, #tpu.memory_space<hbm>>, %arg3: memref<802816x48xf32, #tpu.memory_space<hbm>>, %arg4: memref<1600xf32, #tpu.memory_space<hbm>>, %arg5: memref<64x48xf32, #tpu.memory_space<hbm>>, %arg6: memref<2x25088x48xf32, #tpu.memory_space<hbm>>, %arg7: memref<2x25088xf32, #tpu.memory_space<hbm>>, %arg8: memref<128xi32, #tpu.memory_space<vmem>>, %arg9: memref<128xi32, #tpu.memory_space<vmem>>, %arg10: memref<128x48xf32, #tpu.memory_space<vmem>>, %arg11: memref<128xf32, #tpu.memory_space<vmem>>, %arg12: memref<1600xf32, #tpu.memory_space<vmem>>, %arg13: memref<64x48xf32, #tpu.memory_space<vmem>>, %arg14: memref<56x48xf32, #tpu.memory_space<vmem>>, %arg15: memref<1568xf32, #tpu.memory_space<vmem>>, %arg16: memref<25600x48xf32, #tpu.memory_space<vmem_shared>>, %arg17: memref<25600xf32, #tpu.memory_space<vmem_shared>>) attributes {dimension_semantics = [#tpu.dimension_semantics<core_parallel>, #tpu.dimension_semantics<subcore_parallel>], iteration_bounds = array<i64: 2, 16>, scalar_prefetch = 0 : i64, scratch_operands = 10 : i64, tpu.core_type = #tpu.core_type<sc_vector_subcore>, window_params = [{transform_indices = #map}, {transform_indices = #map1}, {transform_indices = #map}, {transform_indices = #map1}, {transform_indices = #map2}, {transform_indices = #map1}]} {
    "tpu.region"() ({
      %run_scoped3A = tpu.sem_alloc : memref<!tpu.dma_semaphore, #tpu.memory_space<semaphore_mem>>
      tpu.enqueue_dma source(%arg4 : memref<1600xf32, #tpu.memory_space<hbm>>) target(%arg12 : memref<1600xf32, #tpu.memory_space<vmem>>) target_semaphore(%run_scoped3A : memref<!tpu.dma_semaphore, #tpu.memory_space<semaphore_mem>>)
      tpu.wait_dma2 semaphore(%run_scoped3A : memref<!tpu.dma_semaphore, #tpu.memory_space<semaphore_mem>>) src(%arg4 : memref<1600xf32, #tpu.memory_space<hbm>>) dst(%arg12 : memref<1600xf32, #tpu.memory_space<vmem>>)
      tpu.yield
    }) : () -> ()
    "tpu.region"() ({
      %run_scoped3A = tpu.sem_alloc : memref<!tpu.dma_semaphore, #tpu.memory_space<semaphore_mem>>
      tpu.enqueue_dma source(%arg5 : memref<64x48xf32, #tpu.memory_space<hbm>>) target(%arg13 : memref<64x48xf32, #tpu.memory_space<vmem>>) target_semaphore(%run_scoped3A : memref<!tpu.dma_semaphore, #tpu.memory_space<semaphore_mem>>)
      tpu.wait_dma2 semaphore(%run_scoped3A : memref<!tpu.dma_semaphore, #tpu.memory_space<semaphore_mem>>) src(%arg5 : memref<64x48xf32, #tpu.memory_space<hbm>>) dst(%arg13 : memref<64x48xf32, #tpu.memory_space<vmem>>)
      tpu.yield
    }) : () -> ()
    %mul3A = arith.constant 1600 : i32
    %mul3A_0 = arith.muli %arg1, %mul3A : i32
    "tpu.region"() ({
      %run_scoped3A = tpu.sem_alloc : memref<!tpu.dma_semaphore, #tpu.memory_space<semaphore_mem>>
      %dma_start3A = tpu.memref_slice %arg17[%mul3A_0] : memref<25600xf32, #tpu.memory_space<vmem_shared>> -> memref<1600xf32, #tpu.memory_space<vmem_shared>>
      %dma_start3A_68 = tpu.memref_slice %arg17[%mul3A_0] : memref<25600xf32, #tpu.memory_space<vmem_shared>> -> memref<1600xf32, #tpu.memory_space<vmem_shared>>
      tpu.enqueue_dma source(%arg12 : memref<1600xf32, #tpu.memory_space<vmem>>) target(%dma_start3A_68 : memref<1600xf32, #tpu.memory_space<vmem_shared>>) target_semaphore(%run_scoped3A : memref<!tpu.dma_semaphore, #tpu.memory_space<semaphore_mem>>)
      %dma_wait3A = tpu.memref_slice %arg17[%mul3A_0] : memref<25600xf32, #tpu.memory_space<vmem_shared>> -> memref<1600xf32, #tpu.memory_space<vmem_shared>>
      %dma_wait3A_69 = tpu.memref_slice %arg17[%mul3A_0] : memref<25600xf32, #tpu.memory_space<vmem_shared>> -> memref<1600xf32, #tpu.memory_space<vmem_shared>>
      tpu.wait_dma2 semaphore(%run_scoped3A : memref<!tpu.dma_semaphore, #tpu.memory_space<semaphore_mem>>) src(%arg12 : memref<1600xf32, #tpu.memory_space<vmem>>) dst(%dma_wait3A_69 : memref<1600xf32, #tpu.memory_space<vmem_shared>>)
      tpu.yield
    }) : () -> ()
    %scan3A = arith.constant 0 : i32
    %scan3A_1 = arith.constant 25 : i32
    %scan3A_2 = arith.addi %scan3A, %scan3A_1 : i32
    %scan3A_3 = arith.constant 1 : i32
    scf.for %scan3A_68 = %scan3A to %scan3A_2 step %scan3A_3  : i32 {
      %mul3A_69 = arith.constant 1600 : i32
      %mul3A_70 = arith.muli %arg1, %mul3A_69 : i32
      %mul3A_71 = arith.constant 64 : i32
      %mul3A_72 = arith.muli %scan3A_68, %mul3A_71 : i32
      %add3A = arith.addi %mul3A_70, %mul3A_72 : i32
      "tpu.region"() ({
        %run_scoped3A = tpu.sem_alloc : memref<!tpu.dma_semaphore, #tpu.memory_space<semaphore_mem>>
        %dma_start3A = arith.constant 0 : i32
        %dma_start3A_73 = tpu.memref_slice %arg16[%add3A, %dma_start3A] : memref<25600x48xf32, #tpu.memory_space<vmem_shared>> -> memref<64x48xf32, #tpu.memory_space<vmem_shared>>
        %dma_start3A_74 = arith.constant 0 : i32
        %dma_start3A_75 = tpu.memref_slice %arg16[%add3A, %dma_start3A_74] : memref<25600x48xf32, #tpu.memory_space<vmem_shared>> -> memref<64x48xf32, #tpu.memory_space<vmem_shared>>
        tpu.enqueue_dma source(%arg13 : memref<64x48xf32, #tpu.memory_space<vmem>>) target(%dma_start3A_75 : memref<64x48xf32, #tpu.memory_space<vmem_shared>>) target_semaphore(%run_scoped3A : memref<!tpu.dma_semaphore, #tpu.memory_space<semaphore_mem>>)
        %dma_wait3A = arith.constant 0 : i32
        %dma_wait3A_76 = tpu.memref_slice %arg16[%add3A, %dma_wait3A] : memref<25600x48xf32, #tpu.memory_space<vmem_shared>> -> memref<64x48xf32, #tpu.memory_space<vmem_shared>>
        %dma_wait3A_77 = arith.constant 0 : i32
        %dma_wait3A_78 = tpu.memref_slice %arg16[%add3A, %dma_wait3A_77] : memref<25600x48xf32, #tpu.memory_space<vmem_shared>> -> memref<64x48xf32, #tpu.memory_space<vmem_shared>>
        tpu.wait_dma2 semaphore(%run_scoped3A : memref<!tpu.dma_semaphore, #tpu.memory_space<semaphore_mem>>) src(%arg13 : memref<64x48xf32, #tpu.memory_space<vmem>>) dst(%dma_wait3A_78 : memref<64x48xf32, #tpu.memory_space<vmem_shared>>)
        tpu.yield
      }) : () -> ()
    }
    %scan3A_4 = arith.constant 25 : i32
    %broadcast_in_dim3A = arith.constant 1.000000e+00 : f32
    %broadcast_in_dim3A_5 = vector.broadcast %broadcast_in_dim3A : f32 to vector<16xf32>
    %swap3A = arith.constant 0 : index
    %swap3A_6 = tpu.vector_load %arg11[%swap3A] {strides = array<i32>} : memref<128xf32, #tpu.memory_space<vmem>>, vector<16xf32>,
    %swap3A_7 = vector.shape_cast %swap3A_6 : vector<16xf32> to vector<16xf32>
    %swap3A_8 = vector.shape_cast %broadcast_in_dim3A_5 : vector<16xf32> to vector<16xf32>
    tpu.vector_store %arg11[%swap3A], %swap3A_8 {strides = array<i32>} : memref<128xf32, #tpu.memory_space<vmem>>, vector<16xf32>,
    %broadcast_in_dim3A_9 = arith.constant 1.000000e+00 : f32
    %broadcast_in_dim3A_10 = vector.broadcast %broadcast_in_dim3A_9 : f32 to vector<16xf32>
    %swap3A_11 = arith.constant 16 : index
    %swap3A_12 = tpu.vector_load %arg11[%swap3A_11] {strides = array<i32>} : memref<128xf32, #tpu.memory_space<vmem>>, vector<16xf32>,
    %swap3A_13 = vector.shape_cast %swap3A_12 : vector<16xf32> to vector<16xf32>
    %swap3A_14 = vector.shape_cast %broadcast_in_dim3A_10 : vector<16xf32> to vector<16xf32>
    tpu.vector_store %arg11[%swap3A_11], %swap3A_14 {strides = array<i32>} : memref<128xf32, #tpu.memory_space<vmem>>, vector<16xf32>,
    %broadcast_in_dim3A_15 = arith.constant 1.000000e+00 : f32
    %broadcast_in_dim3A_16 = vector.broadcast %broadcast_in_dim3A_15 : f32 to vector<16xf32>
    %swap3A_17 = arith.constant 32 : index
    %swap3A_18 = tpu.vector_load %arg11[%swap3A_17] {strides = array<i32>} : memref<128xf32, #tpu.memory_space<vmem>>, vector<16xf32>,
    %swap3A_19 = vector.shape_cast %swap3A_18 : vector<16xf32> to vector<16xf32>
    %swap3A_20 = vector.shape_cast %broadcast_in_dim3A_16 : vector<16xf32> to vector<16xf32>
    tpu.vector_store %arg11[%swap3A_17], %swap3A_20 {strides = array<i32>} : memref<128xf32, #tpu.memory_space<vmem>>, vector<16xf32>,
    %broadcast_in_dim3A_21 = arith.constant 1.000000e+00 : f32
    %broadcast_in_dim3A_22 = vector.broadcast %broadcast_in_dim3A_21 : f32 to vector<16xf32>
    %swap3A_23 = arith.constant 48 : index
    %swap3A_24 = tpu.vector_load %arg11[%swap3A_23] {strides = array<i32>} : memref<128xf32, #tpu.memory_space<vmem>>, vector<16xf32>,
    %swap3A_25 = vector.shape_cast %swap3A_24 : vector<16xf32> to vector<16xf32>
    %swap3A_26 = vector.shape_cast %broadcast_in_dim3A_22 : vector<16xf32> to vector<16xf32>
    tpu.vector_store %arg11[%swap3A_23], %swap3A_26 {strides = array<i32>} : memref<128xf32, #tpu.memory_space<vmem>>, vector<16xf32>,
    %broadcast_in_dim3A_27 = arith.constant 1.000000e+00 : f32
    %broadcast_in_dim3A_28 = vector.broadcast %broadcast_in_dim3A_27 : f32 to vector<16xf32>
    %swap3A_29 = arith.constant 64 : index
    %swap3A_30 = tpu.vector_load %arg11[%swap3A_29] {strides = array<i32>} : memref<128xf32, #tpu.memory_space<vmem>>, vector<16xf32>,
    %swap3A_31 = vector.shape_cast %swap3A_30 : vector<16xf32> to vector<16xf32>
    %swap3A_32 = vector.shape_cast %broadcast_in_dim3A_28 : vector<16xf32> to vector<16xf32>
    tpu.vector_store %arg11[%swap3A_29], %swap3A_32 {strides = array<i32>} : memref<128xf32, #tpu.memory_space<vmem>>, vector<16xf32>,
    %broadcast_in_dim3A_33 = arith.constant 1.000000e+00 : f32
    %broadcast_in_dim3A_34 = vector.broadcast %broadcast_in_dim3A_33 : f32 to vector<16xf32>
    %swap3A_35 = arith.constant 80 : index
    %swap3A_36 = tpu.vector_load %arg11[%swap3A_35] {strides = array<i32>} : memref<128xf32, #tpu.memory_space<vmem>>, vector<16xf32>,
    %swap3A_37 = vector.shape_cast %swap3A_36 : vector<16xf32> to vector<16xf32>
    %swap3A_38 = vector.shape_cast %broadcast_in_dim3A_34 : vector<16xf32> to vector<16xf32>
    tpu.vector_store %arg11[%swap3A_35], %swap3A_38 {strides = array<i32>} : memref<128xf32, #tpu.memory_space<vmem>>, vector<16xf32>,
    %broadcast_in_dim3A_39 = arith.constant 1.000000e+00 : f32
    %broadcast_in_dim3A_40 = vector.broadcast %broadcast_in_dim3A_39 : f32 to vector<16xf32>
    %swap3A_41 = arith.constant 96 : index
    %swap3A_42 = tpu.vector_load %arg11[%swap3A_41] {strides = array<i32>} : memref<128xf32, #tpu.memory_space<vmem>>, vector<16xf32>,
    %swap3A_43 = vector.shape_cast %swap3A_42 : vector<16xf32> to vector<16xf32>
    %swap3A_44 = vector.shape_cast %broadcast_in_dim3A_40 : vector<16xf32> to vector<16xf32>
    tpu.vector_store %arg11[%swap3A_41], %swap3A_44 {strides = array<i32>} : memref<128xf32, #tpu.memory_space<vmem>>, vector<16xf32>,
    %broadcast_in_dim3A_45 = arith.constant 1.000000e+00 : f32
    %broadcast_in_dim3A_46 = vector.broadcast %broadcast_in_dim3A_45 : f32 to vector<16xf32>
    %swap3A_47 = arith.constant 112 : index
    %swap3A_48 = tpu.vector_load %arg11[%swap3A_47] {strides = array<i32>} : memref<128xf32, #tpu.memory_space<vmem>>, vector<16xf32>,
    %swap3A_49 = vector.shape_cast %swap3A_48 : vector<16xf32> to vector<16xf32>
    %swap3A_50 = vector.shape_cast %broadcast_in_dim3A_46 : vector<16xf32> to vector<16xf32>
    tpu.vector_store %arg11[%swap3A_47], %swap3A_50 {strides = array<i32>} : memref<128xf32, #tpu.memory_space<vmem>>, vector<16xf32>,
    %barrier3A = arith.constant 0 : index
    tpu.barrier barrier_id(%barrier3A)
    %mul3A_51 = arith.constant 25000 : i32
    %mul3A_52 = arith.muli %arg0, %mul3A_51 : i32
    %scan3A_53 = arith.constant 0 : i32
    %scan3A_54 = arith.constant 392 : i32
    %scan3A_55 = arith.addi %scan3A_53, %scan3A_54 : i32
    %scan3A_56 = arith.constant 1 : i32
    scf.for %scan3A_68 = %scan3A_53 to %scan3A_55 step %scan3A_56  : i32 {
      %mul3A_69 = arith.constant 392 : i32
      %mul3A_70 = arith.muli %arg1, %mul3A_69 : i32
      %add3A = arith.addi %mul3A_70, %scan3A_68 : i32
      %mul3A_71 = arith.constant 128 : i32
      %mul3A_72 = arith.muli %add3A, %mul3A_71 : i32
      "tpu.region"() ({
        %run_scoped3A = tpu.sem_alloc : memref<!tpu.dma_semaphore, #tpu.memory_space<semaphore_mem>>
        %dma_start3A = tpu.memref_slice %arg2[%mul3A_72] : memref<802816xi32, #tpu.memory_space<hbm>> -> memref<128xi32, #tpu.memory_space<hbm>>
        %dma_start3A_218 = tpu.memref_slice %arg2[%mul3A_72] : memref<802816xi32, #tpu.memory_space<hbm>> -> memref<128xi32, #tpu.memory_space<hbm>>
        tpu.enqueue_dma source(%dma_start3A_218 : memref<128xi32, #tpu.memory_space<hbm>>) target(%arg8 : memref<128xi32, #tpu.memory_space<vmem>>) target_semaphore(%run_scoped3A : memref<!tpu.dma_semaphore, #tpu.memory_space<semaphore_mem>>)
        %dma_wait3A = tpu.memref_slice %arg2[%mul3A_72] : memref<802816xi32, #tpu.memory_space<hbm>> -> memref<128xi32, #tpu.memory_space<hbm>>
        %dma_wait3A_219 = tpu.memref_slice %arg2[%mul3A_72] : memref<802816xi32, #tpu.memory_space<hbm>> -> memref<128xi32, #tpu.memory_space<hbm>>
        tpu.wait_dma2 semaphore(%run_scoped3A : memref<!tpu.dma_semaphore, #tpu.memory_space<semaphore_mem>>) src(%dma_wait3A_219 : memref<128xi32, #tpu.memory_space<hbm>>) dst(%arg8 : memref<128xi32, #tpu.memory_space<vmem>>)
        tpu.yield
      }) : () -> ()
      "tpu.region"() ({
        %run_scoped3A = tpu.sem_alloc : memref<!tpu.dma_semaphore, #tpu.memory_space<semaphore_mem>>
        %dma_start3A = arith.constant 0 : i32
        %dma_start3A_218 = tpu.memref_slice %arg3[%mul3A_72, %dma_start3A] : memref<802816x48xf32, #tpu.memory_space<hbm>> -> memref<128x48xf32, #tpu.memory_space<hbm>>
        %dma_start3A_219 = arith.constant 0 : i32
        %dma_start3A_220 = tpu.memref_slice %arg3[%mul3A_72, %dma_start3A_219] : memref<802816x48xf32, #tpu.memory_space<hbm>> -> memref<128x48xf32, #tpu.memory_space<hbm>>
        tpu.enqueue_dma source(%dma_start3A_220 : memref<128x48xf32, #tpu.memory_space<hbm>>) target(%arg10 : memref<128x48xf32, #tpu.memory_space<vmem>>) target_semaphore(%run_scoped3A : memref<!tpu.dma_semaphore, #tpu.memory_space<semaphore_mem>>)
        %dma_wait3A = arith.constant 0 : i32
        %dma_wait3A_221 = tpu.memref_slice %arg3[%mul3A_72, %dma_wait3A] : memref<802816x48xf32, #tpu.memory_space<hbm>> -> memref<128x48xf32, #tpu.memory_space<hbm>>
        %dma_wait3A_222 = arith.constant 0 : i32
        %dma_wait3A_223 = tpu.memref_slice %arg3[%mul3A_72, %dma_wait3A_222] : memref<802816x48xf32, #tpu.memory_space<hbm>> -> memref<128x48xf32, #tpu.memory_space<hbm>>
        tpu.wait_dma2 semaphore(%run_scoped3A : memref<!tpu.dma_semaphore, #tpu.memory_space<semaphore_mem>>) src(%dma_wait3A_223 : memref<128x48xf32, #tpu.memory_space<hbm>>) dst(%arg10 : memref<128x48xf32, #tpu.memory_space<vmem>>)
        tpu.yield
      }) : () -> ()
      %get3A = arith.constant 0 : index
      %get3A_73 = tpu.vector_load %arg8[%get3A] {strides = array<i32>} : memref<128xi32, #tpu.memory_space<vmem>>, vector<16xi32>,
      %get3A_74 = vector.shape_cast %get3A_73 : vector<16xi32> to vector<16xi32>
      %sub3A = vector.broadcast %mul3A_52 : i32 to vector<16xi32>
      %sub3A_75 = arith.subi %get3A_74, %sub3A : vector<16xi32>
      %ge3A = arith.constant 0 : i32
      %ge3A_76 = vector.broadcast %ge3A : i32 to vector<16xi32>
      %ge3A_77 = arith.cmpi sge, %sub3A_75, %ge3A_76 : vector<16xi32>
      %lt3A = arith.constant 25000 : i32
      %lt3A_78 = vector.broadcast %lt3A : i32 to vector<16xi32>
      %lt3A_79 = arith.cmpi slt, %sub3A_75, %lt3A_78 : vector<16xi32>
      %and3A = arith.andi %ge3A_77, %lt3A_79 : vector<16xi1>
      %jit3A = arith.constant 25088 : i32
      %broadcast_in_dim3A_80 = vector.broadcast %jit3A : i32 to vector<16xi32>
      %select_n3A = arith.select %and3A, %sub3A_75, %broadcast_in_dim3A_80 : vector<16xi1>, vector<16xi32>
      %swap3A_81 = arith.constant 0 : index
      %swap3A_82 = tpu.vector_load %arg9[%swap3A_81] {strides = array<i32>} : memref<128xi32, #tpu.memory_space<vmem>>, vector<16xi32>,
      %swap3A_83 = vector.shape_cast %swap3A_82 : vector<16xi32> to vector<16xi32>
      %swap3A_84 = vector.shape_cast %select_n3A : vector<16xi32> to vector<16xi32>
      tpu.vector_store %arg9[%swap3A_81], %swap3A_84 {strides = array<i32>} : memref<128xi32, #tpu.memory_space<vmem>>, vector<16xi32>,
      %get3A_85 = arith.constant 16 : index
      %get3A_86 = tpu.vector_load %arg8[%get3A_85] {strides = array<i32>} : memref<128xi32, #tpu.memory_space<vmem>>, vector<16xi32>,
      %get3A_87 = vector.shape_cast %get3A_86 : vector<16xi32> to vector<16xi32>
      %sub3A_88 = vector.broadcast %mul3A_52 : i32 to vector<16xi32>
      %sub3A_89 = arith.subi %get3A_87, %sub3A_88 : vector<16xi32>
      %ge3A_90 = arith.constant 0 : i32
      %ge3A_91 = vector.broadcast %ge3A_90 : i32 to vector<16xi32>
      %ge3A_92 = arith.cmpi sge, %sub3A_89, %ge3A_91 : vector<16xi32>
      %lt3A_93 = arith.constant 25000 : i32
      %lt3A_94 = vector.broadcast %lt3A_93 : i32 to vector<16xi32>
      %lt3A_95 = arith.cmpi slt, %sub3A_89, %lt3A_94 : vector<16xi32>
      %and3A_96 = arith.andi %ge3A_92, %lt3A_95 : vector<16xi1>
      %jit3A_97 = arith.constant 25088 : i32
      %broadcast_in_dim3A_98 = vector.broadcast %jit3A_97 : i32 to vector<16xi32>
      %select_n3A_99 = arith.select %and3A_96, %sub3A_89, %broadcast_in_dim3A_98 : vector<16xi1>, vector<16xi32>
      %swap3A_100 = arith.constant 16 : index
      %swap3A_101 = tpu.vector_load %arg9[%swap3A_100] {strides = array<i32>} : memref<128xi32, #tpu.memory_space<vmem>>, vector<16xi32>,
      %swap3A_102 = vector.shape_cast %swap3A_101 : vector<16xi32> to vector<16xi32>
      %swap3A_103 = vector.shape_cast %select_n3A_99 : vector<16xi32> to vector<16xi32>
      tpu.vector_store %arg9[%swap3A_100], %swap3A_103 {strides = array<i32>} : memref<128xi32, #tpu.memory_space<vmem>>, vector<16xi32>,
      %get3A_104 = arith.constant 32 : index
      %get3A_105 = tpu.vector_load %arg8[%get3A_104] {strides = array<i32>} : memref<128xi32, #tpu.memory_space<vmem>>, vector<16xi32>,
      %get3A_106 = vector.shape_cast %get3A_105 : vector<16xi32> to vector<16xi32>
      %sub3A_107 = vector.broadcast %mul3A_52 : i32 to vector<16xi32>
      %sub3A_108 = arith.subi %get3A_106, %sub3A_107 : vector<16xi32>
      %ge3A_109 = arith.constant 0 : i32
      %ge3A_110 = vector.broadcast %ge3A_109 : i32 to vector<16xi32>
      %ge3A_111 = arith.cmpi sge, %sub3A_108, %ge3A_110 : vector<16xi32>
      %lt3A_112 = arith.constant 25000 : i32
      %lt3A_113 = vector.broadcast %lt3A_112 : i32 to vector<16xi32>
      %lt3A_114 = arith.cmpi slt, %sub3A_108, %lt3A_113 : vector<16xi32>
      %and3A_115 = arith.andi %ge3A_111, %lt3A_114 : vector<16xi1>
      %jit3A_116 = arith.constant 25088 : i32
      %broadcast_in_dim3A_117 = vector.broadcast %jit3A_116 : i32 to vector<16xi32>
      %select_n3A_118 = arith.select %and3A_115, %sub3A_108, %broadcast_in_dim3A_117 : vector<16xi1>, vector<16xi32>
      %swap3A_119 = arith.constant 32 : index
      %swap3A_120 = tpu.vector_load %arg9[%swap3A_119] {strides = array<i32>} : memref<128xi32, #tpu.memory_space<vmem>>, vector<16xi32>,
      %swap3A_121 = vector.shape_cast %swap3A_120 : vector<16xi32> to vector<16xi32>
      %swap3A_122 = vector.shape_cast %select_n3A_118 : vector<16xi32> to vector<16xi32>
      tpu.vector_store %arg9[%swap3A_119], %swap3A_122 {strides = array<i32>} : memref<128xi32, #tpu.memory_space<vmem>>, vector<16xi32>,
      %get3A_123 = arith.constant 48 : index
      %get3A_124 = tpu.vector_load %arg8[%get3A_123] {strides = array<i32>} : memref<128xi32, #tpu.memory_space<vmem>>, vector<16xi32>,
      %get3A_125 = vector.shape_cast %get3A_124 : vector<16xi32> to vector<16xi32>
      %sub3A_126 = vector.broadcast %mul3A_52 : i32 to vector<16xi32>
      %sub3A_127 = arith.subi %get3A_125, %sub3A_126 : vector<16xi32>
      %ge3A_128 = arith.constant 0 : i32
      %ge3A_129 = vector.broadcast %ge3A_128 : i32 to vector<16xi32>
      %ge3A_130 = arith.cmpi sge, %sub3A_127, %ge3A_129 : vector<16xi32>
      %lt3A_131 = arith.constant 25000 : i32
      %lt3A_132 = vector.broadcast %lt3A_131 : i32 to vector<16xi32>
      %lt3A_133 = arith.cmpi slt, %sub3A_127, %lt3A_132 : vector<16xi32>
      %and3A_134 = arith.andi %ge3A_130, %lt3A_133 : vector<16xi1>
      %jit3A_135 = arith.constant 25088 : i32
      %broadcast_in_dim3A_136 = vector.broadcast %jit3A_135 : i32 to vector<16xi32>
      %select_n3A_137 = arith.select %and3A_134, %sub3A_127, %broadcast_in_dim3A_136 : vector<16xi1>, vector<16xi32>
      %swap3A_138 = arith.constant 48 : index
      %swap3A_139 = tpu.vector_load %arg9[%swap3A_138] {strides = array<i32>} : memref<128xi32, #tpu.memory_space<vmem>>, vector<16xi32>,
      %swap3A_140 = vector.shape_cast %swap3A_139 : vector<16xi32> to vector<16xi32>
      %swap3A_141 = vector.shape_cast %select_n3A_137 : vector<16xi32> to vector<16xi32>
      tpu.vector_store %arg9[%swap3A_138], %swap3A_141 {strides = array<i32>} : memref<128xi32, #tpu.memory_space<vmem>>, vector<16xi32>,
      %get3A_142 = arith.constant 64 : index
      %get3A_143 = tpu.vector_load %arg8[%get3A_142] {strides = array<i32>} : memref<128xi32, #tpu.memory_space<vmem>>, vector<16xi32>,
      %get3A_144 = vector.shape_cast %get3A_143 : vector<16xi32> to vector<16xi32>
      %sub3A_145 = vector.broadcast %mul3A_52 : i32 to vector<16xi32>
      %sub3A_146 = arith.subi %get3A_144, %sub3A_145 : vector<16xi32>
      %ge3A_147 = arith.constant 0 : i32
      %ge3A_148 = vector.broadcast %ge3A_147 : i32 to vector<16xi32>
      %ge3A_149 = arith.cmpi sge, %sub3A_146, %ge3A_148 : vector<16xi32>
      %lt3A_150 = arith.constant 25000 : i32
      %lt3A_151 = vector.broadcast %lt3A_150 : i32 to vector<16xi32>
      %lt3A_152 = arith.cmpi slt, %sub3A_146, %lt3A_151 : vector<16xi32>
      %and3A_153 = arith.andi %ge3A_149, %lt3A_152 : vector<16xi1>
      %jit3A_154 = arith.constant 25088 : i32
      %broadcast_in_dim3A_155 = vector.broadcast %jit3A_154 : i32 to vector<16xi32>
      %select_n3A_156 = arith.select %and3A_153, %sub3A_146, %broadcast_in_dim3A_155 : vector<16xi1>, vector<16xi32>
      %swap3A_157 = arith.constant 64 : index
      %swap3A_158 = tpu.vector_load %arg9[%swap3A_157] {strides = array<i32>} : memref<128xi32, #tpu.memory_space<vmem>>, vector<16xi32>,
      %swap3A_159 = vector.shape_cast %swap3A_158 : vector<16xi32> to vector<16xi32>
      %swap3A_160 = vector.shape_cast %select_n3A_156 : vector<16xi32> to vector<16xi32>
      tpu.vector_store %arg9[%swap3A_157], %swap3A_160 {strides = array<i32>} : memref<128xi32, #tpu.memory_space<vmem>>, vector<16xi32>,
      %get3A_161 = arith.constant 80 : index
      %get3A_162 = tpu.vector_load %arg8[%get3A_161] {strides = array<i32>} : memref<128xi32, #tpu.memory_space<vmem>>, vector<16xi32>,
      %get3A_163 = vector.shape_cast %get3A_162 : vector<16xi32> to vector<16xi32>
      %sub3A_164 = vector.broadcast %mul3A_52 : i32 to vector<16xi32>
      %sub3A_165 = arith.subi %get3A_163, %sub3A_164 : vector<16xi32>
      %ge3A_166 = arith.constant 0 : i32
      %ge3A_167 = vector.broadcast %ge3A_166 : i32 to vector<16xi32>
      %ge3A_168 = arith.cmpi sge, %sub3A_165, %ge3A_167 : vector<16xi32>
      %lt3A_169 = arith.constant 25000 : i32
      %lt3A_170 = vector.broadcast %lt3A_169 : i32 to vector<16xi32>
      %lt3A_171 = arith.cmpi slt, %sub3A_165, %lt3A_170 : vector<16xi32>
      %and3A_172 = arith.andi %ge3A_168, %lt3A_171 : vector<16xi1>
      %jit3A_173 = arith.constant 25088 : i32
      %broadcast_in_dim3A_174 = vector.broadcast %jit3A_173 : i32 to vector<16xi32>
      %select_n3A_175 = arith.select %and3A_172, %sub3A_165, %broadcast_in_dim3A_174 : vector<16xi1>, vector<16xi32>
      %swap3A_176 = arith.constant 80 : index
      %swap3A_177 = tpu.vector_load %arg9[%swap3A_176] {strides = array<i32>} : memref<128xi32, #tpu.memory_space<vmem>>, vector<16xi32>,
      %swap3A_178 = vector.shape_cast %swap3A_177 : vector<16xi32> to vector<16xi32>
      %swap3A_179 = vector.shape_cast %select_n3A_175 : vector<16xi32> to vector<16xi32>
      tpu.vector_store %arg9[%swap3A_176], %swap3A_179 {strides = array<i32>} : memref<128xi32, #tpu.memory_space<vmem>>, vector<16xi32>,
      %get3A_180 = arith.constant 96 : index
      %get3A_181 = tpu.vector_load %arg8[%get3A_180] {strides = array<i32>} : memref<128xi32, #tpu.memory_space<vmem>>, vector<16xi32>,
      %get3A_182 = vector.shape_cast %get3A_181 : vector<16xi32> to vector<16xi32>
      %sub3A_183 = vector.broadcast %mul3A_52 : i32 to vector<16xi32>
      %sub3A_184 = arith.subi %get3A_182, %sub3A_183 : vector<16xi32>
      %ge3A_185 = arith.constant 0 : i32
      %ge3A_186 = vector.broadcast %ge3A_185 : i32 to vector<16xi32>
      %ge3A_187 = arith.cmpi sge, %sub3A_184, %ge3A_186 : vector<16xi32>
      %lt3A_188 = arith.constant 25000 : i32
      %lt3A_189 = vector.broadcast %lt3A_188 : i32 to vector<16xi32>
      %lt3A_190 = arith.cmpi slt, %sub3A_184, %lt3A_189 : vector<16xi32>
      %and3A_191 = arith.andi %ge3A_187, %lt3A_190 : vector<16xi1>
      %jit3A_192 = arith.constant 25088 : i32
      %broadcast_in_dim3A_193 = vector.broadcast %jit3A_192 : i32 to vector<16xi32>
      %select_n3A_194 = arith.select %and3A_191, %sub3A_184, %broadcast_in_dim3A_193 : vector<16xi1>, vector<16xi32>
      %swap3A_195 = arith.constant 96 : index
      %swap3A_196 = tpu.vector_load %arg9[%swap3A_195] {strides = array<i32>} : memref<128xi32, #tpu.memory_space<vmem>>, vector<16xi32>,
      %swap3A_197 = vector.shape_cast %swap3A_196 : vector<16xi32> to vector<16xi32>
      %swap3A_198 = vector.shape_cast %select_n3A_194 : vector<16xi32> to vector<16xi32>
      tpu.vector_store %arg9[%swap3A_195], %swap3A_198 {strides = array<i32>} : memref<128xi32, #tpu.memory_space<vmem>>, vector<16xi32>,
      %get3A_199 = arith.constant 112 : index
      %get3A_200 = tpu.vector_load %arg8[%get3A_199] {strides = array<i32>} : memref<128xi32, #tpu.memory_space<vmem>>, vector<16xi32>,
      %get3A_201 = vector.shape_cast %get3A_200 : vector<16xi32> to vector<16xi32>
      %sub3A_202 = vector.broadcast %mul3A_52 : i32 to vector<16xi32>
      %sub3A_203 = arith.subi %get3A_201, %sub3A_202 : vector<16xi32>
      %ge3A_204 = arith.constant 0 : i32
      %ge3A_205 = vector.broadcast %ge3A_204 : i32 to vector<16xi32>
      %ge3A_206 = arith.cmpi sge, %sub3A_203, %ge3A_205 : vector<16xi32>
      %lt3A_207 = arith.constant 25000 : i32
      %lt3A_208 = vector.broadcast %lt3A_207 : i32 to vector<16xi32>
      %lt3A_209 = arith.cmpi slt, %sub3A_203, %lt3A_208 : vector<16xi32>
      %and3A_210 = arith.andi %ge3A_206, %lt3A_209 : vector<16xi1>
      %jit3A_211 = arith.constant 25088 : i32
      %broadcast_in_dim3A_212 = vector.broadcast %jit3A_211 : i32 to vector<16xi32>
      %select_n3A_213 = arith.select %and3A_210, %sub3A_203, %broadcast_in_dim3A_212 : vector<16xi1>, vector<16xi32>
      %swap3A_214 = arith.constant 112 : index
      %swap3A_215 = tpu.vector_load %arg9[%swap3A_214] {strides = array<i32>} : memref<128xi32, #tpu.memory_space<vmem>>, vector<16xi32>,
      %swap3A_216 = vector.shape_cast %swap3A_215 : vector<16xi32> to vector<16xi32>
      %swap3A_217 = vector.shape_cast %select_n3A_213 : vector<16xi32> to vector<16xi32>
      tpu.vector_store %arg9[%swap3A_214], %swap3A_217 {strides = array<i32>} : memref<128xi32, #tpu.memory_space<vmem>>, vector<16xi32>,
      "tpu.region"() ({
        %run_scoped3A = tpu.sem_alloc : memref<!tpu.dma_semaphore, #tpu.memory_space<semaphore_mem>>
        %dma_start3A = arith.constant 0 : i32
        %dma_start3A_218 = arith.constant 0 : i32
        %dma_start3A_219 = tpu.memref_slice %arg16[%dma_start3A, %dma_start3A_218] : memref<25600x48xf32, #tpu.memory_space<vmem_shared>> -> memref<25600x48xf32, #tpu.memory_space<vmem_shared>>
        tpu.enqueue_indirect_dma source(%arg10 : memref<128x48xf32, #tpu.memory_space<vmem>>) target(%dma_start3A_219 : memref<25600x48xf32, #tpu.memory_space<vmem_shared>>) offsets(%arg9 : memref<128xi32, #tpu.memory_space<vmem>>) semaphore(%run_scoped3A : memref<!tpu.dma_semaphore, #tpu.memory_space<semaphore_mem>>) {add = true}
        %dma_wait3A = arith.constant 0 : i32
        %dma_wait3A_220 = arith.constant 0 : i32
        %dma_wait3A_221 = tpu.memref_slice %arg16[%dma_wait3A, %dma_wait3A_220] : memref<25600x48xf32, #tpu.memory_space<vmem_shared>> -> memref<25600x48xf32, #tpu.memory_space<vmem_shared>>
        tpu.wait_indirect_dma semaphore(%run_scoped3A : memref<!tpu.dma_semaphore, #tpu.memory_space<semaphore_mem>>) src(%arg10 : memref<128x48xf32, #tpu.memory_space<vmem>>) dst(%dma_wait3A_221 : memref<25600x48xf32, #tpu.memory_space<vmem_shared>>)
        tpu.yield
      }) : () -> ()
      "tpu.region"() ({
        %run_scoped3A = tpu.sem_alloc : memref<!tpu.dma_semaphore, #tpu.memory_space<semaphore_mem>>
        %dma_start3A = arith.constant 0 : i32
        %dma_start3A_218 = tpu.memref_slice %arg17[%dma_start3A] : memref<25600xf32, #tpu.memory_space<vmem_shared>> -> memref<25600xf32, #tpu.memory_space<vmem_shared>>
        tpu.enqueue_indirect_dma source(%arg11 : memref<128xf32, #tpu.memory_space<vmem>>) target(%dma_start3A_218 : memref<25600xf32, #tpu.memory_space<vmem_shared>>) offsets(%arg9 : memref<128xi32, #tpu.memory_space<vmem>>) semaphore(%run_scoped3A : memref<!tpu.dma_semaphore, #tpu.memory_space<semaphore_mem>>) {add = true}
        %dma_wait3A = arith.constant 0 : i32
        %dma_wait3A_219 = tpu.memref_slice %arg17[%dma_wait3A] : memref<25600xf32, #tpu.memory_space<vmem_shared>> -> memref<25600xf32, #tpu.memory_space<vmem_shared>>
        tpu.wait_indirect_dma semaphore(%run_scoped3A : memref<!tpu.dma_semaphore, #tpu.memory_space<semaphore_mem>>) src(%arg11 : memref<128xf32, #tpu.memory_space<vmem>>) dst(%dma_wait3A_219 : memref<25600xf32, #tpu.memory_space<vmem_shared>>)
        tpu.yield
      }) : () -> ()
    }
    %scan3A_57 = arith.constant 392 : i32
    %barrier3A_58 = arith.constant 0 : index
    tpu.barrier barrier_id(%barrier3A_58)
    %mul3A_59 = arith.constant 1568 : i32
    %mul3A_60 = arith.muli %arg1, %mul3A_59 : i32
    "tpu.region"() ({
      %run_scoped3A = tpu.sem_alloc : memref<!tpu.dma_semaphore, #tpu.memory_space<semaphore_mem>>
      %dma_start3A = tpu.memref_slice %arg17[%mul3A_60] : memref<25600xf32, #tpu.memory_space<vmem_shared>> -> memref<1568xf32, #tpu.memory_space<vmem_shared>>
      %dma_start3A_68 = tpu.memref_slice %arg17[%mul3A_60] : memref<25600xf32, #tpu.memory_space<vmem_shared>> -> memref<1568xf32, #tpu.memory_space<vmem_shared>>
      tpu.enqueue_dma source(%dma_start3A_68 : memref<1568xf32, #tpu.memory_space<vmem_shared>>) target(%arg15 : memref<1568xf32, #tpu.memory_space<vmem>>) target_semaphore(%run_scoped3A : memref<!tpu.dma_semaphore, #tpu.memory_space<semaphore_mem>>)
      %dma_wait3A = tpu.memref_slice %arg17[%mul3A_60] : memref<25600xf32, #tpu.memory_space<vmem_shared>> -> memref<1568xf32, #tpu.memory_space<vmem_shared>>
      %dma_wait3A_69 = tpu.memref_slice %arg17[%mul3A_60] : memref<25600xf32, #tpu.memory_space<vmem_shared>> -> memref<1568xf32, #tpu.memory_space<vmem_shared>>
      tpu.wait_dma2 semaphore(%run_scoped3A : memref<!tpu.dma_semaphore, #tpu.memory_space<semaphore_mem>>) src(%dma_wait3A_69 : memref<1568xf32, #tpu.memory_space<vmem_shared>>) dst(%arg15 : memref<1568xf32, #tpu.memory_space<vmem>>)
      tpu.yield
    }) : () -> ()
    %mul3A_61 = arith.constant 1568 : i32
    %mul3A_62 = arith.muli %arg1, %mul3A_61 : i32
    "tpu.region"() ({
      %run_scoped3A = tpu.sem_alloc : memref<!tpu.dma_semaphore, #tpu.memory_space<semaphore_mem>>
      %dma_start3A = tpu.memref_slice %arg7[%arg0, %mul3A_62] : memref<2x25088xf32, #tpu.memory_space<hbm>> -> memref<1x1568xf32, #tpu.memory_space<hbm>>
      %dma_start3A_68 = tpu.memref_squeeze %dma_start3A : memref<1x1568xf32, #tpu.memory_space<hbm>> -> memref<1568xf32, #tpu.memory_space<hbm>>
      %dma_start3A_69 = tpu.memref_slice %arg7[%arg0, %mul3A_62] : memref<2x25088xf32, #tpu.memory_space<hbm>> -> memref<1x1568xf32, #tpu.memory_space<hbm>>
      %dma_start3A_70 = tpu.memref_squeeze %dma_start3A_69 : memref<1x1568xf32, #tpu.memory_space<hbm>> -> memref<1568xf32, #tpu.memory_space<hbm>>
      tpu.enqueue_dma source(%arg15 : memref<1568xf32, #tpu.memory_space<vmem>>) target(%dma_start3A_70 : memref<1568xf32, #tpu.memory_space<hbm>>) target_semaphore(%run_scoped3A : memref<!tpu.dma_semaphore, #tpu.memory_space<semaphore_mem>>)
      %dma_wait3A = tpu.memref_slice %arg7[%arg0, %mul3A_62] : memref<2x25088xf32, #tpu.memory_space<hbm>> -> memref<1x1568xf32, #tpu.memory_space<hbm>>
      %dma_wait3A_71 = tpu.memref_squeeze %dma_wait3A : memref<1x1568xf32, #tpu.memory_space<hbm>> -> memref<1568xf32, #tpu.memory_space<hbm>>
      %dma_wait3A_72 = tpu.memref_slice %arg7[%arg0, %mul3A_62] : memref<2x25088xf32, #tpu.memory_space<hbm>> -> memref<1x1568xf32, #tpu.memory_space<hbm>>
      %dma_wait3A_73 = tpu.memref_squeeze %dma_wait3A_72 : memref<1x1568xf32, #tpu.memory_space<hbm>> -> memref<1568xf32, #tpu.memory_space<hbm>>
      tpu.wait_dma2 semaphore(%run_scoped3A : memref<!tpu.dma_semaphore, #tpu.memory_space<semaphore_mem>>) src(%arg15 : memref<1568xf32, #tpu.memory_space<vmem>>) dst(%dma_wait3A_73 : memref<1568xf32, #tpu.memory_space<hbm>>)
      tpu.yield
    }) : () -> ()
    %scan3A_63 = arith.constant 0 : i32
    %scan3A_64 = arith.constant 28 : i32
    %scan3A_65 = arith.addi %scan3A_63, %scan3A_64 : i32
    %scan3A_66 = arith.constant 1 : i32
    scf.for %scan3A_68 = %scan3A_63 to %scan3A_65 step %scan3A_66  : i32 {
      %mul3A_69 = arith.constant 1568 : i32
      %mul3A_70 = arith.muli %arg1, %mul3A_69 : i32
      %mul3A_71 = arith.constant 56 : i32
      %mul3A_72 = arith.muli %scan3A_68, %mul3A_71 : i32
      %add3A = arith.addi %mul3A_70, %mul3A_72 : i32
      "tpu.region"() ({
        %run_scoped3A = tpu.sem_alloc : memref<!tpu.dma_semaphore, #tpu.memory_space<semaphore_mem>>
        %dma_start3A = arith.constant 0 : i32
        %dma_start3A_73 = tpu.memref_slice %arg16[%add3A, %dma_start3A] : memref<25600x48xf32, #tpu.memory_space<vmem_shared>> -> memref<56x48xf32, #tpu.memory_space<vmem_shared>>
        %dma_start3A_74 = arith.constant 0 : i32
        %dma_start3A_75 = tpu.memref_slice %arg16[%add3A, %dma_start3A_74] : memref<25600x48xf32, #tpu.memory_space<vmem_shared>> -> memref<56x48xf32, #tpu.memory_space<vmem_shared>>
        tpu.enqueue_dma source(%dma_start3A_75 : memref<56x48xf32, #tpu.memory_space<vmem_shared>>) target(%arg14 : memref<56x48xf32, #tpu.memory_space<vmem>>) target_semaphore(%run_scoped3A : memref<!tpu.dma_semaphore, #tpu.memory_space<semaphore_mem>>)
        %dma_wait3A = arith.constant 0 : i32
        %dma_wait3A_76 = tpu.memref_slice %arg16[%add3A, %dma_wait3A] : memref<25600x48xf32, #tpu.memory_space<vmem_shared>> -> memref<56x48xf32, #tpu.memory_space<vmem_shared>>
        %dma_wait3A_77 = arith.constant 0 : i32
        %dma_wait3A_78 = tpu.memref_slice %arg16[%add3A, %dma_wait3A_77] : memref<25600x48xf32, #tpu.memory_space<vmem_shared>> -> memref<56x48xf32, #tpu.memory_space<vmem_shared>>
        tpu.wait_dma2 semaphore(%run_scoped3A : memref<!tpu.dma_semaphore, #tpu.memory_space<semaphore_mem>>) src(%dma_wait3A_78 : memref<56x48xf32, #tpu.memory_space<vmem_shared>>) dst(%arg14 : memref<56x48xf32, #tpu.memory_space<vmem>>)
        tpu.yield
      }) : () -> ()
      "tpu.region"() ({
        %run_scoped3A = tpu.sem_alloc : memref<!tpu.dma_semaphore, #tpu.memory_space<semaphore_mem>>
        %dma_start3A = arith.constant 0 : i32
        %dma_start3A_73 = tpu.memref_slice %arg6[%arg0, %add3A, %dma_start3A] : memref<2x25088x48xf32, #tpu.memory_space<hbm>> -> memref<1x56x48xf32, #tpu.memory_space<hbm>>
        %dma_start3A_74 = tpu.memref_squeeze %dma_start3A_73 : memref<1x56x48xf32, #tpu.memory_space<hbm>> -> memref<56x48xf32, #tpu.memory_space<hbm>>
        %dma_start3A_75 = arith.constant 0 : i32
        %dma_start3A_76 = tpu.memref_slice %arg6[%arg0, %add3A, %dma_start3A_75] : memref<2x25088x48xf32, #tpu.memory_space<hbm>> -> memref<1x56x48xf32, #tpu.memory_space<hbm>>
        %dma_start3A_77 = tpu.memref_squeeze %dma_start3A_76 : memref<1x56x48xf32, #tpu.memory_space<hbm>> -> memref<56x48xf32, #tpu.memory_space<hbm>>
        tpu.enqueue_dma source(%arg14 : memref<56x48xf32, #tpu.memory_space<vmem>>) target(%dma_start3A_77 : memref<56x48xf32, #tpu.memory_space<hbm>>) target_semaphore(%run_scoped3A : memref<!tpu.dma_semaphore, #tpu.memory_space<semaphore_mem>>)
        %dma_wait3A = arith.constant 0 : i32
        %dma_wait3A_78 = tpu.memref_slice %arg6[%arg0, %add3A, %dma_wait3A] : memref<2x25088x48xf32, #tpu.memory_space<hbm>> -> memref<1x56x48xf32, #tpu.memory_space<hbm>>
        %dma_wait3A_79 = tpu.memref_squeeze %dma_wait3A_78 : memref<1x56x48xf32, #tpu.memory_space<hbm>> -> memref<56x48xf32, #tpu.memory_space<hbm>>
        %dma_wait3A_80 = arith.constant 0 : i32
        %dma_wait3A_81 = tpu.memref_slice %arg6[%arg0, %add3A, %dma_wait3A_80] : memref<2x25088x48xf32, #tpu.memory_space<hbm>> -> memref<1x56x48xf32, #tpu.memory_space<hbm>>
        %dma_wait3A_82 = tpu.memref_squeeze %dma_wait3A_81 : memref<1x56x48xf32, #tpu.memory_space<hbm>> -> memref<56x48xf32, #tpu.memory_space<hbm>>
        tpu.wait_dma2 semaphore(%run_scoped3A : memref<!tpu.dma_semaphore, #tpu.memory_space<semaphore_mem>>) src(%arg14 : memref<56x48xf32, #tpu.memory_space<vmem>>) dst(%dma_wait3A_82 : memref<56x48xf32, #tpu.memory_space<hbm>>)
        tpu.yield
      }) : () -> ()
    }
    %scan3A_67 = arith.constant 28 : i32
    return
  }
}

module attributes {stable_mosaic.version = 14 : i64} {
  func.func @body(%arg0: i32, %arg1: memref<4096x48xf32, #tpu.memory_space<vmem>>, %arg2: memref<4096x48xf32, #tpu.memory_space<vmem>>, %arg3: memref<4096x8xf32, #tpu.memory_space<vmem>>, %arg4: memref<4096x8xf32, #tpu.memory_space<vmem>>, %arg5: memref<48x48xf32, #tpu.memory_space<vmem>>, %arg6: memref<48x48xf32, #tpu.memory_space<vmem>>, %arg7: memref<8x48xf32, #tpu.memory_space<vmem>>, %arg8: memref<48x16xf32, #tpu.memory_space<vmem>>, %arg9: memref<4096x48xf32, #tpu.memory_space<vmem>>, %arg10: memref<4096x1xf32, #tpu.memory_space<vmem>>, %arg11: memref<2x16xf32, #tpu.memory_space<vmem>>) attributes {dimension_semantics = [#tpu.dimension_semantics<arbitrary>], iteration_bounds = array<i64: 196>, scalar_prefetch = 0 : i64, scratch_operands = 0 : i64, tpu.core_type = #tpu.core_type<tc>, window_params = [{transform_indices = @transform_0, window_bounds = array<i64: 4096, 48>}, {transform_indices = @transform_1, window_bounds = array<i64: 4096, 48>}, {transform_indices = @transform_2, window_bounds = array<i64: 4096, 8>}, {transform_indices = @transform_3, window_bounds = array<i64: 4096, 8>}, {pipeline_mode = #tpu.pipeline_mode<synchronous>, transform_indices = @transform_4, window_bounds = array<i64: 48, 48>}, {pipeline_mode = #tpu.pipeline_mode<synchronous>, transform_indices = @transform_5, window_bounds = array<i64: 48, 48>}, {pipeline_mode = #tpu.pipeline_mode<synchronous>, transform_indices = @transform_6, window_bounds = array<i64: 8, 48>}, {pipeline_mode = #tpu.pipeline_mode<synchronous>, transform_indices = @transform_7, window_bounds = array<i64: 48, 16>}, {transform_indices = @transform_8, window_bounds = array<i64: 4096, 48>}, {transform_indices = @transform_9, window_bounds = array<i64: 4096, 1>}, {pipeline_mode = #tpu.pipeline_mode<synchronous>, transform_indices = @transform_10, window_bounds = array<i64: 2, 16>}]} {
    %get3A = arith.constant 0 : index
    %get3A_0 = arith.constant 0 : index
    %get3A_1 = vector.load %arg4[%get3A, %get3A_0] : memref<4096x8xf32, #tpu.memory_space<vmem>>, vector<4096x8xf32>
    %get3A_2 = arith.constant 0 : index
    %get3A_3 = arith.constant 0 : index
    %get3A_4 = vector.load %arg3[%get3A_2, %get3A_3] : memref<4096x8xf32, #tpu.memory_space<vmem>>, vector<4096x8xf32>
    %sub3A = arith.subf %get3A_1, %get3A_4 : vector<4096x8xf32>
    %iota3A = tpu.iota {dimensions = array<i32: 1>} : vector<4096x8xi32>
    %lt3A = arith.constant 3 : i32
    %lt3A_5 = vector.broadcast %lt3A : i32 to vector<4096x8xi32>
    %lt3A_6 = arith.cmpi slt, %iota3A, %lt3A_5 : vector<4096x8xi32>
    %jit3A = arith.constant 0.000000e+00 : f32
    %broadcast_in_dim3A = vector.broadcast %jit3A : f32 to vector<4096x8xf32>
    %select_n3A = arith.select %lt3A_6, %sub3A, %broadcast_in_dim3A : vector<4096x8xi1>, vector<4096x8xf32>
    %mul3A = arith.mulf %select_n3A, %select_n3A : vector<4096x8xf32>
    %reduce_sum3A = arith.constant dense<0.000000e+00> : vector<4096xf32>
    %reduce_sum3A_7 = vector.multi_reduction <add>, %mul3A, %reduce_sum3A [1] : vector<4096x8xf32> to vector<4096xf32>
    %broadcast_in_dim3A_8 = vector.shape_cast %reduce_sum3A_7 : vector<4096xf32> to vector<4096x1xf32>
    %sqrt3A = math.sqrt %broadcast_in_dim3A_8 : vector<4096x1xf32>
    %swap3A = arith.constant 0 : index
    %swap3A_9 = arith.constant 0 : index
    %swap3A_10 = vector.load %arg10[%swap3A, %swap3A_9] : memref<4096x1xf32, #tpu.memory_space<vmem>>, vector<4096x1xf32>
    tpu.vector_store %arg10[%swap3A, %swap3A_9], %sqrt3A {strides = array<i32>} : memref<4096x1xf32, #tpu.memory_space<vmem>>, vector<4096x1xf32>,
    %get3A_11 = arith.constant 0 : index
    %get3A_12 = arith.constant 0 : index
    %get3A_13 = vector.load %arg1[%get3A_11, %get3A_12] : memref<4096x48xf32, #tpu.memory_space<vmem>>, vector<4096x48xf32>
    %get3A_14 = arith.constant 0 : index
    %get3A_15 = arith.constant 0 : index
    %get3A_16 = vector.load %arg5[%get3A_14, %get3A_15] : memref<48x48xf32, #tpu.memory_space<vmem>>, vector<48x48xf32>
    %convert_element_type3A = arith.truncf %get3A_13 : vector<4096x48xf32> to vector<4096x48xbf16>
    %convert_element_type3A_17 = arith.truncf %get3A_16 : vector<48x48xf32> to vector<48x48xbf16>
    %dot_general3A = arith.constant dense<0.000000e+00> : vector<4096x48xf32>
    %dot_general3A_18 = tpu.matmul %convert_element_type3A, %convert_element_type3A_17, %dot_general3A {dimension_numbers = #tpu.dot_dimension_numbers<[1], [0], [0], [1], [0, 0, 1, 1], [], []>, transpose_lhs_hint = false} : vector<4096x48xbf16>, vector<48x48xbf16>, vector<4096x48xf32> -> vector<4096x48xf32>
    %get3A_19 = arith.constant 0 : index
    %get3A_20 = arith.constant 0 : index
    %get3A_21 = vector.load %arg2[%get3A_19, %get3A_20] : memref<4096x48xf32, #tpu.memory_space<vmem>>, vector<4096x48xf32>
    %get3A_22 = arith.constant 0 : index
    %get3A_23 = arith.constant 0 : index
    %get3A_24 = vector.load %arg6[%get3A_22, %get3A_23] : memref<48x48xf32, #tpu.memory_space<vmem>>, vector<48x48xf32>
    %convert_element_type3A_25 = arith.truncf %get3A_21 : vector<4096x48xf32> to vector<4096x48xbf16>
    %convert_element_type3A_26 = arith.truncf %get3A_24 : vector<48x48xf32> to vector<48x48xbf16>
    %dot_general3A_27 = arith.constant dense<0.000000e+00> : vector<4096x48xf32>
    %dot_general3A_28 = tpu.matmul %convert_element_type3A_25, %convert_element_type3A_26, %dot_general3A_27 {dimension_numbers = #tpu.dot_dimension_numbers<[1], [0], [0], [1], [0, 0, 1, 1], [], []>, transpose_lhs_hint = false} : vector<4096x48xbf16>, vector<48x48xbf16>, vector<4096x48xf32> -> vector<4096x48xf32>
    %add3A = arith.addf %dot_general3A_18, %dot_general3A_28 : vector<4096x48xf32>
    %get3A_29 = arith.constant 0 : index
    %get3A_30 = arith.constant 0 : index
    %get3A_31 = vector.load %arg7[%get3A_29, %get3A_30] : memref<8x48xf32, #tpu.memory_space<vmem>>, vector<8x48xf32>
    %convert_element_type3A_32 = arith.truncf %select_n3A : vector<4096x8xf32> to vector<4096x8xbf16>
    %convert_element_type3A_33 = arith.truncf %get3A_31 : vector<8x48xf32> to vector<8x48xbf16>
    %dot_general3A_34 = arith.constant dense<0.000000e+00> : vector<4096x48xf32>
    %dot_general3A_35 = tpu.matmul %convert_element_type3A_32, %convert_element_type3A_33, %dot_general3A_34 {dimension_numbers = #tpu.dot_dimension_numbers<[1], [0], [0], [1], [0, 0, 1, 1], [], []>, transpose_lhs_hint = false} : vector<4096x8xbf16>, vector<8x48xbf16>, vector<4096x48xf32> -> vector<4096x48xf32>
    %add3A_36 = arith.addf %add3A, %dot_general3A_35 : vector<4096x48xf32>
    %swap3A_37 = arith.constant 0 : index
    %swap3A_38 = arith.constant 0 : index
    %swap3A_39 = vector.load %arg9[%swap3A_37, %swap3A_38] : memref<4096x48xf32, #tpu.memory_space<vmem>>, vector<4096x48xf32>
    tpu.vector_store %arg9[%swap3A_37, %swap3A_38], %add3A_36 {strides = array<i32>} : memref<4096x48xf32, #tpu.memory_space<vmem>>, vector<4096x48xf32>,
    %mul3A_40 = arith.mulf %add3A_36, %add3A_36 : vector<4096x48xf32>
    %get3A_41 = arith.constant 0 : index
    %get3A_42 = arith.constant 0 : index
    %get3A_43 = vector.load %arg8[%get3A_41, %get3A_42] : memref<48x16xf32, #tpu.memory_space<vmem>>, vector<48x16xf32>
    %convert_element_type3A_44 = arith.truncf %mul3A_40 : vector<4096x48xf32> to vector<4096x48xbf16>
    %convert_element_type3A_45 = arith.extf %convert_element_type3A_44 : vector<4096x48xbf16> to vector<4096x48xf32>
    %sub3A_46 = arith.subf %mul3A_40, %convert_element_type3A_45 : vector<4096x48xf32>
    %convert_element_type3A_47 = arith.truncf %convert_element_type3A_45 : vector<4096x48xf32> to vector<4096x48xbf16>
    %convert_element_type3A_48 = arith.truncf %get3A_43 : vector<48x16xf32> to vector<48x16xbf16>
    %dot_general3A_49 = arith.constant dense<0.000000e+00> : vector<4096x16xf32>
    %dot_general3A_50 = tpu.matmul %convert_element_type3A_47, %convert_element_type3A_48, %dot_general3A_49 {dimension_numbers = #tpu.dot_dimension_numbers<[1], [0], [0], [1], [0, 0, 1, 1], [], []>, transpose_lhs_hint = false} : vector<4096x48xbf16>, vector<48x16xbf16>, vector<4096x16xf32> -> vector<4096x16xf32>
    %convert_element_type3A_51 = arith.truncf %sub3A_46 : vector<4096x48xf32> to vector<4096x48xbf16>
    %convert_element_type3A_52 = arith.truncf %get3A_43 : vector<48x16xf32> to vector<48x16xbf16>
    %dot_general3A_53 = arith.constant dense<0.000000e+00> : vector<4096x16xf32>
    %dot_general3A_54 = tpu.matmul %convert_element_type3A_51, %convert_element_type3A_52, %dot_general3A_53 {dimension_numbers = #tpu.dot_dimension_numbers<[1], [0], [0], [1], [0, 0, 1, 1], [], []>, transpose_lhs_hint = false} : vector<4096x48xbf16>, vector<48x16xbf16>, vector<4096x16xf32> -> vector<4096x16xf32>
    %add3A_55 = arith.addf %dot_general3A_50, %dot_general3A_54 : vector<4096x16xf32>
    %sqrt3A_56 = math.sqrt %add3A_55 : vector<4096x16xf32>
    %mul3A_57 = arith.constant 4096 : i32
    %mul3A_58 = arith.muli %arg0, %mul3A_57 : i32
    %iota3A_59 = tpu.iota {dimensions = array<i32: 0>} : vector<4096x16xi32>
    %add3A_60 = vector.broadcast %mul3A_58 : i32 to vector<4096x16xi32>
    %add3A_61 = arith.addi %add3A_60, %iota3A_59 : vector<4096x16xi32>
    %lt3A_62 = arith.constant 800000 : i32
    %lt3A_63 = vector.broadcast %lt3A_62 : i32 to vector<4096x16xi32>
    %lt3A_64 = arith.cmpi slt, %add3A_61, %lt3A_63 : vector<4096x16xi32>
    %jit3A_65 = arith.constant 0.000000e+00 : f32
    %broadcast_in_dim3A_66 = vector.broadcast %jit3A_65 : f32 to vector<4096x16xf32>
    %select_n3A_67 = arith.select %lt3A_64, %sqrt3A_56, %broadcast_in_dim3A_66 : vector<4096x16xi1>, vector<4096x16xf32>
    %reduce_sum3A_68 = arith.constant dense<0.000000e+00> : vector<16xf32>
    %reduce_sum3A_69 = vector.multi_reduction <add>, %select_n3A_67, %reduce_sum3A_68 [0] : vector<4096x16xf32> to vector<16xf32>
    %mul3A_70 = arith.mulf %select_n3A_67, %select_n3A_67 : vector<4096x16xf32>
    %reduce_sum3A_71 = arith.constant dense<0.000000e+00> : vector<16xf32>
    %reduce_sum3A_72 = vector.multi_reduction <add>, %mul3A_70, %reduce_sum3A_71 [0] : vector<4096x16xf32> to vector<16xf32>
    %stack3A = vector.shape_cast %reduce_sum3A_69 : vector<16xf32> to vector<1x16xf32>
    %stack3A_73 = vector.shape_cast %reduce_sum3A_72 : vector<16xf32> to vector<1x16xf32>
    %stack3A_74 = tpu.concatenate %stack3A, %stack3A_73 in 0 : vector<1x16xf32>, vector<1x16xf32> -> vector<2x16xf32>
    %eq3A = arith.constant 0 : i32
    %eq3A_75 = arith.cmpi eq, %arg0, %eq3A : i32
    %convert_element_type3A_76 = arith.extui %eq3A_75 : i1 to i32
    %cond3A = arith.constant 0 : i32
    %cond3A_77 = arith.cmpi ne, %convert_element_type3A_76, %cond3A : i32
    scf.if %cond3A_77 {
      %broadcast_in_dim3A_85 = arith.constant 0.000000e+00 : f32
      %broadcast_in_dim3A_86 = vector.broadcast %broadcast_in_dim3A_85 : f32 to vector<2x16xf32>
      %swap3A_87 = arith.constant 0 : index
      %swap3A_88 = arith.constant 0 : index
      %swap3A_89 = vector.load %arg11[%swap3A_87, %swap3A_88] : memref<2x16xf32, #tpu.memory_space<vmem>>, vector<2x16xf32>
      tpu.vector_store %arg11[%swap3A_87, %swap3A_88], %broadcast_in_dim3A_86 {strides = array<i32>} : memref<2x16xf32, #tpu.memory_space<vmem>>, vector<2x16xf32>,
    } else {
    }
    %get3A_78 = arith.constant 0 : index
    %get3A_79 = arith.constant 0 : index
    %get3A_80 = vector.load %arg11[%get3A_78, %get3A_79] : memref<2x16xf32, #tpu.memory_space<vmem>>, vector<2x16xf32>
    %add3A_81 = arith.addf %get3A_80, %stack3A_74 : vector<2x16xf32>
    %swap3A_82 = arith.constant 0 : index
    %swap3A_83 = arith.constant 0 : index
    %swap3A_84 = vector.load %arg11[%swap3A_82, %swap3A_83] : memref<2x16xf32, #tpu.memory_space<vmem>>, vector<2x16xf32>
    tpu.vector_store %arg11[%swap3A_82, %swap3A_83], %add3A_81 {strides = array<i32>} : memref<2x16xf32, #tpu.memory_space<vmem>>, vector<2x16xf32>,
    return
  }
  func.func @transform_0(%arg0: i32) -> (i32, i32) {
    %c0_i32 = arith.constant 0 : i32
    %c0_i32_0 = arith.constant 0 : i32
    return %arg0, %c0_i32 : i32, i32
  }
  func.func @transform_1(%arg0: i32) -> (i32, i32) {
    %c0_i32 = arith.constant 0 : i32
    %c0_i32_0 = arith.constant 0 : i32
    return %arg0, %c0_i32 : i32, i32
  }
  func.func @transform_2(%arg0: i32) -> (i32, i32) {
    %c0_i32 = arith.constant 0 : i32
    %c0_i32_0 = arith.constant 0 : i32
    return %arg0, %c0_i32 : i32, i32
  }
  func.func @transform_3(%arg0: i32) -> (i32, i32) {
    %c0_i32 = arith.constant 0 : i32
    %c0_i32_0 = arith.constant 0 : i32
    return %arg0, %c0_i32 : i32, i32
  }
  func.func @transform_4(%arg0: i32) -> (i32, i32) {
    %c0_i32 = arith.constant 0 : i32
    %c0_i32_0 = arith.constant 0 : i32
    %c0_i32_1 = arith.constant 0 : i32
    return %c0_i32, %c0_i32_0 : i32, i32
  }
  func.func @transform_5(%arg0: i32) -> (i32, i32) {
    %c0_i32 = arith.constant 0 : i32
    %c0_i32_0 = arith.constant 0 : i32
    %c0_i32_1 = arith.constant 0 : i32
    return %c0_i32, %c0_i32_0 : i32, i32
  }
  func.func @transform_6(%arg0: i32) -> (i32, i32) {
    %c0_i32 = arith.constant 0 : i32
    %c0_i32_0 = arith.constant 0 : i32
    %c0_i32_1 = arith.constant 0 : i32
    return %c0_i32, %c0_i32_0 : i32, i32
  }
  func.func @transform_7(%arg0: i32) -> (i32, i32) {
    %c0_i32 = arith.constant 0 : i32
    %c0_i32_0 = arith.constant 0 : i32
    %c0_i32_1 = arith.constant 0 : i32
    return %c0_i32, %c0_i32_0 : i32, i32
  }
  func.func @transform_8(%arg0: i32) -> (i32, i32) {
    %c0_i32 = arith.constant 0 : i32
    %c0_i32_0 = arith.constant 0 : i32
    return %arg0, %c0_i32 : i32, i32
  }
  func.func @transform_9(%arg0: i32) -> (i32, i32) {
    %c0_i32 = arith.constant 0 : i32
    %c0_i32_0 = arith.constant 0 : i32
    return %arg0, %c0_i32 : i32, i32
  }
  func.func @transform_10(%arg0: i32) -> (i32, i32) {
    %c0_i32 = arith.constant 0 : i32
    %c0_i32_0 = arith.constant 0 : i32
    %c0_i32_1 = arith.constant 0 : i32
    return %c0_i32, %c0_i32_0 : i32, i32
  }
}

module attributes {stable_mosaic.version = 14 : i64} {
  func.func @body(%arg0: i32, %arg1: memref<4096x48xf32, #tpu.memory_space<vmem>>, %arg2: memref<48x48xf32, #tpu.memory_space<vmem>>, %arg3: memref<48x16xf32, #tpu.memory_space<vmem>>, %arg4: memref<16x48xf32, #tpu.memory_space<vmem>>, %arg5: memref<1x16xf32, #tpu.memory_space<vmem>>, %arg6: memref<1x16xf32, #tpu.memory_space<vmem>>, %arg7: memref<1x16xf32, #tpu.memory_space<vmem>>, %arg8: memref<1x48xf32, #tpu.memory_space<vmem>>, %arg9: memref<4096x48xf32, #tpu.memory_space<vmem>>, %arg10: memref<2x16xf32, #tpu.memory_space<vmem>>) attributes {dimension_semantics = [#tpu.dimension_semantics<arbitrary>], iteration_bounds = array<i64: 196>, scalar_prefetch = 0 : i64, scratch_operands = 0 : i64, tpu.core_type = #tpu.core_type<tc>, window_params = [{transform_indices = @transform_0, window_bounds = array<i64: 4096, 48>}, {pipeline_mode = #tpu.pipeline_mode<synchronous>, transform_indices = @transform_1, window_bounds = array<i64: 48, 48>}, {pipeline_mode = #tpu.pipeline_mode<synchronous>, transform_indices = @transform_2, window_bounds = array<i64: 48, 16>}, {pipeline_mode = #tpu.pipeline_mode<synchronous>, transform_indices = @transform_3, window_bounds = array<i64: 16, 48>}, {pipeline_mode = #tpu.pipeline_mode<synchronous>, transform_indices = @transform_4, window_bounds = array<i64: 1, 16>}, {pipeline_mode = #tpu.pipeline_mode<synchronous>, transform_indices = @transform_5, window_bounds = array<i64: 1, 16>}, {pipeline_mode = #tpu.pipeline_mode<synchronous>, transform_indices = @transform_6, window_bounds = array<i64: 1, 16>}, {pipeline_mode = #tpu.pipeline_mode<synchronous>, transform_indices = @transform_7, window_bounds = array<i64: 1, 48>}, {transform_indices = @transform_8, window_bounds = array<i64: 4096, 48>}, {pipeline_mode = #tpu.pipeline_mode<synchronous>, transform_indices = @transform_9, window_bounds = array<i64: 2, 16>}]} {
    %get3A = arith.constant 0 : index
    %get3A_0 = arith.constant 0 : index
    %get3A_1 = vector.load %arg1[%get3A, %get3A_0] : memref<4096x48xf32, #tpu.memory_space<vmem>>, vector<4096x48xf32>
    %get3A_2 = arith.constant 0 : index
    %get3A_3 = arith.constant 0 : index
    %get3A_4 = vector.load %arg3[%get3A_2, %get3A_3] : memref<48x16xf32, #tpu.memory_space<vmem>>, vector<48x16xf32>
    %get3A_5 = arith.constant 0 : index
    %get3A_6 = arith.constant 0 : index
    %get3A_7 = vector.load %arg4[%get3A_5, %get3A_6] : memref<16x48xf32, #tpu.memory_space<vmem>>, vector<16x48xf32>
    %get3A_8 = arith.constant 0 : index
    %get3A_9 = arith.constant 0 : index
    %get3A_10 = vector.load %arg5[%get3A_8, %get3A_9] : memref<1x16xf32, #tpu.memory_space<vmem>>, vector<1x16xf32>
    %get3A_11 = arith.constant 0 : index
    %get3A_12 = arith.constant 0 : index
    %get3A_13 = vector.load %arg6[%get3A_11, %get3A_12] : memref<1x16xf32, #tpu.memory_space<vmem>>, vector<1x16xf32>
    %get3A_14 = arith.constant 0 : index
    %get3A_15 = arith.constant 0 : index
    %get3A_16 = vector.load %arg7[%get3A_14, %get3A_15] : memref<1x16xf32, #tpu.memory_space<vmem>>, vector<1x16xf32>
    %get3A_17 = arith.constant 0 : index
    %get3A_18 = arith.constant 0 : index
    %get3A_19 = vector.load %arg8[%get3A_17, %get3A_18] : memref<1x48xf32, #tpu.memory_space<vmem>>, vector<1x48xf32>
    %mul3A = arith.mulf %get3A_1, %get3A_1 : vector<4096x48xf32>
    %convert_element_type3A = arith.truncf %mul3A : vector<4096x48xf32> to vector<4096x48xbf16>
    %convert_element_type3A_20 = arith.extf %convert_element_type3A : vector<4096x48xbf16> to vector<4096x48xf32>
    %sub3A = arith.subf %mul3A, %convert_element_type3A_20 : vector<4096x48xf32>
    %convert_element_type3A_21 = arith.truncf %convert_element_type3A_20 : vector<4096x48xf32> to vector<4096x48xbf16>
    %convert_element_type3A_22 = arith.truncf %get3A_4 : vector<48x16xf32> to vector<48x16xbf16>
    %dot_general3A = arith.constant dense<0.000000e+00> : vector<4096x16xf32>
    %dot_general3A_23 = tpu.matmul %convert_element_type3A_21, %convert_element_type3A_22, %dot_general3A {dimension_numbers = #tpu.dot_dimension_numbers<[1], [0], [0], [1], [0, 0, 1, 1], [], []>, transpose_lhs_hint = false} : vector<4096x48xbf16>, vector<48x16xbf16>, vector<4096x16xf32> -> vector<4096x16xf32>
    %convert_element_type3A_24 = arith.truncf %sub3A : vector<4096x48xf32> to vector<4096x48xbf16>
    %convert_element_type3A_25 = arith.truncf %get3A_4 : vector<48x16xf32> to vector<48x16xbf16>
    %dot_general3A_26 = arith.constant dense<0.000000e+00> : vector<4096x16xf32>
    %dot_general3A_27 = tpu.matmul %convert_element_type3A_24, %convert_element_type3A_25, %dot_general3A_26 {dimension_numbers = #tpu.dot_dimension_numbers<[1], [0], [0], [1], [0, 0, 1, 1], [], []>, transpose_lhs_hint = false} : vector<4096x48xbf16>, vector<48x16xbf16>, vector<4096x16xf32> -> vector<4096x16xf32>
    %add3A = arith.addf %dot_general3A_23, %dot_general3A_27 : vector<4096x16xf32>
    %sqrt3A = math.sqrt %add3A : vector<4096x16xf32>
    %sub3A_28 = vector.broadcast %get3A_10 : vector<1x16xf32> to vector<4096x16xf32>
    %sub3A_29 = arith.subf %sqrt3A, %sub3A_28 : vector<4096x16xf32>
    %add3A_30 = arith.constant 9.99999974E-6 : f32
    %add3A_31 = vector.broadcast %add3A_30 : f32 to vector<4096x16xf32>
    %add3A_32 = arith.addf %sqrt3A, %add3A_31 : vector<4096x16xf32>
    %mul3A_33 = vector.broadcast %get3A_13 : vector<1x16xf32> to vector<4096x16xf32>
    %mul3A_34 = arith.mulf %add3A_32, %mul3A_33 : vector<4096x16xf32>
    %div3A = arith.divf %sub3A_29, %mul3A_34 : vector<4096x16xf32>
    %mul3A_35 = vector.broadcast %get3A_16 : vector<1x16xf32> to vector<4096x16xf32>
    %mul3A_36 = arith.mulf %div3A, %mul3A_35 : vector<4096x16xf32>
    %convert_element_type3A_37 = arith.truncf %mul3A_36 : vector<4096x16xf32> to vector<4096x16xbf16>
    %convert_element_type3A_38 = arith.extf %convert_element_type3A_37 : vector<4096x16xbf16> to vector<4096x16xf32>
    %sub3A_39 = arith.subf %mul3A_36, %convert_element_type3A_38 : vector<4096x16xf32>
    %convert_element_type3A_40 = arith.truncf %convert_element_type3A_38 : vector<4096x16xf32> to vector<4096x16xbf16>
    %convert_element_type3A_41 = arith.truncf %get3A_7 : vector<16x48xf32> to vector<16x48xbf16>
    %dot_general3A_42 = arith.constant dense<0.000000e+00> : vector<4096x48xf32>
    %dot_general3A_43 = tpu.matmul %convert_element_type3A_40, %convert_element_type3A_41, %dot_general3A_42 {dimension_numbers = #tpu.dot_dimension_numbers<[1], [0], [0], [1], [0, 0, 1, 1], [], []>, transpose_lhs_hint = false} : vector<4096x16xbf16>, vector<16x48xbf16>, vector<4096x48xf32> -> vector<4096x48xf32>
    %convert_element_type3A_44 = arith.truncf %sub3A_39 : vector<4096x16xf32> to vector<4096x16xbf16>
    %convert_element_type3A_45 = arith.truncf %get3A_7 : vector<16x48xf32> to vector<16x48xbf16>
    %dot_general3A_46 = arith.constant dense<0.000000e+00> : vector<4096x48xf32>
    %dot_general3A_47 = tpu.matmul %convert_element_type3A_44, %convert_element_type3A_45, %dot_general3A_46 {dimension_numbers = #tpu.dot_dimension_numbers<[1], [0], [0], [1], [0, 0, 1, 1], [], []>, transpose_lhs_hint = false} : vector<4096x16xbf16>, vector<16x48xbf16>, vector<4096x48xf32> -> vector<4096x48xf32>
    %add3A_48 = arith.addf %dot_general3A_43, %dot_general3A_47 : vector<4096x48xf32>
    %mul3A_49 = arith.mulf %get3A_1, %add3A_48 : vector<4096x48xf32>
    %mul3A_50 = vector.broadcast %get3A_19 : vector<1x48xf32> to vector<4096x48xf32>
    %mul3A_51 = arith.mulf %mul3A_49, %mul3A_50 : vector<4096x48xf32>
    %convert_element_type3A_52 = arith.truncf %mul3A_51 : vector<4096x48xf32> to vector<4096x48xbf16>
    %convert_element_type3A_53 = arith.extf %convert_element_type3A_52 : vector<4096x48xbf16> to vector<4096x48xf32>
    %sub3A_54 = arith.subf %mul3A_51, %convert_element_type3A_53 : vector<4096x48xf32>
    %convert_element_type3A_55 = arith.truncf %convert_element_type3A_53 : vector<4096x48xf32> to vector<4096x48xbf16>
    %convert_element_type3A_56 = arith.truncf %get3A_4 : vector<48x16xf32> to vector<48x16xbf16>
    %dot_general3A_57 = arith.constant dense<0.000000e+00> : vector<4096x16xf32>
    %dot_general3A_58 = tpu.matmul %convert_element_type3A_55, %convert_element_type3A_56, %dot_general3A_57 {dimension_numbers = #tpu.dot_dimension_numbers<[1], [0], [0], [1], [0, 0, 1, 1], [], []>, transpose_lhs_hint = false} : vector<4096x48xbf16>, vector<48x16xbf16>, vector<4096x16xf32> -> vector<4096x16xf32>
    %convert_element_type3A_59 = arith.truncf %sub3A_54 : vector<4096x48xf32> to vector<4096x48xbf16>
    %convert_element_type3A_60 = arith.truncf %get3A_4 : vector<48x16xf32> to vector<48x16xbf16>
    %dot_general3A_61 = arith.constant dense<0.000000e+00> : vector<4096x16xf32>
    %dot_general3A_62 = tpu.matmul %convert_element_type3A_59, %convert_element_type3A_60, %dot_general3A_61 {dimension_numbers = #tpu.dot_dimension_numbers<[1], [0], [0], [1], [0, 0, 1, 1], [], []>, transpose_lhs_hint = false} : vector<4096x48xbf16>, vector<48x16xbf16>, vector<4096x16xf32> -> vector<4096x16xf32>
    %add3A_63 = arith.addf %dot_general3A_58, %dot_general3A_62 : vector<4096x16xf32>
    %ge3A = arith.constant 0.000000e+00 : f32
    %ge3A_64 = vector.broadcast %ge3A : f32 to vector<4096x16xf32>
    %ge3A_65 = arith.cmpf oge, %add3A_63, %ge3A_64 : vector<4096x16xf32>
    %convert_element_type3A_66 = arith.extui %ge3A_65 : vector<4096x16xi1> to vector<4096x16xi32>
    %convert_element_type3A_67 = arith.sitofp %convert_element_type3A_66 : vector<4096x16xi32> to vector<4096x16xf32>
    %mul3A_68 = arith.constant 8.000000e-01 : f32
    %mul3A_69 = vector.broadcast %mul3A_68 : f32 to vector<4096x16xf32>
    %mul3A_70 = arith.mulf %mul3A_69, %convert_element_type3A_67 : vector<4096x16xf32>
    %add3A_71 = arith.constant 2.000000e-01 : f32
    %add3A_72 = vector.broadcast %add3A_71 : f32 to vector<4096x16xf32>
    %add3A_73 = arith.addf %add3A_72, %mul3A_70 : vector<4096x16xf32>
    %convert_element_type3A_74 = arith.truncf %add3A_73 : vector<4096x16xf32> to vector<4096x16xbf16>
    %convert_element_type3A_75 = arith.extf %convert_element_type3A_74 : vector<4096x16xbf16> to vector<4096x16xf32>
    %sub3A_76 = arith.subf %add3A_73, %convert_element_type3A_75 : vector<4096x16xf32>
    %convert_element_type3A_77 = arith.truncf %convert_element_type3A_75 : vector<4096x16xf32> to vector<4096x16xbf16>
    %convert_element_type3A_78 = arith.truncf %get3A_7 : vector<16x48xf32> to vector<16x48xbf16>
    %dot_general3A_79 = arith.constant dense<0.000000e+00> : vector<4096x48xf32>
    %dot_general3A_80 = tpu.matmul %convert_element_type3A_77, %convert_element_type3A_78, %dot_general3A_79 {dimension_numbers = #tpu.dot_dimension_numbers<[1], [0], [0], [1], [0, 0, 1, 1], [], []>, transpose_lhs_hint = false} : vector<4096x16xbf16>, vector<16x48xbf16>, vector<4096x48xf32> -> vector<4096x48xf32>
    %convert_element_type3A_81 = arith.truncf %sub3A_76 : vector<4096x16xf32> to vector<4096x16xbf16>
    %convert_element_type3A_82 = arith.truncf %get3A_7 : vector<16x48xf32> to vector<16x48xbf16>
    %dot_general3A_83 = arith.constant dense<0.000000e+00> : vector<4096x48xf32>
    %dot_general3A_84 = tpu.matmul %convert_element_type3A_81, %convert_element_type3A_82, %dot_general3A_83 {dimension_numbers = #tpu.dot_dimension_numbers<[1], [0], [0], [1], [0, 0, 1, 1], [], []>, transpose_lhs_hint = false} : vector<4096x16xbf16>, vector<16x48xbf16>, vector<4096x48xf32> -> vector<4096x48xf32>
    %add3A_85 = arith.addf %dot_general3A_80, %dot_general3A_84 : vector<4096x48xf32>
    %mul3A_86 = arith.mulf %mul3A_49, %add3A_85 : vector<4096x48xf32>
    %get3A_87 = arith.constant 0 : index
    %get3A_88 = arith.constant 0 : index
    %get3A_89 = vector.load %arg2[%get3A_87, %get3A_88] : memref<48x48xf32, #tpu.memory_space<vmem>>, vector<48x48xf32>
    %convert_element_type3A_90 = arith.truncf %mul3A_86 : vector<4096x48xf32> to vector<4096x48xbf16>
    %convert_element_type3A_91 = arith.truncf %get3A_89 : vector<48x48xf32> to vector<48x48xbf16>
    %dot_general3A_92 = arith.constant dense<0.000000e+00> : vector<4096x48xf32>
    %dot_general3A_93 = tpu.matmul %convert_element_type3A_90, %convert_element_type3A_91, %dot_general3A_92 {dimension_numbers = #tpu.dot_dimension_numbers<[1], [0], [0], [1], [0, 0, 1, 1], [], []>, transpose_lhs_hint = false} : vector<4096x48xbf16>, vector<48x48xbf16>, vector<4096x48xf32> -> vector<4096x48xf32>
    %swap3A = arith.constant 0 : index
    %swap3A_94 = arith.constant 0 : index
    %swap3A_95 = vector.load %arg9[%swap3A, %swap3A_94] : memref<4096x48xf32, #tpu.memory_space<vmem>>, vector<4096x48xf32>
    tpu.vector_store %arg9[%swap3A, %swap3A_94], %dot_general3A_93 {strides = array<i32>} : memref<4096x48xf32, #tpu.memory_space<vmem>>, vector<4096x48xf32>,
    %mul3A_96 = arith.mulf %dot_general3A_93, %dot_general3A_93 : vector<4096x48xf32>
    %get3A_97 = arith.constant 0 : index
    %get3A_98 = arith.constant 0 : index
    %get3A_99 = vector.load %arg3[%get3A_97, %get3A_98] : memref<48x16xf32, #tpu.memory_space<vmem>>, vector<48x16xf32>
    %convert_element_type3A_100 = arith.truncf %mul3A_96 : vector<4096x48xf32> to vector<4096x48xbf16>
    %convert_element_type3A_101 = arith.extf %convert_element_type3A_100 : vector<4096x48xbf16> to vector<4096x48xf32>
    %sub3A_102 = arith.subf %mul3A_96, %convert_element_type3A_101 : vector<4096x48xf32>
    %convert_element_type3A_103 = arith.truncf %convert_element_type3A_101 : vector<4096x48xf32> to vector<4096x48xbf16>
    %convert_element_type3A_104 = arith.truncf %get3A_99 : vector<48x16xf32> to vector<48x16xbf16>
    %dot_general3A_105 = arith.constant dense<0.000000e+00> : vector<4096x16xf32>
    %dot_general3A_106 = tpu.matmul %convert_element_type3A_103, %convert_element_type3A_104, %dot_general3A_105 {dimension_numbers = #tpu.dot_dimension_numbers<[1], [0], [0], [1], [0, 0, 1, 1], [], []>, transpose_lhs_hint = false} : vector<4096x48xbf16>, vector<48x16xbf16>, vector<4096x16xf32> -> vector<4096x16xf32>
    %convert_element_type3A_107 = arith.truncf %sub3A_102 : vector<4096x48xf32> to vector<4096x48xbf16>
    %convert_element_type3A_108 = arith.truncf %get3A_99 : vector<48x16xf32> to vector<48x16xbf16>
    %dot_general3A_109 = arith.constant dense<0.000000e+00> : vector<4096x16xf32>
    %dot_general3A_110 = tpu.matmul %convert_element_type3A_107, %convert_element_type3A_108, %dot_general3A_109 {dimension_numbers = #tpu.dot_dimension_numbers<[1], [0], [0], [1], [0, 0, 1, 1], [], []>, transpose_lhs_hint = false} : vector<4096x48xbf16>, vector<48x16xbf16>, vector<4096x16xf32> -> vector<4096x16xf32>
    %add3A_111 = arith.addf %dot_general3A_106, %dot_general3A_110 : vector<4096x16xf32>
    %sqrt3A_112 = math.sqrt %add3A_111 : vector<4096x16xf32>
    %mul3A_113 = arith.constant 4096 : i32
    %mul3A_114 = arith.muli %arg0, %mul3A_113 : i32
    %iota3A = tpu.iota {dimensions = array<i32: 0>} : vector<4096x16xi32>
    %add3A_115 = vector.broadcast %mul3A_114 : i32 to vector<4096x16xi32>
    %add3A_116 = arith.addi %add3A_115, %iota3A : vector<4096x16xi32>
    %lt3A = arith.constant 800000 : i32
    %lt3A_117 = vector.broadcast %lt3A : i32 to vector<4096x16xi32>
    %lt3A_118 = arith.cmpi slt, %add3A_116, %lt3A_117 : vector<4096x16xi32>
    %jit3A = arith.constant 0.000000e+00 : f32
    %broadcast_in_dim3A = vector.broadcast %jit3A : f32 to vector<4096x16xf32>
    %select_n3A = arith.select %lt3A_118, %sqrt3A_112, %broadcast_in_dim3A : vector<4096x16xi1>, vector<4096x16xf32>
    %reduce_sum3A = arith.constant dense<0.000000e+00> : vector<16xf32>
    %reduce_sum3A_119 = vector.multi_reduction <add>, %select_n3A, %reduce_sum3A [0] : vector<4096x16xf32> to vector<16xf32>
    %mul3A_120 = arith.mulf %select_n3A, %select_n3A : vector<4096x16xf32>
    %reduce_sum3A_121 = arith.constant dense<0.000000e+00> : vector<16xf32>
    %reduce_sum3A_122 = vector.multi_reduction <add>, %mul3A_120, %reduce_sum3A_121 [0] : vector<4096x16xf32> to vector<16xf32>
    %stack3A = vector.shape_cast %reduce_sum3A_119 : vector<16xf32> to vector<1x16xf32>
    %stack3A_123 = vector.shape_cast %reduce_sum3A_122 : vector<16xf32> to vector<1x16xf32>
    %stack3A_124 = tpu.concatenate %stack3A, %stack3A_123 in 0 : vector<1x16xf32>, vector<1x16xf32> -> vector<2x16xf32>
    %eq3A = arith.constant 0 : i32
    %eq3A_125 = arith.cmpi eq, %arg0, %eq3A : i32
    %convert_element_type3A_126 = arith.extui %eq3A_125 : i1 to i32
    %cond3A = arith.constant 0 : i32
    %cond3A_127 = arith.cmpi ne, %convert_element_type3A_126, %cond3A : i32
    scf.if %cond3A_127 {
      %broadcast_in_dim3A_135 = arith.constant 0.000000e+00 : f32
      %broadcast_in_dim3A_136 = vector.broadcast %broadcast_in_dim3A_135 : f32 to vector<2x16xf32>
      %swap3A_137 = arith.constant 0 : index
      %swap3A_138 = arith.constant 0 : index
      %swap3A_139 = vector.load %arg10[%swap3A_137, %swap3A_138] : memref<2x16xf32, #tpu.memory_space<vmem>>, vector<2x16xf32>
      tpu.vector_store %arg10[%swap3A_137, %swap3A_138], %broadcast_in_dim3A_136 {strides = array<i32>} : memref<2x16xf32, #tpu.memory_space<vmem>>, vector<2x16xf32>,
    } else {
    }
    %get3A_128 = arith.constant 0 : index
    %get3A_129 = arith.constant 0 : index
    %get3A_130 = vector.load %arg10[%get3A_128, %get3A_129] : memref<2x16xf32, #tpu.memory_space<vmem>>, vector<2x16xf32>
    %add3A_131 = arith.addf %get3A_130, %stack3A_124 : vector<2x16xf32>
    %swap3A_132 = arith.constant 0 : index
    %swap3A_133 = arith.constant 0 : index
    %swap3A_134 = vector.load %arg10[%swap3A_132, %swap3A_133] : memref<2x16xf32, #tpu.memory_space<vmem>>, vector<2x16xf32>
    tpu.vector_store %arg10[%swap3A_132, %swap3A_133], %add3A_131 {strides = array<i32>} : memref<2x16xf32, #tpu.memory_space<vmem>>, vector<2x16xf32>,
    return
  }
  func.func @transform_0(%arg0: i32) -> (i32, i32) {
    %c0_i32 = arith.constant 0 : i32
    %c0_i32_0 = arith.constant 0 : i32
    return %arg0, %c0_i32 : i32, i32
  }
  func.func @transform_1(%arg0: i32) -> (i32, i32) {
    %c0_i32 = arith.constant 0 : i32
    %c0_i32_0 = arith.constant 0 : i32
    %c0_i32_1 = arith.constant 0 : i32
    return %c0_i32, %c0_i32_0 : i32, i32
  }
  func.func @transform_2(%arg0: i32) -> (i32, i32) {
    %c0_i32 = arith.constant 0 : i32
    %c0_i32_0 = arith.constant 0 : i32
    %c0_i32_1 = arith.constant 0 : i32
    return %c0_i32, %c0_i32_0 : i32, i32
  }
  func.func @transform_3(%arg0: i32) -> (i32, i32) {
    %c0_i32 = arith.constant 0 : i32
    %c0_i32_0 = arith.constant 0 : i32
    %c0_i32_1 = arith.constant 0 : i32
    return %c0_i32, %c0_i32_0 : i32, i32
  }
  func.func @transform_4(%arg0: i32) -> (i32, i32) {
    %c0_i32 = arith.constant 0 : i32
    %c0_i32_0 = arith.constant 0 : i32
    %c0_i32_1 = arith.constant 0 : i32
    return %c0_i32, %c0_i32_0 : i32, i32
  }
  func.func @transform_5(%arg0: i32) -> (i32, i32) {
    %c0_i32 = arith.constant 0 : i32
    %c0_i32_0 = arith.constant 0 : i32
    %c0_i32_1 = arith.constant 0 : i32
    return %c0_i32, %c0_i32_0 : i32, i32
  }
  func.func @transform_6(%arg0: i32) -> (i32, i32) {
    %c0_i32 = arith.constant 0 : i32
    %c0_i32_0 = arith.constant 0 : i32
    %c0_i32_1 = arith.constant 0 : i32
    return %c0_i32, %c0_i32_0 : i32, i32
  }
  func.func @transform_7(%arg0: i32) -> (i32, i32) {
    %c0_i32 = arith.constant 0 : i32
    %c0_i32_0 = arith.constant 0 : i32
    %c0_i32_1 = arith.constant 0 : i32
    return %c0_i32, %c0_i32_0 : i32, i32
  }
  func.func @transform_8(%arg0: i32) -> (i32, i32) {
    %c0_i32 = arith.constant 0 : i32
    %c0_i32_0 = arith.constant 0 : i32
    return %arg0, %c0_i32 : i32, i32
  }
  func.func @transform_9(%arg0: i32) -> (i32, i32) {
    %c0_i32 = arith.constant 0 : i32
    %c0_i32_0 = arith.constant 0 : i32
    %c0_i32_1 = arith.constant 0 : i32
    return %c0_i32, %c0_i32_0 : i32, i32
  }
}

module attributes {stable_mosaic.version = 14 : i64} {
  func.func @body(%arg0: i32, %arg1: memref<4096x48xf32, #tpu.memory_space<vmem>>, %arg2: memref<4096x1xf32, #tpu.memory_space<vmem>>, %arg3: memref<4096x1xf32, #tpu.memory_space<vmem>>, %arg4: memref<48x16xf32, #tpu.memory_space<vmem>>, %arg5: memref<16x48xf32, #tpu.memory_space<vmem>>, %arg6: memref<1x16xf32, #tpu.memory_space<vmem>>, %arg7: memref<1x16xf32, #tpu.memory_space<vmem>>, %arg8: memref<1x16xf32, #tpu.memory_space<vmem>>, %arg9: memref<1x48xf32, #tpu.memory_space<vmem>>, %arg10: memref<4x16xf32, #tpu.memory_space<vmem>>, %arg11: memref<1x16xf32, #tpu.memory_space<vmem>>, %arg12: memref<16x16xf32, #tpu.memory_space<vmem>>, %arg13: memref<1x16xf32, #tpu.memory_space<vmem>>, %arg14: memref<16x16xf32, #tpu.memory_space<vmem>>, %arg15: memref<1x16xf32, #tpu.memory_space<vmem>>, %arg16: memref<4096x48xf32, #tpu.memory_space<vmem>>) attributes {dimension_semantics = [#tpu.dimension_semantics<arbitrary>], iteration_bounds = array<i64: 196>, scalar_prefetch = 0 : i64, scratch_operands = 0 : i64, tpu.core_type = #tpu.core_type<tc>, window_params = [{transform_indices = @transform_0, window_bounds = array<i64: 4096, 48>}, {transform_indices = @transform_1, window_bounds = array<i64: 4096, 1>}, {transform_indices = @transform_2, window_bounds = array<i64: 4096, 1>}, {pipeline_mode = #tpu.pipeline_mode<synchronous>, transform_indices = @transform_3, window_bounds = array<i64: 48, 16>}, {pipeline_mode = #tpu.pipeline_mode<synchronous>, transform_indices = @transform_4, window_bounds = array<i64: 16, 48>}, {pipeline_mode = #tpu.pipeline_mode<synchronous>, transform_indices = @transform_5, window_bounds = array<i64: 1, 16>}, {pipeline_mode = #tpu.pipeline_mode<synchronous>, transform_indices = @transform_6, window_bounds = array<i64: 1, 16>}, {pipeline_mode = #tpu.pipeline_mode<synchronous>, transform_indices = @transform_7, window_bounds = array<i64: 1, 16>}, {pipeline_mode = #tpu.pipeline_mode<synchronous>, transform_indices = @transform_8, window_bounds = array<i64: 1, 48>}, {pipeline_mode = #tpu.pipeline_mode<synchronous>, transform_indices = @transform_9, window_bounds = array<i64: 4, 16>}, {pipeline_mode = #tpu.pipeline_mode<synchronous>, transform_indices = @transform_10, window_bounds = array<i64: 1, 16>}, {pipeline_mode = #tpu.pipeline_mode<synchronous>, transform_indices = @transform_11, window_bounds = array<i64: 16, 16>}, {pipeline_mode = #tpu.pipeline_mode<synchronous>, transform_indices = @transform_12, window_bounds = array<i64: 1, 16>}, {pipeline_mode = #tpu.pipeline_mode<synchronous>, transform_indices = @transform_13, window_bounds = array<i64: 16, 16>}, {pipeline_mode = #tpu.pipeline_mode<synchronous>, transform_indices = @transform_14, window_bounds = array<i64: 1, 16>}, {transform_indices = @transform_15, window_bounds = array<i64: 4096, 48>}]} {
    %get3A = arith.constant 0 : index
    %get3A_0 = arith.constant 0 : index
    %get3A_1 = vector.load %arg1[%get3A, %get3A_0] : memref<4096x48xf32, #tpu.memory_space<vmem>>, vector<4096x48xf32>
    %get3A_2 = arith.constant 0 : index
    %get3A_3 = arith.constant 0 : index
    %get3A_4 = vector.load %arg4[%get3A_2, %get3A_3] : memref<48x16xf32, #tpu.memory_space<vmem>>, vector<48x16xf32>
    %get3A_5 = arith.constant 0 : index
    %get3A_6 = arith.constant 0 : index
    %get3A_7 = vector.load %arg5[%get3A_5, %get3A_6] : memref<16x48xf32, #tpu.memory_space<vmem>>, vector<16x48xf32>
    %get3A_8 = arith.constant 0 : index
    %get3A_9 = arith.constant 0 : index
    %get3A_10 = vector.load %arg6[%get3A_8, %get3A_9] : memref<1x16xf32, #tpu.memory_space<vmem>>, vector<1x16xf32>
    %get3A_11 = arith.constant 0 : index
    %get3A_12 = arith.constant 0 : index
    %get3A_13 = vector.load %arg7[%get3A_11, %get3A_12] : memref<1x16xf32, #tpu.memory_space<vmem>>, vector<1x16xf32>
    %get3A_14 = arith.constant 0 : index
    %get3A_15 = arith.constant 0 : index
    %get3A_16 = vector.load %arg8[%get3A_14, %get3A_15] : memref<1x16xf32, #tpu.memory_space<vmem>>, vector<1x16xf32>
    %get3A_17 = arith.constant 0 : index
    %get3A_18 = arith.constant 0 : index
    %get3A_19 = vector.load %arg9[%get3A_17, %get3A_18] : memref<1x48xf32, #tpu.memory_space<vmem>>, vector<1x48xf32>
    %mul3A = arith.mulf %get3A_1, %get3A_1 : vector<4096x48xf32>
    %convert_element_type3A = arith.truncf %mul3A : vector<4096x48xf32> to vector<4096x48xbf16>
    %convert_element_type3A_20 = arith.extf %convert_element_type3A : vector<4096x48xbf16> to vector<4096x48xf32>
    %sub3A = arith.subf %mul3A, %convert_element_type3A_20 : vector<4096x48xf32>
    %convert_element_type3A_21 = arith.truncf %convert_element_type3A_20 : vector<4096x48xf32> to vector<4096x48xbf16>
    %convert_element_type3A_22 = arith.truncf %get3A_4 : vector<48x16xf32> to vector<48x16xbf16>
    %dot_general3A = arith.constant dense<0.000000e+00> : vector<4096x16xf32>
    %dot_general3A_23 = tpu.matmul %convert_element_type3A_21, %convert_element_type3A_22, %dot_general3A {dimension_numbers = #tpu.dot_dimension_numbers<[1], [0], [0], [1], [0, 0, 1, 1], [], []>, transpose_lhs_hint = false} : vector<4096x48xbf16>, vector<48x16xbf16>, vector<4096x16xf32> -> vector<4096x16xf32>
    %convert_element_type3A_24 = arith.truncf %sub3A : vector<4096x48xf32> to vector<4096x48xbf16>
    %convert_element_type3A_25 = arith.truncf %get3A_4 : vector<48x16xf32> to vector<48x16xbf16>
    %dot_general3A_26 = arith.constant dense<0.000000e+00> : vector<4096x16xf32>
    %dot_general3A_27 = tpu.matmul %convert_element_type3A_24, %convert_element_type3A_25, %dot_general3A_26 {dimension_numbers = #tpu.dot_dimension_numbers<[1], [0], [0], [1], [0, 0, 1, 1], [], []>, transpose_lhs_hint = false} : vector<4096x48xbf16>, vector<48x16xbf16>, vector<4096x16xf32> -> vector<4096x16xf32>
    %add3A = arith.addf %dot_general3A_23, %dot_general3A_27 : vector<4096x16xf32>
    %sqrt3A = math.sqrt %add3A : vector<4096x16xf32>
    %sub3A_28 = vector.broadcast %get3A_10 : vector<1x16xf32> to vector<4096x16xf32>
    %sub3A_29 = arith.subf %sqrt3A, %sub3A_28 : vector<4096x16xf32>
    %add3A_30 = arith.constant 9.99999974E-6 : f32
    %add3A_31 = vector.broadcast %add3A_30 : f32 to vector<4096x16xf32>
    %add3A_32 = arith.addf %sqrt3A, %add3A_31 : vector<4096x16xf32>
    %mul3A_33 = vector.broadcast %get3A_13 : vector<1x16xf32> to vector<4096x16xf32>
    %mul3A_34 = arith.mulf %add3A_32, %mul3A_33 : vector<4096x16xf32>
    %div3A = arith.divf %sub3A_29, %mul3A_34 : vector<4096x16xf32>
    %mul3A_35 = vector.broadcast %get3A_16 : vector<1x16xf32> to vector<4096x16xf32>
    %mul3A_36 = arith.mulf %div3A, %mul3A_35 : vector<4096x16xf32>
    %convert_element_type3A_37 = arith.truncf %mul3A_36 : vector<4096x16xf32> to vector<4096x16xbf16>
    %convert_element_type3A_38 = arith.extf %convert_element_type3A_37 : vector<4096x16xbf16> to vector<4096x16xf32>
    %sub3A_39 = arith.subf %mul3A_36, %convert_element_type3A_38 : vector<4096x16xf32>
    %convert_element_type3A_40 = arith.truncf %convert_element_type3A_38 : vector<4096x16xf32> to vector<4096x16xbf16>
    %convert_element_type3A_41 = arith.truncf %get3A_7 : vector<16x48xf32> to vector<16x48xbf16>
    %dot_general3A_42 = arith.constant dense<0.000000e+00> : vector<4096x48xf32>
    %dot_general3A_43 = tpu.matmul %convert_element_type3A_40, %convert_element_type3A_41, %dot_general3A_42 {dimension_numbers = #tpu.dot_dimension_numbers<[1], [0], [0], [1], [0, 0, 1, 1], [], []>, transpose_lhs_hint = false} : vector<4096x16xbf16>, vector<16x48xbf16>, vector<4096x48xf32> -> vector<4096x48xf32>
    %convert_element_type3A_44 = arith.truncf %sub3A_39 : vector<4096x16xf32> to vector<4096x16xbf16>
    %convert_element_type3A_45 = arith.truncf %get3A_7 : vector<16x48xf32> to vector<16x48xbf16>
    %dot_general3A_46 = arith.constant dense<0.000000e+00> : vector<4096x48xf32>
    %dot_general3A_47 = tpu.matmul %convert_element_type3A_44, %convert_element_type3A_45, %dot_general3A_46 {dimension_numbers = #tpu.dot_dimension_numbers<[1], [0], [0], [1], [0, 0, 1, 1], [], []>, transpose_lhs_hint = false} : vector<4096x16xbf16>, vector<16x48xbf16>, vector<4096x48xf32> -> vector<4096x48xf32>
    %add3A_48 = arith.addf %dot_general3A_43, %dot_general3A_47 : vector<4096x48xf32>
    %mul3A_49 = arith.mulf %get3A_1, %add3A_48 : vector<4096x48xf32>
    %mul3A_50 = vector.broadcast %get3A_19 : vector<1x48xf32> to vector<4096x48xf32>
    %mul3A_51 = arith.mulf %mul3A_49, %mul3A_50 : vector<4096x48xf32>
    %convert_element_type3A_52 = arith.truncf %mul3A_51 : vector<4096x48xf32> to vector<4096x48xbf16>
    %convert_element_type3A_53 = arith.extf %convert_element_type3A_52 : vector<4096x48xbf16> to vector<4096x48xf32>
    %sub3A_54 = arith.subf %mul3A_51, %convert_element_type3A_53 : vector<4096x48xf32>
    %convert_element_type3A_55 = arith.truncf %convert_element_type3A_53 : vector<4096x48xf32> to vector<4096x48xbf16>
    %convert_element_type3A_56 = arith.truncf %get3A_4 : vector<48x16xf32> to vector<48x16xbf16>
    %dot_general3A_57 = arith.constant dense<0.000000e+00> : vector<4096x16xf32>
    %dot_general3A_58 = tpu.matmul %convert_element_type3A_55, %convert_element_type3A_56, %dot_general3A_57 {dimension_numbers = #tpu.dot_dimension_numbers<[1], [0], [0], [1], [0, 0, 1, 1], [], []>, transpose_lhs_hint = false} : vector<4096x48xbf16>, vector<48x16xbf16>, vector<4096x16xf32> -> vector<4096x16xf32>
    %convert_element_type3A_59 = arith.truncf %sub3A_54 : vector<4096x48xf32> to vector<4096x48xbf16>
    %convert_element_type3A_60 = arith.truncf %get3A_4 : vector<48x16xf32> to vector<48x16xbf16>
    %dot_general3A_61 = arith.constant dense<0.000000e+00> : vector<4096x16xf32>
    %dot_general3A_62 = tpu.matmul %convert_element_type3A_59, %convert_element_type3A_60, %dot_general3A_61 {dimension_numbers = #tpu.dot_dimension_numbers<[1], [0], [0], [1], [0, 0, 1, 1], [], []>, transpose_lhs_hint = false} : vector<4096x48xbf16>, vector<48x16xbf16>, vector<4096x16xf32> -> vector<4096x16xf32>
    %add3A_63 = arith.addf %dot_general3A_58, %dot_general3A_62 : vector<4096x16xf32>
    %ge3A = arith.constant 0.000000e+00 : f32
    %ge3A_64 = vector.broadcast %ge3A : f32 to vector<4096x16xf32>
    %ge3A_65 = arith.cmpf oge, %add3A_63, %ge3A_64 : vector<4096x16xf32>
    %convert_element_type3A_66 = arith.extui %ge3A_65 : vector<4096x16xi1> to vector<4096x16xi32>
    %convert_element_type3A_67 = arith.sitofp %convert_element_type3A_66 : vector<4096x16xi32> to vector<4096x16xf32>
    %mul3A_68 = arith.constant 8.000000e-01 : f32
    %mul3A_69 = vector.broadcast %mul3A_68 : f32 to vector<4096x16xf32>
    %mul3A_70 = arith.mulf %mul3A_69, %convert_element_type3A_67 : vector<4096x16xf32>
    %add3A_71 = arith.constant 2.000000e-01 : f32
    %add3A_72 = vector.broadcast %add3A_71 : f32 to vector<4096x16xf32>
    %add3A_73 = arith.addf %add3A_72, %mul3A_70 : vector<4096x16xf32>
    %convert_element_type3A_74 = arith.truncf %add3A_73 : vector<4096x16xf32> to vector<4096x16xbf16>
    %convert_element_type3A_75 = arith.extf %convert_element_type3A_74 : vector<4096x16xbf16> to vector<4096x16xf32>
    %sub3A_76 = arith.subf %add3A_73, %convert_element_type3A_75 : vector<4096x16xf32>
    %convert_element_type3A_77 = arith.truncf %convert_element_type3A_75 : vector<4096x16xf32> to vector<4096x16xbf16>
    %convert_element_type3A_78 = arith.truncf %get3A_7 : vector<16x48xf32> to vector<16x48xbf16>
    %dot_general3A_79 = arith.constant dense<0.000000e+00> : vector<4096x48xf32>
    %dot_general3A_80 = tpu.matmul %convert_element_type3A_77, %convert_element_type3A_78, %dot_general3A_79 {dimension_numbers = #tpu.dot_dimension_numbers<[1], [0], [0], [1], [0, 0, 1, 1], [], []>, transpose_lhs_hint = false} : vector<4096x16xbf16>, vector<16x48xbf16>, vector<4096x48xf32> -> vector<4096x48xf32>
    %convert_element_type3A_81 = arith.truncf %sub3A_76 : vector<4096x16xf32> to vector<4096x16xbf16>
    %convert_element_type3A_82 = arith.truncf %get3A_7 : vector<16x48xf32> to vector<16x48xbf16>
    %dot_general3A_83 = arith.constant dense<0.000000e+00> : vector<4096x48xf32>
    %dot_general3A_84 = tpu.matmul %convert_element_type3A_81, %convert_element_type3A_82, %dot_general3A_83 {dimension_numbers = #tpu.dot_dimension_numbers<[1], [0], [0], [1], [0, 0, 1, 1], [], []>, transpose_lhs_hint = false} : vector<4096x16xbf16>, vector<16x48xbf16>, vector<4096x48xf32> -> vector<4096x48xf32>
    %add3A_85 = arith.addf %dot_general3A_80, %dot_general3A_84 : vector<4096x48xf32>
    %mul3A_86 = arith.mulf %mul3A_49, %add3A_85 : vector<4096x48xf32>
    %get3A_87 = arith.constant 0 : index
    %get3A_88 = arith.constant 0 : index
    %get3A_89 = vector.load %arg2[%get3A_87, %get3A_88] : memref<4096x1xf32, #tpu.memory_space<vmem>>, vector<4096x1xf32>
    %get3A_90 = arith.constant 0 : index
    %get3A_91 = arith.constant 0 : index
    %get3A_92 = vector.load %arg3[%get3A_90, %get3A_91] : memref<4096x1xf32, #tpu.memory_space<vmem>>, vector<4096x1xf32>
    %get3A_93 = arith.constant 0 : index
    %get3A_94 = arith.constant 0 : index
    %get3A_95 = vector.load %arg10[%get3A_93, %get3A_94] : memref<4x16xf32, #tpu.memory_space<vmem>>, vector<4x16xf32>
    %convert_element_type3A_96 = arith.truncf %get3A_95 : vector<4x16xf32> to vector<4x16xbf16>
    %convert_element_type3A_97 = arith.extf %convert_element_type3A_96 : vector<4x16xbf16> to vector<4x16xf32>
    %convert_element_type3A_98 = arith.truncf %get3A_89 : vector<4096x1xf32> to vector<4096x1xbf16>
    %convert_element_type3A_99 = arith.extf %convert_element_type3A_98 : vector<4096x1xbf16> to vector<4096x1xf32>
    %slice3A = vector.extract_strided_slice %convert_element_type3A_97 {offsets = [0, 0], sizes = [1, 16], strides = [1, 1]} : vector<4x16xf32> to vector<1x16xf32>
    %mul3A_100 = vector.broadcast %convert_element_type3A_99 : vector<4096x1xf32> to vector<4096x16xf32>
    %mul3A_101 = vector.broadcast %slice3A : vector<1x16xf32> to vector<4096x16xf32>
    %mul3A_102 = arith.mulf %mul3A_100, %mul3A_101 : vector<4096x16xf32>
    %add3A_103 = arith.constant 9.99999997E-7 : f32
    %add3A_104 = vector.broadcast %add3A_103 : f32 to vector<4096x1xf32>
    %add3A_105 = arith.addf %get3A_92, %add3A_104 : vector<4096x1xf32>
    %div3A_106 = arith.divf %get3A_89, %add3A_105 : vector<4096x1xf32>
    %convert_element_type3A_107 = arith.truncf %div3A_106 : vector<4096x1xf32> to vector<4096x1xbf16>
    %convert_element_type3A_108 = arith.extf %convert_element_type3A_107 : vector<4096x1xbf16> to vector<4096x1xf32>
    %slice3A_109 = vector.extract_strided_slice %convert_element_type3A_97 {offsets = [1, 0], sizes = [1, 16], strides = [1, 1]} : vector<4x16xf32> to vector<1x16xf32>
    %mul3A_110 = vector.broadcast %convert_element_type3A_108 : vector<4096x1xf32> to vector<4096x16xf32>
    %mul3A_111 = vector.broadcast %slice3A_109 : vector<1x16xf32> to vector<4096x16xf32>
    %mul3A_112 = arith.mulf %mul3A_110, %mul3A_111 : vector<4096x16xf32>
    %add3A_113 = arith.addf %mul3A_102, %mul3A_112 : vector<4096x16xf32>
    %add3A_114 = arith.constant 9.99999997E-7 : f32
    %add3A_115 = vector.broadcast %add3A_114 : f32 to vector<4096x1xf32>
    %add3A_116 = arith.addf %get3A_89, %add3A_115 : vector<4096x1xf32>
    %log3A = math.log %add3A_116 : vector<4096x1xf32>
    %convert_element_type3A_117 = arith.truncf %log3A : vector<4096x1xf32> to vector<4096x1xbf16>
    %convert_element_type3A_118 = arith.extf %convert_element_type3A_117 : vector<4096x1xbf16> to vector<4096x1xf32>
    %slice3A_119 = vector.extract_strided_slice %convert_element_type3A_97 {offsets = [2, 0], sizes = [1, 16], strides = [1, 1]} : vector<4x16xf32> to vector<1x16xf32>
    %mul3A_120 = vector.broadcast %convert_element_type3A_118 : vector<4096x1xf32> to vector<4096x16xf32>
    %mul3A_121 = vector.broadcast %slice3A_119 : vector<1x16xf32> to vector<4096x16xf32>
    %mul3A_122 = arith.mulf %mul3A_120, %mul3A_121 : vector<4096x16xf32>
    %add3A_123 = arith.addf %add3A_113, %mul3A_122 : vector<4096x16xf32>
    %convert_element_type3A_124 = arith.truncf %get3A_92 : vector<4096x1xf32> to vector<4096x1xbf16>
    %convert_element_type3A_125 = arith.extf %convert_element_type3A_124 : vector<4096x1xbf16> to vector<4096x1xf32>
    %slice3A_126 = vector.extract_strided_slice %convert_element_type3A_97 {offsets = [3, 0], sizes = [1, 16], strides = [1, 1]} : vector<4x16xf32> to vector<1x16xf32>
    %mul3A_127 = vector.broadcast %convert_element_type3A_125 : vector<4096x1xf32> to vector<4096x16xf32>
    %mul3A_128 = vector.broadcast %slice3A_126 : vector<1x16xf32> to vector<4096x16xf32>
    %mul3A_129 = arith.mulf %mul3A_127, %mul3A_128 : vector<4096x16xf32>
    %add3A_130 = arith.addf %add3A_123, %mul3A_129 : vector<4096x16xf32>
    %get3A_131 = arith.constant 0 : index
    %get3A_132 = arith.constant 0 : index
    %get3A_133 = vector.load %arg11[%get3A_131, %get3A_132] : memref<1x16xf32, #tpu.memory_space<vmem>>, vector<1x16xf32>
    %add3A_134 = vector.broadcast %get3A_133 : vector<1x16xf32> to vector<4096x16xf32>
    %add3A_135 = arith.addf %add3A_130, %add3A_134 : vector<4096x16xf32>
    %logistic3A = arith.negf %add3A_135 : vector<4096x16xf32>
    %logistic3A_136 = math.exp %logistic3A : vector<4096x16xf32>
    %logistic3A_137 = arith.constant 1.000000e+00 : f32
    %logistic3A_138 = vector.broadcast %logistic3A_137 : f32 to vector<4096x16xf32>
    %logistic3A_139 = arith.addf %logistic3A_138, %logistic3A_136 : vector<4096x16xf32>
    %logistic3A_140 = arith.divf %logistic3A_138, %logistic3A_139 : vector<4096x16xf32>
    %mul3A_141 = arith.mulf %add3A_135, %logistic3A_140 : vector<4096x16xf32>
    %get3A_142 = arith.constant 0 : index
    %get3A_143 = arith.constant 0 : index
    %get3A_144 = vector.load %arg12[%get3A_142, %get3A_143] : memref<16x16xf32, #tpu.memory_space<vmem>>, vector<16x16xf32>
    %convert_element_type3A_145 = arith.truncf %mul3A_141 : vector<4096x16xf32> to vector<4096x16xbf16>
    %convert_element_type3A_146 = arith.truncf %get3A_144 : vector<16x16xf32> to vector<16x16xbf16>
    %dot_general3A_147 = arith.constant dense<0.000000e+00> : vector<4096x16xf32>
    %dot_general3A_148 = tpu.matmul %convert_element_type3A_145, %convert_element_type3A_146, %dot_general3A_147 {dimension_numbers = #tpu.dot_dimension_numbers<[1], [0], [0], [1], [0, 0, 1, 1], [], []>, transpose_lhs_hint = false} : vector<4096x16xbf16>, vector<16x16xbf16>, vector<4096x16xf32> -> vector<4096x16xf32>
    %get3A_149 = arith.constant 0 : index
    %get3A_150 = arith.constant 0 : index
    %get3A_151 = vector.load %arg13[%get3A_149, %get3A_150] : memref<1x16xf32, #tpu.memory_space<vmem>>, vector<1x16xf32>
    %add3A_152 = vector.broadcast %get3A_151 : vector<1x16xf32> to vector<4096x16xf32>
    %add3A_153 = arith.addf %dot_general3A_148, %add3A_152 : vector<4096x16xf32>
    %get3A_154 = arith.constant 0 : index
    %get3A_155 = arith.constant 0 : index
    %get3A_156 = vector.load %arg14[%get3A_154, %get3A_155] : memref<16x16xf32, #tpu.memory_space<vmem>>, vector<16x16xf32>
    %convert_element_type3A_157 = arith.truncf %add3A_153 : vector<4096x16xf32> to vector<4096x16xbf16>
    %convert_element_type3A_158 = arith.truncf %get3A_156 : vector<16x16xf32> to vector<16x16xbf16>
    %dot_general3A_159 = arith.constant dense<0.000000e+00> : vector<4096x16xf32>
    %dot_general3A_160 = tpu.matmul %convert_element_type3A_157, %convert_element_type3A_158, %dot_general3A_159 {dimension_numbers = #tpu.dot_dimension_numbers<[1], [0], [0], [1], [0, 0, 1, 1], [], []>, transpose_lhs_hint = false} : vector<4096x16xbf16>, vector<16x16xbf16>, vector<4096x16xf32> -> vector<4096x16xf32>
    %get3A_161 = arith.constant 0 : index
    %get3A_162 = arith.constant 0 : index
    %get3A_163 = vector.load %arg15[%get3A_161, %get3A_162] : memref<1x16xf32, #tpu.memory_space<vmem>>, vector<1x16xf32>
    %add3A_164 = vector.broadcast %get3A_163 : vector<1x16xf32> to vector<4096x16xf32>
    %add3A_165 = arith.addf %dot_general3A_160, %add3A_164 : vector<4096x16xf32>
    %logistic3A_166 = arith.negf %add3A_165 : vector<4096x16xf32>
    %logistic3A_167 = math.exp %logistic3A_166 : vector<4096x16xf32>
    %logistic3A_168 = arith.constant 1.000000e+00 : f32
    %logistic3A_169 = vector.broadcast %logistic3A_168 : f32 to vector<4096x16xf32>
    %logistic3A_170 = arith.addf %logistic3A_169, %logistic3A_167 : vector<4096x16xf32>
    %logistic3A_171 = arith.divf %logistic3A_169, %logistic3A_170 : vector<4096x16xf32>
    %get3A_172 = arith.constant 0 : index
    %get3A_173 = arith.constant 0 : index
    %get3A_174 = vector.load %arg5[%get3A_172, %get3A_173] : memref<16x48xf32, #tpu.memory_space<vmem>>, vector<16x48xf32>
    %convert_element_type3A_175 = arith.truncf %logistic3A_171 : vector<4096x16xf32> to vector<4096x16xbf16>
    %convert_element_type3A_176 = arith.extf %convert_element_type3A_175 : vector<4096x16xbf16> to vector<4096x16xf32>
    %sub3A_177 = arith.subf %logistic3A_171, %convert_element_type3A_176 : vector<4096x16xf32>
    %convert_element_type3A_178 = arith.truncf %convert_element_type3A_176 : vector<4096x16xf32> to vector<4096x16xbf16>
    %convert_element_type3A_179 = arith.truncf %get3A_174 : vector<16x48xf32> to vector<16x48xbf16>
    %dot_general3A_180 = arith.constant dense<0.000000e+00> : vector<4096x48xf32>
    %dot_general3A_181 = tpu.matmul %convert_element_type3A_178, %convert_element_type3A_179, %dot_general3A_180 {dimension_numbers = #tpu.dot_dimension_numbers<[1], [0], [0], [1], [0, 0, 1, 1], [], []>, transpose_lhs_hint = false} : vector<4096x16xbf16>, vector<16x48xbf16>, vector<4096x48xf32> -> vector<4096x48xf32>
    %convert_element_type3A_182 = arith.truncf %sub3A_177 : vector<4096x16xf32> to vector<4096x16xbf16>
    %convert_element_type3A_183 = arith.truncf %get3A_174 : vector<16x48xf32> to vector<16x48xbf16>
    %dot_general3A_184 = arith.constant dense<0.000000e+00> : vector<4096x48xf32>
    %dot_general3A_185 = tpu.matmul %convert_element_type3A_182, %convert_element_type3A_183, %dot_general3A_184 {dimension_numbers = #tpu.dot_dimension_numbers<[1], [0], [0], [1], [0, 0, 1, 1], [], []>, transpose_lhs_hint = false} : vector<4096x16xbf16>, vector<16x48xbf16>, vector<4096x48xf32> -> vector<4096x48xf32>
    %add3A_186 = arith.addf %dot_general3A_181, %dot_general3A_185 : vector<4096x48xf32>
    %mul3A_187 = arith.mulf %mul3A_86, %add3A_186 : vector<4096x48xf32>
    %swap3A = arith.constant 0 : index
    %swap3A_188 = arith.constant 0 : index
    %swap3A_189 = vector.load %arg16[%swap3A, %swap3A_188] : memref<4096x48xf32, #tpu.memory_space<vmem>>, vector<4096x48xf32>
    tpu.vector_store %arg16[%swap3A, %swap3A_188], %mul3A_187 {strides = array<i32>} : memref<4096x48xf32, #tpu.memory_space<vmem>>, vector<4096x48xf32>,
    return
  }
  func.func @transform_0(%arg0: i32) -> (i32, i32) {
    %c0_i32 = arith.constant 0 : i32
    %c0_i32_0 = arith.constant 0 : i32
    return %arg0, %c0_i32 : i32, i32
  }
  func.func @transform_1(%arg0: i32) -> (i32, i32) {
    %c0_i32 = arith.constant 0 : i32
    %c0_i32_0 = arith.constant 0 : i32
    return %arg0, %c0_i32 : i32, i32
  }
  func.func @transform_2(%arg0: i32) -> (i32, i32) {
    %c0_i32 = arith.constant 0 : i32
    %c0_i32_0 = arith.constant 0 : i32
    return %arg0, %c0_i32 : i32, i32
  }
  func.func @transform_3(%arg0: i32) -> (i32, i32) {
    %c0_i32 = arith.constant 0 : i32
    %c0_i32_0 = arith.constant 0 : i32
    %c0_i32_1 = arith.constant 0 : i32
    return %c0_i32, %c0_i32_0 : i32, i32
  }
  func.func @transform_4(%arg0: i32) -> (i32, i32) {
    %c0_i32 = arith.constant 0 : i32
    %c0_i32_0 = arith.constant 0 : i32
    %c0_i32_1 = arith.constant 0 : i32
    return %c0_i32, %c0_i32_0 : i32, i32
  }
  func.func @transform_5(%arg0: i32) -> (i32, i32) {
    %c0_i32 = arith.constant 0 : i32
    %c0_i32_0 = arith.constant 0 : i32
    %c0_i32_1 = arith.constant 0 : i32
    return %c0_i32, %c0_i32_0 : i32, i32
  }
  func.func @transform_6(%arg0: i32) -> (i32, i32) {
    %c0_i32 = arith.constant 0 : i32
    %c0_i32_0 = arith.constant 0 : i32
    %c0_i32_1 = arith.constant 0 : i32
    return %c0_i32, %c0_i32_0 : i32, i32
  }
  func.func @transform_7(%arg0: i32) -> (i32, i32) {
    %c0_i32 = arith.constant 0 : i32
    %c0_i32_0 = arith.constant 0 : i32
    %c0_i32_1 = arith.constant 0 : i32
    return %c0_i32, %c0_i32_0 : i32, i32
  }
  func.func @transform_8(%arg0: i32) -> (i32, i32) {
    %c0_i32 = arith.constant 0 : i32
    %c0_i32_0 = arith.constant 0 : i32
    %c0_i32_1 = arith.constant 0 : i32
    return %c0_i32, %c0_i32_0 : i32, i32
  }
  func.func @transform_9(%arg0: i32) -> (i32, i32) {
    %c0_i32 = arith.constant 0 : i32
    %c0_i32_0 = arith.constant 0 : i32
    %c0_i32_1 = arith.constant 0 : i32
    return %c0_i32, %c0_i32_0 : i32, i32
  }
  func.func @transform_10(%arg0: i32) -> (i32, i32) {
    %c0_i32 = arith.constant 0 : i32
    %c0_i32_0 = arith.constant 0 : i32
    %c0_i32_1 = arith.constant 0 : i32
    return %c0_i32, %c0_i32_0 : i32, i32
  }
  func.func @transform_11(%arg0: i32) -> (i32, i32) {
    %c0_i32 = arith.constant 0 : i32
    %c0_i32_0 = arith.constant 0 : i32
    %c0_i32_1 = arith.constant 0 : i32
    return %c0_i32, %c0_i32_0 : i32, i32
  }
  func.func @transform_12(%arg0: i32) -> (i32, i32) {
    %c0_i32 = arith.constant 0 : i32
    %c0_i32_0 = arith.constant 0 : i32
    %c0_i32_1 = arith.constant 0 : i32
    return %c0_i32, %c0_i32_0 : i32, i32
  }
  func.func @transform_13(%arg0: i32) -> (i32, i32) {
    %c0_i32 = arith.constant 0 : i32
    %c0_i32_0 = arith.constant 0 : i32
    %c0_i32_1 = arith.constant 0 : i32
    return %c0_i32, %c0_i32_0 : i32, i32
  }
  func.func @transform_14(%arg0: i32) -> (i32, i32) {
    %c0_i32 = arith.constant 0 : i32
    %c0_i32_0 = arith.constant 0 : i32
    %c0_i32_1 = arith.constant 0 : i32
    return %c0_i32, %c0_i32_0 : i32, i32
  }
  func.func @transform_15(%arg0: i32) -> (i32, i32) {
    %c0_i32 = arith.constant 0 : i32
    %c0_i32_0 = arith.constant 0 : i32
    return %arg0, %c0_i32 : i32, i32
  }
}

module attributes {stable_mosaic.version = 14 : i64} {
  func.func @body(%arg0: i32, %arg1: memref<1024x48xf32, #tpu.memory_space<vmem>>, %arg2: memref<1024x1xf32, #tpu.memory_space<vmem>>, %arg3: memref<1024x48xf32, #tpu.memory_space<vmem>>) attributes {dimension_semantics = [#tpu.dimension_semantics<arbitrary>], iteration_bounds = array<i64: 49>, scalar_prefetch = 0 : i64, scratch_operands = 0 : i64, tpu.core_type = #tpu.core_type<tc>, window_params = [{transform_indices = @transform_0, window_bounds = array<i64: 1024, 48>}, {transform_indices = @transform_1, window_bounds = array<i64: 1024, 1>}, {transform_indices = @transform_2, window_bounds = array<i64: 1024, 48>}]} {
    %get3A = arith.constant 0 : index
    %get3A_0 = arith.constant 0 : index
    %get3A_1 = vector.load %arg1[%get3A, %get3A_0] : memref<1024x48xf32, #tpu.memory_space<vmem>>, vector<1024x48xf32>
    %get3A_2 = arith.constant 0 : index
    %get3A_3 = arith.constant 0 : index
    %get3A_4 = vector.load %arg2[%get3A_2, %get3A_3] : memref<1024x1xf32, #tpu.memory_space<vmem>>, vector<1024x1xf32>
    %max3A = arith.constant 1.000000e+00 : f32
    %max3A_5 = vector.broadcast %max3A : f32 to vector<1024x1xf32>
    %max3A_6 = arith.maximumf %get3A_4, %max3A_5 : vector<1024x1xf32>
    %div3A = vector.broadcast %max3A_6 : vector<1024x1xf32> to vector<1024x48xf32>
    %div3A_7 = arith.divf %get3A_1, %div3A : vector<1024x48xf32>
    %swap3A = arith.constant 0 : index
    %swap3A_8 = arith.constant 0 : index
    %swap3A_9 = vector.load %arg3[%swap3A, %swap3A_8] : memref<1024x48xf32, #tpu.memory_space<vmem>>, vector<1024x48xf32>
    tpu.vector_store %arg3[%swap3A, %swap3A_8], %div3A_7 {strides = array<i32>} : memref<1024x48xf32, #tpu.memory_space<vmem>>, vector<1024x48xf32>,
    return
  }
  func.func @transform_0(%arg0: i32) -> (i32, i32) {
    %c0_i32 = arith.constant 0 : i32
    %c0_i32_0 = arith.constant 0 : i32
    return %arg0, %c0_i32 : i32, i32
  }
  func.func @transform_1(%arg0: i32) -> (i32, i32) {
    %c0_i32 = arith.constant 0 : i32
    %c0_i32_0 = arith.constant 0 : i32
    return %arg0, %c0_i32 : i32, i32
  }
  func.func @transform_2(%arg0: i32) -> (i32, i32) {
    %c0_i32 = arith.constant 0 : i32
    %c0_i32_0 = arith.constant 0 : i32
    return %arg0, %c0_i32 : i32, i32
  }
}

</mosaic_0001>

<sc_bundles>
// kernel: kernel.10.cloned.1.call-start
scs
__scs_entry_jumppad:
0x0: {  	(pc) =	sbr.rel $0x88, $3  }
0x1: {  	(tag) =	ssettag $0x0;
	lr =	simm.s32 $0x1  }
0x2: {  	[smem:$0x3F92] =	sst lr;
	_ =	strace $0xD0000000  }
0x3: {  	_ = 	snop  }
0x4: {  	_ = 	snop  }
0x5: {  	_ = 	snop  }
0x6: {  	_ = 	snop  }
0x7: {  	_ = 	snop  }
__scs_overlays_trampoline_lowered:
0x8: {  	[smem:$0x3FA1] =	sst s0  }
0x9: {  	[smem:$0x3FA2] =	sst s1  }
0xa: {  	[smem:$0x3FA3] =	sst s2  }
0xb: {  	[smem:$0x3FA4] =	sst s3  }
0xc: {  	[smem:$0x3FA5] =	sst s4  }
0xd: {  	[smem:$0x3FA6] =	sst s5  }
0xe: {  	[smem:$0x3FA7] =	sst s6  }
0xf: {  	[smem:$0x3FA8] =	sst s7  }
0x10: {  	[smem:$0x3FA9] =	sst s8  }
0x11: {  	[smem:$0x3FAA] =	sst s9;
	s0 =	simm.s32 @!p0 $0x0  }
0x12: {  	s1 =	sld [smem:$0x3F90];
	s0 =	simm.s32 @p0 $0x1  }
0x13: {  	[smem:$0x3FAB] =	sst s0;
	s0 =	simm.s32 @!p1 $0x0  }
0x14: {  	s2 =	sld [smem:$0x3F8F];
	s0 =	simm.s32 @p1 $0x1  }
0x15: {  	[smem:$0x3FAC] =	sst s0;
	s0 =	simm.s32 @!p2 $0x0  }
0x16: {  	s3 =	sld [smem:$0x3FDB];
	s0 =	simm.s32 @p2 $0x1  }
0x17: {  	s4 =	simm.s32 $0x1BF5;
	[smem:$0x3FAE] =	sst s0  }
0x18: {  	s0 =	sld [smem:$0x3F91];
	_ =	swait.ge [sflag:s4], $0x0  }
0x19: {  	s7 =	sld [smem:$0x3F92]  }
0x1a: {  	s8 =	sadd.s32 $0xFFFFE003, lr  }
0x1b: {  	s9 =	sadd.s32 $0xFFFFFEF7, lr;
	s5 =	simm.s32 $0xFFFFFFFF;
	p2 =	slt.u32 s8, $0xFFFFF086  }
0x1c: {  	p1 =	slt.u32 s9, $0xF7A;
	s5 =	simm.s32 @!p2 $0x0  }
0x1d: {  	s5 =	simm.s32 @p1 $0x1;
	p0 =	seq.s32 s7, s2  }
0x1e: {  	s7 =	smul.u32 @!p0 $0xF7A, s2;
	p2 =	seq.s32 @!p0 s5, $0x0  }
0x1f: {  	s9 =	smul.u32 $0xF7A, s1;
	s8 =	simm.s32 @!p0 $0x1BF5;
	p2 =	por !p2, p0  }
0x20: {  	[sflag:s8] =	ssyncset.s32 @!p0 $0xFFFFF086;
	s6 =	sadd.s32 @!p0 s3, s7;
	s7 =	simm.s32 @!p0 $0x108  }
0x21: {  	s3 =	sadd.s32 s3, s9;
	s6 =	sadd.s32 @!p0 $0x88, s6;
	s7 =	simm.s32 @p2 $0x1082  }
0x22: {  	[simem:s7], [sflag:s8] =	dma.local @!p0 [hbm:s6], $0xF7A  }
0x23: {  	s9 =	sor.u32 $0xD0000000, s2;
	s6 =	simm.s32 $0x108;
	_ =	swait.ge @!p0 [sflag:s8], $0x0  }
0x24: {  	s3 =	sadd.s32 $0x88, s3;
	s6 =	simm.s32 @!p1 $0x1082;
	[sflag:s4] =	ssyncset.s32 $0xFFFFF086  }
0x25: {  	[simem:s6], [sflag:s4] =	dma.local [hbm:s3], $0xF7A  }
0x26: {  	[smem:$0x3F92] =	sst s1;
	(tag) =	ssettag s2;
	_ =	strace s9  }
0x27: {  	s1 =	sld [smem:$0x3FA2]  }
0x28: {  	s2 =	sld [smem:$0x3FA3]  }
0x29: {  	s4 =	sld [smem:$0x3FA5]  }
0x2a: {  	p0 =	seq.s32 s5, $0x0;
	s5 =	sld [smem:$0x3FA6]  }
0x2b: {  	s6 =	sld [smem:$0x3FA7]  }
0x2c: {  	s7 =	sld [smem:$0x3FA8]  }
0x2d: {  	s3 =	simm.s32 $0x108;
	s8 =	sld [smem:$0x3FA9]  }
0x2e: {  	s3 =	simm.s32 @!p0 $0x1082;
	s9 =	sld [smem:$0x3FAA]  }
0x2f: {  	lr =	sadd.s32 s0, s3;
	s0 =	sld [smem:$0x3FA1]  }
0x30: {  	s3 =	sld [smem:$0x3FA4]  }
0x31: {  	[smem:$0x3FAD] =	sst s10  }
0x32: {  	s10 =	sld [smem:$0x3FAB];
	_ =	sdelay $0x3  }
0x33: {  	p0 =	seq.s32 s10, $0x1;
	s10 =	sld [smem:$0x3FAD];
	_ =	sdelay $0x3  }
0x34: {  	[smem:$0x3FAD] =	sst s10  }
0x35: {  	s10 =	sld [smem:$0x3FAC];
	_ =	sdelay $0x3  }
0x36: {  	p1 =	seq.s32 s10, $0x1;
	s10 =	sld [smem:$0x3FAD];
	_ =	sdelay $0x3  }
0x37: {  	[smem:$0x3FAD] =	sst s10  }
0x38: {  	s10 =	sld [smem:$0x3FAE]  }
0x39: {  	_ = 	snop;
	(pc) =	sbr.ind lr, $3  }
0x3a: {  	_ = 	snop  }
0x3b: {  	_ = 	snop  }
0x3c: {  	p2 =	seq.s32 s10, $0x1;
	s10 =	sld [smem:$0x3FAD]  }
0x3d: {  	_ =	shalt  }
0x3e: {  	_ =	shalt  }
0x3f: {  	_ =	shalt  }
0x40: {  	_ =	shalt  }
0x41: {  	_ =	shalt  }
0x42: {  	_ =	shalt  }
0x43: {  	_ =	shalt  }
0x44: {  	_ =	shalt  }
0x45: {  	_ =	shalt  }
0x46: {  	_ =	shalt  }
0x47: {  	_ =	shalt  }
0x48: {  	_ =	shalt  }
0x49: {  	_ =	shalt  }
0x4a: {  	_ =	shalt  }
0x4b: {  	_ =	shalt  }
0x4c: {  	_ =	shalt  }
0x4d: {  	_ =	shalt  }
0x4e: {  	_ =	shalt  }
0x4f: {  	_ =	shalt  }
0x50: {  	_ =	shalt  }
0x51: {  	_ =	shalt  }
0x52: {  	_ =	shalt  }
0x53: {  	_ =	shalt  }
0x54: {  	_ =	shalt  }
0x55: {  	_ =	shalt  }
0x56: {  	_ =	shalt  }
0x57: {  	_ =	shalt  }
0x58: {  	_ =	shalt  }
0x59: {  	_ =	shalt  }
0x5a: {  	_ =	shalt  }
0x5b: {  	_ =	shalt  }
0x5c: {  	_ =	shalt  }
0x5d: {  	_ =	shalt  }
0x5e: {  	_ =	shalt  }
0x5f: {  	_ =	shalt  }
0x60: {  	_ =	shalt  }
0x61: {  	_ =	shalt  }
0x62: {  	_ =	shalt  }
0x63: {  	_ =	shalt  }
0x64: {  	_ =	shalt  }
0x65: {  	_ =	shalt  }
0x66: {  	_ =	shalt  }
0x67: {  	_ =	shalt  }
0x68: {  	_ =	shalt  }
0x69: {  	_ =	shalt  }
0x6a: {  	_ =	shalt  }
0x6b: {  	_ =	shalt  }
0x6c: {  	_ =	shalt  }
0x6d: {  	_ =	shalt  }
0x6e: {  	_ =	shalt  }
0x6f: {  	_ =	shalt  }
0x70: {  	_ =	shalt  }
0x71: {  	_ =	shalt  }
0x72: {  	_ =	shalt  }
0x73: {  	_ =	shalt  }
0x74: {  	_ =	shalt  }
0x75: {  	_ =	shalt  }
0x76: {  	_ =	shalt  }
0x77: {  	_ =	shalt  }
0x78: {  	_ =	shalt  }
0x79: {  	_ =	shalt  }
0x7a: {  	_ =	shalt  }
0x7b: {  	_ =	shalt  }
0x7c: {  	_ =	shalt  }
0x7d: {  	_ =	shalt  }
0x7e: {  	_ =	shalt  }
0x7f: {  	_ =	shalt  }
0x80: {  	_ =	shalt  }
0x81: {  	_ =	shalt  }
0x82: {  	_ =	shalt  }
0x83: {  	_ =	shalt  }
0x84: {  	_ =	shalt  }
0x85: {  	_ =	shalt  }
0x86: {  	_ =	shalt  }
0x87: {  	_ =	shalt  }
.Lfunc_end0:
.L_simem_size_0:
called_computation_lowered:
.L_overlay_start_0:
0x88: {  	s2 =	sld [smem:$0x3FD9]  }
0x89: {  	s3 =	sld [smem:$0x3FFE];
	_ =	sdelay $0x1  }
0x8a: {  	s1 =	srdreg.scid  }
0x8b: {  	s0 =	sand.u32 $0x1, s1  }
0x8c: {  	s17 =	sshll.u32 s0, $0xA;
	s2 =	sadd.s32 s3, s2  }
0x8d: {  	s2 =	sadd.s32 s2, s17  }
0x8e: {  	[smem:$0x3FB9] =	sst s2  }
0x8f: {  	_ = 	snop  }
0x90: {  	s2 =	sld [smem:$0x3FD0];
	(tm) =	ssettm $0x1  }
0x91: {  	s18 =	sld [smem:$0x3FFB];
	_ =	sdelay $0x3  }
0x92: {  	_ =	strace s18  }
0x93: {  	s3 =	sld [smem:$0x3FFC];
	_ =	sdelay $0x3  }
0x94: {  	_ =	strace s3  }
0x95: {  	s3 =	sld [smem:$0x3FFD];
	_ =	sdelay $0x3  }
0x96: {  	_ =	strace s3  }
0x97: {  	_ =	strace $0x8FFFFFFF  }
0x98: {  	s19 =	sld [smem:$0x3FDB];
	_ =	sdelay $0x1  }
0x99: {  	s4 =	simm.s32 $_scs_section_size  }
0x9a: {  	s5 =	simm.s32 $_size__tile_overlayer_lowered;
	s6 =	simm.s32 $_tile_overlayer_lowered  }
0x9b: {  	s22 =	simm.s32 $0x1BFF;
	s21 =	sshll.u32 s6, $0x1;
	s3 =	sadd.s32 s4, s19  }
0x9c: {  	s7 =	simm.s32 $0x0;
	s20 =	sshll.u32 s5, $0x1;
	s5 =	sadd.s32 s21, s3  }
0x9d: {  	[timem:s7], [sflag:s22] =	dma.local [hbm:s5], s20  }
0x9e: {  	_ =	swait.ge [sflag:s22], s20  }
0x9f: {  	s4 =	ssub.s32 $0x0, s20;
	[sflag:s22] =	ssyncset.done $0x0  }
0xa0: {  	[sflag:s22] =	ssyncadd.s32 s4;
	_ =	sdelay $0x1  }
0xa1: {  	s23 =	simm.s32 $0x1B8B  }
0xa2: {  	_ =	swait.ge [sflag:s23], $0x1  }
0xa3: {  	[sflag:s23] =	ssyncset.done $0x0  }
0xa4: {  	s25 =	simm.s32 $0x1B8E;
	s24 =	sld [smem:$0x3FFE];
	[sflag:s23] =	ssyncadd.s32 $0xFFFFFFFF  }
0xa5: {  	s26 =	simm.s32 $execute0_lowered;
	[smem:$0x3FD2] =	sst s25  }
0xa6: {  	s5 =	sshll.u32 s26, $0x1;
	_ =	strace $0x80000046;
	[dreg:$0x1] =	wrdreg $0xFFFFFFFF  }
0xa7: {  	s28 =	simm.s32 $_size_execute0_lowered;
	s3 =	sadd.s32 s3, s5;
	[dreg:$0x0] =	wrdreg $0x0  }
0xa8: {  	s5 =	sshll.u32 s28, $0x1;
	[dreg:$0x2] =	wrdreg s3  }
0xa9: {  	[dreg:$0x3] =	wrdreg s5  }
0xaa: {  	[dreg:$0x4] =	wrdreg $0xC0  }
0xab: {  	_ =	task [dreg:s7], $0x5FFFF  }
0xac: {  	[dreg:$0x1] =	wrdreg $0xFFFFFFFF  }
0xad: {  	[dreg:$0x0] =	wrdreg $0x60  }
0xae: {  	[dreg:$0x2] =	wrdreg s2  }
0xaf: {  	[dreg:$0x3] =	wrdreg s24  }
0xb0: {  	[dreg:$0x4] =	wrdreg $0x9  }
0xb1: {  	_ =	task.clear_ibuf [dreg:s7], $0x5FFFF;
	_ =	strace $0x90000046  }
0xb2: {  	s29 =	simm.s32 $0x9;
	_ =	strace $0x80000048  }
0xb3: {  	_ =	swait.ge [sflag:s29], $0x1  }
0xb4: {  	[sflag:s29] =	ssyncadd.s32 $0xFFFFFFFF  }
0xb5: {  	_ =	strace $0x90000048  }
0xb6: {  	_ =	sfence  }
0xb7: {  	s30 =	sld [smem:$0x0];
	_ =	sdelay $0x2  }
0xb8: {  	s31 =	sshll.u32 s1, $0xD;
	s1 =	sshrl.u32 s1, $0x2  }
0xb9: {  	s3 =	sand.u32 $0x4000, s31;
	s1 =	sadd.s32 s1, s30  }
0xba: {  	s0 =	sor.u32 s3, s0;
	s1 =	sshll.u32 s1, $0x11  }
0xbb: {  	s0 =	sor.u32 s1, s0  }
0xbc: {  	s0 =	sadd.s32 $0x8F2B, s0  }
0xbd: {  	[sflag:s0] =	ssyncadd.remote.s32 $0x1  }
0xbe: {  	_ =	sfence.sel $0xFFFF  }
0xbf: {  	[dreg:$0x0] =	wrdreg $0xFFFFFFFF;
	(pc) =	sbr.abs _section_cstart, $3  }
0xc0: {  	[dreg:$0x1] =	wrdreg $0xFFFFFFFF  }
0xc1: {  	_ =	task.clear_ibuf [dreg:s7], $0x2FFFF;
	_ =	strace $0x9FFFFFFF  }
0xc2: {  	(tm) =	ssettm $0x7FFFFFFF  }
0xc3: {  	_ =	shalt  }
tec
execute0_lowered:
.L_overlay_start_1:
0x0: {  	(tag) =	ssettag $0x1  }
0x1: {  	s2 =	rddreg [dreg:$0x0]  }
0x2: {  	s5 =	rddreg [dreg:$0x1]  }
0x3: {  	s0 =	rddreg [dreg:$0x2];
	s3 =	simm.s32 $0x0  }
0x4: {  	s1 =	stileid.u32;
	s8 =	srdreg.scid;
	s14 =	simm.s32 $0x100  }
0x5: {  	s15 =	simm.s32 $0x1900;
	s16 =	simm.s32 $0x3100;
	s17 =	simm.s32 $0x3500  }
0x6: {  	s18 =	simm.s32 $0x1;
	s19 =	simm.s32 $0x2;
	s6 =	smul.u32 $0x1880, s1  }
0x7: {  	s20 =	simm.s32 $0x3;
	s21 =	simm.s32 $0x4;
	s7 =	smul.u32 $0x49800, s1  }
0x8: {  	s22 =	simm.s32 $0x0;
	s9 =	smul.u32 $0xC400, s1;
	s8 =	sand.u32 $0x1, s8  }
0x9: {  	[smem:$0x7FF] =	sst s3;
	s4 =	sadd.s32 $0xC7400, s5;
	s11 =	smul.u32 $0x24C00, s8  }
0xa: {  	_ =	strace $0x80000047;
	s29 =	ssub.s32 $0x2, s8;
	s13 =	smul.u32 $0x6200, s8  }
0xb: {  	s8 =	smul.u32 $0xC40, s8;
	s10 =	sadd.s32 s6, s5;
	s12 =	sshrl.u32 s29, $0x1  }
0xc: {  	s7 =	sadd.s32 s7, s5;
	s9 =	sadd.s32 s9, s5;
	s30 =	ssub.s32 s29, s12  }
0xd: {  	s11 =	sadd.s32 s11, s7;
	s9 =	sadd.s32 s13, s9;
	s31 =	sadd.s32 s8, s10  }
0xe: {  	s12 =	simm.s32 $0x5;
	s13 =	simm.s32 $0x80;
	s6 =	sadd.s32 $0x56B800, s11  }
0xf: {  	s5 =	smax.u32 s30, $0x1;
	s7 =	sadd.s32 $0xAC7800, s9;
	s8 =	sadd.s32 $0xD3800, s11  }
0x10: {  	s9 =	sadd.s32 $0xA03800, s9;
	s10 =	sadd.s32 $0x3E00, s31;
	s11 =	sadd.s32 $0x34E00, s31  }
.LBB2_1:
0x11: {  	[tilespmem:s3], [sflag:$0x5] =	stream.linear.gather [hbm4b:s11+s3], $0x80, $0x38;
	[tilespmem:$0x3900] =	vst v63  }
0x12: {  	_ =	swait.ge [sflag:s12], $0x80  }
0x13: {  	[sflag:s12] =	ssyncset.done $0x0  }
0x14: {  	[sflag:s12] =	ssyncadd.s32 $0xFFFFFF80  }
0x15: {  	[tilespmem:s13], [sflag:$0x5] =	stream.linear.gather [hbm4b:s10+s3], $0x80, $0x38;
	[tilespmem:$0x3900] =	vst v63  }
0x16: {  	_ =	swait.ge [sflag:s12], $0x80  }
0x17: {  	[sflag:s12] =	ssyncset.done $0x0  }
0x18: {  	[sflag:s12] =	ssyncadd.s32 $0xFFFFFF80  }
0x19: {  	[tilespmem:s14], [sflag:$0x1] =	stream.indirect.gather [hbm4b:s2+s13], $0x30, s3, s13, $0xb8;
	[tilespmem:$0x3900] =	vst v63  }
0x1a: {  	_ = 	snop  }
0x1b: {  	[tilespmem:s15], [sflag:$0x2] =	stream.indirect.gather [hbm4b:s2+s13], $0x30, s13, s13, $0xb8;
	[tilespmem:$0x3900] =	vst v63  }
0x1c: {  	_ = 	snop  }
0x1d: {  	[tilespmem:s16], [sflag:$0x3] =	stream.indirect.gather [hbm4b:s4+s13], $0x8, s3, s13, $0xb8;
	[tilespmem:$0x3900] =	vst v63  }
0x1e: {  	_ = 	snop  }
0x1f: {  	[tilespmem:s17], [sflag:$0x4] =	stream.indirect.gather [hbm4b:s4+s13], $0x8, s13, s13, $0xb8;
	[tilespmem:$0x3900] =	vst v63  }
0x20: {  	_ =	swait.ge [sflag:s18], $0x1800  }
0x21: {  	[sflag:s18] =	ssyncset.done $0x0  }
0x22: {  	[sflag:s18] =	ssyncadd.s32 $0xFFFFE800  }
0x23: {  	_ =	swait.ge [sflag:s19], $0x1800  }
0x24: {  	[sflag:s19] =	ssyncset.done $0x0  }
0x25: {  	[sflag:s19] =	ssyncadd.s32 $0xFFFFE800  }
0x26: {  	_ =	swait.ge [sflag:s20], $0x400  }
0x27: {  	[sflag:s20] =	ssyncset.done $0x0  }
0x28: {  	[sflag:s20] =	ssyncadd.s32 $0xFFFFFC00  }
0x29: {  	_ =	swait.ge [sflag:s21], $0x400  }
0x2a: {  	[sflag:s21] =	ssyncset.done $0x0  }
0x2b: {  	s23 =	sadd.s32 $0x0, s6;
	[sflag:s21] =	ssyncadd.s32 $0xFFFFFC00  }
0x2c: {  	[hbm4b:s23+s3] =	stream.linear.scatter [tilespmem:s14], [sflag:$0x5], $0x1800, $0x38;
	[tilespmem:$0x3900] =	vst v63  }
0x2d: {  	_ =	swait.ge [sflag:s12], $0x1800  }
0x2e: {  	[sflag:s12] =	ssyncset.done $0x0  }
0x2f: {  	s31 =	sadd.s32 $0x0, s8;
	[sflag:s12] =	ssyncadd.s32 $0xFFFFE800  }
0x30: {  	[hbm4b:s31+s3] =	stream.linear.scatter [tilespmem:s15], [sflag:$0x5], $0x1800, $0x38;
	[tilespmem:$0x3900] =	vst v63  }
0x31: {  	_ =	swait.ge [sflag:s12], $0x1800  }
0x32: {  	[sflag:s12] =	ssyncset.done $0x0  }
0x33: {  	[sflag:s12] =	ssyncadd.s32 $0xFFFFE800  }
0x34: {  	[hbm4b:s9+s3] =	stream.linear.scatter [tilespmem:s16], [sflag:$0x5], $0x400, $0x38;
	[tilespmem:$0x3900] =	vst v63  }
0x35: {  	_ =	swait.ge [sflag:s12], $0x400  }
0x36: {  	[sflag:s12] =	ssyncset.done $0x0  }
0x37: {  	s24 =	sadd.s32 $0x10, s10;
	[sflag:s12] =	ssyncadd.s32 $0xFFFFFC00  }
0x38: {  	[hbm4b:s7+s3] =	stream.linear.scatter [tilespmem:s17], [sflag:$0x5], $0x400, $0x38;
	[tilespmem:$0x3900] =	vst v63  }
0x39: {  	s25 =	sadd.s32 $0x10, s11;
	s26 =	smov.u32 s7;
	_ =	swait.ge [sflag:s12], $0x400  }
0x3a: {  	s28 =	smov.u32 s9;
	s23 =	simm.s32 $0x300;
	[sflag:s12] =	ssyncset.done $0x0  }
.LBB2_2:
0x3b: {  	[sflag:s12] =	ssyncadd.s32 $0xFFFFFC00  }
0x3c: {  	s26 =	sadd.s32 $0x80, s26;
	s28 =	sadd.s32 $0x80, s28;
	s29 =	smov.u32 s23  }
0x3d: {  	[tilespmem:s3], [sflag:$0x5] =	stream.linear.gather [hbm4b:s25+s3], $0x80, $0x38;
	[tilespmem:$0x3900] =	vst v63  }
0x3e: {  	p0 =	sne.s32 s23, $0x24900;
	s23 =	sadd.s32 $0x300, s23;
	_ =	swait.ge [sflag:s12], $0x80  }
0x3f: {  	[sflag:s12] =	ssyncset.done $0x0  }
0x40: {  	[sflag:s12] =	ssyncadd.s32 $0xFFFFFF80  }
0x41: {  	[tilespmem:s13], [sflag:$0x5] =	stream.linear.gather [hbm4b:s24+s3], $0x80, $0x38;
	[tilespmem:$0x3900] =	vst v63  }
0x42: {  	_ =	swait.ge [sflag:s12], $0x80  }
0x43: {  	[sflag:s12] =	ssyncset.done $0x0  }
0x44: {  	[sflag:s12] =	ssyncadd.s32 $0xFFFFFF80  }
0x45: {  	[tilespmem:s14], [sflag:$0x1] =	stream.indirect.gather [hbm4b:s2+s13], $0x30, s3, s13, $0xb8;
	[tilespmem:$0x3900] =	vst v63  }
0x46: {  	_ = 	snop  }
0x47: {  	[tilespmem:s15], [sflag:$0x2] =	stream.indirect.gather [hbm4b:s2+s13], $0x30, s13, s13, $0xb8;
	[tilespmem:$0x3900] =	vst v63  }
0x48: {  	_ = 	snop  }
0x49: {  	[tilespmem:s16], [sflag:$0x3] =	stream.indirect.gather [hbm4b:s4+s13], $0x8, s3, s13, $0xb8;
	[tilespmem:$0x3900] =	vst v63  }
0x4a: {  	_ = 	snop  }
0x4b: {  	[tilespmem:s17], [sflag:$0x4] =	stream.indirect.gather [hbm4b:s4+s13], $0x8, s13, s13, $0xb8;
	[tilespmem:$0x3900] =	vst v63  }
0x4c: {  	_ =	swait.ge [sflag:s18], $0x1800  }
0x4d: {  	[sflag:s18] =	ssyncset.done $0x0  }
0x4e: {  	[sflag:s18] =	ssyncadd.s32 $0xFFFFE800  }
0x4f: {  	_ =	swait.ge [sflag:s19], $0x1800  }
0x50: {  	[sflag:s19] =	ssyncset.done $0x0  }
0x51: {  	[sflag:s19] =	ssyncadd.s32 $0xFFFFE800  }
0x52: {  	_ =	swait.ge [sflag:s20], $0x400  }
0x53: {  	[sflag:s20] =	ssyncset.done $0x0  }
0x54: {  	[sflag:s20] =	ssyncadd.s32 $0xFFFFFC00  }
0x55: {  	_ =	swait.ge [sflag:s21], $0x400  }
0x56: {  	[sflag:s21] =	ssyncset.done $0x0  }
0x57: {  	s30 =	sadd.s32 s29, s6;
	[sflag:s21] =	ssyncadd.s32 $0xFFFFFC00  }
0x58: {  	[hbm4b:s30+s3] =	stream.linear.scatter [tilespmem:s14], [sflag:$0x5], $0x1800, $0x38;
	[tilespmem:$0x3900] =	vst v63  }
0x59: {  	_ =	swait.ge [sflag:s12], $0x1800  }
0x5a: {  	[sflag:s12] =	ssyncset.done $0x0  }
0x5b: {  	s29 =	sadd.s32 s29, s8;
	[sflag:s12] =	ssyncadd.s32 $0xFFFFE800  }
0x5c: {  	[hbm4b:s29+s3] =	stream.linear.scatter [tilespmem:s15], [sflag:$0x5], $0x1800, $0x38;
	[tilespmem:$0x3900] =	vst v63  }
0x5d: {  	_ =	swait.ge [sflag:s12], $0x1800  }
0x5e: {  	[sflag:s12] =	ssyncset.done $0x0  }
0x5f: {  	[sflag:s12] =	ssyncadd.s32 $0xFFFFE800  }
0x60: {  	[hbm4b:s28+s3] =	stream.linear.scatter [tilespmem:s16], [sflag:$0x5], $0x400, $0x38;
	[tilespmem:$0x3900] =	vst v63  }
0x61: {  	_ =	swait.ge [sflag:s12], $0x400  }
.Ltmp0:
0x62: {  	[sflag:s12] =	ssyncset.done $0x0;
	(pc) =	sbr.rel @p0 .LBB2_2-.Ltmp0, $4  }
0x63: {  	[sflag:s12] =	ssyncadd.s32 $0xFFFFFC00  }
0x64: {  	[hbm4b:s26+s3] =	stream.linear.scatter [tilespmem:s17], [sflag:$0x5], $0x400, $0x38;
	[tilespmem:$0x3900] =	vst v63  }
0x65: {  	_ =	swait.ge [sflag:s12], $0x400  }
0x66: {  	s25 =	sadd.s32 $0x10, s25;
	s24 =	sadd.s32 $0x10, s24;
	[sflag:s12] =	ssyncset.done $0x0  }
0x67: {  	s22 =	sadd.s32 $0x1, s22  }
0x68: {  	p0 =	sne.s32 s22, s5  }
.Ltmp1:
0x69: {  	_ = 	snop;
	(pc) =	sbr.rel @p0 .LBB2_1-.Ltmp1, $2  }
0x6a: {  	_ =	sdelay $0x2  }
0x6b: {  	[sflag:s12] =	ssyncadd.s32 $0xFFFFFC00  }
0x6c: {  	_ =	sfence.sel $0x180000  }
0x6d: {  	[bflag:$0x0] =	sbarrier.arrive $0xFFFF  }
0x6e: {  	p0 =	sne.s32 s1, $0x0;
	_ =	strace $0x90000047  }
0x6f: {  	s0 =	sadd.s32 @!p0 $0x100000, s0;
	[bflag:$0x2] =	sbarrier.arrive $0xFFFF  }
0x70: {  	[sflag:s0] =	ssyncadd.tile.s32 @!p0 $0x1;
	_ =	shalt  }
.Lfunc_end2:
_tile_overlayer_lowered:
.L_overlay_start_2:
0x71: {  	(tag) =	ssettag $0x2  }
0x72: {  	s0 =	rddreg [dreg:$0x0];
	s2 =	stileid.u32  }
0x73: {  	s1 =	rddreg [dreg:$0x1];
	p0 =	sne.s32 s2, $0x0  }
0x74: {  	s3 =	rddreg [dreg:$0x2];
	[bflag:$0x3] =	sbarrier.arrive $0xFFFF;
	s2 =	simm.s32 @!p0 $0x1C05  }
0x75: {  	[timem:s3], [sflag:s2] =	dma.local @!p0 [hbm:s0], s1  }
0x76: {  	s0 =	simm.s32 @!p0 $0x5  }
0x77: {  	_ =	swait.ge @!p0 [sflag:s0], s1  }
0x78: {  	s1 =	ssub.s32 @!p0 $0x0, s1;
	[sflag:s0] =	ssyncset.done @!p0 $0x0  }
0x79: {  	[sflag:s0] =	ssyncadd.s32 @!p0 s1  }
0x7a: {  	[bflag:$0x3] =	sbarrier.arrive $0xFFFF  }
0x7b: {  	_ =	shalt  }

// kernel: kernel.13.cloned.1.call-start
scs
__scs_entry_jumppad:
0x0: {  	(pc) =	sbr.rel $0x88, $3  }
0x1: {  	(tag) =	ssettag $0x0;
	lr =	simm.s32 $0x1  }
0x2: {  	[smem:$0x3F92] =	sst lr;
	_ =	strace $0xD0000000  }
0x3: {  	_ = 	snop  }
0x4: {  	_ = 	snop  }
0x5: {  	_ = 	snop  }
0x6: {  	_ = 	snop  }
0x7: {  	_ = 	snop  }
__scs_overlays_trampoline_lowered:
0x8: {  	[smem:$0x3FA1] =	sst s0  }
0x9: {  	[smem:$0x3FA2] =	sst s1  }
0xa: {  	[smem:$0x3FA3] =	sst s2  }
0xb: {  	[smem:$0x3FA4] =	sst s3  }
0xc: {  	[smem:$0x3FA5] =	sst s4  }
0xd: {  	[smem:$0x3FA6] =	sst s5  }
0xe: {  	[smem:$0x3FA7] =	sst s6  }
0xf: {  	[smem:$0x3FA8] =	sst s7  }
0x10: {  	[smem:$0x3FA9] =	sst s8  }
0x11: {  	[smem:$0x3FAA] =	sst s9;
	s0 =	simm.s32 @!p0 $0x0  }
0x12: {  	s1 =	sld [smem:$0x3F90];
	s0 =	simm.s32 @p0 $0x1  }
0x13: {  	[smem:$0x3FAB] =	sst s0;
	s0 =	simm.s32 @!p1 $0x0  }
0x14: {  	s2 =	sld [smem:$0x3F8F];
	s0 =	simm.s32 @p1 $0x1  }
0x15: {  	[smem:$0x3FAC] =	sst s0;
	s0 =	simm.s32 @!p2 $0x0  }
0x16: {  	s3 =	sld [smem:$0x3FDB];
	s0 =	simm.s32 @p2 $0x1  }
0x17: {  	s4 =	simm.s32 $0x1BF5;
	[smem:$0x3FAE] =	sst s0  }
0x18: {  	s0 =	sld [smem:$0x3F91];
	_ =	swait.ge [sflag:s4], $0x0  }
0x19: {  	s7 =	sld [smem:$0x3F92]  }
0x1a: {  	s8 =	sadd.s32 $0xFFFFE003, lr  }
0x1b: {  	s9 =	sadd.s32 $0xFFFFFEF7, lr;
	s5 =	simm.s32 $0xFFFFFFFF;
	p2 =	slt.u32 s8, $0xFFFFF086  }
0x1c: {  	p1 =	slt.u32 s9, $0xF7A;
	s5 =	simm.s32 @!p2 $0x0  }
0x1d: {  	s5 =	simm.s32 @p1 $0x1;
	p0 =	seq.s32 s7, s2  }
0x1e: {  	s7 =	smul.u32 @!p0 $0xF7A, s2;
	p2 =	seq.s32 @!p0 s5, $0x0  }
0x1f: {  	s9 =	smul.u32 $0xF7A, s1;
	s8 =	simm.s32 @!p0 $0x1BF5;
	p2 =	por !p2, p0  }
0x20: {  	[sflag:s8] =	ssyncset.s32 @!p0 $0xFFFFF086;
	s6 =	sadd.s32 @!p0 s3, s7;
	s7 =	simm.s32 @!p0 $0x108  }
0x21: {  	s3 =	sadd.s32 s3, s9;
	s6 =	sadd.s32 @!p0 $0x88, s6;
	s7 =	simm.s32 @p2 $0x1082  }
0x22: {  	[simem:s7], [sflag:s8] =	dma.local @!p0 [hbm:s6], $0xF7A  }
0x23: {  	s9 =	sor.u32 $0xD0000000, s2;
	s6 =	simm.s32 $0x108;
	_ =	swait.ge @!p0 [sflag:s8], $0x0  }
0x24: {  	s3 =	sadd.s32 $0x88, s3;
	s6 =	simm.s32 @!p1 $0x1082;
	[sflag:s4] =	ssyncset.s32 $0xFFFFF086  }
0x25: {  	[simem:s6], [sflag:s4] =	dma.local [hbm:s3], $0xF7A  }
0x26: {  	[smem:$0x3F92] =	sst s1;
	(tag) =	ssettag s2;
	_ =	strace s9  }
0x27: {  	s1 =	sld [smem:$0x3FA2]  }
0x28: {  	s2 =	sld [smem:$0x3FA3]  }
0x29: {  	s4 =	sld [smem:$0x3FA5]  }
0x2a: {  	p0 =	seq.s32 s5, $0x0;
	s5 =	sld [smem:$0x3FA6]  }
0x2b: {  	s6 =	sld [smem:$0x3FA7]  }
0x2c: {  	s7 =	sld [smem:$0x3FA8]  }
0x2d: {  	s3 =	simm.s32 $0x108;
	s8 =	sld [smem:$0x3FA9]  }
0x2e: {  	s3 =	simm.s32 @!p0 $0x1082;
	s9 =	sld [smem:$0x3FAA]  }
0x2f: {  	lr =	sadd.s32 s0, s3;
	s0 =	sld [smem:$0x3FA1]  }
0x30: {  	s3 =	sld [smem:$0x3FA4]  }
0x31: {  	[smem:$0x3FAD] =	sst s10  }
0x32: {  	s10 =	sld [smem:$0x3FAB];
	_ =	sdelay $0x3  }
0x33: {  	p0 =	seq.s32 s10, $0x1;
	s10 =	sld [smem:$0x3FAD];
	_ =	sdelay $0x3  }
0x34: {  	[smem:$0x3FAD] =	sst s10  }
0x35: {  	s10 =	sld [smem:$0x3FAC];
	_ =	sdelay $0x3  }
0x36: {  	p1 =	seq.s32 s10, $0x1;
	s10 =	sld [smem:$0x3FAD];
	_ =	sdelay $0x3  }
0x37: {  	[smem:$0x3FAD] =	sst s10  }
0x38: {  	s10 =	sld [smem:$0x3FAE]  }
0x39: {  	_ = 	snop;
	(pc) =	sbr.ind lr, $3  }
0x3a: {  	_ = 	snop  }
0x3b: {  	_ = 	snop  }
0x3c: {  	p2 =	seq.s32 s10, $0x1;
	s10 =	sld [smem:$0x3FAD]  }
0x3d: {  	_ =	shalt  }
0x3e: {  	_ =	shalt  }
0x3f: {  	_ =	shalt  }
0x40: {  	_ =	shalt  }
0x41: {  	_ =	shalt  }
0x42: {  	_ =	shalt  }
0x43: {  	_ =	shalt  }
0x44: {  	_ =	shalt  }
0x45: {  	_ =	shalt  }
0x46: {  	_ =	shalt  }
0x47: {  	_ =	shalt  }
0x48: {  	_ =	shalt  }
0x49: {  	_ =	shalt  }
0x4a: {  	_ =	shalt  }
0x4b: {  	_ =	shalt  }
0x4c: {  	_ =	shalt  }
0x4d: {  	_ =	shalt  }
0x4e: {  	_ =	shalt  }
0x4f: {  	_ =	shalt  }
0x50: {  	_ =	shalt  }
0x51: {  	_ =	shalt  }
0x52: {  	_ =	shalt  }
0x53: {  	_ =	shalt  }
0x54: {  	_ =	shalt  }
0x55: {  	_ =	shalt  }
0x56: {  	_ =	shalt  }
0x57: {  	_ =	shalt  }
0x58: {  	_ =	shalt  }
0x59: {  	_ =	shalt  }
0x5a: {  	_ =	shalt  }
0x5b: {  	_ =	shalt  }
0x5c: {  	_ =	shalt  }
0x5d: {  	_ =	shalt  }
0x5e: {  	_ =	shalt  }
0x5f: {  	_ =	shalt  }
0x60: {  	_ =	shalt  }
0x61: {  	_ =	shalt  }
0x62: {  	_ =	shalt  }
0x63: {  	_ =	shalt  }
0x64: {  	_ =	shalt  }
0x65: {  	_ =	shalt  }
0x66: {  	_ =	shalt  }
0x67: {  	_ =	shalt  }
0x68: {  	_ =	shalt  }
0x69: {  	_ =	shalt  }
0x6a: {  	_ =	shalt  }
0x6b: {  	_ =	shalt  }
0x6c: {  	_ =	shalt  }
0x6d: {  	_ =	shalt  }
0x6e: {  	_ =	shalt  }
0x6f: {  	_ =	shalt  }
0x70: {  	_ =	shalt  }
0x71: {  	_ =	shalt  }
0x72: {  	_ =	shalt  }
0x73: {  	_ =	shalt  }
0x74: {  	_ =	shalt  }
0x75: {  	_ =	shalt  }
0x76: {  	_ =	shalt  }
0x77: {  	_ =	shalt  }
0x78: {  	_ =	shalt  }
0x79: {  	_ =	shalt  }
0x7a: {  	_ =	shalt  }
0x7b: {  	_ =	shalt  }
0x7c: {  	_ =	shalt  }
0x7d: {  	_ =	shalt  }
0x7e: {  	_ =	shalt  }
0x7f: {  	_ =	shalt  }
0x80: {  	_ =	shalt  }
0x81: {  	_ =	shalt  }
0x82: {  	_ =	shalt  }
0x83: {  	_ =	shalt  }
0x84: {  	_ =	shalt  }
0x85: {  	_ =	shalt  }
0x86: {  	_ =	shalt  }
0x87: {  	_ =	shalt  }
.Lfunc_end0:
.L_simem_size_0:
called_computation.1_lowered:
.L_overlay_start_0:
0x88: {  	s2 =	sld [smem:$0x3FD9]  }
0x89: {  	s3 =	sld [smem:$0x3FFE];
	_ =	sdelay $0x1  }
0x8a: {  	s1 =	srdreg.scid  }
0x8b: {  	s0 =	sand.u32 $0x1, s1  }
0x8c: {  	s17 =	sshll.u32 s0, $0xA;
	s2 =	sadd.s32 s3, s2  }
0x8d: {  	s2 =	sadd.s32 s2, s17  }
0x8e: {  	[smem:$0x3FB9] =	sst s2  }
0x8f: {  	_ = 	snop  }
0x90: {  	s2 =	sld [smem:$0x3FD0];
	(tm) =	ssettm $0x1  }
0x91: {  	s18 =	sld [smem:$0x3FFB];
	_ =	sdelay $0x3  }
0x92: {  	_ =	strace s18  }
0x93: {  	s3 =	sld [smem:$0x3FFC];
	_ =	sdelay $0x3  }
0x94: {  	_ =	strace s3  }
0x95: {  	s3 =	sld [smem:$0x3FFD];
	_ =	sdelay $0x3  }
0x96: {  	_ =	strace s3  }
0x97: {  	_ =	strace $0x8FFFFFFF  }
0x98: {  	s19 =	sld [smem:$0x3FDB];
	_ =	sdelay $0x1  }
0x99: {  	s4 =	simm.s32 $_scs_section_size  }
0x9a: {  	s5 =	simm.s32 $_size__tile_overlayer_lowered;
	s6 =	simm.s32 $_tile_overlayer_lowered  }
0x9b: {  	s22 =	simm.s32 $0x1BFF;
	s21 =	sshll.u32 s6, $0x1;
	s3 =	sadd.s32 s4, s19  }
0x9c: {  	s7 =	simm.s32 $0x0;
	s20 =	sshll.u32 s5, $0x1;
	s5 =	sadd.s32 s21, s3  }
0x9d: {  	[timem:s7], [sflag:s22] =	dma.local [hbm:s5], s20  }
0x9e: {  	_ =	swait.ge [sflag:s22], s20  }
0x9f: {  	s4 =	ssub.s32 $0x0, s20;
	[sflag:s22] =	ssyncset.done $0x0  }
0xa0: {  	[sflag:s22] =	ssyncadd.s32 s4;
	_ =	sdelay $0x1  }
0xa1: {  	s23 =	simm.s32 $0x1B8B  }
0xa2: {  	_ =	swait.ge [sflag:s23], $0x1  }
0xa3: {  	[sflag:s23] =	ssyncset.done $0x0  }
0xa4: {  	s25 =	simm.s32 $0x1B8E;
	s24 =	sld [smem:$0x3FFE];
	[sflag:s23] =	ssyncadd.s32 $0xFFFFFFFF  }
0xa5: {  	s26 =	simm.s32 $execute0_lowered;
	[smem:$0x3FD2] =	sst s25  }
0xa6: {  	s5 =	sshll.u32 s26, $0x1;
	_ =	strace $0x80000049;
	[dreg:$0x1] =	wrdreg $0xFFFFFFFF  }
0xa7: {  	s28 =	simm.s32 $_size_execute0_lowered;
	s3 =	sadd.s32 s3, s5;
	[dreg:$0x0] =	wrdreg $0x0  }
0xa8: {  	s5 =	sshll.u32 s28, $0x1;
	[dreg:$0x2] =	wrdreg s3  }
0xa9: {  	[dreg:$0x3] =	wrdreg s5  }
0xaa: {  	[dreg:$0x4] =	wrdreg $0xC0  }
0xab: {  	_ =	task [dreg:s7], $0x5FFFF  }
0xac: {  	[dreg:$0x1] =	wrdreg $0xFFFFFFFF  }
0xad: {  	[dreg:$0x0] =	wrdreg $0x60  }
0xae: {  	[dreg:$0x2] =	wrdreg s24  }
0xaf: {  	[dreg:$0x3] =	wrdreg s2  }
0xb0: {  	[dreg:$0x4] =	wrdreg $0x1AA00  }
0xb1: {  	[dreg:$0x5] =	wrdreg $0x20E00  }
0xb2: {  	[dreg:$0x6] =	wrdreg $0x9  }
0xb3: {  	_ =	task.clear_ibuf [dreg:s7], $0x7FFFF;
	_ =	strace $0x90000049  }
0xb4: {  	s29 =	simm.s32 $0x9;
	_ =	strace $0x8000004B  }
0xb5: {  	_ =	swait.ge [sflag:s29], $0x1  }
0xb6: {  	[sflag:s29] =	ssyncadd.s32 $0xFFFFFFFF  }
0xb7: {  	_ =	strace $0x9000004B  }
0xb8: {  	_ =	sfence  }
0xb9: {  	s30 =	sld [smem:$0x0];
	_ =	sdelay $0x2  }
0xba: {  	s31 =	sshll.u32 s1, $0xD;
	s1 =	sshrl.u32 s1, $0x2  }
0xbb: {  	s3 =	sand.u32 $0x4000, s31;
	s1 =	sadd.s32 s1, s30  }
0xbc: {  	s0 =	sor.u32 s3, s0;
	s1 =	sshll.u32 s1, $0x11  }
0xbd: {  	s0 =	sor.u32 s1, s0  }
0xbe: {  	s0 =	sadd.s32 $0x8F2B, s0  }
0xbf: {  	[sflag:s0] =	ssyncadd.remote.s32 $0x1  }
0xc0: {  	_ =	sfence.sel $0xFFFF  }
0xc1: {  	[dreg:$0x0] =	wrdreg $0xFFFFFFFF;
	(pc) =	sbr.abs _section_cstart, $3  }
0xc2: {  	[dreg:$0x1] =	wrdreg $0xFFFFFFFF  }
0xc3: {  	_ =	task.clear_ibuf [dreg:s7], $0x2FFFF;
	_ =	strace $0x9FFFFFFF  }
0xc4: {  	(tm) =	ssettm $0x7FFFFFFF  }
0xc5: {  	_ =	shalt  }
tec
execute0_lowered:
.L_overlay_start_1:
0x0: {  	(tag) =	ssettag $0x1  }
0x1: {  	s6 =	rddreg [dreg:$0x0]  }
0x2: {  	s12 =	rddreg [dreg:$0x1]  }
0x3: {  	s2 =	rddreg [dreg:$0x2]  }
0x4: {  	s3 =	rddreg [dreg:$0x3]  }
0x5: {  	s0 =	rddreg [dreg:$0x4]  }
0x6: {  	s1 =	stileid.u32;
	s5 =	srdreg.scid;
	s4 =	simm.s32 $0x0  }
0x7: {  	s16 =	simm.s32 $0x100;
	s17 =	simm.s32 $0x80;
	s13 =	smul.u32 $0x1880, s1  }
0x8: {  	s18 =	simm.s32 $0x180;
	s19 =	simm.s32 $0x840;
	s9 =	smul.u32 $0x620, s1  }
0x9: {  	s21 =	simm.s32 $0x1480;
	s8 =	sand.u32 $0x1, s5;
	s15 =	smul.u32 $0x640, s1  }
0xa: {  	s22 =	simm.s32 $0x0;
	[smem:$0x7FF] =	sst s4;
	s5 =	smul.u32 $0x6200, s8  }
0xb: {  	_ =	strace $0x8000004A;
	s7 =	ssub.s32 $0x2, s8;
	s20 =	smul.u32 $0x61A8, s8  }
0xc: {  	s14 =	sadd.s32 s13, s6;
	s11 =	sshrl.u32 s7, $0x1;
	s8 =	sadd.s32 s9, s2  }
0xd: {  	s12 =	sadd.s32 s13, s12;
	s5 =	sadd.s32 s9, s5;
	s11 =	ssub.s32 s7, s11  }
0xe: {  	s7 =	sadd.s32 s15, s3;
	s9 =	sadd.s32 s9, s3;
	s13 =	sadd.s32 $0x1C600, s14  }
0xf: {  	s14 =	simm.s32 $0x200;
	v0 =	vmov s20;
	s20 =	simm.s32 $0xE60;
	s10 =	sshrl.u32 s5, $0x3  }
0x10: {  	s5 =	sadd.s32 $0x3E00, s6;
	s11 =	smax.u32 s11, $0x1;
	s10 =	sadd.s32 s10, s6  }
0x11: {  	s6 =	sadd.s32 s15, s2;
	s15 =	simm.s32 $0x1;
	s10 =	sadd.s32 $0x4000, s10  }
.LBB2_1:
0x12: {  	[tilespmem:s14], [sflag:$0x1] =	stream.linear.gather [hbm4b:s5+s4], $0x640, $0x38;
	[tilespmem:$0x2720] =	vst v63  }
0x13: {  	_ =	swait.ge [sflag:s15], $0x640  }
0x14: {  	[sflag:s15] =	ssyncset.done $0x0  }
0x15: {  	[sflag:s15] =	ssyncadd.s32 $0xFFFFF9C0  }
0x16: {  	[spmem:s6] =	stream.linear.scatter [tilespmem:s14], [sflag:$0x1], $0x640, $0x38;
	[tilespmem:$0x2720] =	vst v63  }
0x17: {  	_ =	swait.ge [sflag:s15], $0x640  }
0x18: {  	[sflag:s15] =	ssyncset.done $0x0  }
0x19: {  	[sflag:s15] =	ssyncadd.s32 $0xFFFFF9C0  }
0x1a: {  	[spmem:s7] =	stream.linear.scatter [tilespmem:s14], [sflag:$0x1], $0x640, $0x38;
	[tilespmem:$0x2720] =	vst v63  }
0x1b: {  	_ =	swait.ge [sflag:s15], $0x640  }
0x1c: {  	[sflag:s15] =	ssyncset.done $0x0  }
0x1d: {  	v1 =	vimm.f32 $1.000000000e+00;
	[sflag:s15] =	ssyncadd.s32 $0xFFFFF9C0  }
0x1e: {  	[tilespmem:$0x180] =	vst v1  }
0x1f: {  	[tilespmem:$0x190] =	vst v1  }
0x20: {  	[tilespmem:$0x1A0] =	vst v1  }
0x21: {  	[tilespmem:$0x1B0] =	vst v1  }
0x22: {  	[tilespmem:$0x1C0] =	vst v1  }
0x23: {  	[tilespmem:$0x1D0] =	vst v1  }
0x24: {  	[tilespmem:$0x1E0] =	vst v1  }
0x25: {  	[tilespmem:$0x1F0] =	vst v1  }
0x26: {  	s23 =	sadd.s32 $0x0, s13;
	[bflag:$0x0] =	sbarrier.arrive $0xFFFF  }
0x27: {  	[tilespmem:s4], [sflag:$0x1] =	stream.linear.gather [hbm4b:s23+s4], $0x80, $0x38;
	[tilespmem:$0x2720] =	vst v63  }
0x28: {  	_ =	swait.ge [sflag:s15], $0x80  }
0x29: {  	[sflag:s15] =	ssyncset.done $0x0  }
0x2a: {  	s31 =	sadd.s32 $0x0, s12;
	[sflag:s15] =	ssyncadd.s32 $0xFFFFFF80  }
0x2b: {  	[tilespmem:s16], [sflag:$0x1] =	stream.linear.gather [hbm4b:s31+s4], $0x80, $0x38;
	[tilespmem:$0x2720] =	vst v63  }
0x2c: {  	_ =	swait.ge [sflag:s15], $0x80  }
0x2d: {  	[sflag:s15] =	ssyncset.done $0x0  }
0x2e: {  	[sflag:s15] =	ssyncadd.s32 $0xFFFFFF80  }
0x2f: {  	v3 =	vld [tilespmem:$0x60]  }
0x30: {  	v5 =	vld [tilespmem:$0x0]  }
0x31: {  	v4 =	vld [tilespmem:$0x30]  }
0x32: {  	v2 =	vld [tilespmem:$0x10]  }
0x33: {  	s23 =	simm.s32 $0x10;
	v1 =	vld [tilespmem:$0x40]  }
.LBB2_2:
0x34: {  	p0 =	sne.s32 s23, $0x1870;
	v6 =	vld [tilespmem:$0x70];
	s24 =	smov.u32 s23;
	s23 =	sadd.s32 $0x10, s23  }
0x35: {  	v3 =	vsub.s32 v3, v0;
	v5 =	vsub.s32 v5, v0;
	v7 =	vld [tilespmem:$0x20]  }
0x36: {  	vm1 =	vlt.u32 v3, $0x61A8;
	vm0 =	vlt.u32 v5, $0x61A8;
	v4 =	vsub.s32 v4, v0;
	v8 =	vld [tilespmem:$0x50]  }
0x37: {  	v3 =	vnsel vm1, $0x6200, v3;
	v5 =	vnsel vm0, $0x6200, v5;
	vm0 =	vlt.u32 v4, $0x61A8  }
0x38: {  	v2 =	vsub.s32 v2, v0;
	[tilespmem:$0x80] =	vst v5;
	v4 =	vnsel vm0, $0x6200, v4;
	v1 =	vsub.s32 v1, v0  }
0x39: {  	vm0 =	vlt.u32 v2, $0x61A8;
	[tilespmem:$0xB0] =	vst v4;
	vm1 =	vlt.u32 v1, $0x61A8;
	v4 =	vsub.s32 v6, v0  }
0x3a: {  	v2 =	vnsel vm0, $0x6200, v2;
	v1 =	vnsel vm1, $0x6200, v1;
	[tilespmem:$0xE0] =	vst v3;
	vm0 =	vlt.u32 v4, $0x61A8  }
0x3b: {  	[tilespmem:$0x90] =	vst v2;
	v2 =	vsub.s32 v7, v0;
	v3 =	vsub.s32 v8, v0;
	v4 =	vnsel vm0, $0x6200, v4  }
0x3c: {  	vm0 =	vlt.u32 v2, $0x61A8;
	vm1 =	vlt.u32 v3, $0x61A8;
	[tilespmem:$0xF0] =	vst v4  }
0x3d: {  	v2 =	vnsel vm0, $0x6200, v2;
	[tilespmem:$0xC0] =	vst v1;
	v1 =	vnsel vm1, $0x6200, v3  }
0x3e: {  	[tilespmem:$0xA0] =	vst v2  }
0x3f: {  	[tilespmem:$0xD0] =	vst v1  }
0x40: {  	[spmem:s2] =	stream.indirect.scatter.add.f32 [tilespmem:s16], [sflag:$0x1], $0x1, s17, s17, $0xb8;
	[tilespmem:$0x2720] =	vst v63  }
0x41: {  	_ =	swait.ge [sflag:s15], $0x80  }
0x42: {  	[sflag:s15] =	ssyncset.done $0x0  }
0x43: {  	[sflag:s15] =	ssyncadd.s32 $0xFFFFFF80  }
0x44: {  	[spmem:s3] =	stream.indirect.scatter.add.f32 [tilespmem:s18], [sflag:$0x1], $0x1, s17, s17, $0xb8;
	[tilespmem:$0x2720] =	vst v63  }
0x45: {  	_ =	swait.ge [sflag:s15], $0x80  }
0x46: {  	[sflag:s15] =	ssyncset.done $0x0  }
0x47: {  	s25 =	sadd.s32 s24, s13;
	[sflag:s15] =	ssyncadd.s32 $0xFFFFFF80  }
0x48: {  	[tilespmem:s4], [sflag:$0x1] =	stream.linear.gather [hbm4b:s25+s4], $0x80, $0x38;
	[tilespmem:$0x2720] =	vst v63  }
0x49: {  	_ =	swait.ge [sflag:s15], $0x80  }
0x4a: {  	[sflag:s15] =	ssyncset.done $0x0  }
0x4b: {  	s24 =	sadd.s32 s24, s12;
	[sflag:s15] =	ssyncadd.s32 $0xFFFFFF80  }
0x4c: {  	[tilespmem:s16], [sflag:$0x1] =	stream.linear.gather [hbm4b:s24+s4], $0x80, $0x38;
	[tilespmem:$0x2720] =	vst v63  }
0x4d: {  	_ =	swait.ge [sflag:s15], $0x80  }
0x4e: {  	[sflag:s15] =	ssyncset.done $0x0  }
0x4f: {  	[sflag:s15] =	ssyncadd.s32 $0xFFFFFF80  }
.Ltmp0:
0x50: {  	v3 =	vld [tilespmem:$0x60];
	(pc) =	sbr.rel @p0 .LBB2_2-.Ltmp0, $4  }
0x51: {  	v5 =	vld [tilespmem:$0x0]  }
0x52: {  	v4 =	vld [tilespmem:$0x30]  }
0x53: {  	v2 =	vld [tilespmem:$0x10]  }
0x54: {  	v1 =	vld [tilespmem:$0x40]  }
0x55: {  	v6 =	vld [tilespmem:$0x70];
	v3 =	vsub.s32 v3, v0  }
0x56: {  	v8 =	vld [tilespmem:$0x50];
	v5 =	vsub.s32 v5, v0;
	vm1 =	vlt.u32 v3, $0x61A8  }
0x57: {  	v7 =	vld [tilespmem:$0x20];
	vm0 =	vlt.u32 v5, $0x61A8;
	v4 =	vsub.s32 v4, v0;
	v3 =	vnsel vm1, $0x6200, v3  }
0x58: {  	v5 =	vnsel vm0, $0x6200, v5;
	vm10 =	vlt.u32 v4, $0x61A8;
	v2 =	vsub.s32 v2, v0;
	[tilespmem:$0xE0] =	vst v3  }
0x59: {  	[tilespmem:$0x80] =	vst v5;
	v4 =	vnsel vm10, $0x6200, v4;
	vm11 =	vlt.u32 v2, $0x61A8;
	v1 =	vsub.s32 v1, v0  }
0x5a: {  	[tilespmem:$0xB0] =	vst v4;
	v58 =	vsub.s32 v6, v0;
	v2 =	vnsel vm11, $0x6200, v2;
	vm13 =	vlt.u32 v1, $0x61A8  }
0x5b: {  	v59 =	vsub.s32 v8, v0;
	vm12 =	vlt.u32 v58, $0x61A8;
	[tilespmem:$0x90] =	vst v2;
	v1 =	vnsel vm13, $0x6200, v1  }
0x5c: {  	v2 =	vsub.s32 v7, v0;
	vm15 =	vlt.u32 v59, $0x61A8;
	v3 =	vnsel vm12, $0x6200, v58;
	[tilespmem:$0xC0] =	vst v1  }
0x5d: {  	vm14 =	vlt.u32 v2, $0x61A8;
	v1 =	vnsel vm15, $0x6200, v59;
	[tilespmem:$0xF0] =	vst v3  }
0x5e: {  	v2 =	vnsel vm14, $0x6200, v2;
	[tilespmem:$0xD0] =	vst v1  }
0x5f: {  	[tilespmem:$0xA0] =	vst v2  }
0x60: {  	[spmem:s2] =	stream.indirect.scatter.add.f32 [tilespmem:s16], [sflag:$0x1], $0x1, s17, s17, $0xb8;
	[tilespmem:$0x2720] =	vst v63  }
0x61: {  	_ =	swait.ge [sflag:s15], $0x80  }
0x62: {  	[sflag:s15] =	ssyncset.done $0x0  }
0x63: {  	[sflag:s15] =	ssyncadd.s32 $0xFFFFFF80  }
0x64: {  	[spmem:s3] =	stream.indirect.scatter.add.f32 [tilespmem:s18], [sflag:$0x1], $0x1, s17, s17, $0xb8;
	[tilespmem:$0x2720] =	vst v63  }
0x65: {  	_ =	swait.ge [sflag:s15], $0x80  }
0x66: {  	[sflag:s15] =	ssyncset.done $0x0  }
0x67: {  	[sflag:s15] =	ssyncadd.s32 $0xFFFFFF80  }
0x68: {  	[bflag:$0x0] =	sbarrier.arrive $0xFFFF  }
0x69: {  	[tilespmem:s19], [sflag:$0x1] =	stream.linear.gather [spmem:s8], $0x620, $0x38;
	[tilespmem:$0x2720] =	vst v63  }
0x6a: {  	_ =	swait.ge [sflag:s15], $0x620  }
0x6b: {  	[sflag:s15] =	ssyncset.done $0x0  }
0x6c: {  	[sflag:s15] =	ssyncadd.s32 $0xFFFFF9E0  }
0x6d: {  	[tilespmem:s20], [sflag:$0x1] =	stream.linear.gather [spmem:s9], $0x620, $0x38;
	[tilespmem:$0x2720] =	vst v63  }
0x6e: {  	_ =	swait.ge [sflag:s15], $0x620  }
0x6f: {  	[sflag:s15] =	ssyncset.done $0x0  }
0x70: {  	[sflag:s15] =	ssyncadd.s32 $0xFFFFF9E0  }
0x71: {  	v42 =	vld [tilespmem:$0x840]  }
0x72: {  	v35 =	vld [tilespmem:$0xE60]  }
0x73: {  	v14 =	vld [tilespmem:$0x850]  }
0x74: {  	v36 =	vld [tilespmem:$0xE70]  }
0x75: {  	v46 =	vld [tilespmem:$0x860]  }
0x76: {  	v37 =	vld [tilespmem:$0xE80]  }
0x77: {  	v17 =	vld [tilespmem:$0x870]  }
0x78: {  	v38 =	vld [tilespmem:$0xE90]  }
0x79: {  	v52 =	vld [tilespmem:$0x880]  }
0x7a: {  	v39 =	vld [tilespmem:$0xEA0]  }
0x7b: {  	v20 =	vld [tilespmem:$0x890]  }
0x7c: {  	v1 =	vld [tilespmem:$0xEB0]  }
0x7d: {  	v54 =	vld [tilespmem:$0x8A0]  }
0x7e: {  	v2 =	vld [tilespmem:$0xEC0]  }
0x7f: {  	v61 =	vld [tilespmem:$0x8B0]  }
0x80: {  	v3 =	vld [tilespmem:$0xED0]  }
0x81: {  	v58 =	vld [tilespmem:$0x8C0]  }
0x82: {  	v4 =	vld [tilespmem:$0xEE0]  }
0x83: {  	v25 =	vld [tilespmem:$0x8D0]  }
0x84: {  	v5 =	vld [tilespmem:$0xEF0]  }
0x85: {  	v27 =	vld [tilespmem:$0x8E0]  }
0x86: {  	v6 =	vld [tilespmem:$0xF00]  }
0x87: {  	v29 =	vld [tilespmem:$0x8F0]  }
0x88: {  	v7 =	vld [tilespmem:$0xF10]  }
0x89: {  	v31 =	vld [tilespmem:$0x900]  }
0x8a: {  	v8 =	vld [tilespmem:$0xF20]  }
0x8b: {  	v33 =	vld [tilespmem:$0x910]  }
0x8c: {  	v9 =	vld [tilespmem:$0xF30]  }
0x8d: {  	v40 =	vld [tilespmem:$0x920]  }
0x8e: {  	v10 =	vld [tilespmem:$0xF40]  }
0x8f: {  	v43 =	vld [tilespmem:$0x930]  }
0x90: {  	v11 =	vld [tilespmem:$0xF50]  }
0x91: {  	v45 =	vld [tilespmem:$0x940]  }
0x92: {  	v12 =	vld [tilespmem:$0xF60]  }
0x93: {  	v48 =	vld [tilespmem:$0x950]  }
0x94: {  	v13 =	vld [tilespmem:$0xF70]  }
0x95: {  	v50 =	vld [tilespmem:$0x960]  }
0x96: {  	v15 =	vld [tilespmem:$0xF80]  }
0x97: {  	v53 =	vld [tilespmem:$0x970]  }
0x98: {  	v16 =	vld [tilespmem:$0xF90]  }
0x99: {  	v63 =	vld [tilespmem:$0x980]  }
0x9a: {  	v18 =	vld [tilespmem:$0xFA0]  }
0x9b: {  	v56 =	vld [tilespmem:$0x990]  }
0x9c: {  	v19 =	vld [tilespmem:$0xFB0]  }
0x9d: {  	v59 =	vld [tilespmem:$0x9A0]  }
0x9e: {  	v21 =	vld [tilespmem:$0xFC0]  }
0x9f: {  	v22 =	vld [tilespmem:$0x9B0]  }
0xa0: {  	v23 =	vld [tilespmem:$0x9C0]  }
0xa1: {  	v24 =	vld [tilespmem:$0x9D0]  }
0xa2: {  	v26 =	vld [tilespmem:$0x9E0]  }
0xa3: {  	v28 =	vld [tilespmem:$0x9F0]  }
0xa4: {  	v30 =	vld [tilespmem:$0xA00]  }
0xa5: {  	v32 =	vld [tilespmem:$0xA10]  }
0xa6: {  	v34 =	vld [tilespmem:$0xA20]  }
0xa7: {  	v41 =	vld [tilespmem:$0xA30]  }
0xa8: {  	v44 =	vld [tilespmem:$0xA40];
	[tilespmem:$0x1FD70] =	vst v22  }
0xa9: {  	v22 =	vld [tilespmem:$0xFD0];
	[tilespmem:$0x1FD80] =	vst v23  }
0xaa: {  	v23 =	vld [tilespmem:$0xFE0];
	[tilespmem:$0x1FD90] =	vst v24  }
0xab: {  	v24 =	vld [tilespmem:$0xFF0];
	[tilespmem:$0x1FDA0] =	vst v26  }
0xac: {  	v26 =	vld [tilespmem:$0x1000];
	[tilespmem:$0x1FDB0] =	vst v28  }
0xad: {  	v28 =	vld [tilespmem:$0x1010];
	[tilespmem:$0x1FDC0] =	vst v30  }
0xae: {  	v30 =	vld [tilespmem:$0x1020];
	[tilespmem:$0x1FDE0] =	vst v32  }
0xaf: {  	v32 =	vld [tilespmem:$0x1030];
	[tilespmem:$0x1FE00] =	vst v34  }
0xb0: {  	v34 =	vld [tilespmem:$0x1040];
	[tilespmem:$0x1FE20] =	vst v41  }
0xb1: {  	v41 =	vld [tilespmem:$0x1050];
	[tilespmem:$0x1FE40] =	vst v44  }
0xb2: {  	v44 =	vld [tilespmem:$0x1060]  }
0xb3: {  	v47 =	vld [tilespmem:$0xA50]  }
0xb4: {  	v49 =	vld [tilespmem:$0xA60]  }
0xb5: {  	v51 =	vld [tilespmem:$0xA70]  }
0xb6: {  	v55 =	vld [tilespmem:$0xA80]  }
0xb7: {  	v57 =	vld [tilespmem:$0xA90]  }
0xb8: {  	v62 =	vld [tilespmem:$0x10B0]  }
0xb9: {  	v35 =	vmax.f32 v35, $1.000000000e+00;
	v60 =	vld [tilespmem:$0xAA0]  }
0xba: {  	v36 =	vmax.f32 v36, $1.000000000e+00;
	(erf) = vrcp.f32 v35;
	v35 =	vld [tilespmem:$0x1140]  }
0xbb: {  	(erf) = vrcp.f32 v36;
	v36 =	vmax.f32 v37, $1.000000000e+00;
	v37 =	vmax.f32 v38, $1.000000000e+00;
	v38 =	vld [tilespmem:$0xB40]  }
0xbc: {  	(erf) = vrcp.f32 v36;
	v36 =	vld [tilespmem:$0x1150]  }
0xbd: {  	(erf) = vrcp.f32 v37;
	v37 =	vmax.f32 v39, $1.000000000e+00;
	v39 =	vld [tilespmem:$0x1180]  }
0xbe: {  	v1 =	vmax.f32 v1, $1.000000000e+00;
	(erf) = vrcp.f32 v37;
	[tilespmem:$0x1FEC0] =	vst v57;
	v57 =	vld [tilespmem:$0xAB0]  }
0xbf: {  	(erf) = vrcp.f32 v1;
	v1 =	vmax.f32 v2, $1.000000000e+00;
	v2 =	vld [tilespmem:$0xB50]  }
0xc0: {  	v37 =	vld [tilespmem:$0x1160]  }
0xc1: {  	[tilespmem:$0x1FE60] =	vst v47;
	v47 =	vld [tilespmem:$0x1070]  }
0xc2: {  	[tilespmem:$0x1FE80] =	vst v49;
	v49 =	vld [tilespmem:$0x1080]  }
0xc3: {  	[tilespmem:$0x1FEE0] =	vst v57;
	v57 =	vld [tilespmem:$0x10D0]  }
0xc4: {  	[tilespmem:$0x1FF70] =	vst v2;
	v2 =	vld [tilespmem:$0xB60]  }
0xc5: {  	[tilespmem:$0x1FEA0] =	vst v51;
	(erf) = vrcp.f32 v1;
	v1 =	vmax.f32 v3, $1.000000000e+00;
	v3 =	vld [tilespmem:$0xB70]  }
0xc6: {  	v51 =	vld [tilespmem:$0x1090];
	[tilespmem:$0x1FEB0] =	vst v55;
	(erf) = vrcp.f32 v1;
	v1 =	vmax.f32 v4, $1.000000000e+00  }
0xc7: {  	v55 =	vld [tilespmem:$0x10A0];
	[tilespmem:$0x1FED0] =	vst v60;
	(erf) = vrcp.f32 v1;
	v1 =	vmax.f32 v5, $1.000000000e+00  }
0xc8: {  	v60 =	vld [tilespmem:$0x10C0];
	(erf) = vrcp.f32 v1;
	v1 =	vmax.f32 v6, $1.000000000e+00;
	[tilespmem:$0x1FDD0] =	vst v57  }
0xc9: {  	(erf) = vrcp.f32 v1;
	v1 =	vmax.f32 v7, $1.000000000e+00;
	v57 =	vld [tilespmem:$0xAC0];
	[tilespmem:$0x1FF80] =	vst v2;
	v2 =	vpop (erf)  }
0xca: {  	[tilespmem:$0x1FF90] =	vst v3;
	(erf) = vrcp.f32 v1;
	v1 =	vmax.f32 v8, $1.000000000e+00;
	v8 =	vld [tilespmem:$0xB80];
	v2 =	vmul.f32 v2, v42;
	v3 =	vpop (erf)  }
0xcb: {  	[tilespmem:$0x1FF60] =	vst v38;
	v38 =	vld [tilespmem:$0x1170];
	v3 =	vmul.f32 v3, v14  }
0xcc: {  	(erf) = vrcp.f32 v1;
	v1 =	vmax.f32 v9, $1.000000000e+00;
	v9 =	vld [tilespmem:$0xB90];
	[tilespmem:$0x1480] =	vst v2  }
0xcd: {  	v5 =	vld [tilespmem:$0x1250];
	v14 =	vpop (erf);
	[tilespmem:$0x1490] =	vst v3  }
0xce: {  	v7 =	vld [tilespmem:$0x1220];
	v2 =	vmul.f32 v14, v46;
	[tilespmem:$0x1FEF0] =	vst v57  }
0xcf: {  	v42 =	vld [tilespmem:$0x1190];
	(erf) = vrcp.f32 v1;
	v1 =	vmax.f32 v10, $1.000000000e+00;
	v14 =	vpop (erf);
	[tilespmem:$0x1FFA0] =	vst v8  }
0xd0: {  	(erf) = vrcp.f32 v1;
	v1 =	vmax.f32 v11, $1.000000000e+00;
	v3 =	vmul.f32 v14, v17;
	v57 =	vld [tilespmem:$0x10E0];
	v8 =	vpop (erf);
	[tilespmem:$0x14A0] =	vst v2  }
0xd1: {  	(erf) = vrcp.f32 v1;
	v1 =	vmax.f32 v12, $1.000000000e+00;
	v12 =	vld [tilespmem:$0xBA0];
	[tilespmem:$0x1FFB0] =	vst v9;
	v2 =	vmul.f32 v8, v52;
	v10 =	vpop (erf)  }
0xd2: {  	v46 =	vld [tilespmem:$0x11A0];
	[tilespmem:$0x14B0] =	vst v3;
	v3 =	vmul.f32 v10, v20  }
0xd3: {  	v52 =	vld [tilespmem:$0x11B0];
	(erf) = vrcp.f32 v1;
	v1 =	vmax.f32 v13, $1.000000000e+00;
	[tilespmem:$0x14C0] =	vst v2  }
0xd4: {  	v11 =	vpop (erf);
	(erf) = vrcp.f32 v1;
	v1 =	vmax.f32 v15, $1.000000000e+00;
	v15 =	vld [tilespmem:$0xBB0];
	[tilespmem:$0x14D0] =	vst v3  }
0xd5: {  	v9 =	vld [tilespmem:$0x1200];
	v2 =	vmul.f32 v11, v54;
	v13 =	vpop (erf);
	[tilespmem:$0x1FDF0] =	vst v57  }
0xd6: {  	v10 =	vld [tilespmem:$0x11F0];
	v3 =	vmul.f32 v13, v61;
	[tilespmem:$0x1FFC0] =	vst v12  }
0xd7: {  	v54 =	vld [tilespmem:$0x11C0];
	v14 =	vpop (erf);
	[tilespmem:$0x14E0] =	vst v2  }
0xd8: {  	(erf) = vrcp.f32 v1;
	v1 =	vmax.f32 v16, $1.000000000e+00;
	v61 =	vld [tilespmem:$0x11E0];
	v2 =	vmul.f32 v14, v58;
	v16 =	vpop (erf);
	[tilespmem:$0x14F0] =	vst v3  }
0xd9: {  	v57 =	vld [tilespmem:$0xAD0];
	(erf) = vrcp.f32 v1;
	v1 =	vmax.f32 v18, $1.000000000e+00;
	v3 =	vmul.f32 v16, v25;
	v17 =	vpop (erf);
	[tilespmem:$0x1FFD0] =	vst v15  }
0xda: {  	v58 =	vld [tilespmem:$0x11D0];
	(erf) = vrcp.f32 v1;
	v1 =	vmax.f32 v19, $1.000000000e+00;
	[tilespmem:$0x1500] =	vst v2;
	v2 =	vmul.f32 v17, v27;
	v20 =	vpop (erf)  }
0xdb: {  	v18 =	vld [tilespmem:$0xBC0];
	(erf) = vrcp.f32 v1;
	v1 =	vmax.f32 v21, $1.000000000e+00;
	[tilespmem:$0x1510] =	vst v3;
	v3 =	vmul.f32 v20, v29;
	v25 =	vpop (erf)  }
0xdc: {  	v19 =	vld [tilespmem:$0xBE0];
	(erf) = vrcp.f32 v1;
	[tilespmem:$0x1520] =	vst v2;
	v2 =	vmul.f32 v25, v31;
	v29 =	vpop (erf)  }
0xdd: {  	v16 =	vld [tilespmem:$0x1280];
	[tilespmem:$0x1530] =	vst v3;
	v31 =	vpop (erf)  }
0xde: {  	v27 =	vld [tilespmem:$0xBD0];
	v3 =	vmul.f32 v29, v33;
	[tilespmem:$0x1540] =	vst v2;
	v2 =	vmul.f32 v31, v40;
	v33 =	vpop (erf)  }
0xdf: {  	v21 =	vld [tilespmem:$0xC00];
	v1 =	vmax.f32 v22, $1.000000000e+00;
	[tilespmem:$0x1FF00] =	vst v57;
	v40 =	vpop (erf)  }
0xe0: {  	v22 =	vld [tilespmem:$0xBF0];
	(erf) = vrcp.f32 v1;
	v1 =	vmax.f32 v23, $1.000000000e+00;
	[tilespmem:$0x1560] =	vst v2;
	v2 =	vmul.f32 v40, v45;
	v45 =	vpop (erf)  }
0xe1: {  	v57 =	vld [tilespmem:$0x10F0];
	[tilespmem:$0x1FFE0] =	vst v18;
	(erf) = vrcp.f32 v1;
	v1 =	vmax.f32 v24, $1.000000000e+00;
	v11 =	vpop (erf)  }
0xe2: {  	v18 =	vld [tilespmem:$0xC10];
	(erf) = vrcp.f32 v1;
	[tilespmem:$0x1580] =	vst v2;
	v2 =	vmul.f32 v11, v50;
	v13 =	vpop (erf)  }
0xe3: {  	v1 =	vmax.f32 v26, $1.000000000e+00;
	v26 =	vmax.f32 v47, $1.000000000e+00;
	v47 =	vld [tilespmem:$0xC50];
	[tilespmem:$0x1550] =	vst v3;
	v3 =	vmul.f32 v33, v43;
	v15 =	vpop (erf)  }
0xe4: {  	v24 =	vmax.f32 v44, $1.000000000e+00;
	v44 =	vld [tilespmem:$0x1FF00];
	[tilespmem:$0x15A0] =	vst v2;
	v2 =	vmul.f32 v15, v63;
	v23 =	vpop (erf)  }
0xe5: {  	(erf) = vrcp.f32 v1;
	v1 =	vld [tilespmem:$0x1210];
	[tilespmem:$0x1570] =	vst v3;
	v25 =	vpop (erf)  }
0xe6: {  	v43 =	vmax.f32 v28, $1.000000000e+00;
	v28 =	vmax.f32 v49, $1.000000000e+00;
	v49 =	vld [tilespmem:$0xC40];
	[tilespmem:$0x15C0] =	vst v2;
	v2 =	vmul.f32 v25, v59  }
0xe7: {  	v3 =	vmul.f32 v45, v48;
	[tilespmem:$0x1FE10] =	vst v57;
	v57 =	vld [tilespmem:$0xAE0]  }
0xe8: {  	[tilespmem:$0x15E0] =	vst v2;
	v2 =	vld [tilespmem:$0x1FD80]  }
0xe9: {  	v45 =	vld [tilespmem:$0x1FDD0];
	[tilespmem:$0x1590] =	vst v3;
	v3 =	vmul.f32 v13, v53  }
0xea: {  	[tilespmem:$0x1FFF0] =	vst v27;
	v11 =	vld [tilespmem:$0x1260]  }
0xeb: {  	v50 =	vld [tilespmem:$0x1FDF0];
	[tilespmem:$0x15B0] =	vst v3;
	v3 =	vmul.f32 v23, v56;
	v27 =	vpop (erf)  }
0xec: {  	v8 =	vmax.f32 v30, $1.000000000e+00;
	(erf) = vrcp.f32 v43;
	[tilespmem:$0x1FF10] =	vst v57;
	v57 =	vld [tilespmem:$0x1100];
	v29 =	vpop (erf)  }
0xed: {  	v12 =	vmax.f32 v32, $1.000000000e+00;
	(erf) = vrcp.f32 v8;
	[tilespmem:$0x15D0] =	vst v3;
	v3 =	vld [tilespmem:$0x1FD70];
	v2 =	vmul.f32 v29, v2  }
0xee: {  	(erf) = vrcp.f32 v12;
	v12 =	vld [tilespmem:$0x12B0]  }
0xef: {  	[tilespmem:$0x1600] =	vst v2;
	v2 =	vld [tilespmem:$0x1FDA0]  }
0xf0: {  	v32 =	vmax.f32 v55, $1.000000000e+00;
	v55 =	vld [tilespmem:$0x1FE10]  }
0xf1: {  	v13 =	vld [tilespmem:$0xC90]  }
0xf2: {  	v31 =	vpop (erf);
	[tilespmem:$0x1FE30] =	vst v57;
	v57 =	vld [tilespmem:$0xAF0];
	v3 =	vmul.f32 v27, v3  }
0xf3: {  	v14 =	vmax.f32 v34, $1.000000000e+00;
	v63 =	vld [tilespmem:$0x1230];
	v33 =	vpop (erf)  }
0xf4: {  	v20 =	vmax.f32 v41, $1.000000000e+00;
	(erf) = vrcp.f32 v14;
	[tilespmem:$0x15F0] =	vst v3;
	v3 =	vld [tilespmem:$0x1FD90];
	v2 =	vmul.f32 v33, v2  }
0xf5: {  	(erf) = vrcp.f32 v20;
	v20 =	vld [tilespmem:$0xC20]  }
0xf6: {  	[tilespmem:$0x1620] =	vst v2;
	v2 =	vld [tilespmem:$0x1FDC0]  }
0xf7: {  	(erf) = vrcp.f32 v24;
	[tilespmem:$0x1FF20] =	vst v57;
	v57 =	vld [tilespmem:$0x1110]  }
0xf8: {  	v15 =	vld [tilespmem:$0x1270];
	(erf) = vrcp.f32 v26  }
0xf9: {  	v30 =	vmax.f32 v51, $1.000000000e+00;
	v23 =	vld [tilespmem:$0xC30];
	(erf) = vrcp.f32 v28;
	v40 =	vpop (erf);
	v3 =	vmul.f32 v31, v3  }
0xfa: {  	v59 =	vld [tilespmem:$0x1240];
	(erf) = vrcp.f32 v30;
	v43 =	vpop (erf)  }
0xfb: {  	v34 =	vmax.f32 v62, $1.000000000e+00;
	(erf) = vrcp.f32 v32;
	[tilespmem:$0x1610] =	vst v3;
	v3 =	vld [tilespmem:$0x1FDB0];
	v2 =	vmul.f32 v43, v2  }
0xfc: {  	v41 =	vmax.f32 v60, $1.000000000e+00;
	(erf) = vrcp.f32 v34;
	[tilespmem:$0x1FE50] =	vst v57;
	v57 =	vld [tilespmem:$0xB00]  }
0xfd: {  	v4 =	vmax.f32 v45, $1.000000000e+00;
	(erf) = vrcp.f32 v41;
	v48 =	vpop (erf);
	[tilespmem:$0x1640] =	vst v2;
	v2 =	vld [tilespmem:$0x1FE00]  }
0xfe: {  	v28 =	vld [tilespmem:$0xC80];
	(erf) = vrcp.f32 v4;
	v51 =	vpop (erf)  }
0xff: {  	v34 =	vmax.f32 v37, $1.000000000e+00;
	v37 =	vld [tilespmem:$0x1FEE0];
	v53 =	vpop (erf)  }
0x100: {  	v41 =	vmax.f32 v39, $1.000000000e+00;
	v39 =	vmax.f32 v61, $1.000000000e+00;
	v61 =	vld [tilespmem:$0x1FFC0];
	v56 =	vpop (erf)  }
0x101: {  	v4 =	vmax.f32 v50, $1.000000000e+00;
	v50 =	vld [tilespmem:$0x1FF10];
	v62 =	vpop (erf);
	v3 =	vmul.f32 v40, v3  }
0x102: {  	v17 =	vpop (erf);
	[tilespmem:$0x1FF30] =	vst v57;
	v57 =	vld [tilespmem:$0x1120];
	v2 =	vmul.f32 v51, v2  }
0x103: {  	v25 =	vpop (erf);
	[tilespmem:$0x1630] =	vst v3;
	v3 =	vld [tilespmem:$0x1FDE0]  }
0x104: {  	v27 =	vpop (erf);
	[tilespmem:$0x1660] =	vst v2;
	v2 =	vld [tilespmem:$0x1FE40]  }
0x105: {  	v60 =	vld [tilespmem:$0x1FE30];
	v30 =	vpop (erf)  }
0x106: {  	v31 =	vld [tilespmem:$0xC70];
	v33 =	vpop (erf)  }
0x107: {  	v29 =	vmax.f32 v35, $1.000000000e+00;
	v35 =	vpop (erf);
	v14 =	vld [tilespmem:$0x1FE50]  }
0x108: {  	v8 =	vmul.f32 v35, v37;
	v35 =	vld [tilespmem:$0x1330];
	v3 =	vmul.f32 v48, v3  }
0x109: {  	[tilespmem:$0x1FE70] =	vst v57;
	v57 =	vld [tilespmem:$0xB10];
	v2 =	vmul.f32 v56, v2  }
0x10a: {  	[tilespmem:$0x1650] =	vst v3;
	v3 =	vld [tilespmem:$0x1FE20]  }
0x10b: {  	v6 =	vmax.f32 v55, $1.000000000e+00;
	(erf) = vrcp.f32 v4;
	[tilespmem:$0x1680] =	vst v2;
	v2 =	vld [tilespmem:$0x1FE80]  }
0x10c: {  	(erf) = vrcp.f32 v6;
	v6 =	vmax.f32 v60, $1.000000000e+00;
	v40 =	vld [tilespmem:$0xC60]  }
0x10d: {  	(erf) = vrcp.f32 v6;
	v6 =	vmax.f32 v14, $1.000000000e+00;
	v14 =	vld [tilespmem:$0x1290]  }
0x10e: {  	v60 =	vld [tilespmem:$0x1FF30]  }
0x10f: {  	v24 =	vld [tilespmem:$0x1FE70];
	v3 =	vmul.f32 v53, v3  }
0x110: {  	[tilespmem:$0x1FF40] =	vst v57;
	v57 =	vld [tilespmem:$0x1130];
	v2 =	vmul.f32 v17, v2  }
0x111: {  	[tilespmem:$0x1670] =	vst v3;
	v3 =	vld [tilespmem:$0x1FE60]  }
0x112: {  	[tilespmem:$0x16A0] =	vst v2;
	v2 =	vld [tilespmem:$0x1FEB0]  }
0x113: {  	v48 =	vmax.f32 v46, $1.000000000e+00;
	v46 =	vld [tilespmem:$0x1FF60]  }
0x114: {  	(erf) = vrcp.f32 v6;
	v6 =	vmax.f32 v24, $1.000000000e+00;
	v24 =	vld [tilespmem:$0x12C0]  }
0x115: {  	v37 =	vld [tilespmem:$0x1FF40]  }
0x116: {  	[tilespmem:$0x1FE90] =	vst v57;
	v57 =	vld [tilespmem:$0xB20];
	v3 =	vmul.f32 v62, v3  }
0x117: {  	v26 =	vld [tilespmem:$0x1FE90];
	v2 =	vmul.f32 v27, v2  }
0x118: {  	[tilespmem:$0x1690] =	vst v3;
	v3 =	vld [tilespmem:$0x1FEA0]  }
0x119: {  	[tilespmem:$0x16C0] =	vst v2;
	v2 =	vld [tilespmem:$0x1FED0]  }
0x11a: {  	v53 =	vld [tilespmem:$0x1FF20]  }
0x11b: {  	v56 =	vmax.f32 v54, $1.000000000e+00;
	v54 =	vld [tilespmem:$0x1FF90]  }
0x11c: {  	[tilespmem:$0x1FF50] =	vst v57;
	v57 =	vld [tilespmem:$0xB30]  }
0x11d: {  	v17 =	vld [tilespmem:$0x12A0];
	v3 =	vmul.f32 v25, v3  }
0x11e: {  	(erf) = vrcp.f32 v6;
	v6 =	vmax.f32 v26, $1.000000000e+00;
	v26 =	vld [tilespmem:$0x12D0];
	v2 =	vmul.f32 v33, v2  }
0x11f: {  	[tilespmem:$0x16B0] =	vst v3;
	v3 =	vld [tilespmem:$0x1FEC0]  }
0x120: {  	(erf) = vrcp.f32 v6;
	[tilespmem:$0x16E0] =	vst v2;
	v2 =	vld [tilespmem:$0x1FEF0]  }
0x121: {  	v32 =	vmax.f32 v36, $1.000000000e+00;
	v6 =	vld [tilespmem:$0xCE0];
	(erf) = vrcp.f32 v29  }
0x122: {  	v29 =	vld [tilespmem:$0x12E0];
	(erf) = vrcp.f32 v32  }
0x123: {  	v36 =	vmax.f32 v38, $1.000000000e+00;
	v32 =	vld [tilespmem:$0x12F0];
	(erf) = vrcp.f32 v34  }
0x124: {  	v38 =	vpop (erf);
	v34 =	vld [tilespmem:$0x1310];
	(erf) = vrcp.f32 v36;
	v4 =	vmul.f32 v30, v3  }
0x125: {  	v43 =	vmax.f32 v42, $1.000000000e+00;
	v3 =	vld [tilespmem:$0xCA0];
	v25 =	vmul.f32 v38, v2;
	v2 =	vpop (erf);
	(erf) = vrcp.f32 v41  }
0x126: {  	v30 =	vld [tilespmem:$0x1320];
	v45 =	vpop (erf);
	(erf) = vrcp.f32 v43  }
0x127: {  	v52 =	vmax.f32 v52, $1.000000000e+00;
	v33 =	vld [tilespmem:$0x1300];
	v51 =	vpop (erf);
	(erf) = vrcp.f32 v48  }
0x128: {  	[tilespmem:$0x16D0] =	vst v4;
	v4 =	vld [tilespmem:$0xCB0];
	v55 =	vpop (erf);
	(erf) = vrcp.f32 v52  }
0x129: {  	v36 =	vmax.f32 v58, $1.000000000e+00;
	v41 =	vld [tilespmem:$0x1FF50];
	v62 =	vpop (erf);
	(erf) = vrcp.f32 v56  }
0x12a: {  	v10 =	vmax.f32 v10, $1.000000000e+00;
	[tilespmem:$0x16F0] =	vst v8;
	v8 =	vmul.f32 v2, v44;
	v2 =	vld [tilespmem:$0xCC0];
	v38 =	vpop (erf);
	(erf) = vrcp.f32 v36  }
0x12b: {  	[tilespmem:$0x1700] =	vst v25;
	v25 =	vmul.f32 v45, v50;
	v45 =	vmax.f32 v9, $1.000000000e+00;
	v9 =	vld [tilespmem:$0xCF0];
	v42 =	vpop (erf);
	(erf) = vrcp.f32 v39  }
0x12c: {  	v1 =	vmax.f32 v1, $1.000000000e+00;
	v50 =	vld [tilespmem:$0x1FF70];
	[tilespmem:$0x1710] =	vst v8;
	v27 =	vmul.f32 v51, v53;
	v44 =	vpop (erf);
	(erf) = vrcp.f32 v10  }
0x12d: {  	v8 =	vld [tilespmem:$0xCD0];
	[tilespmem:$0x1720] =	vst v25;
	v25 =	vmul.f32 v55, v60;
	v56 =	vmax.f32 v59, $1.000000000e+00;
	v48 =	vpop (erf);
	(erf) = vrcp.f32 v45  }
0x12e: {  	v52 =	vld [tilespmem:$0x1FF80];
	[tilespmem:$0x1730] =	vst v27;
	v27 =	vmul.f32 v62, v37;
	v51 =	vpop (erf);
	(erf) = vrcp.f32 v1;
	v1 =	vmax.f32 v7, $1.000000000e+00  }
0x12f: {  	v59 =	vld [tilespmem:$0x1FFB0];
	[tilespmem:$0x1740] =	vst v25;
	v25 =	vmul.f32 v38, v41;
	v53 =	vpop (erf);
	(erf) = vrcp.f32 v1;
	v1 =	vmax.f32 v63, $1.000000000e+00  }
0x130: {  	v5 =	vmax.f32 v5, $1.000000000e+00;
	[tilespmem:$0x1750] =	vst v27;
	v43 =	vmul.f32 v42, v57;
	v57 =	vld [tilespmem:$0x1FFA0];
	v55 =	vpop (erf);
	(erf) = vrcp.f32 v1  }
0x131: {  	v11 =	vmax.f32 v11, $1.000000000e+00;
	v39 =	vld [tilespmem:$0x1FFD0];
	[tilespmem:$0x1760] =	vst v25;
	v25 =	vmul.f32 v44, v46;
	v58 =	vpop (erf);
	(erf) = vrcp.f32 v56  }
0x132: {  	v38 =	vld [tilespmem:$0x1390];
	v45 =	vmax.f32 v14, $1.000000000e+00;
	[tilespmem:$0x1770] =	vst v43;
	v10 =	vmul.f32 v48, v50;
	v60 =	vpop (erf);
	(erf) = vrcp.f32 v5  }
0x133: {  	v14 =	vld [tilespmem:$0x1350];
	[tilespmem:$0x1780] =	vst v25;
	v25 =	vmul.f32 v51, v52;
	v63 =	vmax.f32 v15, $1.000000000e+00;
	v62 =	vpop (erf);
	(erf) = vrcp.f32 v11  }
0x134: {  	v42 =	vmax.f32 v16, $1.000000000e+00;
	v43 =	vld [tilespmem:$0x1FFE0];
	[tilespmem:$0x1790] =	vst v10;
	v10 =	vmul.f32 v53, v54;
	v41 =	vpop (erf);
	(erf) = vrcp.f32 v63  }
0x135: {  	v46 =	vld [tilespmem:$0x1FFF0];
	[tilespmem:$0x17A0] =	vst v25;
	v25 =	vmul.f32 v55, v57;
	v44 =	vpop (erf);
	(erf) = vrcp.f32 v42  }
0x136: {  	v17 =	vmax.f32 v17, $1.000000000e+00;
	v7 =	vld [tilespmem:$0xD00];
	[tilespmem:$0x17B0] =	vst v10;
	v10 =	vmul.f32 v58, v59;
	v48 =	vpop (erf);
	(erf) = vrcp.f32 v45  }
0x137: {  	v12 =	vmax.f32 v12, $1.000000000e+00;
	v15 =	vld [tilespmem:$0x1340];
	[tilespmem:$0x17C0] =	vst v25;
	v25 =	vmul.f32 v60, v61;
	v51 =	vpop (erf);
	(erf) = vrcp.f32 v17  }
0x138: {  	v1 =	vld [tilespmem:$0xD10];
	v53 =	vmax.f32 v24, $1.000000000e+00;
	[tilespmem:$0x17D0] =	vst v10;
	v27 =	vmul.f32 v62, v39;
	v52 =	vpop (erf);
	(erf) = vrcp.f32 v12  }
0x139: {  	v24 =	vld [tilespmem:$0xD50];
	[tilespmem:$0x17E0] =	vst v25;
	v16 =	vmul.f32 v41, v43;
	v55 =	vpop (erf);
	(erf) = vrcp.f32 v53  }
0x13a: {  	v56 =	vmax.f32 v26, $1.000000000e+00;
	v26 =	vld [tilespmem:$0xD80];
	[tilespmem:$0x17F0] =	vst v27;
	v25 =	vmul.f32 v44, v46;
	v57 =	vpop (erf)  }
0x13b: {  	v37 =	vmax.f32 v34, $1.000000000e+00;
	v5 =	vld [tilespmem:$0xD20];
	[tilespmem:$0x1800] =	vst v16;
	v50 =	vmul.f32 v48, v19;
	v60 =	vpop (erf)  }
0x13c: {  	v58 =	vmax.f32 v29, $1.000000000e+00;
	v11 =	vld [tilespmem:$0xD40];
	[tilespmem:$0x1810] =	vst v25;
	v19 =	vmul.f32 v51, v22;
	(erf) = vrcp.f32 v56;
	v29 =	vpop (erf)  }
0x13d: {  	v61 =	vmax.f32 v32, $1.000000000e+00;
	v10 =	vld [tilespmem:$0xD30];
	[tilespmem:$0x1820] =	vst v50;
	v54 =	vmul.f32 v52, v21;
	(erf) = vrcp.f32 v58;
	v36 =	vpop (erf)  }
0x13e: {  	v32 =	vmax.f32 v33, $1.000000000e+00;
	v62 =	vld [tilespmem:$0x1380];
	[tilespmem:$0x1830] =	vst v19;
	v18 =	vmul.f32 v55, v18;
	(erf) = vrcp.f32 v61;
	v41 =	vpop (erf)  }
0x13f: {  	v42 =	vmax.f32 v30, $1.000000000e+00;
	v30 =	vld [tilespmem:$0x1400];
	[tilespmem:$0x1840] =	vst v54;
	v59 =	vmul.f32 v57, v20;
	(erf) = vrcp.f32 v32;
	v44 =	vpop (erf)  }
0x140: {  	v46 =	vld [tilespmem:$0x13A0];
	[tilespmem:$0x1850] =	vst v18;
	v63 =	vmul.f32 v60, v23;
	(erf) = vrcp.f32 v37;
	v48 =	vpop (erf)  }
0x141: {  	v17 =	vld [tilespmem:$0x1360];
	[tilespmem:$0x1860] =	vst v59;
	v33 =	vmul.f32 v29, v49;
	v52 =	vpop (erf)  }
0x142: {  	v22 =	vld [tilespmem:$0x1370];
	[tilespmem:$0x1870] =	vst v63;
	v39 =	vmul.f32 v36, v47;
	v43 =	vmul.f32 v41, v40;
	v55 =	vpop (erf)  }
0x143: {  	v45 =	vmax.f32 v35, $1.000000000e+00;
	v27 =	vld [tilespmem:$0x13F0];
	[tilespmem:$0x1880] =	vst v33;
	(erf) = vrcp.f32 v42;
	v3 =	vmul.f32 v55, v3  }
0x144: {  	v21 =	vld [tilespmem:$0xD60];
	v49 =	vmax.f32 v15, $1.000000000e+00;
	[tilespmem:$0x1890] =	vst v39;
	v47 =	vmul.f32 v44, v31;
	(erf) = vrcp.f32 v45  }
0x145: {  	v50 =	vld [tilespmem:$0xD90];
	v53 =	vmax.f32 v14, $1.000000000e+00;
	[tilespmem:$0x18A0] =	vst v43;
	v51 =	vmul.f32 v48, v28;
	(erf) = vrcp.f32 v49;
	v58 =	vpop (erf)  }
0x146: {  	v54 =	vld [tilespmem:$0x13B0];
	v56 =	vmax.f32 v17, $1.000000000e+00;
	[tilespmem:$0x18B0] =	vst v47;
	v13 =	vmul.f32 v52, v13;
	(erf) = vrcp.f32 v53;
	v61 =	vpop (erf)  }
0x147: {  	v60 =	vld [tilespmem:$0x13C0];
	v59 =	vmax.f32 v22, $1.000000000e+00;
	(erf) = vrcp.f32 v56;
	v4 =	vmul.f32 v58, v4;
	[tilespmem:$0x18E0] =	vst v3;
	v3 =	vpop (erf)  }
0x148: {  	v62 =	vmax.f32 v62, $1.000000000e+00;
	v63 =	vld [tilespmem:$0x13D0];
	[tilespmem:$0x18C0] =	vst v51;
	(erf) = vrcp.f32 v59;
	v3 =	vmul.f32 v3, v8;
	v22 =	vpop (erf)  }
0x149: {  	v19 =	vmax.f32 v38, $1.000000000e+00;
	v20 =	vld [tilespmem:$0x13E0];
	[tilespmem:$0x18D0] =	vst v13;
	v2 =	vmul.f32 v61, v2;
	(erf) = vrcp.f32 v62;
	v28 =	vpop (erf)  }
0x14a: {  	v38 =	vld [tilespmem:$0x1430];
	v25 =	vmax.f32 v46, $1.000000000e+00;
	(erf) = vrcp.f32 v19;
	[tilespmem:$0x1910] =	vst v3;
	v3 =	vmul.f32 v28, v9  }
0x14b: {  	v57 =	vld [tilespmem:$0xDA0];
	v29 =	vmax.f32 v54, $1.000000000e+00;
	[tilespmem:$0x1900] =	vst v2;
	v2 =	vmul.f32 v22, v6;
	(erf) = vrcp.f32 v25  }
0x14c: {  	v33 =	vld [tilespmem:$0x1410];
	v32 =	vmax.f32 v60, $1.000000000e+00;
	[tilespmem:$0x18F0] =	vst v4;
	v31 =	vpop (erf);
	(erf) = vrcp.f32 v29  }
0x14d: {  	v36 =	vld [tilespmem:$0x1420];
	v35 =	vmax.f32 v63, $1.000000000e+00;
	[tilespmem:$0x1920] =	vst v2;
	v2 =	vmul.f32 v31, v7;
	v34 =	vpop (erf);
	(erf) = vrcp.f32 v32  }
0x14e: {  	v23 =	vld [tilespmem:$0xD70];
	v37 =	vmax.f32 v20, $1.000000000e+00;
	[tilespmem:$0x1930] =	vst v3;
	v1 =	vmul.f32 v34, v1;
	v3 =	vpop (erf);
	(erf) = vrcp.f32 v35  }
0x14f: {  	v40 =	vld [tilespmem:$0x1440];
	v39 =	vmax.f32 v27, $1.000000000e+00;
	[tilespmem:$0x1940] =	vst v2;
	v2 =	vmul.f32 v3, v5;
	v3 =	vpop (erf);
	(erf) = vrcp.f32 v37  }
0x150: {  	v41 =	vmax.f32 v30, $1.000000000e+00;
	v42 =	vld [tilespmem:$0x1450];
	[tilespmem:$0x1950] =	vst v1;
	v1 =	vmul.f32 v3, v10;
	v3 =	vpop (erf);
	(erf) = vrcp.f32 v39  }
0x151: {  	v44 =	vld [tilespmem:$0x1460];
	v43 =	vmax.f32 v33, $1.000000000e+00;
	[tilespmem:$0x1960] =	vst v2;
	v2 =	vmul.f32 v3, v11;
	v3 =	vpop (erf);
	(erf) = vrcp.f32 v41  }
0x152: {  	v46 =	vld [tilespmem:$0x1470];
	v45 =	vmax.f32 v36, $1.000000000e+00;
	[tilespmem:$0x1970] =	vst v1;
	v1 =	vmul.f32 v3, v24;
	v3 =	vpop (erf);
	(erf) = vrcp.f32 v43  }
0x153: {  	v47 =	vld [tilespmem:$0xDB0];
	v6 =	vmax.f32 v38, $1.000000000e+00;
	[tilespmem:$0x1980] =	vst v2;
	v2 =	vmul.f32 v3, v21;
	v3 =	vpop (erf);
	(erf) = vrcp.f32 v45  }
0x154: {  	v48 =	vld [tilespmem:$0xDC0];
	v5 =	vmax.f32 v40, $1.000000000e+00;
	[tilespmem:$0x1990] =	vst v1;
	v1 =	vmul.f32 v3, v23;
	v3 =	vpop (erf);
	(erf) = vrcp.f32 v6  }
0x155: {  	v49 =	vld [tilespmem:$0xDD0];
	v8 =	vmax.f32 v42, $1.000000000e+00;
	[tilespmem:$0x19A0] =	vst v2;
	v2 =	vmul.f32 v3, v26;
	v3 =	vpop (erf);
	(erf) = vrcp.f32 v5  }
0x156: {  	v9 =	vmax.f32 v44, $1.000000000e+00;
	[tilespmem:$0x19B0] =	vst v1;
	v1 =	vmul.f32 v3, v50;
	v3 =	vpop (erf);
	(erf) = vrcp.f32 v8;
	v50 =	vld [tilespmem:$0xDE0]  }
0x157: {  	v51 =	vld [tilespmem:$0xDF0];
	v7 =	vmax.f32 v46, $1.000000000e+00;
	[tilespmem:$0x19C0] =	vst v2;
	v2 =	vmul.f32 v3, v57;
	v3 =	vpop (erf);
	(erf) = vrcp.f32 v9  }
0x158: {  	v52 =	vld [tilespmem:$0xE00];
	[tilespmem:$0x19D0] =	vst v1;
	v1 =	vmul.f32 v3, v47;
	v3 =	vpop (erf);
	(erf) = vrcp.f32 v7  }
0x159: {  	v53 =	vpop (erf);
	[tilespmem:$0x19E0] =	vst v2;
	v2 =	vmul.f32 v3, v48;
	v3 =	vld [tilespmem:$0xE10]  }
0x15a: {  	v55 =	vld [tilespmem:$0xE20];
	v54 =	vpop (erf);
	[tilespmem:$0x19F0] =	vst v1;
	v1 =	vmul.f32 v53, v49  }
0x15b: {  	v57 =	vld [tilespmem:$0xE30];
	v56 =	vpop (erf);
	[tilespmem:$0x1A00] =	vst v2;
	v2 =	vmul.f32 v54, v50  }
0x15c: {  	v59 =	vld [tilespmem:$0xE40];
	v58 =	vpop (erf);
	[tilespmem:$0x1A10] =	vst v1;
	v1 =	vmul.f32 v56, v51  }
0x15d: {  	v61 =	vld [tilespmem:$0xE50];
	v60 =	vpop (erf);
	[tilespmem:$0x1A20] =	vst v2;
	v2 =	vmul.f32 v58, v52  }
0x15e: {  	v62 =	vpop (erf);
	[tilespmem:$0x1A30] =	vst v1;
	v1 =	vmul.f32 v60, v3  }
0x15f: {  	v3 =	vpop (erf);
	[tilespmem:$0x1A40] =	vst v2;
	v2 =	vmul.f32 v62, v55  }
0x160: {  	v63 =	vpop (erf);
	[tilespmem:$0x1A50] =	vst v1;
	v1 =	vmul.f32 v3, v57  }
0x161: {  	[tilespmem:$0x1A60] =	vst v2;
	v2 =	vmul.f32 v63, v59;
	v3 =	vpop (erf)  }
0x162: {  	s22 =	sadd.s32 $0x1, s22;
	[tilespmem:$0x1A70] =	vst v1;
	v1 =	vmul.f32 v3, v61  }
0x163: {  	p0 =	sne.s32 s22, s11;
	[tilespmem:$0x1A80] =	vst v2  }
.Ltmp1:
0x164: {  	[tilespmem:$0x1A90] =	vst v1;
	(pc) =	sbr.rel @p0 .LBB2_1-.Ltmp1, $4  }
0x165: {  	[hbm4b:s10+s4] =	stream.linear.scatter [tilespmem:s21], [sflag:$0x1], $0x620, $0x38;
	[tilespmem:$0x2720] =	vst v63  }
0x166: {  	_ =	swait.ge [sflag:s15], $0x620  }
0x167: {  	[sflag:s15] =	ssyncset.done $0x0  }
0x168: {  	[sflag:s15] =	ssyncadd.s32 $0xFFFFF9E0  }
0x169: {  	_ =	sfence.sel $0x180000  }
0x16a: {  	[bflag:$0x0] =	sbarrier.arrive $0xFFFF  }
0x16b: {  	p0 =	sne.s32 s1, $0x0;
	_ =	strace $0x9000004A  }
0x16c: {  	s0 =	sadd.s32 @!p0 $0x100000, s0;
	[bflag:$0x2] =	sbarrier.arrive $0xFFFF  }
0x16d: {  	[sflag:s0] =	ssyncadd.tile.s32 @!p0 $0x1;
	_ =	shalt  }
.Lfunc_end2:
_tile_overlayer_lowered:
.L_overlay_start_2:
0x16e: {  	(tag) =	ssettag $0x2  }
0x16f: {  	s0 =	rddreg [dreg:$0x0];
	s2 =	stileid.u32  }
0x170: {  	s1 =	rddreg [dreg:$0x1];
	p0 =	sne.s32 s2, $0x0  }
0x171: {  	s3 =	rddreg [dreg:$0x2];
	[bflag:$0x3] =	sbarrier.arrive $0xFFFF;
	s2 =	simm.s32 @!p0 $0x1C01  }
0x172: {  	[timem:s3], [sflag:s2] =	dma.local @!p0 [hbm:s0], s1  }
0x173: {  	s0 =	simm.s32 @!p0 $0x1  }
0x174: {  	_ =	swait.ge @!p0 [sflag:s0], s1  }
0x175: {  	s1 =	ssub.s32 @!p0 $0x0, s1;
	[sflag:s0] =	ssyncset.done @!p0 $0x0  }
0x176: {  	[sflag:s0] =	ssyncadd.s32 @!p0 s1  }
0x177: {  	[bflag:$0x3] =	sbarrier.arrive $0xFFFF  }
0x178: {  	_ =	shalt  }

// kernel: kernel.16.cloned.1.call-start
scs
__scs_entry_jumppad:
0x0: {  	(pc) =	sbr.rel $0x88, $3  }
0x1: {  	(tag) =	ssettag $0x0;
	lr =	simm.s32 $0x1  }
0x2: {  	[smem:$0x3F92] =	sst lr;
	_ =	strace $0xD0000000  }
0x3: {  	_ = 	snop  }
0x4: {  	_ = 	snop  }
0x5: {  	_ = 	snop  }
0x6: {  	_ = 	snop  }
0x7: {  	_ = 	snop  }
__scs_overlays_trampoline_lowered:
0x8: {  	[smem:$0x3FA1] =	sst s0  }
0x9: {  	[smem:$0x3FA2] =	sst s1  }
0xa: {  	[smem:$0x3FA3] =	sst s2  }
0xb: {  	[smem:$0x3FA4] =	sst s3  }
0xc: {  	[smem:$0x3FA5] =	sst s4  }
0xd: {  	[smem:$0x3FA6] =	sst s5  }
0xe: {  	[smem:$0x3FA7] =	sst s6  }
0xf: {  	[smem:$0x3FA8] =	sst s7  }
0x10: {  	[smem:$0x3FA9] =	sst s8  }
0x11: {  	[smem:$0x3FAA] =	sst s9;
	s0 =	simm.s32 @!p0 $0x0  }
0x12: {  	s1 =	sld [smem:$0x3F90];
	s0 =	simm.s32 @p0 $0x1  }
0x13: {  	[smem:$0x3FAB] =	sst s0;
	s0 =	simm.s32 @!p1 $0x0  }
0x14: {  	s2 =	sld [smem:$0x3F8F];
	s0 =	simm.s32 @p1 $0x1  }
0x15: {  	[smem:$0x3FAC] =	sst s0;
	s0 =	simm.s32 @!p2 $0x0  }
0x16: {  	s3 =	sld [smem:$0x3FDB];
	s0 =	simm.s32 @p2 $0x1  }
0x17: {  	s4 =	simm.s32 $0x1BF5;
	[smem:$0x3FAE] =	sst s0  }
0x18: {  	s0 =	sld [smem:$0x3F91];
	_ =	swait.ge [sflag:s4], $0x0  }
0x19: {  	s7 =	sld [smem:$0x3F92]  }
0x1a: {  	s8 =	sadd.s32 $0xFFFFE003, lr  }
0x1b: {  	s9 =	sadd.s32 $0xFFFFFEF7, lr;
	s5 =	simm.s32 $0xFFFFFFFF;
	p2 =	slt.u32 s8, $0xFFFFF086  }
0x1c: {  	p1 =	slt.u32 s9, $0xF7A;
	s5 =	simm.s32 @!p2 $0x0  }
0x1d: {  	s5 =	simm.s32 @p1 $0x1;
	p0 =	seq.s32 s7, s2  }
0x1e: {  	s7 =	smul.u32 @!p0 $0xF7A, s2;
	p2 =	seq.s32 @!p0 s5, $0x0  }
0x1f: {  	s9 =	smul.u32 $0xF7A, s1;
	s8 =	simm.s32 @!p0 $0x1BF5;
	p2 =	por !p2, p0  }
0x20: {  	[sflag:s8] =	ssyncset.s32 @!p0 $0xFFFFF086;
	s6 =	sadd.s32 @!p0 s3, s7;
	s7 =	simm.s32 @!p0 $0x108  }
0x21: {  	s3 =	sadd.s32 s3, s9;
	s6 =	sadd.s32 @!p0 $0x88, s6;
	s7 =	simm.s32 @p2 $0x1082  }
0x22: {  	[simem:s7], [sflag:s8] =	dma.local @!p0 [hbm:s6], $0xF7A  }
0x23: {  	s9 =	sor.u32 $0xD0000000, s2;
	s6 =	simm.s32 $0x108;
	_ =	swait.ge @!p0 [sflag:s8], $0x0  }
0x24: {  	s3 =	sadd.s32 $0x88, s3;
	s6 =	simm.s32 @!p1 $0x1082;
	[sflag:s4] =	ssyncset.s32 $0xFFFFF086  }
0x25: {  	[simem:s6], [sflag:s4] =	dma.local [hbm:s3], $0xF7A  }
0x26: {  	[smem:$0x3F92] =	sst s1;
	(tag) =	ssettag s2;
	_ =	strace s9  }
0x27: {  	s1 =	sld [smem:$0x3FA2]  }
0x28: {  	s2 =	sld [smem:$0x3FA3]  }
0x29: {  	s4 =	sld [smem:$0x3FA5]  }
0x2a: {  	p0 =	seq.s32 s5, $0x0;
	s5 =	sld [smem:$0x3FA6]  }
0x2b: {  	s6 =	sld [smem:$0x3FA7]  }
0x2c: {  	s7 =	sld [smem:$0x3FA8]  }
0x2d: {  	s3 =	simm.s32 $0x108;
	s8 =	sld [smem:$0x3FA9]  }
0x2e: {  	s3 =	simm.s32 @!p0 $0x1082;
	s9 =	sld [smem:$0x3FAA]  }
0x2f: {  	lr =	sadd.s32 s0, s3;
	s0 =	sld [smem:$0x3FA1]  }
0x30: {  	s3 =	sld [smem:$0x3FA4]  }
0x31: {  	[smem:$0x3FAD] =	sst s10  }
0x32: {  	s10 =	sld [smem:$0x3FAB];
	_ =	sdelay $0x3  }
0x33: {  	p0 =	seq.s32 s10, $0x1;
	s10 =	sld [smem:$0x3FAD];
	_ =	sdelay $0x3  }
0x34: {  	[smem:$0x3FAD] =	sst s10  }
0x35: {  	s10 =	sld [smem:$0x3FAC];
	_ =	sdelay $0x3  }
0x36: {  	p1 =	seq.s32 s10, $0x1;
	s10 =	sld [smem:$0x3FAD];
	_ =	sdelay $0x3  }
0x37: {  	[smem:$0x3FAD] =	sst s10  }
0x38: {  	s10 =	sld [smem:$0x3FAE]  }
0x39: {  	_ = 	snop;
	(pc) =	sbr.ind lr, $3  }
0x3a: {  	_ = 	snop  }
0x3b: {  	_ = 	snop  }
0x3c: {  	p2 =	seq.s32 s10, $0x1;
	s10 =	sld [smem:$0x3FAD]  }
0x3d: {  	_ =	shalt  }
0x3e: {  	_ =	shalt  }
0x3f: {  	_ =	shalt  }
0x40: {  	_ =	shalt  }
0x41: {  	_ =	shalt  }
0x42: {  	_ =	shalt  }
0x43: {  	_ =	shalt  }
0x44: {  	_ =	shalt  }
0x45: {  	_ =	shalt  }
0x46: {  	_ =	shalt  }
0x47: {  	_ =	shalt  }
0x48: {  	_ =	shalt  }
0x49: {  	_ =	shalt  }
0x4a: {  	_ =	shalt  }
0x4b: {  	_ =	shalt  }
0x4c: {  	_ =	shalt  }
0x4d: {  	_ =	shalt  }
0x4e: {  	_ =	shalt  }
0x4f: {  	_ =	shalt  }
0x50: {  	_ =	shalt  }
0x51: {  	_ =	shalt  }
0x52: {  	_ =	shalt  }
0x53: {  	_ =	shalt  }
0x54: {  	_ =	shalt  }
0x55: {  	_ =	shalt  }
0x56: {  	_ =	shalt  }
0x57: {  	_ =	shalt  }
0x58: {  	_ =	shalt  }
0x59: {  	_ =	shalt  }
0x5a: {  	_ =	shalt  }
0x5b: {  	_ =	shalt  }
0x5c: {  	_ =	shalt  }
0x5d: {  	_ =	shalt  }
0x5e: {  	_ =	shalt  }
0x5f: {  	_ =	shalt  }
0x60: {  	_ =	shalt  }
0x61: {  	_ =	shalt  }
0x62: {  	_ =	shalt  }
0x63: {  	_ =	shalt  }
0x64: {  	_ =	shalt  }
0x65: {  	_ =	shalt  }
0x66: {  	_ =	shalt  }
0x67: {  	_ =	shalt  }
0x68: {  	_ =	shalt  }
0x69: {  	_ =	shalt  }
0x6a: {  	_ =	shalt  }
0x6b: {  	_ =	shalt  }
0x6c: {  	_ =	shalt  }
0x6d: {  	_ =	shalt  }
0x6e: {  	_ =	shalt  }
0x6f: {  	_ =	shalt  }
0x70: {  	_ =	shalt  }
0x71: {  	_ =	shalt  }
0x72: {  	_ =	shalt  }
0x73: {  	_ =	shalt  }
0x74: {  	_ =	shalt  }
0x75: {  	_ =	shalt  }
0x76: {  	_ =	shalt  }
0x77: {  	_ =	shalt  }
0x78: {  	_ =	shalt  }
0x79: {  	_ =	shalt  }
0x7a: {  	_ =	shalt  }
0x7b: {  	_ =	shalt  }
0x7c: {  	_ =	shalt  }
0x7d: {  	_ =	shalt  }
0x7e: {  	_ =	shalt  }
0x7f: {  	_ =	shalt  }
0x80: {  	_ =	shalt  }
0x81: {  	_ =	shalt  }
0x82: {  	_ =	shalt  }
0x83: {  	_ =	shalt  }
0x84: {  	_ =	shalt  }
0x85: {  	_ =	shalt  }
0x86: {  	_ =	shalt  }
0x87: {  	_ =	shalt  }
.Lfunc_end0:
.L_simem_size_0:
called_computation.2_lowered:
.L_overlay_start_0:
0x88: {  	s2 =	sld [smem:$0x3FD9]  }
0x89: {  	s3 =	sld [smem:$0x3FFE];
	_ =	sdelay $0x1  }
0x8a: {  	s1 =	srdreg.scid  }
0x8b: {  	s0 =	sand.u32 $0x1, s1  }
0x8c: {  	s17 =	sshll.u32 s0, $0xA;
	s2 =	sadd.s32 s3, s2  }
0x8d: {  	s2 =	sadd.s32 s2, s17  }
0x8e: {  	[smem:$0x3FB9] =	sst s2  }
0x8f: {  	_ = 	snop  }
0x90: {  	s2 =	sld [smem:$0x3FD0];
	(tm) =	ssettm $0x1  }
0x91: {  	s18 =	sld [smem:$0x3FFB];
	_ =	sdelay $0x3  }
0x92: {  	_ =	strace s18  }
0x93: {  	s3 =	sld [smem:$0x3FFC];
	_ =	sdelay $0x3  }
0x94: {  	_ =	strace s3  }
0x95: {  	s3 =	sld [smem:$0x3FFD];
	_ =	sdelay $0x3  }
0x96: {  	_ =	strace s3  }
0x97: {  	_ =	strace $0x8FFFFFFF  }
0x98: {  	s19 =	sld [smem:$0x3FDB];
	_ =	sdelay $0x1  }
0x99: {  	s4 =	simm.s32 $_scs_section_size  }
0x9a: {  	s5 =	simm.s32 $_size__tile_overlayer_lowered;
	s6 =	simm.s32 $_tile_overlayer_lowered  }
0x9b: {  	s22 =	simm.s32 $0x1BFF;
	s21 =	sshll.u32 s6, $0x1;
	s3 =	sadd.s32 s4, s19  }
0x9c: {  	s7 =	simm.s32 $0x0;
	s20 =	sshll.u32 s5, $0x1;
	s5 =	sadd.s32 s21, s3  }
0x9d: {  	[timem:s7], [sflag:s22] =	dma.local [hbm:s5], s20  }
0x9e: {  	_ =	swait.ge [sflag:s22], s20  }
0x9f: {  	s4 =	ssub.s32 $0x0, s20;
	[sflag:s22] =	ssyncset.done $0x0  }
0xa0: {  	[sflag:s22] =	ssyncadd.s32 s4;
	_ =	sdelay $0x1  }
0xa1: {  	s23 =	simm.s32 $0x1B8B  }
0xa2: {  	_ =	swait.ge [sflag:s23], $0x1  }
0xa3: {  	[sflag:s23] =	ssyncset.done $0x0  }
0xa4: {  	s25 =	simm.s32 $0x1B8E;
	s24 =	sld [smem:$0x3FFE];
	[sflag:s23] =	ssyncadd.s32 $0xFFFFFFFF  }
0xa5: {  	s26 =	simm.s32 $execute0_lowered;
	[smem:$0x3FD2] =	sst s25  }
0xa6: {  	s5 =	sshll.u32 s26, $0x1;
	_ =	strace $0x8000004C;
	[dreg:$0x1] =	wrdreg $0xFFFFFFFF  }
0xa7: {  	s28 =	simm.s32 $_size_execute0_lowered;
	s3 =	sadd.s32 s3, s5;
	[dreg:$0x0] =	wrdreg $0x0  }
0xa8: {  	s5 =	sshll.u32 s28, $0x1;
	[dreg:$0x2] =	wrdreg s3  }
0xa9: {  	[dreg:$0x3] =	wrdreg s5  }
0xaa: {  	[dreg:$0x4] =	wrdreg $0xC0  }
0xab: {  	_ =	task [dreg:s7], $0x5FFFF  }
0xac: {  	[dreg:$0x1] =	wrdreg $0xFFFFFFFF  }
0xad: {  	[dreg:$0x0] =	wrdreg $0x60  }
0xae: {  	[dreg:$0x2] =	wrdreg s2  }
0xaf: {  	[dreg:$0x3] =	wrdreg s24  }
0xb0: {  	[dreg:$0x4] =	wrdreg $0x9  }
0xb1: {  	_ =	task.clear_ibuf [dreg:s7], $0x5FFFF;
	_ =	strace $0x9000004C  }
0xb2: {  	s29 =	simm.s32 $0x9;
	_ =	strace $0x8000004E  }
0xb3: {  	_ =	swait.ge [sflag:s29], $0x1  }
0xb4: {  	[sflag:s29] =	ssyncadd.s32 $0xFFFFFFFF  }
0xb5: {  	_ =	strace $0x9000004E  }
0xb6: {  	_ =	sfence  }
0xb7: {  	s30 =	sld [smem:$0x0];
	_ =	sdelay $0x2  }
0xb8: {  	s31 =	sshll.u32 s1, $0xD;
	s1 =	sshrl.u32 s1, $0x2  }
0xb9: {  	s3 =	sand.u32 $0x4000, s31;
	s1 =	sadd.s32 s1, s30  }
0xba: {  	s0 =	sor.u32 s3, s0;
	s1 =	sshll.u32 s1, $0x11  }
0xbb: {  	s0 =	sor.u32 s1, s0  }
0xbc: {  	s0 =	sadd.s32 $0x8F2B, s0  }
0xbd: {  	[sflag:s0] =	ssyncadd.remote.s32 $0x1  }
0xbe: {  	_ =	sfence.sel $0xFFFF  }
0xbf: {  	[dreg:$0x0] =	wrdreg $0xFFFFFFFF;
	(pc) =	sbr.abs _section_cstart, $3  }
0xc0: {  	[dreg:$0x1] =	wrdreg $0xFFFFFFFF  }
0xc1: {  	_ =	task.clear_ibuf [dreg:s7], $0x2FFFF;
	_ =	strace $0x9FFFFFFF  }
0xc2: {  	(tm) =	ssettm $0x7FFFFFFF  }
0xc3: {  	_ =	shalt  }
tec
execute0_lowered:
.L_overlay_start_1:
0x0: {  	(tag) =	ssettag $0x1  }
0x1: {  	s2 =	rddreg [dreg:$0x0]  }
0x2: {  	s4 =	rddreg [dreg:$0x1]  }
0x3: {  	s0 =	rddreg [dreg:$0x2];
	s1 =	stileid.u32  }
0x4: {  	s6 =	srdreg.scid;
	s5 =	smul.u32 $0x1880, s1  }
0x5: {  	s3 =	simm.s32 $0x0;
	s7 =	smul.u32 $0xC400, s1;
	s6 =	sand.u32 $0x1, s6  }
0x6: {  	[smem:$0x7FF] =	sst s3;
	s8 =	ssub.s32 $0x2, s6;
	s9 =	smul.u32 $0x6200, s6  }
0x7: {  	_ =	strace $0x8000004D;
	s6 =	smul.u32 $0xC40, s6;
	s10 =	sshrl.u32 s8, $0x1  }
0x8: {  	s5 =	sadd.s32 s5, s4;
	s7 =	sadd.s32 s7, s4;
	s31 =	ssub.s32 s8, s10  }
0x9: {  	s7 =	sadd.s32 s9, s7;
	s6 =	sadd.s32 s6, s5;
	s8 =	simm.s32 $0x80  }
0xa: {  	s9 =	simm.s32 $0x1;
	s10 =	simm.s32 $0x0;
	s4 =	smax.u32 s31, $0x1  }
0xb: {  	s5 =	sadd.s32 $0x69400, s7;
	s6 =	sadd.s32 $0x34E00, s6;
	s7 =	simm.s32 $0x2  }
.LBB2_1:
0xc: {  	s11 =	sadd.s32 $0x0, s6  }
0xd: {  	[tilespmem:s3], [sflag:$0x2] =	stream.linear.gather [hbm4b:s11+s3], $0x80, $0x38;
	[tilespmem:$0x480] =	vst v63  }
0xe: {  	_ =	swait.ge [sflag:s7], $0x80  }
0xf: {  	[sflag:s7] =	ssyncset.done $0x0  }
0x10: {  	[sflag:s7] =	ssyncadd.s32 $0xFFFFFF80  }
0x11: {  	[tilespmem:s8], [sflag:$0x1] =	stream.indirect.gather [hbm4b:s2+s8], $0x8, s3, s8, $0xb8;
	[tilespmem:$0x480] =	vst v63  }
0x12: {  	_ =	swait.ge [sflag:s9], $0x400  }
0x13: {  	[sflag:s9] =	ssyncset.done $0x0  }
0x14: {  	[sflag:s9] =	ssyncadd.s32 $0xFFFFFC00  }
0x15: {  	[hbm4b:s5+s3] =	stream.linear.scatter [tilespmem:s8], [sflag:$0x2], $0x400, $0x38;
	[tilespmem:$0x480] =	vst v63  }
0x16: {  	s12 =	simm.s32 $0x10;
	_ =	swait.ge [sflag:s7], $0x400  }
0x17: {  	s13 =	simm.s32 $0x20;
	s11 =	sadd.s32 $0x80, s5;
	[sflag:s7] =	ssyncset.done $0x0  }
.LBB2_2:
0x18: {  	s14 =	sadd.s32 s12, s6  }
0x19: {  	[sflag:s7] =	ssyncadd.s32 $0xFFFFFC00;
	s12 =	smov.u32 s13;
	s15 =	sadd.s32 $0x10, s13  }
0x1a: {  	[tilespmem:s3], [sflag:$0x2] =	stream.linear.gather [hbm4b:s14+s3], $0x80, $0x38;
	[tilespmem:$0x480] =	vst v63  }
0x1b: {  	p0 =	sne.s32 s13, $0xC30;
	_ =	swait.ge [sflag:s7], $0x80  }
0x1c: {  	[sflag:s7] =	ssyncset.done $0x0  }
0x1d: {  	[sflag:s7] =	ssyncadd.s32 $0xFFFFFF80  }
0x1e: {  	[tilespmem:s8], [sflag:$0x1] =	stream.indirect.gather [hbm4b:s2+s8], $0x8, s3, s8, $0xb8;
	[tilespmem:$0x480] =	vst v63  }
0x1f: {  	_ =	swait.ge [sflag:s9], $0x400  }
.Ltmp0:
0x20: {  	[sflag:s9] =	ssyncset.done $0x0;
	(pc) =	sbr.rel @p0 .LBB2_2-.Ltmp0, $4  }
0x21: {  	[sflag:s9] =	ssyncadd.s32 $0xFFFFFC00  }
0x22: {  	[hbm4b:s11+s3] =	stream.linear.scatter [tilespmem:s8], [sflag:$0x2], $0x400, $0x38;
	[tilespmem:$0x480] =	vst v63  }
0x23: {  	_ =	swait.ge [sflag:s7], $0x400  }
0x24: {  	s13 =	smov.u32 s15;
	s11 =	sadd.s32 $0x80, s11;
	[sflag:s7] =	ssyncset.done $0x0  }
0x25: {  	s12 =	sadd.s32 s12, s6;
	[sflag:s7] =	ssyncadd.s32 $0xFFFFFC00  }
0x26: {  	[tilespmem:s3], [sflag:$0x2] =	stream.linear.gather [hbm4b:s12+s3], $0x80, $0x38;
	[tilespmem:$0x480] =	vst v63  }
0x27: {  	_ =	swait.ge [sflag:s7], $0x80  }
0x28: {  	[sflag:s7] =	ssyncset.done $0x0  }
0x29: {  	[sflag:s7] =	ssyncadd.s32 $0xFFFFFF80  }
0x2a: {  	[tilespmem:s8], [sflag:$0x1] =	stream.indirect.gather [hbm4b:s2+s8], $0x8, s3, s8, $0xb8;
	[tilespmem:$0x480] =	vst v63  }
0x2b: {  	s10 =	sadd.s32 $0x1, s10;
	_ =	swait.ge [sflag:s9], $0x400  }
0x2c: {  	p0 =	sne.s32 s10, s4;
	[sflag:s9] =	ssyncset.done $0x0  }
.Ltmp1:
0x2d: {  	[sflag:s9] =	ssyncadd.s32 $0xFFFFFC00;
	(pc) =	sbr.rel @p0 .LBB2_1-.Ltmp1, $4  }
0x2e: {  	[hbm4b:s11+s3] =	stream.linear.scatter [tilespmem:s8], [sflag:$0x2], $0x400, $0x38;
	[tilespmem:$0x480] =	vst v63  }
0x2f: {  	_ =	swait.ge [sflag:s7], $0x400  }
0x30: {  	[sflag:s7] =	ssyncset.done $0x0  }
0x31: {  	[sflag:s7] =	ssyncadd.s32 $0xFFFFFC00  }
0x32: {  	_ =	sfence.sel $0x180000  }
0x33: {  	[bflag:$0x0] =	sbarrier.arrive $0xFFFF  }
0x34: {  	p0 =	sne.s32 s1, $0x0;
	_ =	strace $0x9000004D  }
0x35: {  	s0 =	sadd.s32 @!p0 $0x100000, s0;
	[bflag:$0x2] =	sbarrier.arrive $0xFFFF  }
0x36: {  	[sflag:s0] =	ssyncadd.tile.s32 @!p0 $0x1;
	_ =	shalt  }
.Lfunc_end2:
_tile_overlayer_lowered:
.L_overlay_start_2:
0x37: {  	(tag) =	ssettag $0x2  }
0x38: {  	s0 =	rddreg [dreg:$0x0];
	s2 =	stileid.u32  }
0x39: {  	s1 =	rddreg [dreg:$0x1];
	p0 =	sne.s32 s2, $0x0  }
0x3a: {  	s3 =	rddreg [dreg:$0x2];
	[bflag:$0x3] =	sbarrier.arrive $0xFFFF;
	s2 =	simm.s32 @!p0 $0x1C02  }
0x3b: {  	[timem:s3], [sflag:s2] =	dma.local @!p0 [hbm:s0], s1  }
0x3c: {  	s0 =	simm.s32 @!p0 $0x2  }
0x3d: {  	_ =	swait.ge @!p0 [sflag:s0], s1  }
0x3e: {  	s1 =	ssub.s32 @!p0 $0x0, s1;
	[sflag:s0] =	ssyncset.done @!p0 $0x0  }
0x3f: {  	[sflag:s0] =	ssyncadd.s32 @!p0 s1  }
0x40: {  	[bflag:$0x3] =	sbarrier.arrive $0xFFFF  }
0x41: {  	_ =	shalt  }

// kernel: kernel.19.cloned.1.call-start
scs
__scs_entry_jumppad:
0x0: {  	(pc) =	sbr.rel $0x88, $3  }
0x1: {  	(tag) =	ssettag $0x0;
	lr =	simm.s32 $0x1  }
0x2: {  	[smem:$0x3F92] =	sst lr;
	_ =	strace $0xD0000000  }
0x3: {  	_ = 	snop  }
0x4: {  	_ = 	snop  }
0x5: {  	_ = 	snop  }
0x6: {  	_ = 	snop  }
0x7: {  	_ = 	snop  }
__scs_overlays_trampoline_lowered:
0x8: {  	[smem:$0x3FA1] =	sst s0  }
0x9: {  	[smem:$0x3FA2] =	sst s1  }
0xa: {  	[smem:$0x3FA3] =	sst s2  }
0xb: {  	[smem:$0x3FA4] =	sst s3  }
0xc: {  	[smem:$0x3FA5] =	sst s4  }
0xd: {  	[smem:$0x3FA6] =	sst s5  }
0xe: {  	[smem:$0x3FA7] =	sst s6  }
0xf: {  	[smem:$0x3FA8] =	sst s7  }
0x10: {  	[smem:$0x3FA9] =	sst s8  }
0x11: {  	[smem:$0x3FAA] =	sst s9;
	s0 =	simm.s32 @!p0 $0x0  }
0x12: {  	s1 =	sld [smem:$0x3F90];
	s0 =	simm.s32 @p0 $0x1  }
0x13: {  	[smem:$0x3FAB] =	sst s0;
	s0 =	simm.s32 @!p1 $0x0  }
0x14: {  	s2 =	sld [smem:$0x3F8F];
	s0 =	simm.s32 @p1 $0x1  }
0x15: {  	[smem:$0x3FAC] =	sst s0;
	s0 =	simm.s32 @!p2 $0x0  }
0x16: {  	s3 =	sld [smem:$0x3FDB];
	s0 =	simm.s32 @p2 $0x1  }
0x17: {  	s4 =	simm.s32 $0x1BF5;
	[smem:$0x3FAE] =	sst s0  }
0x18: {  	s0 =	sld [smem:$0x3F91];
	_ =	swait.ge [sflag:s4], $0x0  }
0x19: {  	s7 =	sld [smem:$0x3F92]  }
0x1a: {  	s8 =	sadd.s32 $0xFFFFE003, lr  }
0x1b: {  	s9 =	sadd.s32 $0xFFFFFEF7, lr;
	s5 =	simm.s32 $0xFFFFFFFF;
	p2 =	slt.u32 s8, $0xFFFFF086  }
0x1c: {  	p1 =	slt.u32 s9, $0xF7A;
	s5 =	simm.s32 @!p2 $0x0  }
0x1d: {  	s5 =	simm.s32 @p1 $0x1;
	p0 =	seq.s32 s7, s2  }
0x1e: {  	s7 =	smul.u32 @!p0 $0xF7A, s2;
	p2 =	seq.s32 @!p0 s5, $0x0  }
0x1f: {  	s9 =	smul.u32 $0xF7A, s1;
	s8 =	simm.s32 @!p0 $0x1BF5;
	p2 =	por !p2, p0  }
0x20: {  	[sflag:s8] =	ssyncset.s32 @!p0 $0xFFFFF086;
	s6 =	sadd.s32 @!p0 s3, s7;
	s7 =	simm.s32 @!p0 $0x108  }
0x21: {  	s3 =	sadd.s32 s3, s9;
	s6 =	sadd.s32 @!p0 $0x88, s6;
	s7 =	simm.s32 @p2 $0x1082  }
0x22: {  	[simem:s7], [sflag:s8] =	dma.local @!p0 [hbm:s6], $0xF7A  }
0x23: {  	s9 =	sor.u32 $0xD0000000, s2;
	s6 =	simm.s32 $0x108;
	_ =	swait.ge @!p0 [sflag:s8], $0x0  }
0x24: {  	s3 =	sadd.s32 $0x88, s3;
	s6 =	simm.s32 @!p1 $0x1082;
	[sflag:s4] =	ssyncset.s32 $0xFFFFF086  }
0x25: {  	[simem:s6], [sflag:s4] =	dma.local [hbm:s3], $0xF7A  }
0x26: {  	[smem:$0x3F92] =	sst s1;
	(tag) =	ssettag s2;
	_ =	strace s9  }
0x27: {  	s1 =	sld [smem:$0x3FA2]  }
0x28: {  	s2 =	sld [smem:$0x3FA3]  }
0x29: {  	s4 =	sld [smem:$0x3FA5]  }
0x2a: {  	p0 =	seq.s32 s5, $0x0;
	s5 =	sld [smem:$0x3FA6]  }
0x2b: {  	s6 =	sld [smem:$0x3FA7]  }
0x2c: {  	s7 =	sld [smem:$0x3FA8]  }
0x2d: {  	s3 =	simm.s32 $0x108;
	s8 =	sld [smem:$0x3FA9]  }
0x2e: {  	s3 =	simm.s32 @!p0 $0x1082;
	s9 =	sld [smem:$0x3FAA]  }
0x2f: {  	lr =	sadd.s32 s0, s3;
	s0 =	sld [smem:$0x3FA1]  }
0x30: {  	s3 =	sld [smem:$0x3FA4]  }
0x31: {  	[smem:$0x3FAD] =	sst s10  }
0x32: {  	s10 =	sld [smem:$0x3FAB];
	_ =	sdelay $0x3  }
0x33: {  	p0 =	seq.s32 s10, $0x1;
	s10 =	sld [smem:$0x3FAD];
	_ =	sdelay $0x3  }
0x34: {  	[smem:$0x3FAD] =	sst s10  }
0x35: {  	s10 =	sld [smem:$0x3FAC];
	_ =	sdelay $0x3  }
0x36: {  	p1 =	seq.s32 s10, $0x1;
	s10 =	sld [smem:$0x3FAD];
	_ =	sdelay $0x3  }
0x37: {  	[smem:$0x3FAD] =	sst s10  }
0x38: {  	s10 =	sld [smem:$0x3FAE]  }
0x39: {  	_ = 	snop;
	(pc) =	sbr.ind lr, $3  }
0x3a: {  	_ = 	snop  }
0x3b: {  	_ = 	snop  }
0x3c: {  	p2 =	seq.s32 s10, $0x1;
	s10 =	sld [smem:$0x3FAD]  }
0x3d: {  	_ =	shalt  }
0x3e: {  	_ =	shalt  }
0x3f: {  	_ =	shalt  }
0x40: {  	_ =	shalt  }
0x41: {  	_ =	shalt  }
0x42: {  	_ =	shalt  }
0x43: {  	_ =	shalt  }
0x44: {  	_ =	shalt  }
0x45: {  	_ =	shalt  }
0x46: {  	_ =	shalt  }
0x47: {  	_ =	shalt  }
0x48: {  	_ =	shalt  }
0x49: {  	_ =	shalt  }
0x4a: {  	_ =	shalt  }
0x4b: {  	_ =	shalt  }
0x4c: {  	_ =	shalt  }
0x4d: {  	_ =	shalt  }
0x4e: {  	_ =	shalt  }
0x4f: {  	_ =	shalt  }
0x50: {  	_ =	shalt  }
0x51: {  	_ =	shalt  }
0x52: {  	_ =	shalt  }
0x53: {  	_ =	shalt  }
0x54: {  	_ =	shalt  }
0x55: {  	_ =	shalt  }
0x56: {  	_ =	shalt  }
0x57: {  	_ =	shalt  }
0x58: {  	_ =	shalt  }
0x59: {  	_ =	shalt  }
0x5a: {  	_ =	shalt  }
0x5b: {  	_ =	shalt  }
0x5c: {  	_ =	shalt  }
0x5d: {  	_ =	shalt  }
0x5e: {  	_ =	shalt  }
0x5f: {  	_ =	shalt  }
0x60: {  	_ =	shalt  }
0x61: {  	_ =	shalt  }
0x62: {  	_ =	shalt  }
0x63: {  	_ =	shalt  }
0x64: {  	_ =	shalt  }
0x65: {  	_ =	shalt  }
0x66: {  	_ =	shalt  }
0x67: {  	_ =	shalt  }
0x68: {  	_ =	shalt  }
0x69: {  	_ =	shalt  }
0x6a: {  	_ =	shalt  }
0x6b: {  	_ =	shalt  }
0x6c: {  	_ =	shalt  }
0x6d: {  	_ =	shalt  }
0x6e: {  	_ =	shalt  }
0x6f: {  	_ =	shalt  }
0x70: {  	_ =	shalt  }
0x71: {  	_ =	shalt  }
0x72: {  	_ =	shalt  }
0x73: {  	_ =	shalt  }
0x74: {  	_ =	shalt  }
0x75: {  	_ =	shalt  }
0x76: {  	_ =	shalt  }
0x77: {  	_ =	shalt  }
0x78: {  	_ =	shalt  }
0x79: {  	_ =	shalt  }
0x7a: {  	_ =	shalt  }
0x7b: {  	_ =	shalt  }
0x7c: {  	_ =	shalt  }
0x7d: {  	_ =	shalt  }
0x7e: {  	_ =	shalt  }
0x7f: {  	_ =	shalt  }
0x80: {  	_ =	shalt  }
0x81: {  	_ =	shalt  }
0x82: {  	_ =	shalt  }
0x83: {  	_ =	shalt  }
0x84: {  	_ =	shalt  }
0x85: {  	_ =	shalt  }
0x86: {  	_ =	shalt  }
0x87: {  	_ =	shalt  }
.Lfunc_end0:
.L_simem_size_0:
called_computation.3_lowered:
.L_overlay_start_0:
0x88: {  	s2 =	sld [smem:$0x3FD9]  }
0x89: {  	s3 =	sld [smem:$0x3FFE];
	_ =	sdelay $0x1  }
0x8a: {  	s1 =	srdreg.scid  }
0x8b: {  	s0 =	sand.u32 $0x1, s1  }
0x8c: {  	s17 =	sshll.u32 s0, $0xA;
	s2 =	sadd.s32 s3, s2  }
0x8d: {  	s2 =	sadd.s32 s2, s17  }
0x8e: {  	[smem:$0x3FB9] =	sst s2  }
0x8f: {  	_ = 	snop  }
0x90: {  	s2 =	sld [smem:$0x3FD0];
	(tm) =	ssettm $0x1  }
0x91: {  	s18 =	sld [smem:$0x3FFB];
	_ =	sdelay $0x3  }
0x92: {  	_ =	strace s18  }
0x93: {  	s3 =	sld [smem:$0x3FFC];
	_ =	sdelay $0x3  }
0x94: {  	_ =	strace s3  }
0x95: {  	s3 =	sld [smem:$0x3FFD];
	_ =	sdelay $0x3  }
0x96: {  	_ =	strace s3  }
0x97: {  	_ =	strace $0x8FFFFFFF  }
0x98: {  	s19 =	sld [smem:$0x3FDB];
	_ =	sdelay $0x1  }
0x99: {  	s4 =	simm.s32 $_scs_section_size  }
0x9a: {  	s5 =	simm.s32 $_size__tile_overlayer_lowered;
	s6 =	simm.s32 $_tile_overlayer_lowered  }
0x9b: {  	s22 =	simm.s32 $0x1BFF;
	s21 =	sshll.u32 s6, $0x1;
	s3 =	sadd.s32 s4, s19  }
0x9c: {  	s7 =	simm.s32 $0x0;
	s20 =	sshll.u32 s5, $0x1;
	s5 =	sadd.s32 s21, s3  }
0x9d: {  	[timem:s7], [sflag:s22] =	dma.local [hbm:s5], s20  }
0x9e: {  	_ =	swait.ge [sflag:s22], s20  }
0x9f: {  	s4 =	ssub.s32 $0x0, s20;
	[sflag:s22] =	ssyncset.done $0x0  }
0xa0: {  	[sflag:s22] =	ssyncadd.s32 s4;
	_ =	sdelay $0x1  }
0xa1: {  	s23 =	simm.s32 $0x1B8B  }
0xa2: {  	_ =	swait.ge [sflag:s23], $0x1  }
0xa3: {  	[sflag:s23] =	ssyncset.done $0x0  }
0xa4: {  	s25 =	simm.s32 $0x1B8E;
	s24 =	sld [smem:$0x3FFE];
	[sflag:s23] =	ssyncadd.s32 $0xFFFFFFFF  }
0xa5: {  	s26 =	simm.s32 $execute0_lowered;
	[smem:$0x3FD2] =	sst s25  }
0xa6: {  	s5 =	sshll.u32 s26, $0x1;
	_ =	strace $0x8000004F;
	[dreg:$0x1] =	wrdreg $0xFFFFFFFF  }
0xa7: {  	s28 =	simm.s32 $_size_execute0_lowered;
	s3 =	sadd.s32 s3, s5;
	[dreg:$0x0] =	wrdreg $0x0  }
0xa8: {  	s5 =	sshll.u32 s28, $0x1;
	[dreg:$0x2] =	wrdreg s3  }
0xa9: {  	[dreg:$0x3] =	wrdreg s5  }
0xaa: {  	[dreg:$0x4] =	wrdreg $0xC0  }
0xab: {  	_ =	task [dreg:s7], $0x5FFFF  }
0xac: {  	[dreg:$0x1] =	wrdreg $0xFFFFFFFF  }
0xad: {  	[dreg:$0x0] =	wrdreg $0x60  }
0xae: {  	[dreg:$0x2] =	wrdreg s24  }
0xaf: {  	[dreg:$0x3] =	wrdreg s2  }
0xb0: {  	[dreg:$0x4] =	wrdreg $0x168600  }
0xb1: {  	[dreg:$0x5] =	wrdreg $0x3C600  }
0xb2: {  	[dreg:$0x6] =	wrdreg $0x9  }
0xb3: {  	_ =	task.clear_ibuf [dreg:s7], $0x7FFFF;
	_ =	strace $0x9000004F  }
0xb4: {  	s29 =	simm.s32 $0x9;
	_ =	strace $0x80000051  }
0xb5: {  	_ =	swait.ge [sflag:s29], $0x1  }
0xb6: {  	[sflag:s29] =	ssyncadd.s32 $0xFFFFFFFF  }
0xb7: {  	_ =	strace $0x90000051  }
0xb8: {  	_ =	sfence  }
0xb9: {  	s30 =	sld [smem:$0x0];
	_ =	sdelay $0x2  }
0xba: {  	s31 =	sshll.u32 s1, $0xD;
	s1 =	sshrl.u32 s1, $0x2  }
0xbb: {  	s3 =	sand.u32 $0x4000, s31;
	s1 =	sadd.s32 s1, s30  }
0xbc: {  	s0 =	sor.u32 s3, s0;
	s1 =	sshll.u32 s1, $0x11  }
0xbd: {  	s0 =	sor.u32 s1, s0  }
0xbe: {  	s0 =	sadd.s32 $0x8F2B, s0  }
0xbf: {  	[sflag:s0] =	ssyncadd.remote.s32 $0x1  }
0xc0: {  	_ =	sfence.sel $0xFFFF  }
0xc1: {  	[dreg:$0x0] =	wrdreg $0xFFFFFFFF;
	(pc) =	sbr.abs _section_cstart, $3  }
0xc2: {  	[dreg:$0x1] =	wrdreg $0xFFFFFFFF  }
0xc3: {  	_ =	task.clear_ibuf [dreg:s7], $0x2FFFF;
	_ =	strace $0x9FFFFFFF  }
0xc4: {  	(tm) =	ssettm $0x7FFFFFFF  }
0xc5: {  	_ =	shalt  }
tec
execute0_lowered:
.L_overlay_start_1:
0x0: {  	(tag) =	ssettag $0x1  }
0x1: {  	s7 =	rddreg [dreg:$0x0]  }
0x2: {  	s9 =	rddreg [dreg:$0x1]  }
0x3: {  	s2 =	rddreg [dreg:$0x2];
	s1 =	stileid.u32  }
0x4: {  	s3 =	rddreg [dreg:$0x3];
	s5 =	smul.u32 $0x1880, s1  }
0x5: {  	s0 =	rddreg [dreg:$0x4];
	s13 =	smul.u32 $0x49800, s1  }
0x6: {  	s6 =	srdreg.scid;
	s10 =	smul.u32 $0x12600, s1  }
0x7: {  	s4 =	simm.s32 $0x0;
	s19 =	simm.s32 $0x100;
	s11 =	smul.u32 $0x640, s1  }
0x8: {  	s20 =	simm.s32 $0x80;
	s21 =	simm.s32 $0x1900;
	s15 =	smul.u32 $0x620, s1  }
0x9: {  	s23 =	simm.s32 $0x2BC0;
	s8 =	sand.u32 $0x1, s6;
	s29 =	smul.u32 $0x4B000, s1  }
0xa: {  	s24 =	simm.s32 $0x0;
	[smem:$0x7FF] =	sst s4;
	s6 =	smul.u32 $0x126000, s8  }
0xb: {  	_ =	strace $0x80000050;
	s26 =	ssub.s32 $0x2, s8;
	s18 =	smul.u32 $0x6200, s8  }
0xc: {  	s22 =	smul.u32 $0x61A8, s8;
	s12 =	sadd.s32 s5, s7;
	s14 =	sadd.s32 s13, s7  }
0xd: {  	s5 =	sadd.s32 $0x3E00, s7;
	s17 =	sshrl.u32 s26, $0x1;
	s8 =	sadd.s32 s15, s2  }
0xe: {  	s30 =	sshrl.u32 s29, $0x2;
	s31 =	sshrl.u32 s13, $0x2;
	s6 =	sadd.s32 s10, s6  }
0xf: {  	s10 =	ssub.s32 s26, s17;
	s28 =	sadd.s32 s15, s18;
	s12 =	sadd.s32 $0x4D600, s12  }
0x10: {  	s13 =	sadd.s32 $0x65E00, s14;
	s15 =	sadd.s32 s31, s3;
	s17 =	simm.s32 $0x1  }
0x11: {  	s18 =	simm.s32 $0x1FC0;
	s16 =	sshrl.u32 s6, $0x3;
	s6 =	sadd.s32 $0x4000, s7  }
0x12: {  	s16 =	sadd.s32 s16, s7;
	s7 =	sadd.s32 s11, s2;
	s11 =	sshrl.u32 s28, $0x3  }
0x13: {  	v0 =	vmov s22;
	s22 =	simm.s32 $0x3640;
	s10 =	smax.u32 s10, $0x1;
	s9 =	sadd.s32 s9, s11  }
0x14: {  	v1 =	vimm.f32 $1.000000000e+00;
	s11 =	sadd.s32 s30, s3;
	s14 =	sadd.s32 $0x4FDE00, s16;
	s16 =	simm.s32 $0x1980  }
.LBB2_1:
0x15: {  	[tilespmem:s16], [sflag:$0x1] =	stream.linear.gather [hbm4b:s5+s4], $0x640, $0x38;
	[tilespmem:$0x16EA0] =	vst v63  }
0x16: {  	_ =	swait.ge [sflag:s17], $0x640  }
0x17: {  	[sflag:s17] =	ssyncset.done $0x0  }
0x18: {  	[sflag:s17] =	ssyncadd.s32 $0xFFFFF9C0  }
0x19: {  	[tilespmem:s18], [sflag:$0x1] =	stream.linear.gather [hbm4b:s6+s4], $0xC00, $0x38;
	[tilespmem:$0x16EA0] =	vst v63  }
0x1a: {  	_ =	swait.ge [sflag:s17], $0xC00  }
0x1b: {  	[sflag:s17] =	ssyncset.done $0x0  }
0x1c: {  	[sflag:s17] =	ssyncadd.s32 $0xFFFFF400  }
0x1d: {  	[spmem:s7] =	stream.linear.scatter [tilespmem:s16], [sflag:$0x1], $0x640, $0x38;
	[tilespmem:$0x16EA0] =	vst v63  }
0x1e: {  	_ =	swait.ge [sflag:s17], $0x640  }
0x1f: {  	[sflag:s17] =	ssyncset.done $0x0  }
0x20: {  	s25 =	sadd.s32 $0x0, s11;
	[sflag:s17] =	ssyncadd.s32 $0xFFFFF9C0  }
0x21: {  	[spmem:s25] =	stream.linear.scatter [tilespmem:s18], [sflag:$0x1], $0xC00, $0x38;
	[tilespmem:$0x16EA0] =	vst v63  }
0x22: {  	s25 =	simm.s32 $0x3000;
	_ =	swait.ge [sflag:s17], $0xC00  }
.LBB2_2:
0x23: {  	s26 =	sshra.s32 s25, $0x2;
	[sflag:s17] =	ssyncset.done $0x0;
	p0 =	sne.s32 s25, $0x48000  }
.Ltmp0:
0x24: {  	s26 =	sadd.s32 s26, s11;
	[sflag:s17] =	ssyncadd.s32 $0xFFFFF400;
	(pc) =	sbr.rel @p0 .LBB2_2-.Ltmp0, $3  }
0x25: {  	[spmem:s26] =	stream.linear.scatter [tilespmem:s18], [sflag:$0x1], $0xC00, $0x38;
	[tilespmem:$0x16EA0] =	vst v63  }
0x26: {  	s25 =	sadd.s32 $0x3000, s25;
	_ =	sdelay $0x1  }
0x27: {  	_ =	swait.ge [sflag:s17], $0xC00  }
0x28: {  	[sflag:s17] =	ssyncset.done $0x0  }
0x29: {  	[sflag:s17] =	ssyncadd.s32 $0xFFFFF400  }
0x2a: {  	[tilespmem:$0x1900] =	vst v1  }
0x2b: {  	[tilespmem:$0x1910] =	vst v1  }
0x2c: {  	[tilespmem:$0x1920] =	vst v1  }
0x2d: {  	[tilespmem:$0x1930] =	vst v1  }
0x2e: {  	[tilespmem:$0x1940] =	vst v1  }
0x2f: {  	[tilespmem:$0x1950] =	vst v1  }
0x30: {  	[tilespmem:$0x1960] =	vst v1  }
0x31: {  	[tilespmem:$0x1970] =	vst v1  }
0x32: {  	s25 =	sadd.s32 $0x0, s12;
	[bflag:$0x0] =	sbarrier.arrive $0xFFFF  }
0x33: {  	[tilespmem:s4], [sflag:$0x1] =	stream.linear.gather [hbm4b:s25+s4], $0x80, $0x38;
	[tilespmem:$0x16EA0] =	vst v63  }
0x34: {  	_ =	swait.ge [sflag:s17], $0x80  }
0x35: {  	[sflag:s17] =	ssyncset.done $0x0  }
0x36: {  	[sflag:s17] =	ssyncadd.s32 $0xFFFFFF80  }
0x37: {  	[tilespmem:s19], [sflag:$0x1] =	stream.linear.gather [hbm4b:s13+s4], $0x1800, $0x38;
	[tilespmem:$0x16EA0] =	vst v63  }
0x38: {  	_ =	swait.ge [sflag:s17], $0x1800  }
0x39: {  	[sflag:s17] =	ssyncset.done $0x0  }
0x3a: {  	[sflag:s17] =	ssyncadd.s32 $0xFFFFE800  }
0x3b: {  	v6 =	vld [tilespmem:$0x30]  }
0x3c: {  	v4 =	vld [tilespmem:$0x20]  }
0x3d: {  	v5 =	vld [tilespmem:$0x0]  }
0x3e: {  	v2 =	vld [tilespmem:$0x10]  }
0x3f: {  	s26 =	smov.u32 s13;
	s25 =	simm.s32 $0x10;
	v3 =	vld [tilespmem:$0x40]  }
.LBB2_4:
0x40: {  	p0 =	sne.s32 s25, $0x1870  }
0x41: {  	v6 =	vsub.s32 v6, v0;
	s26 =	sadd.s32 $0x300, s26;
	s28 =	smov.u32 s25;
	s25 =	sadd.s32 $0x10, s25  }
0x42: {  	vm0 =	vlt.u32 v6, $0x61A8;
	v7 =	vld [tilespmem:$0x50]  }
0x43: {  	v5 =	vsub.s32 v5, v0;
	v6 =	vnsel vm0, $0x6200, v6;
	v8 =	vld [tilespmem:$0x70]  }
0x44: {  	v4 =	vsub.s32 v4, v0;
	vm0 =	vlt.u32 v5, $0x61A8;
	v2 =	vsub.s32 v2, v0;
	v9 =	vld [tilespmem:$0x60]  }
0x45: {  	vm2 =	vlt.u32 v4, $0x61A8;
	vm1 =	vlt.u32 v2, $0x61A8;
	[tilespmem:$0xB0] =	vst v6;
	v3 =	vsub.s32 v3, v0  }
0x46: {  	v4 =	vnsel vm2, $0x6200, v4;
	v2 =	vnsel vm1, $0x6200, v2;
	vm1 =	vlt.u32 v3, $0x61A8  }
0x47: {  	v5 =	vnsel vm0, $0x6200, v5;
	[tilespmem:$0xA0] =	vst v4;
	v3 =	vnsel vm1, $0x6200, v3;
	v4 =	vsub.s32 v7, v0  }
0x48: {  	[tilespmem:$0x80] =	vst v5;
	vm0 =	vlt.u32 v4, $0x61A8;
	v5 =	vsub.s32 v8, v0  }
0x49: {  	[tilespmem:$0xC0] =	vst v3;
	v3 =	vnsel vm0, $0x6200, v4;
	v4 =	vsub.s32 v9, v0;
	vm0 =	vlt.u32 v5, $0x61A8  }
0x4a: {  	[tilespmem:$0xD0] =	vst v3;
	vm1 =	vlt.u32 v4, $0x61A8;
	v3 =	vnsel vm0, $0x6200, v5  }
0x4b: {  	[tilespmem:$0x90] =	vst v2;
	v2 =	vnsel vm1, $0x6200, v4  }
0x4c: {  	[tilespmem:$0xE0] =	vst v2  }
0x4d: {  	[tilespmem:$0xF0] =	vst v3  }
0x4e: {  	[spmem:s3] =	stream.indirect.scatter.add.f32 [tilespmem:s19], [sflag:$0x1], $0x30, s20, s20, $0xb8;
	[tilespmem:$0x16EA0] =	vst v63  }
0x4f: {  	_ =	swait.ge [sflag:s17], $0x1800  }
0x50: {  	[sflag:s17] =	ssyncset.done $0x0  }
0x51: {  	[sflag:s17] =	ssyncadd.s32 $0xFFFFE800  }
0x52: {  	[spmem:s2] =	stream.indirect.scatter.add.f32 [tilespmem:s21], [sflag:$0x1], $0x1, s20, s20, $0xb8;
	[tilespmem:$0x16EA0] =	vst v63  }
0x53: {  	_ =	swait.ge [sflag:s17], $0x80  }
0x54: {  	[sflag:s17] =	ssyncset.done $0x0  }
0x55: {  	s28 =	sadd.s32 s28, s12;
	[sflag:s17] =	ssyncadd.s32 $0xFFFFFF80  }
0x56: {  	[tilespmem:s4], [sflag:$0x1] =	stream.linear.gather [hbm4b:s28+s4], $0x80, $0x38;
	[tilespmem:$0x16EA0] =	vst v63  }
0x57: {  	_ =	swait.ge [sflag:s17], $0x80  }
0x58: {  	[sflag:s17] =	ssyncset.done $0x0  }
0x59: {  	[sflag:s17] =	ssyncadd.s32 $0xFFFFFF80  }
0x5a: {  	[tilespmem:s19], [sflag:$0x1] =	stream.linear.gather [hbm4b:s26+s4], $0x1800, $0x38;
	[tilespmem:$0x16EA0] =	vst v63  }
0x5b: {  	_ =	swait.ge [sflag:s17], $0x1800  }
0x5c: {  	[sflag:s17] =	ssyncset.done $0x0  }
0x5d: {  	[sflag:s17] =	ssyncadd.s32 $0xFFFFE800  }
.Ltmp1:
0x5e: {  	v6 =	vld [tilespmem:$0x30];
	(pc) =	sbr.rel @p0 .LBB2_4-.Ltmp1, $4  }
0x5f: {  	v4 =	vld [tilespmem:$0x20]  }
0x60: {  	v5 =	vld [tilespmem:$0x0]  }
0x61: {  	v2 =	vld [tilespmem:$0x10]  }
0x62: {  	v3 =	vld [tilespmem:$0x40]  }
0x63: {  	v7 =	vld [tilespmem:$0x50];
	v6 =	vsub.s32 v6, v0  }
0x64: {  	v8 =	vld [tilespmem:$0x60];
	vm0 =	vlt.u32 v6, $0x61A8;
	v4 =	vsub.s32 v4, v0  }
0x65: {  	v9 =	vld [tilespmem:$0x70];
	v5 =	vsub.s32 v5, v0;
	v6 =	vnsel vm0, $0x6200, v6;
	vm10 =	vlt.u32 v4, $0x61A8  }
0x66: {  	vm1 =	vlt.u32 v5, $0x61A8;
	[tilespmem:$0xB0] =	vst v6;
	v4 =	vnsel vm10, $0x6200, v4;
	v2 =	vsub.s32 v2, v0  }
0x67: {  	v3 =	vsub.s32 v3, v0;
	v5 =	vnsel vm1, $0x6200, v5;
	[tilespmem:$0xA0] =	vst v4;
	vm13 =	vlt.u32 v2, $0x61A8  }
0x68: {  	vm11 =	vlt.u32 v3, $0x61A8;
	v61 =	vsub.s32 v7, v0;
	[tilespmem:$0x80] =	vst v5;
	v2 =	vnsel vm13, $0x6200, v2  }
0x69: {  	v62 =	vsub.s32 v8, v0;
	v3 =	vnsel vm11, $0x6200, v3;
	vm12 =	vlt.u32 v61, $0x61A8;
	[tilespmem:$0x90] =	vst v2  }
0x6a: {  	v63 =	vsub.s32 v9, v0;
	vm14 =	vlt.u32 v62, $0x61A8;
	[tilespmem:$0xC0] =	vst v3;
	v3 =	vnsel vm12, $0x6200, v61  }
0x6b: {  	vm15 =	vlt.u32 v63, $0x61A8;
	v2 =	vnsel vm14, $0x6200, v62;
	[tilespmem:$0xD0] =	vst v3  }
0x6c: {  	v3 =	vnsel vm15, $0x6200, v63;
	[tilespmem:$0xE0] =	vst v2  }
0x6d: {  	[tilespmem:$0xF0] =	vst v3  }
0x6e: {  	[spmem:s3] =	stream.indirect.scatter.add.f32 [tilespmem:s19], [sflag:$0x1], $0x30, s20, s20, $0xb8;
	[tilespmem:$0x16EA0] =	vst v63  }
0x6f: {  	_ =	swait.ge [sflag:s17], $0x1800  }
0x70: {  	[sflag:s17] =	ssyncset.done $0x0  }
0x71: {  	[sflag:s17] =	ssyncadd.s32 $0xFFFFE800  }
0x72: {  	[spmem:s2] =	stream.indirect.scatter.add.f32 [tilespmem:s21], [sflag:$0x1], $0x1, s20, s20, $0xb8;
	[tilespmem:$0x16EA0] =	vst v63  }
0x73: {  	_ =	swait.ge [sflag:s17], $0x80  }
0x74: {  	[sflag:s17] =	ssyncset.done $0x0  }
0x75: {  	[sflag:s17] =	ssyncadd.s32 $0xFFFFFF80  }
0x76: {  	[bflag:$0x0] =	sbarrier.arrive $0xFFFF  }
0x77: {  	[tilespmem:s22], [sflag:$0x1] =	stream.linear.gather [spmem:s8], $0x620, $0x38;
	[tilespmem:$0x16EA0] =	vst v63  }
0x78: {  	_ =	swait.ge [sflag:s17], $0x620  }
0x79: {  	[sflag:s17] =	ssyncset.done $0x0  }
0x7a: {  	s25 =	simm.s32 $0x0;
	[sflag:s17] =	ssyncadd.s32 $0xFFFFF9E0  }
0x7b: {  	[hbm4b:s9+s25] =	stream.linear.scatter [tilespmem:s22], [sflag:$0x1], $0x620, $0x38;
	[tilespmem:$0x16EA0] =	vst v63  }
0x7c: {  	_ =	swait.ge [sflag:s17], $0x620  }
0x7d: {  	[sflag:s17] =	ssyncset.done $0x0  }
0x7e: {  	[sflag:s17] =	ssyncadd.s32 $0xFFFFF9E0  }
0x7f: {  	[tilespmem:s23], [sflag:$0x1] =	stream.linear.gather [spmem:s15], $0xA80, $0x38;
	[tilespmem:$0x16EA0] =	vst v63  }
0x80: {  	_ =	swait.ge [sflag:s17], $0xA80  }
0x81: {  	[sflag:s17] =	ssyncset.done $0x0  }
0x82: {  	s31 =	sadd.s32 $0x0, s14;
	[sflag:s17] =	ssyncadd.s32 $0xFFFFF580  }
0x83: {  	[hbm4b:s31+s4] =	stream.linear.scatter [tilespmem:s23], [sflag:$0x1], $0xA80, $0x38;
	[tilespmem:$0x16EA0] =	vst v63  }
0x84: {  	_ =	swait.ge [sflag:s17], $0xA80  }
0x85: {  	s26 =	smov.u32 s15;
	s25 =	simm.s32 $0x150;
	[sflag:s17] =	ssyncset.done $0x0  }
.LBB2_6:
0x86: {  	p0 =	sne.s32 s25, $0x2370;
	[sflag:s17] =	ssyncadd.s32 $0xFFFFF580;
	s26 =	sadd.s32 $0xA80, s26  }
0x87: {  	[tilespmem:s23], [sflag:$0x1] =	stream.linear.gather [spmem:s26], $0xA80, $0x38;
	[tilespmem:$0x16EA0] =	vst v63  }
0x88: {  	s28 =	smov.u32 s25;
	s25 =	sadd.s32 $0x150, s25;
	_ =	swait.ge [sflag:s17], $0xA80  }
.Ltmp2:
0x89: {  	[sflag:s17] =	ssyncset.done $0x0;
	(pc) =	sbr.rel @p0 .LBB2_6-.Ltmp2, $4  }
0x8a: {  	s28 =	sadd.s32 s28, s14;
	[sflag:s17] =	ssyncadd.s32 $0xFFFFF580  }
0x8b: {  	[hbm4b:s28+s4] =	stream.linear.scatter [tilespmem:s23], [sflag:$0x1], $0xA80, $0x38;
	[tilespmem:$0x16EA0] =	vst v63  }
0x8c: {  	_ =	swait.ge [sflag:s17], $0xA80  }
0x8d: {  	[sflag:s17] =	ssyncset.done $0x0  }
0x8e: {  	s24 =	sadd.s32 $0x1, s24  }
0x8f: {  	p0 =	sne.s32 s24, s10  }
.Ltmp3:
0x90: {  	_ = 	snop;
	(pc) =	sbr.rel @p0 .LBB2_1-.Ltmp3, $2  }
0x91: {  	_ =	sdelay $0x2  }
0x92: {  	[sflag:s17] =	ssyncadd.s32 $0xFFFFF580  }
0x93: {  	_ =	sfence.sel $0x180000  }
0x94: {  	[bflag:$0x0] =	sbarrier.arrive $0xFFFF  }
0x95: {  	p0 =	sne.s32 s1, $0x0;
	_ =	strace $0x90000050  }
0x96: {  	s0 =	sadd.s32 @!p0 $0x100000, s0;
	[bflag:$0x2] =	sbarrier.arrive $0xFFFF  }
0x97: {  	[sflag:s0] =	ssyncadd.tile.s32 @!p0 $0x1;
	_ =	shalt  }
.Lfunc_end2:
_tile_overlayer_lowered:
.L_overlay_start_2:
0x98: {  	(tag) =	ssettag $0x2  }
0x99: {  	s0 =	rddreg [dreg:$0x0];
	s2 =	stileid.u32  }
0x9a: {  	s1 =	rddreg [dreg:$0x1];
	p0 =	sne.s32 s2, $0x0  }
0x9b: {  	s3 =	rddreg [dreg:$0x2];
	[bflag:$0x3] =	sbarrier.arrive $0xFFFF;
	s2 =	simm.s32 @!p0 $0x1C01  }
0x9c: {  	[timem:s3], [sflag:s2] =	dma.local @!p0 [hbm:s0], s1  }
0x9d: {  	s0 =	simm.s32 @!p0 $0x1  }
0x9e: {  	_ =	swait.ge @!p0 [sflag:s0], s1  }
0x9f: {  	s1 =	ssub.s32 @!p0 $0x0, s1;
	[sflag:s0] =	ssyncset.done @!p0 $0x0  }
0xa0: {  	[sflag:s0] =	ssyncadd.s32 @!p0 s1  }
0xa1: {  	[bflag:$0x3] =	sbarrier.arrive $0xFFFF  }
0xa2: {  	_ =	shalt  }

</sc_bundles>
